<compile_context>
chip_gen: v7x
topology: tpu7x:2x2x1
jax: 0.10.2.dev20260603
libtpu: 0.0.44.dev20260713+nightly
codegen_flags: <defaults>
</compile_context>

<pallas_src>
import functools

import jax
import jax.numpy as jnp
from jax import lax
from jax.experimental import pallas as pl
from jax.experimental.pallas import tpu as pltpu
from jax.experimental.pallas import tpu_sc as plsc

M = 50000
R = 100000
D = 128
NC = 2
NS = 16
NW = NC * NS
TR = R // 8
TR_BASE = TR // NW
TR_EXTRA = TR % NW
EDGES = [8 * (w * TR_BASE + min(w, TR_EXTRA)) for w in range(NW + 1)]
ZROWS = 128
NZ = -(-max(EDGES[w + 1] - EDGES[w] for w in range(NW)) // ZROWS)
C = 128
BIG = 1 << 30


NB = 6


def _body(h_hbm, idx_hbm, src_hbm, bounds_hbm, z_hbm, out_hbm,
          bv, zbuf, ib, sb, hb0, hb1, hb2, hb3, hb4, hb5,
          zsem, isem, gsem, ssem):
    hbs = [hb0, hb1, hb2, hb3, hb4, hb5]
    cid = lax.axis_index("c")
    sid = lax.axis_index("s")
    wid = sid * NC + cid
    r0 = 8 * (wid * TR_BASE + jnp.minimum(wid, TR_EXTRA))
    r1 = 8 * ((wid + 1) * TR_BASE + jnp.minimum(wid + 1, TR_EXTRA))

    pltpu.sync_copy(z_hbm, zbuf)
    zcopies = [
        pltpu.async_copy(
            zbuf,
            out_hbm.at[pl.ds(jnp.minimum(r0 + k * ZROWS, r1 - ZROWS), ZROWS)],
            zsem)
        for k in range(NZ)
    ]

    pltpu.sync_copy(bounds_hbm, bv)
    vregs = [bv[pl.ds(k * 16, 16)] for k in range(3)]

    def bval(i):
        s = jnp.int32(0)
        for k in range(3):
            for l in range(16):
                pos = k * 16 + l
                if pos <= NW:
                    s = jnp.where(i == pos, vregs[k][l], s)
        return s

    b0 = bval(wid)
    b1 = bval(wid + 1)

    a0 = b0 & jnp.int32(-8)
    nc = jnp.maximum((b1 - a0 + (C - 1)) // C, 0)
    niter = (nc + NB - 1) // NB

    def cstart(cid):
        return pl.multiple_of(jnp.clip(a0 + cid * C, 0, M - C), 8)

    def group(g, carry):
        for s in range(NB):
            cid = g * NB + s

            @pl.when(jnp.logical_and(g > 0, (g - 1) * NB + s < nc))
            def _():
                pltpu.make_async_copy(hbs[s], out_hbm.at[ib.at[s]], ssem).wait()

            @pl.when(cid < nc)
            def _():
                st = cstart(cid)
                pltpu.async_copy(idx_hbm.at[pl.ds(st, C)], ib.at[s], isem)
                pltpu.async_copy(src_hbm.at[pl.ds(st, C)], sb.at[s], isem)

        for s in range(NB):
            cid = g * NB + s

            @pl.when(cid < nc)
            def _():
                pltpu.make_async_copy(
                    idx_hbm.at[pl.ds(0, C)], ib.at[s], isem).wait()
                pltpu.make_async_copy(
                    src_hbm.at[pl.ds(0, C)], sb.at[s], isem).wait()
                pltpu.async_copy(h_hbm.at[sb.at[s]], hbs[s], gsem)

        @pl.when(g == 0)
        def _():
            for cp in zcopies:
                cp.wait()

        for s in range(NB):
            cid = g * NB + s

            @pl.when(cid < nc)
            def _():
                pltpu.make_async_copy(h_hbm.at[sb.at[s]], hbs[s], gsem).wait()
                pltpu.async_copy(hbs[s], out_hbm.at[ib.at[s]], ssem)

        return carry

    lax.fori_loop(0, niter, group, jnp.int32(0))

    for s in range(NB):
        @pl.when(jnp.logical_and(nc > 0, (niter - 1) * NB + s < nc))
        def _():
            pltpu.make_async_copy(hbs[s], out_hbm.at[ib.at[s]], ssem).wait()

    @pl.when(niter == 0)
    def _():
        for cp in zcopies:
            cp.wait()


def _sc_unpool(h, idx32, src, bounds_pad, zrows):
    mesh = plsc.VectorSubcoreMesh(core_axis_name="c", subcore_axis_name="s")
    return pl.kernel(
        _body,
        out_type=jax.ShapeDtypeStruct((R, D), jnp.float32),
        mesh=mesh,
        scratch_types=[
            pltpu.VMEM((48,), jnp.int32),
            pltpu.VMEM((ZROWS, D), jnp.float32),
            pltpu.VMEM((NB, C), jnp.int32),
            pltpu.VMEM((NB, C), jnp.int32),
            pltpu.VMEM((C, D), jnp.float32),
            pltpu.VMEM((C, D), jnp.float32),
            pltpu.VMEM((C, D), jnp.float32),
            pltpu.VMEM((C, D), jnp.float32),
            pltpu.VMEM((C, D), jnp.float32),
            pltpu.VMEM((C, D), jnp.float32),
            pltpu.SemaphoreType.DMA,
            pltpu.SemaphoreType.DMA,
            pltpu.SemaphoreType.DMA,
            pltpu.SemaphoreType.DMA,
        ],
    )(h, idx32, src, bounds_pad, zrows)


def kernel(h, pre_node_num, idx):
    del pre_node_num
    idx32 = idx.astype(jnp.int32)
    j = jnp.arange(M, dtype=jnp.int32)
    nxt = jnp.concatenate([idx32[1:], jnp.full((1,), -1, jnp.int32)])
    src = jnp.where(idx32 != nxt, j, jnp.int32(M))
    d = 1
    while d < M:
        src = jnp.minimum(src, jnp.concatenate(
            [src[d:], jnp.full((d,), BIG, jnp.int32)]))
        d *= 2
    edges = jnp.asarray(EDGES, dtype=jnp.int32)
    bounds = jnp.sum(idx32[None, :] < edges[:, None], axis=1).astype(jnp.int32)
    bounds_pad = jnp.zeros((48,), jnp.int32).at[: NW + 1].set(bounds)
    zrows = jnp.zeros((ZROWS, D), jnp.float32)
    return _sc_unpool(h, idx32, src, bounds_pad, zrows)

# --- scband reference (transcript-rebuilt; emitter-appended) ---
"""Pipeline reference for scband-decoder-19834158973364 (READ-ONLY COPY).

The authoritative reference and input builder live on the scoring server;
editing this copy changes nothing except your own understanding.
"""

import jax, jax.numpy as jnp
import numpy as np


def setup_inputs(seed: int = 0) -> dict:
    key = jax.random.key(seed)
    k_h, k_idx = jax.random.split(key, 2)
    pre_node_num = 100000
    m = 50000
    d = 128
    h = jax.random.normal(k_h, (m, d), dtype=jnp.float32)
    idx = jnp.sort(jax.random.randint(k_idx, (m,), 0, pre_node_num, dtype=jnp.int64))
    return {"h": h, "pre_node_num": pre_node_num, "idx": idx}


def reference(h, pre_node_num, idx):
    # Unpool.forward: new_h = h.new_zeros([pre_node_num, h.shape[-1]]); new_h[idx] = h
    PRE_NODE_NUM = 100000
    zero_dep = (jnp.asarray(pre_node_num) - PRE_NODE_NUM).astype(h.dtype)
    new_h = jnp.zeros((PRE_NODE_NUM, h.shape[-1]), dtype=h.dtype) + zero_dep
    new_h = new_h.at[idx].set(h)
    return new_h

if __name__ == "__main__":
    import jax
    _d = setup_inputs()
    print(jax.jit(kernel)(*tuple(_d.values())))

</pallas_src>

<mosaic_0001>
#map = affine_map<(d0, d1) -> (0, 0)>
#map1 = affine_map<(d0, d1) -> (0)>
module attributes {stable_mosaic.version = 14 : i64} {
  func.func @_body(%arg0: i32, %arg1: i32, %arg2: memref<50000x128xf32, #tpu.memory_space<hbm>>, %arg3: memref<50000xi32, #tpu.memory_space<hbm>>, %arg4: memref<50000xi32, #tpu.memory_space<hbm>>, %arg5: memref<48xi32, #tpu.memory_space<hbm>>, %arg6: memref<128x128xf32, #tpu.memory_space<hbm>>, %arg7: memref<100000x128xf32, #tpu.memory_space<hbm>>, %arg8: memref<48xi32, #tpu.memory_space<vmem>>, %arg9: memref<128x128xf32, #tpu.memory_space<vmem>>, %arg10: memref<6x128xi32, #tpu.memory_space<vmem>>, %arg11: memref<6x128xi32, #tpu.memory_space<vmem>>, %arg12: memref<128x128xf32, #tpu.memory_space<vmem>>, %arg13: memref<128x128xf32, #tpu.memory_space<vmem>>, %arg14: memref<128x128xf32, #tpu.memory_space<vmem>>, %arg15: memref<128x128xf32, #tpu.memory_space<vmem>>, %arg16: memref<128x128xf32, #tpu.memory_space<vmem>>, %arg17: memref<128x128xf32, #tpu.memory_space<vmem>>, %arg18: memref<!tpu.dma_semaphore, #tpu.memory_space<semaphore_mem>>, %arg19: memref<!tpu.dma_semaphore, #tpu.memory_space<semaphore_mem>>, %arg20: memref<!tpu.dma_semaphore, #tpu.memory_space<semaphore_mem>>, %arg21: memref<!tpu.dma_semaphore, #tpu.memory_space<semaphore_mem>>) attributes {dimension_semantics = [#tpu.dimension_semantics<core_parallel>, #tpu.dimension_semantics<subcore_parallel>], iteration_bounds = array<i64: 2, 16>, scalar_prefetch = 0 : i64, scratch_operands = 14 : i64, tpu.core_type = #tpu.core_type<sc_vector_subcore>, window_params = [{transform_indices = #map}, {transform_indices = #map1}, {transform_indices = #map1}, {transform_indices = #map1}, {transform_indices = #map}, {transform_indices = #map}]} {
    %mul3A = arith.constant 2 : i32
    %mul3A_0 = arith.muli %arg1, %mul3A : i32
    %add3A = arith.addi %mul3A_0, %arg0 : i32
    %mul3A_1 = arith.constant 390 : i32
    %mul3A_2 = arith.muli %add3A, %mul3A_1 : i32
    %min3A = arith.constant 20 : i32
    %min3A_3 = arith.minsi %add3A, %min3A : i32
    %add3A_4 = arith.addi %mul3A_2, %min3A_3 : i32
    %mul3A_5 = arith.constant 8 : i32
    %mul3A_6 = arith.muli %mul3A_5, %add3A_4 : i32
    %add3A_7 = arith.constant 1 : i32
    %add3A_8 = arith.addi %add3A, %add3A_7 : i32
    %mul3A_9 = arith.constant 390 : i32
    %mul3A_10 = arith.muli %add3A_8, %mul3A_9 : i32
    %add3A_11 = arith.constant 1 : i32
    %add3A_12 = arith.addi %add3A, %add3A_11 : i32
    %min3A_13 = arith.constant 20 : i32
    %min3A_14 = arith.minsi %add3A_12, %min3A_13 : i32
    %add3A_15 = arith.addi %mul3A_10, %min3A_14 : i32
    %mul3A_16 = arith.constant 8 : i32
    %mul3A_17 = arith.muli %mul3A_16, %add3A_15 : i32
    "tpu.region"() ({
      %run_scoped3A = tpu.sem_alloc : memref<!tpu.dma_semaphore, #tpu.memory_space<semaphore_mem>>
      tpu.enqueue_dma source(%arg6 : memref<128x128xf32, #tpu.memory_space<hbm>>) target(%arg9 : memref<128x128xf32, #tpu.memory_space<vmem>>) target_semaphore(%run_scoped3A : memref<!tpu.dma_semaphore, #tpu.memory_space<semaphore_mem>>)
      tpu.wait_dma2 semaphore(%run_scoped3A : memref<!tpu.dma_semaphore, #tpu.memory_space<semaphore_mem>>) src(%arg6 : memref<128x128xf32, #tpu.memory_space<hbm>>) dst(%arg9 : memref<128x128xf32, #tpu.memory_space<vmem>>)
      tpu.yield
    }) : () -> ()
    %add3A_18 = arith.constant 0 : i32
    %add3A_19 = arith.addi %mul3A_6, %add3A_18 : i32
    %sub3A = arith.constant 128 : i32
    %sub3A_20 = arith.subi %mul3A_17, %sub3A : i32
    %min3A_21 = arith.minsi %add3A_19, %sub3A_20 : i32
    %dma_start3A = arith.constant 0 : i32
    %dma_start3A_22 = tpu.memref_slice %arg7[%min3A_21, %dma_start3A] : memref<100000x128xf32, #tpu.memory_space<hbm>> -> memref<128x128xf32, #tpu.memory_space<hbm>>
    %dma_start3A_23 = arith.constant 0 : i32
    %dma_start3A_24 = tpu.memref_slice %arg7[%min3A_21, %dma_start3A_23] : memref<100000x128xf32, #tpu.memory_space<hbm>> -> memref<128x128xf32, #tpu.memory_space<hbm>>
    tpu.enqueue_dma source(%arg9 : memref<128x128xf32, #tpu.memory_space<vmem>>) target(%dma_start3A_24 : memref<128x128xf32, #tpu.memory_space<hbm>>) target_semaphore(%arg18 : memref<!tpu.dma_semaphore, #tpu.memory_space<semaphore_mem>>)
    %add3A_25 = arith.constant 128 : i32
    %add3A_26 = arith.addi %mul3A_6, %add3A_25 : i32
    %sub3A_27 = arith.constant 128 : i32
    %sub3A_28 = arith.subi %mul3A_17, %sub3A_27 : i32
    %min3A_29 = arith.minsi %add3A_26, %sub3A_28 : i32
    %dma_start3A_30 = arith.constant 0 : i32
    %dma_start3A_31 = tpu.memref_slice %arg7[%min3A_29, %dma_start3A_30] : memref<100000x128xf32, #tpu.memory_space<hbm>> -> memref<128x128xf32, #tpu.memory_space<hbm>>
    %dma_start3A_32 = arith.constant 0 : i32
    %dma_start3A_33 = tpu.memref_slice %arg7[%min3A_29, %dma_start3A_32] : memref<100000x128xf32, #tpu.memory_space<hbm>> -> memref<128x128xf32, #tpu.memory_space<hbm>>
    tpu.enqueue_dma source(%arg9 : memref<128x128xf32, #tpu.memory_space<vmem>>) target(%dma_start3A_33 : memref<128x128xf32, #tpu.memory_space<hbm>>) target_semaphore(%arg18 : memref<!tpu.dma_semaphore, #tpu.memory_space<semaphore_mem>>)
    %add3A_34 = arith.constant 256 : i32
    %add3A_35 = arith.addi %mul3A_6, %add3A_34 : i32
    %sub3A_36 = arith.constant 128 : i32
    %sub3A_37 = arith.subi %mul3A_17, %sub3A_36 : i32
    %min3A_38 = arith.minsi %add3A_35, %sub3A_37 : i32
    %dma_start3A_39 = arith.constant 0 : i32
    %dma_start3A_40 = tpu.memref_slice %arg7[%min3A_38, %dma_start3A_39] : memref<100000x128xf32, #tpu.memory_space<hbm>> -> memref<128x128xf32, #tpu.memory_space<hbm>>
    %dma_start3A_41 = arith.constant 0 : i32
    %dma_start3A_42 = tpu.memref_slice %arg7[%min3A_38, %dma_start3A_41] : memref<100000x128xf32, #tpu.memory_space<hbm>> -> memref<128x128xf32, #tpu.memory_space<hbm>>
    tpu.enqueue_dma source(%arg9 : memref<128x128xf32, #tpu.memory_space<vmem>>) target(%dma_start3A_42 : memref<128x128xf32, #tpu.memory_space<hbm>>) target_semaphore(%arg18 : memref<!tpu.dma_semaphore, #tpu.memory_space<semaphore_mem>>)
    %add3A_43 = arith.constant 384 : i32
    %add3A_44 = arith.addi %mul3A_6, %add3A_43 : i32
    %sub3A_45 = arith.constant 128 : i32
    %sub3A_46 = arith.subi %mul3A_17, %sub3A_45 : i32
    %min3A_47 = arith.minsi %add3A_44, %sub3A_46 : i32
    %dma_start3A_48 = arith.constant 0 : i32
    %dma_start3A_49 = tpu.memref_slice %arg7[%min3A_47, %dma_start3A_48] : memref<100000x128xf32, #tpu.memory_space<hbm>> -> memref<128x128xf32, #tpu.memory_space<hbm>>
    %dma_start3A_50 = arith.constant 0 : i32
    %dma_start3A_51 = tpu.memref_slice %arg7[%min3A_47, %dma_start3A_50] : memref<100000x128xf32, #tpu.memory_space<hbm>> -> memref<128x128xf32, #tpu.memory_space<hbm>>
    tpu.enqueue_dma source(%arg9 : memref<128x128xf32, #tpu.memory_space<vmem>>) target(%dma_start3A_51 : memref<128x128xf32, #tpu.memory_space<hbm>>) target_semaphore(%arg18 : memref<!tpu.dma_semaphore, #tpu.memory_space<semaphore_mem>>)
    %add3A_52 = arith.constant 512 : i32
    %add3A_53 = arith.addi %mul3A_6, %add3A_52 : i32
    %sub3A_54 = arith.constant 128 : i32
    %sub3A_55 = arith.subi %mul3A_17, %sub3A_54 : i32
    %min3A_56 = arith.minsi %add3A_53, %sub3A_55 : i32
    %dma_start3A_57 = arith.constant 0 : i32
    %dma_start3A_58 = tpu.memref_slice %arg7[%min3A_56, %dma_start3A_57] : memref<100000x128xf32, #tpu.memory_space<hbm>> -> memref<128x128xf32, #tpu.memory_space<hbm>>
    %dma_start3A_59 = arith.constant 0 : i32
    %dma_start3A_60 = tpu.memref_slice %arg7[%min3A_56, %dma_start3A_59] : memref<100000x128xf32, #tpu.memory_space<hbm>> -> memref<128x128xf32, #tpu.memory_space<hbm>>
    tpu.enqueue_dma source(%arg9 : memref<128x128xf32, #tpu.memory_space<vmem>>) target(%dma_start3A_60 : memref<128x128xf32, #tpu.memory_space<hbm>>) target_semaphore(%arg18 : memref<!tpu.dma_semaphore, #tpu.memory_space<semaphore_mem>>)
    %add3A_61 = arith.constant 640 : i32
    %add3A_62 = arith.addi %mul3A_6, %add3A_61 : i32
    %sub3A_63 = arith.constant 128 : i32
    %sub3A_64 = arith.subi %mul3A_17, %sub3A_63 : i32
    %min3A_65 = arith.minsi %add3A_62, %sub3A_64 : i32
    %dma_start3A_66 = arith.constant 0 : i32
    %dma_start3A_67 = tpu.memref_slice %arg7[%min3A_65, %dma_start3A_66] : memref<100000x128xf32, #tpu.memory_space<hbm>> -> memref<128x128xf32, #tpu.memory_space<hbm>>
    %dma_start3A_68 = arith.constant 0 : i32
    %dma_start3A_69 = tpu.memref_slice %arg7[%min3A_65, %dma_start3A_68] : memref<100000x128xf32, #tpu.memory_space<hbm>> -> memref<128x128xf32, #tpu.memory_space<hbm>>
    tpu.enqueue_dma source(%arg9 : memref<128x128xf32, #tpu.memory_space<vmem>>) target(%dma_start3A_69 : memref<128x128xf32, #tpu.memory_space<hbm>>) target_semaphore(%arg18 : memref<!tpu.dma_semaphore, #tpu.memory_space<semaphore_mem>>)
    %add3A_70 = arith.constant 768 : i32
    %add3A_71 = arith.addi %mul3A_6, %add3A_70 : i32
    %sub3A_72 = arith.constant 128 : i32
    %sub3A_73 = arith.subi %mul3A_17, %sub3A_72 : i32
    %min3A_74 = arith.minsi %add3A_71, %sub3A_73 : i32
    %dma_start3A_75 = arith.constant 0 : i32
    %dma_start3A_76 = tpu.memref_slice %arg7[%min3A_74, %dma_start3A_75] : memref<100000x128xf32, #tpu.memory_space<hbm>> -> memref<128x128xf32, #tpu.memory_space<hbm>>
    %dma_start3A_77 = arith.constant 0 : i32
    %dma_start3A_78 = tpu.memref_slice %arg7[%min3A_74, %dma_start3A_77] : memref<100000x128xf32, #tpu.memory_space<hbm>> -> memref<128x128xf32, #tpu.memory_space<hbm>>
    tpu.enqueue_dma source(%arg9 : memref<128x128xf32, #tpu.memory_space<vmem>>) target(%dma_start3A_78 : memref<128x128xf32, #tpu.memory_space<hbm>>) target_semaphore(%arg18 : memref<!tpu.dma_semaphore, #tpu.memory_space<semaphore_mem>>)
    %add3A_79 = arith.constant 896 : i32
    %add3A_80 = arith.addi %mul3A_6, %add3A_79 : i32
    %sub3A_81 = arith.constant 128 : i32
    %sub3A_82 = arith.subi %mul3A_17, %sub3A_81 : i32
    %min3A_83 = arith.minsi %add3A_80, %sub3A_82 : i32
    %dma_start3A_84 = arith.constant 0 : i32
    %dma_start3A_85 = tpu.memref_slice %arg7[%min3A_83, %dma_start3A_84] : memref<100000x128xf32, #tpu.memory_space<hbm>> -> memref<128x128xf32, #tpu.memory_space<hbm>>
    %dma_start3A_86 = arith.constant 0 : i32
    %dma_start3A_87 = tpu.memref_slice %arg7[%min3A_83, %dma_start3A_86] : memref<100000x128xf32, #tpu.memory_space<hbm>> -> memref<128x128xf32, #tpu.memory_space<hbm>>
    tpu.enqueue_dma source(%arg9 : memref<128x128xf32, #tpu.memory_space<vmem>>) target(%dma_start3A_87 : memref<128x128xf32, #tpu.memory_space<hbm>>) target_semaphore(%arg18 : memref<!tpu.dma_semaphore, #tpu.memory_space<semaphore_mem>>)
    %add3A_88 = arith.constant 1024 : i32
    %add3A_89 = arith.addi %mul3A_6, %add3A_88 : i32
    %sub3A_90 = arith.constant 128 : i32
    %sub3A_91 = arith.subi %mul3A_17, %sub3A_90 : i32
    %min3A_92 = arith.minsi %add3A_89, %sub3A_91 : i32
    %dma_start3A_93 = arith.constant 0 : i32
    %dma_start3A_94 = tpu.memref_slice %arg7[%min3A_92, %dma_start3A_93] : memref<100000x128xf32, #tpu.memory_space<hbm>> -> memref<128x128xf32, #tpu.memory_space<hbm>>
    %dma_start3A_95 = arith.constant 0 : i32
    %dma_start3A_96 = tpu.memref_slice %arg7[%min3A_92, %dma_start3A_95] : memref<100000x128xf32, #tpu.memory_space<hbm>> -> memref<128x128xf32, #tpu.memory_space<hbm>>
    tpu.enqueue_dma source(%arg9 : memref<128x128xf32, #tpu.memory_space<vmem>>) target(%dma_start3A_96 : memref<128x128xf32, #tpu.memory_space<hbm>>) target_semaphore(%arg18 : memref<!tpu.dma_semaphore, #tpu.memory_space<semaphore_mem>>)
    %add3A_97 = arith.constant 1152 : i32
    %add3A_98 = arith.addi %mul3A_6, %add3A_97 : i32
    %sub3A_99 = arith.constant 128 : i32
    %sub3A_100 = arith.subi %mul3A_17, %sub3A_99 : i32
    %min3A_101 = arith.minsi %add3A_98, %sub3A_100 : i32
    %dma_start3A_102 = arith.constant 0 : i32
    %dma_start3A_103 = tpu.memref_slice %arg7[%min3A_101, %dma_start3A_102] : memref<100000x128xf32, #tpu.memory_space<hbm>> -> memref<128x128xf32, #tpu.memory_space<hbm>>
    %dma_start3A_104 = arith.constant 0 : i32
    %dma_start3A_105 = tpu.memref_slice %arg7[%min3A_101, %dma_start3A_104] : memref<100000x128xf32, #tpu.memory_space<hbm>> -> memref<128x128xf32, #tpu.memory_space<hbm>>
    tpu.enqueue_dma source(%arg9 : memref<128x128xf32, #tpu.memory_space<vmem>>) target(%dma_start3A_105 : memref<128x128xf32, #tpu.memory_space<hbm>>) target_semaphore(%arg18 : memref<!tpu.dma_semaphore, #tpu.memory_space<semaphore_mem>>)
    %add3A_106 = arith.constant 1280 : i32
    %add3A_107 = arith.addi %mul3A_6, %add3A_106 : i32
    %sub3A_108 = arith.constant 128 : i32
    %sub3A_109 = arith.subi %mul3A_17, %sub3A_108 : i32
    %min3A_110 = arith.minsi %add3A_107, %sub3A_109 : i32
    %dma_start3A_111 = arith.constant 0 : i32
    %dma_start3A_112 = tpu.memref_slice %arg7[%min3A_110, %dma_start3A_111] : memref<100000x128xf32, #tpu.memory_space<hbm>> -> memref<128x128xf32, #tpu.memory_space<hbm>>
    %dma_start3A_113 = arith.constant 0 : i32
    %dma_start3A_114 = tpu.memref_slice %arg7[%min3A_110, %dma_start3A_113] : memref<100000x128xf32, #tpu.memory_space<hbm>> -> memref<128x128xf32, #tpu.memory_space<hbm>>
    tpu.enqueue_dma source(%arg9 : memref<128x128xf32, #tpu.memory_space<vmem>>) target(%dma_start3A_114 : memref<128x128xf32, #tpu.memory_space<hbm>>) target_semaphore(%arg18 : memref<!tpu.dma_semaphore, #tpu.memory_space<semaphore_mem>>)
    %add3A_115 = arith.constant 1408 : i32
    %add3A_116 = arith.addi %mul3A_6, %add3A_115 : i32
    %sub3A_117 = arith.constant 128 : i32
    %sub3A_118 = arith.subi %mul3A_17, %sub3A_117 : i32
    %min3A_119 = arith.minsi %add3A_116, %sub3A_118 : i32
    %dma_start3A_120 = arith.constant 0 : i32
    %dma_start3A_121 = tpu.memref_slice %arg7[%min3A_119, %dma_start3A_120] : memref<100000x128xf32, #tpu.memory_space<hbm>> -> memref<128x128xf32, #tpu.memory_space<hbm>>
    %dma_start3A_122 = arith.constant 0 : i32
    %dma_start3A_123 = tpu.memref_slice %arg7[%min3A_119, %dma_start3A_122] : memref<100000x128xf32, #tpu.memory_space<hbm>> -> memref<128x128xf32, #tpu.memory_space<hbm>>
    tpu.enqueue_dma source(%arg9 : memref<128x128xf32, #tpu.memory_space<vmem>>) target(%dma_start3A_123 : memref<128x128xf32, #tpu.memory_space<hbm>>) target_semaphore(%arg18 : memref<!tpu.dma_semaphore, #tpu.memory_space<semaphore_mem>>)
    %add3A_124 = arith.constant 1536 : i32
    %add3A_125 = arith.addi %mul3A_6, %add3A_124 : i32
    %sub3A_126 = arith.constant 128 : i32
    %sub3A_127 = arith.subi %mul3A_17, %sub3A_126 : i32
    %min3A_128 = arith.minsi %add3A_125, %sub3A_127 : i32
    %dma_start3A_129 = arith.constant 0 : i32
    %dma_start3A_130 = tpu.memref_slice %arg7[%min3A_128, %dma_start3A_129] : memref<100000x128xf32, #tpu.memory_space<hbm>> -> memref<128x128xf32, #tpu.memory_space<hbm>>
    %dma_start3A_131 = arith.constant 0 : i32
    %dma_start3A_132 = tpu.memref_slice %arg7[%min3A_128, %dma_start3A_131] : memref<100000x128xf32, #tpu.memory_space<hbm>> -> memref<128x128xf32, #tpu.memory_space<hbm>>
    tpu.enqueue_dma source(%arg9 : memref<128x128xf32, #tpu.memory_space<vmem>>) target(%dma_start3A_132 : memref<128x128xf32, #tpu.memory_space<hbm>>) target_semaphore(%arg18 : memref<!tpu.dma_semaphore, #tpu.memory_space<semaphore_mem>>)
    %add3A_133 = arith.constant 1664 : i32
    %add3A_134 = arith.addi %mul3A_6, %add3A_133 : i32
    %sub3A_135 = arith.constant 128 : i32
    %sub3A_136 = arith.subi %mul3A_17, %sub3A_135 : i32
    %min3A_137 = arith.minsi %add3A_134, %sub3A_136 : i32
    %dma_start3A_138 = arith.constant 0 : i32
    %dma_start3A_139 = tpu.memref_slice %arg7[%min3A_137, %dma_start3A_138] : memref<100000x128xf32, #tpu.memory_space<hbm>> -> memref<128x128xf32, #tpu.memory_space<hbm>>
    %dma_start3A_140 = arith.constant 0 : i32
    %dma_start3A_141 = tpu.memref_slice %arg7[%min3A_137, %dma_start3A_140] : memref<100000x128xf32, #tpu.memory_space<hbm>> -> memref<128x128xf32, #tpu.memory_space<hbm>>
    tpu.enqueue_dma source(%arg9 : memref<128x128xf32, #tpu.memory_space<vmem>>) target(%dma_start3A_141 : memref<128x128xf32, #tpu.memory_space<hbm>>) target_semaphore(%arg18 : memref<!tpu.dma_semaphore, #tpu.memory_space<semaphore_mem>>)
    %add3A_142 = arith.constant 1792 : i32
    %add3A_143 = arith.addi %mul3A_6, %add3A_142 : i32
    %sub3A_144 = arith.constant 128 : i32
    %sub3A_145 = arith.subi %mul3A_17, %sub3A_144 : i32
    %min3A_146 = arith.minsi %add3A_143, %sub3A_145 : i32
    %dma_start3A_147 = arith.constant 0 : i32
    %dma_start3A_148 = tpu.memref_slice %arg7[%min3A_146, %dma_start3A_147] : memref<100000x128xf32, #tpu.memory_space<hbm>> -> memref<128x128xf32, #tpu.memory_space<hbm>>
    %dma_start3A_149 = arith.constant 0 : i32
    %dma_start3A_150 = tpu.memref_slice %arg7[%min3A_146, %dma_start3A_149] : memref<100000x128xf32, #tpu.memory_space<hbm>> -> memref<128x128xf32, #tpu.memory_space<hbm>>
    tpu.enqueue_dma source(%arg9 : memref<128x128xf32, #tpu.memory_space<vmem>>) target(%dma_start3A_150 : memref<128x128xf32, #tpu.memory_space<hbm>>) target_semaphore(%arg18 : memref<!tpu.dma_semaphore, #tpu.memory_space<semaphore_mem>>)
    %add3A_151 = arith.constant 1920 : i32
    %add3A_152 = arith.addi %mul3A_6, %add3A_151 : i32
    %sub3A_153 = arith.constant 128 : i32
    %sub3A_154 = arith.subi %mul3A_17, %sub3A_153 : i32
    %min3A_155 = arith.minsi %add3A_152, %sub3A_154 : i32
    %dma_start3A_156 = arith.constant 0 : i32
    %dma_start3A_157 = tpu.memref_slice %arg7[%min3A_155, %dma_start3A_156] : memref<100000x128xf32, #tpu.memory_space<hbm>> -> memref<128x128xf32, #tpu.memory_space<hbm>>
    %dma_start3A_158 = arith.constant 0 : i32
    %dma_start3A_159 = tpu.memref_slice %arg7[%min3A_155, %dma_start3A_158] : memref<100000x128xf32, #tpu.memory_space<hbm>> -> memref<128x128xf32, #tpu.memory_space<hbm>>
    tpu.enqueue_dma source(%arg9 : memref<128x128xf32, #tpu.memory_space<vmem>>) target(%dma_start3A_159 : memref<128x128xf32, #tpu.memory_space<hbm>>) target_semaphore(%arg18 : memref<!tpu.dma_semaphore, #tpu.memory_space<semaphore_mem>>)
    %add3A_160 = arith.constant 2048 : i32
    %add3A_161 = arith.addi %mul3A_6, %add3A_160 : i32
    %sub3A_162 = arith.constant 128 : i32
    %sub3A_163 = arith.subi %mul3A_17, %sub3A_162 : i32
    %min3A_164 = arith.minsi %add3A_161, %sub3A_163 : i32
    %dma_start3A_165 = arith.constant 0 : i32
    %dma_start3A_166 = tpu.memref_slice %arg7[%min3A_164, %dma_start3A_165] : memref<100000x128xf32, #tpu.memory_space<hbm>> -> memref<128x128xf32, #tpu.memory_space<hbm>>
    %dma_start3A_167 = arith.constant 0 : i32
    %dma_start3A_168 = tpu.memref_slice %arg7[%min3A_164, %dma_start3A_167] : memref<100000x128xf32, #tpu.memory_space<hbm>> -> memref<128x128xf32, #tpu.memory_space<hbm>>
    tpu.enqueue_dma source(%arg9 : memref<128x128xf32, #tpu.memory_space<vmem>>) target(%dma_start3A_168 : memref<128x128xf32, #tpu.memory_space<hbm>>) target_semaphore(%arg18 : memref<!tpu.dma_semaphore, #tpu.memory_space<semaphore_mem>>)
    %add3A_169 = arith.constant 2176 : i32
    %add3A_170 = arith.addi %mul3A_6, %add3A_169 : i32
    %sub3A_171 = arith.constant 128 : i32
    %sub3A_172 = arith.subi %mul3A_17, %sub3A_171 : i32
    %min3A_173 = arith.minsi %add3A_170, %sub3A_172 : i32
    %dma_start3A_174 = arith.constant 0 : i32
    %dma_start3A_175 = tpu.memref_slice %arg7[%min3A_173, %dma_start3A_174] : memref<100000x128xf32, #tpu.memory_space<hbm>> -> memref<128x128xf32, #tpu.memory_space<hbm>>
    %dma_start3A_176 = arith.constant 0 : i32
    %dma_start3A_177 = tpu.memref_slice %arg7[%min3A_173, %dma_start3A_176] : memref<100000x128xf32, #tpu.memory_space<hbm>> -> memref<128x128xf32, #tpu.memory_space<hbm>>
    tpu.enqueue_dma source(%arg9 : memref<128x128xf32, #tpu.memory_space<vmem>>) target(%dma_start3A_177 : memref<128x128xf32, #tpu.memory_space<hbm>>) target_semaphore(%arg18 : memref<!tpu.dma_semaphore, #tpu.memory_space<semaphore_mem>>)
    %add3A_178 = arith.constant 2304 : i32
    %add3A_179 = arith.addi %mul3A_6, %add3A_178 : i32
    %sub3A_180 = arith.constant 128 : i32
    %sub3A_181 = arith.subi %mul3A_17, %sub3A_180 : i32
    %min3A_182 = arith.minsi %add3A_179, %sub3A_181 : i32
    %dma_start3A_183 = arith.constant 0 : i32
    %dma_start3A_184 = tpu.memref_slice %arg7[%min3A_182, %dma_start3A_183] : memref<100000x128xf32, #tpu.memory_space<hbm>> -> memref<128x128xf32, #tpu.memory_space<hbm>>
    %dma_start3A_185 = arith.constant 0 : i32
    %dma_start3A_186 = tpu.memref_slice %arg7[%min3A_182, %dma_start3A_185] : memref<100000x128xf32, #tpu.memory_space<hbm>> -> memref<128x128xf32, #tpu.memory_space<hbm>>
    tpu.enqueue_dma source(%arg9 : memref<128x128xf32, #tpu.memory_space<vmem>>) target(%dma_start3A_186 : memref<128x128xf32, #tpu.memory_space<hbm>>) target_semaphore(%arg18 : memref<!tpu.dma_semaphore, #tpu.memory_space<semaphore_mem>>)
    %add3A_187 = arith.constant 2432 : i32
    %add3A_188 = arith.addi %mul3A_6, %add3A_187 : i32
    %sub3A_189 = arith.constant 128 : i32
    %sub3A_190 = arith.subi %mul3A_17, %sub3A_189 : i32
    %min3A_191 = arith.minsi %add3A_188, %sub3A_190 : i32
    %dma_start3A_192 = arith.constant 0 : i32
    %dma_start3A_193 = tpu.memref_slice %arg7[%min3A_191, %dma_start3A_192] : memref<100000x128xf32, #tpu.memory_space<hbm>> -> memref<128x128xf32, #tpu.memory_space<hbm>>
    %dma_start3A_194 = arith.constant 0 : i32
    %dma_start3A_195 = tpu.memref_slice %arg7[%min3A_191, %dma_start3A_194] : memref<100000x128xf32, #tpu.memory_space<hbm>> -> memref<128x128xf32, #tpu.memory_space<hbm>>
    tpu.enqueue_dma source(%arg9 : memref<128x128xf32, #tpu.memory_space<vmem>>) target(%dma_start3A_195 : memref<128x128xf32, #tpu.memory_space<hbm>>) target_semaphore(%arg18 : memref<!tpu.dma_semaphore, #tpu.memory_space<semaphore_mem>>)
    %add3A_196 = arith.constant 2560 : i32
    %add3A_197 = arith.addi %mul3A_6, %add3A_196 : i32
    %sub3A_198 = arith.constant 128 : i32
    %sub3A_199 = arith.subi %mul3A_17, %sub3A_198 : i32
    %min3A_200 = arith.minsi %add3A_197, %sub3A_199 : i32
    %dma_start3A_201 = arith.constant 0 : i32
    %dma_start3A_202 = tpu.memref_slice %arg7[%min3A_200, %dma_start3A_201] : memref<100000x128xf32, #tpu.memory_space<hbm>> -> memref<128x128xf32, #tpu.memory_space<hbm>>
    %dma_start3A_203 = arith.constant 0 : i32
    %dma_start3A_204 = tpu.memref_slice %arg7[%min3A_200, %dma_start3A_203] : memref<100000x128xf32, #tpu.memory_space<hbm>> -> memref<128x128xf32, #tpu.memory_space<hbm>>
    tpu.enqueue_dma source(%arg9 : memref<128x128xf32, #tpu.memory_space<vmem>>) target(%dma_start3A_204 : memref<128x128xf32, #tpu.memory_space<hbm>>) target_semaphore(%arg18 : memref<!tpu.dma_semaphore, #tpu.memory_space<semaphore_mem>>)
    %add3A_205 = arith.constant 2688 : i32
    %add3A_206 = arith.addi %mul3A_6, %add3A_205 : i32
    %sub3A_207 = arith.constant 128 : i32
    %sub3A_208 = arith.subi %mul3A_17, %sub3A_207 : i32
    %min3A_209 = arith.minsi %add3A_206, %sub3A_208 : i32
    %dma_start3A_210 = arith.constant 0 : i32
    %dma_start3A_211 = tpu.memref_slice %arg7[%min3A_209, %dma_start3A_210] : memref<100000x128xf32, #tpu.memory_space<hbm>> -> memref<128x128xf32, #tpu.memory_space<hbm>>
    %dma_start3A_212 = arith.constant 0 : i32
    %dma_start3A_213 = tpu.memref_slice %arg7[%min3A_209, %dma_start3A_212] : memref<100000x128xf32, #tpu.memory_space<hbm>> -> memref<128x128xf32, #tpu.memory_space<hbm>>
    tpu.enqueue_dma source(%arg9 : memref<128x128xf32, #tpu.memory_space<vmem>>) target(%dma_start3A_213 : memref<128x128xf32, #tpu.memory_space<hbm>>) target_semaphore(%arg18 : memref<!tpu.dma_semaphore, #tpu.memory_space<semaphore_mem>>)
    %add3A_214 = arith.constant 2816 : i32
    %add3A_215 = arith.addi %mul3A_6, %add3A_214 : i32
    %sub3A_216 = arith.constant 128 : i32
    %sub3A_217 = arith.subi %mul3A_17, %sub3A_216 : i32
    %min3A_218 = arith.minsi %add3A_215, %sub3A_217 : i32
    %dma_start3A_219 = arith.constant 0 : i32
    %dma_start3A_220 = tpu.memref_slice %arg7[%min3A_218, %dma_start3A_219] : memref<100000x128xf32, #tpu.memory_space<hbm>> -> memref<128x128xf32, #tpu.memory_space<hbm>>
    %dma_start3A_221 = arith.constant 0 : i32
    %dma_start3A_222 = tpu.memref_slice %arg7[%min3A_218, %dma_start3A_221] : memref<100000x128xf32, #tpu.memory_space<hbm>> -> memref<128x128xf32, #tpu.memory_space<hbm>>
    tpu.enqueue_dma source(%arg9 : memref<128x128xf32, #tpu.memory_space<vmem>>) target(%dma_start3A_222 : memref<128x128xf32, #tpu.memory_space<hbm>>) target_semaphore(%arg18 : memref<!tpu.dma_semaphore, #tpu.memory_space<semaphore_mem>>)
    %add3A_223 = arith.constant 2944 : i32
    %add3A_224 = arith.addi %mul3A_6, %add3A_223 : i32
    %sub3A_225 = arith.constant 128 : i32
    %sub3A_226 = arith.subi %mul3A_17, %sub3A_225 : i32
    %min3A_227 = arith.minsi %add3A_224, %sub3A_226 : i32
    %dma_start3A_228 = arith.constant 0 : i32
    %dma_start3A_229 = tpu.memref_slice %arg7[%min3A_227, %dma_start3A_228] : memref<100000x128xf32, #tpu.memory_space<hbm>> -> memref<128x128xf32, #tpu.memory_space<hbm>>
    %dma_start3A_230 = arith.constant 0 : i32
    %dma_start3A_231 = tpu.memref_slice %arg7[%min3A_227, %dma_start3A_230] : memref<100000x128xf32, #tpu.memory_space<hbm>> -> memref<128x128xf32, #tpu.memory_space<hbm>>
    tpu.enqueue_dma source(%arg9 : memref<128x128xf32, #tpu.memory_space<vmem>>) target(%dma_start3A_231 : memref<128x128xf32, #tpu.memory_space<hbm>>) target_semaphore(%arg18 : memref<!tpu.dma_semaphore, #tpu.memory_space<semaphore_mem>>)
    %add3A_232 = arith.constant 3072 : i32
    %add3A_233 = arith.addi %mul3A_6, %add3A_232 : i32
    %sub3A_234 = arith.constant 128 : i32
    %sub3A_235 = arith.subi %mul3A_17, %sub3A_234 : i32
    %min3A_236 = arith.minsi %add3A_233, %sub3A_235 : i32
    %dma_start3A_237 = arith.constant 0 : i32
    %dma_start3A_238 = tpu.memref_slice %arg7[%min3A_236, %dma_start3A_237] : memref<100000x128xf32, #tpu.memory_space<hbm>> -> memref<128x128xf32, #tpu.memory_space<hbm>>
    %dma_start3A_239 = arith.constant 0 : i32
    %dma_start3A_240 = tpu.memref_slice %arg7[%min3A_236, %dma_start3A_239] : memref<100000x128xf32, #tpu.memory_space<hbm>> -> memref<128x128xf32, #tpu.memory_space<hbm>>
    tpu.enqueue_dma source(%arg9 : memref<128x128xf32, #tpu.memory_space<vmem>>) target(%dma_start3A_240 : memref<128x128xf32, #tpu.memory_space<hbm>>) target_semaphore(%arg18 : memref<!tpu.dma_semaphore, #tpu.memory_space<semaphore_mem>>)
    "tpu.region"() ({
      %run_scoped3A = tpu.sem_alloc : memref<!tpu.dma_semaphore, #tpu.memory_space<semaphore_mem>>
      tpu.enqueue_dma source(%arg5 : memref<48xi32, #tpu.memory_space<hbm>>) target(%arg8 : memref<48xi32, #tpu.memory_space<vmem>>) target_semaphore(%run_scoped3A : memref<!tpu.dma_semaphore, #tpu.memory_space<semaphore_mem>>)
      tpu.wait_dma2 semaphore(%run_scoped3A : memref<!tpu.dma_semaphore, #tpu.memory_space<semaphore_mem>>) src(%arg5 : memref<48xi32, #tpu.memory_space<hbm>>) dst(%arg8 : memref<48xi32, #tpu.memory_space<vmem>>)
      tpu.yield
    }) : () -> ()
    %get3A = arith.constant 0 : index
    %get3A_241 = tpu.vector_load %arg8[%get3A] {strides = array<i32>} : memref<48xi32, #tpu.memory_space<vmem>>, vector<16xi32>,
    %get3A_242 = vector.shape_cast %get3A_241 : vector<16xi32> to vector<16xi32>
    %get3A_243 = arith.constant 16 : index
    %get3A_244 = tpu.vector_load %arg8[%get3A_243] {strides = array<i32>} : memref<48xi32, #tpu.memory_space<vmem>>, vector<16xi32>,
    %get3A_245 = vector.shape_cast %get3A_244 : vector<16xi32> to vector<16xi32>
    %get3A_246 = arith.constant 32 : index
    %get3A_247 = tpu.vector_load %arg8[%get3A_246] {strides = array<i32>} : memref<48xi32, #tpu.memory_space<vmem>>, vector<16xi32>,
    %get3A_248 = vector.shape_cast %get3A_247 : vector<16xi32> to vector<16xi32>
    %eq3A = arith.constant 0 : i32
    %eq3A_249 = arith.cmpi eq, %add3A, %eq3A : i32
    %slice3A = vector.extract_strided_slice %get3A_242 {offsets = [0], sizes = [1], strides = [1]} : vector<16xi32> to vector<1xi32>
    %squeeze3A = vector.extract %slice3A[0] : i32 from vector<1xi32>
    %jit3A = arith.constant 0 : i32
    %select_n3A = arith.select %eq3A_249, %squeeze3A, %jit3A : i32
    %eq3A_250 = arith.constant 1 : i32
    %eq3A_251 = arith.cmpi eq, %add3A, %eq3A_250 : i32
    %slice3A_252 = vector.extract_strided_slice %get3A_242 {offsets = [1], sizes = [1], strides = [1]} : vector<16xi32> to vector<1xi32>
    %squeeze3A_253 = vector.extract %slice3A_252[0] : i32 from vector<1xi32>
    %select_n3A_254 = arith.select %eq3A_251, %squeeze3A_253, %select_n3A : i32
    %eq3A_255 = arith.constant 2 : i32
    %eq3A_256 = arith.cmpi eq, %add3A, %eq3A_255 : i32
    %slice3A_257 = vector.extract_strided_slice %get3A_242 {offsets = [2], sizes = [1], strides = [1]} : vector<16xi32> to vector<1xi32>
    %squeeze3A_258 = vector.extract %slice3A_257[0] : i32 from vector<1xi32>
    %select_n3A_259 = arith.select %eq3A_256, %squeeze3A_258, %select_n3A_254 : i32
    %eq3A_260 = arith.constant 3 : i32
    %eq3A_261 = arith.cmpi eq, %add3A, %eq3A_260 : i32
    %slice3A_262 = vector.extract_strided_slice %get3A_242 {offsets = [3], sizes = [1], strides = [1]} : vector<16xi32> to vector<1xi32>
    %squeeze3A_263 = vector.extract %slice3A_262[0] : i32 from vector<1xi32>
    %select_n3A_264 = arith.select %eq3A_261, %squeeze3A_263, %select_n3A_259 : i32
    %eq3A_265 = arith.constant 4 : i32
    %eq3A_266 = arith.cmpi eq, %add3A, %eq3A_265 : i32
    %slice3A_267 = vector.extract_strided_slice %get3A_242 {offsets = [4], sizes = [1], strides = [1]} : vector<16xi32> to vector<1xi32>
    %squeeze3A_268 = vector.extract %slice3A_267[0] : i32 from vector<1xi32>
    %select_n3A_269 = arith.select %eq3A_266, %squeeze3A_268, %select_n3A_264 : i32
    %eq3A_270 = arith.constant 5 : i32
    %eq3A_271 = arith.cmpi eq, %add3A, %eq3A_270 : i32
    %slice3A_272 = vector.extract_strided_slice %get3A_242 {offsets = [5], sizes = [1], strides = [1]} : vector<16xi32> to vector<1xi32>
    %squeeze3A_273 = vector.extract %slice3A_272[0] : i32 from vector<1xi32>
    %select_n3A_274 = arith.select %eq3A_271, %squeeze3A_273, %select_n3A_269 : i32
    %eq3A_275 = arith.constant 6 : i32
    %eq3A_276 = arith.cmpi eq, %add3A, %eq3A_275 : i32
    %slice3A_277 = vector.extract_strided_slice %get3A_242 {offsets = [6], sizes = [1], strides = [1]} : vector<16xi32> to vector<1xi32>
    %squeeze3A_278 = vector.extract %slice3A_277[0] : i32 from vector<1xi32>
    %select_n3A_279 = arith.select %eq3A_276, %squeeze3A_278, %select_n3A_274 : i32
    %eq3A_280 = arith.constant 7 : i32
    %eq3A_281 = arith.cmpi eq, %add3A, %eq3A_280 : i32
    %slice3A_282 = vector.extract_strided_slice %get3A_242 {offsets = [7], sizes = [1], strides = [1]} : vector<16xi32> to vector<1xi32>
    %squeeze3A_283 = vector.extract %slice3A_282[0] : i32 from vector<1xi32>
    %select_n3A_284 = arith.select %eq3A_281, %squeeze3A_283, %select_n3A_279 : i32
    %eq3A_285 = arith.constant 8 : i32
    %eq3A_286 = arith.cmpi eq, %add3A, %eq3A_285 : i32
    %slice3A_287 = vector.extract_strided_slice %get3A_242 {offsets = [8], sizes = [1], strides = [1]} : vector<16xi32> to vector<1xi32>
    %squeeze3A_288 = vector.extract %slice3A_287[0] : i32 from vector<1xi32>
    %select_n3A_289 = arith.select %eq3A_286, %squeeze3A_288, %select_n3A_284 : i32
    %eq3A_290 = arith.constant 9 : i32
    %eq3A_291 = arith.cmpi eq, %add3A, %eq3A_290 : i32
    %slice3A_292 = vector.extract_strided_slice %get3A_242 {offsets = [9], sizes = [1], strides = [1]} : vector<16xi32> to vector<1xi32>
    %squeeze3A_293 = vector.extract %slice3A_292[0] : i32 from vector<1xi32>
    %select_n3A_294 = arith.select %eq3A_291, %squeeze3A_293, %select_n3A_289 : i32
    %eq3A_295 = arith.constant 10 : i32
    %eq3A_296 = arith.cmpi eq, %add3A, %eq3A_295 : i32
    %slice3A_297 = vector.extract_strided_slice %get3A_242 {offsets = [10], sizes = [1], strides = [1]} : vector<16xi32> to vector<1xi32>
    %squeeze3A_298 = vector.extract %slice3A_297[0] : i32 from vector<1xi32>
    %select_n3A_299 = arith.select %eq3A_296, %squeeze3A_298, %select_n3A_294 : i32
    %eq3A_300 = arith.constant 11 : i32
    %eq3A_301 = arith.cmpi eq, %add3A, %eq3A_300 : i32
    %slice3A_302 = vector.extract_strided_slice %get3A_242 {offsets = [11], sizes = [1], strides = [1]} : vector<16xi32> to vector<1xi32>
    %squeeze3A_303 = vector.extract %slice3A_302[0] : i32 from vector<1xi32>
    %select_n3A_304 = arith.select %eq3A_301, %squeeze3A_303, %select_n3A_299 : i32
    %eq3A_305 = arith.constant 12 : i32
    %eq3A_306 = arith.cmpi eq, %add3A, %eq3A_305 : i32
    %slice3A_307 = vector.extract_strided_slice %get3A_242 {offsets = [12], sizes = [1], strides = [1]} : vector<16xi32> to vector<1xi32>
    %squeeze3A_308 = vector.extract %slice3A_307[0] : i32 from vector<1xi32>
    %select_n3A_309 = arith.select %eq3A_306, %squeeze3A_308, %select_n3A_304 : i32
    %eq3A_310 = arith.constant 13 : i32
    %eq3A_311 = arith.cmpi eq, %add3A, %eq3A_310 : i32
    %slice3A_312 = vector.extract_strided_slice %get3A_242 {offsets = [13], sizes = [1], strides = [1]} : vector<16xi32> to vector<1xi32>
    %squeeze3A_313 = vector.extract %slice3A_312[0] : i32 from vector<1xi32>
    %select_n3A_314 = arith.select %eq3A_311, %squeeze3A_313, %select_n3A_309 : i32
    %eq3A_315 = arith.constant 14 : i32
    %eq3A_316 = arith.cmpi eq, %add3A, %eq3A_315 : i32
    %slice3A_317 = vector.extract_strided_slice %get3A_242 {offsets = [14], sizes = [1], strides = [1]} : vector<16xi32> to vector<1xi32>
    %squeeze3A_318 = vector.extract %slice3A_317[0] : i32 from vector<1xi32>
    %select_n3A_319 = arith.select %eq3A_316, %squeeze3A_318, %select_n3A_314 : i32
    %eq3A_320 = arith.constant 15 : i32
    %eq3A_321 = arith.cmpi eq, %add3A, %eq3A_320 : i32
    %slice3A_322 = vector.extract_strided_slice %get3A_242 {offsets = [15], sizes = [1], strides = [1]} : vector<16xi32> to vector<1xi32>
    %squeeze3A_323 = vector.extract %slice3A_322[0] : i32 from vector<1xi32>
    %select_n3A_324 = arith.select %eq3A_321, %squeeze3A_323, %select_n3A_319 : i32
    %eq3A_325 = arith.constant 16 : i32
    %eq3A_326 = arith.cmpi eq, %add3A, %eq3A_325 : i32
    %slice3A_327 = vector.extract_strided_slice %get3A_245 {offsets = [0], sizes = [1], strides = [1]} : vector<16xi32> to vector<1xi32>
    %squeeze3A_328 = vector.extract %slice3A_327[0] : i32 from vector<1xi32>
    %select_n3A_329 = arith.select %eq3A_326, %squeeze3A_328, %select_n3A_324 : i32
    %eq3A_330 = arith.constant 17 : i32
    %eq3A_331 = arith.cmpi eq, %add3A, %eq3A_330 : i32
    %slice3A_332 = vector.extract_strided_slice %get3A_245 {offsets = [1], sizes = [1], strides = [1]} : vector<16xi32> to vector<1xi32>
    %squeeze3A_333 = vector.extract %slice3A_332[0] : i32 from vector<1xi32>
    %select_n3A_334 = arith.select %eq3A_331, %squeeze3A_333, %select_n3A_329 : i32
    %eq3A_335 = arith.constant 18 : i32
    %eq3A_336 = arith.cmpi eq, %add3A, %eq3A_335 : i32
    %slice3A_337 = vector.extract_strided_slice %get3A_245 {offsets = [2], sizes = [1], strides = [1]} : vector<16xi32> to vector<1xi32>
    %squeeze3A_338 = vector.extract %slice3A_337[0] : i32 from vector<1xi32>
    %select_n3A_339 = arith.select %eq3A_336, %squeeze3A_338, %select_n3A_334 : i32
    %eq3A_340 = arith.constant 19 : i32
    %eq3A_341 = arith.cmpi eq, %add3A, %eq3A_340 : i32
    %slice3A_342 = vector.extract_strided_slice %get3A_245 {offsets = [3], sizes = [1], strides = [1]} : vector<16xi32> to vector<1xi32>
    %squeeze3A_343 = vector.extract %slice3A_342[0] : i32 from vector<1xi32>
    %select_n3A_344 = arith.select %eq3A_341, %squeeze3A_343, %select_n3A_339 : i32
    %eq3A_345 = arith.constant 20 : i32
    %eq3A_346 = arith.cmpi eq, %add3A, %eq3A_345 : i32
    %slice3A_347 = vector.extract_strided_slice %get3A_245 {offsets = [4], sizes = [1], strides = [1]} : vector<16xi32> to vector<1xi32>
    %squeeze3A_348 = vector.extract %slice3A_347[0] : i32 from vector<1xi32>
    %select_n3A_349 = arith.select %eq3A_346, %squeeze3A_348, %select_n3A_344 : i32
    %eq3A_350 = arith.constant 21 : i32
    %eq3A_351 = arith.cmpi eq, %add3A, %eq3A_350 : i32
    %slice3A_352 = vector.extract_strided_slice %get3A_245 {offsets = [5], sizes = [1], strides = [1]} : vector<16xi32> to vector<1xi32>
    %squeeze3A_353 = vector.extract %slice3A_352[0] : i32 from vector<1xi32>
    %select_n3A_354 = arith.select %eq3A_351, %squeeze3A_353, %select_n3A_349 : i32
    %eq3A_355 = arith.constant 22 : i32
    %eq3A_356 = arith.cmpi eq, %add3A, %eq3A_355 : i32
    %slice3A_357 = vector.extract_strided_slice %get3A_245 {offsets = [6], sizes = [1], strides = [1]} : vector<16xi32> to vector<1xi32>
    %squeeze3A_358 = vector.extract %slice3A_357[0] : i32 from vector<1xi32>
    %select_n3A_359 = arith.select %eq3A_356, %squeeze3A_358, %select_n3A_354 : i32
    %eq3A_360 = arith.constant 23 : i32
    %eq3A_361 = arith.cmpi eq, %add3A, %eq3A_360 : i32
    %slice3A_362 = vector.extract_strided_slice %get3A_245 {offsets = [7], sizes = [1], strides = [1]} : vector<16xi32> to vector<1xi32>
    %squeeze3A_363 = vector.extract %slice3A_362[0] : i32 from vector<1xi32>
    %select_n3A_364 = arith.select %eq3A_361, %squeeze3A_363, %select_n3A_359 : i32
    %eq3A_365 = arith.constant 24 : i32
    %eq3A_366 = arith.cmpi eq, %add3A, %eq3A_365 : i32
    %slice3A_367 = vector.extract_strided_slice %get3A_245 {offsets = [8], sizes = [1], strides = [1]} : vector<16xi32> to vector<1xi32>
    %squeeze3A_368 = vector.extract %slice3A_367[0] : i32 from vector<1xi32>
    %select_n3A_369 = arith.select %eq3A_366, %squeeze3A_368, %select_n3A_364 : i32
    %eq3A_370 = arith.constant 25 : i32
    %eq3A_371 = arith.cmpi eq, %add3A, %eq3A_370 : i32
    %slice3A_372 = vector.extract_strided_slice %get3A_245 {offsets = [9], sizes = [1], strides = [1]} : vector<16xi32> to vector<1xi32>
    %squeeze3A_373 = vector.extract %slice3A_372[0] : i32 from vector<1xi32>
    %select_n3A_374 = arith.select %eq3A_371, %squeeze3A_373, %select_n3A_369 : i32
    %eq3A_375 = arith.constant 26 : i32
    %eq3A_376 = arith.cmpi eq, %add3A, %eq3A_375 : i32
    %slice3A_377 = vector.extract_strided_slice %get3A_245 {offsets = [10], sizes = [1], strides = [1]} : vector<16xi32> to vector<1xi32>
    %squeeze3A_378 = vector.extract %slice3A_377[0] : i32 from vector<1xi32>
    %select_n3A_379 = arith.select %eq3A_376, %squeeze3A_378, %select_n3A_374 : i32
    %eq3A_380 = arith.constant 27 : i32
    %eq3A_381 = arith.cmpi eq, %add3A, %eq3A_380 : i32
    %slice3A_382 = vector.extract_strided_slice %get3A_245 {offsets = [11], sizes = [1], strides = [1]} : vector<16xi32> to vector<1xi32>
    %squeeze3A_383 = vector.extract %slice3A_382[0] : i32 from vector<1xi32>
    %select_n3A_384 = arith.select %eq3A_381, %squeeze3A_383, %select_n3A_379 : i32
    %eq3A_385 = arith.constant 28 : i32
    %eq3A_386 = arith.cmpi eq, %add3A, %eq3A_385 : i32
    %slice3A_387 = vector.extract_strided_slice %get3A_245 {offsets = [12], sizes = [1], strides = [1]} : vector<16xi32> to vector<1xi32>
    %squeeze3A_388 = vector.extract %slice3A_387[0] : i32 from vector<1xi32>
    %select_n3A_389 = arith.select %eq3A_386, %squeeze3A_388, %select_n3A_384 : i32
    %eq3A_390 = arith.constant 29 : i32
    %eq3A_391 = arith.cmpi eq, %add3A, %eq3A_390 : i32
    %slice3A_392 = vector.extract_strided_slice %get3A_245 {offsets = [13], sizes = [1], strides = [1]} : vector<16xi32> to vector<1xi32>
    %squeeze3A_393 = vector.extract %slice3A_392[0] : i32 from vector<1xi32>
    %select_n3A_394 = arith.select %eq3A_391, %squeeze3A_393, %select_n3A_389 : i32
    %eq3A_395 = arith.constant 30 : i32
    %eq3A_396 = arith.cmpi eq, %add3A, %eq3A_395 : i32
    %slice3A_397 = vector.extract_strided_slice %get3A_245 {offsets = [14], sizes = [1], strides = [1]} : vector<16xi32> to vector<1xi32>
    %squeeze3A_398 = vector.extract %slice3A_397[0] : i32 from vector<1xi32>
    %select_n3A_399 = arith.select %eq3A_396, %squeeze3A_398, %select_n3A_394 : i32
    %eq3A_400 = arith.constant 31 : i32
    %eq3A_401 = arith.cmpi eq, %add3A, %eq3A_400 : i32
    %slice3A_402 = vector.extract_strided_slice %get3A_245 {offsets = [15], sizes = [1], strides = [1]} : vector<16xi32> to vector<1xi32>
    %squeeze3A_403 = vector.extract %slice3A_402[0] : i32 from vector<1xi32>
    %select_n3A_404 = arith.select %eq3A_401, %squeeze3A_403, %select_n3A_399 : i32
    %eq3A_405 = arith.constant 32 : i32
    %eq3A_406 = arith.cmpi eq, %add3A, %eq3A_405 : i32
    %slice3A_407 = vector.extract_strided_slice %get3A_248 {offsets = [0], sizes = [1], strides = [1]} : vector<16xi32> to vector<1xi32>
    %squeeze3A_408 = vector.extract %slice3A_407[0] : i32 from vector<1xi32>
    %select_n3A_409 = arith.select %eq3A_406, %squeeze3A_408, %select_n3A_404 : i32
    %add3A_410 = arith.constant 1 : i32
    %add3A_411 = arith.addi %add3A, %add3A_410 : i32
    %eq3A_412 = arith.constant 0 : i32
    %eq3A_413 = arith.cmpi eq, %add3A_411, %eq3A_412 : i32
    %slice3A_414 = vector.extract_strided_slice %get3A_242 {offsets = [0], sizes = [1], strides = [1]} : vector<16xi32> to vector<1xi32>
    %squeeze3A_415 = vector.extract %slice3A_414[0] : i32 from vector<1xi32>
    %jit3A_416 = arith.constant 0 : i32
    %select_n3A_417 = arith.select %eq3A_413, %squeeze3A_415, %jit3A_416 : i32
    %eq3A_418 = arith.constant 1 : i32
    %eq3A_419 = arith.cmpi eq, %add3A_411, %eq3A_418 : i32
    %slice3A_420 = vector.extract_strided_slice %get3A_242 {offsets = [1], sizes = [1], strides = [1]} : vector<16xi32> to vector<1xi32>
    %squeeze3A_421 = vector.extract %slice3A_420[0] : i32 from vector<1xi32>
    %select_n3A_422 = arith.select %eq3A_419, %squeeze3A_421, %select_n3A_417 : i32
    %eq3A_423 = arith.constant 2 : i32
    %eq3A_424 = arith.cmpi eq, %add3A_411, %eq3A_423 : i32
    %slice3A_425 = vector.extract_strided_slice %get3A_242 {offsets = [2], sizes = [1], strides = [1]} : vector<16xi32> to vector<1xi32>
    %squeeze3A_426 = vector.extract %slice3A_425[0] : i32 from vector<1xi32>
    %select_n3A_427 = arith.select %eq3A_424, %squeeze3A_426, %select_n3A_422 : i32
    %eq3A_428 = arith.constant 3 : i32
    %eq3A_429 = arith.cmpi eq, %add3A_411, %eq3A_428 : i32
    %slice3A_430 = vector.extract_strided_slice %get3A_242 {offsets = [3], sizes = [1], strides = [1]} : vector<16xi32> to vector<1xi32>
    %squeeze3A_431 = vector.extract %slice3A_430[0] : i32 from vector<1xi32>
    %select_n3A_432 = arith.select %eq3A_429, %squeeze3A_431, %select_n3A_427 : i32
    %eq3A_433 = arith.constant 4 : i32
    %eq3A_434 = arith.cmpi eq, %add3A_411, %eq3A_433 : i32
    %slice3A_435 = vector.extract_strided_slice %get3A_242 {offsets = [4], sizes = [1], strides = [1]} : vector<16xi32> to vector<1xi32>
    %squeeze3A_436 = vector.extract %slice3A_435[0] : i32 from vector<1xi32>
    %select_n3A_437 = arith.select %eq3A_434, %squeeze3A_436, %select_n3A_432 : i32
    %eq3A_438 = arith.constant 5 : i32
    %eq3A_439 = arith.cmpi eq, %add3A_411, %eq3A_438 : i32
    %slice3A_440 = vector.extract_strided_slice %get3A_242 {offsets = [5], sizes = [1], strides = [1]} : vector<16xi32> to vector<1xi32>
    %squeeze3A_441 = vector.extract %slice3A_440[0] : i32 from vector<1xi32>
    %select_n3A_442 = arith.select %eq3A_439, %squeeze3A_441, %select_n3A_437 : i32
    %eq3A_443 = arith.constant 6 : i32
    %eq3A_444 = arith.cmpi eq, %add3A_411, %eq3A_443 : i32
    %slice3A_445 = vector.extract_strided_slice %get3A_242 {offsets = [6], sizes = [1], strides = [1]} : vector<16xi32> to vector<1xi32>
    %squeeze3A_446 = vector.extract %slice3A_445[0] : i32 from vector<1xi32>
    %select_n3A_447 = arith.select %eq3A_444, %squeeze3A_446, %select_n3A_442 : i32
    %eq3A_448 = arith.constant 7 : i32
    %eq3A_449 = arith.cmpi eq, %add3A_411, %eq3A_448 : i32
    %slice3A_450 = vector.extract_strided_slice %get3A_242 {offsets = [7], sizes = [1], strides = [1]} : vector<16xi32> to vector<1xi32>
    %squeeze3A_451 = vector.extract %slice3A_450[0] : i32 from vector<1xi32>
    %select_n3A_452 = arith.select %eq3A_449, %squeeze3A_451, %select_n3A_447 : i32
    %eq3A_453 = arith.constant 8 : i32
    %eq3A_454 = arith.cmpi eq, %add3A_411, %eq3A_453 : i32
    %slice3A_455 = vector.extract_strided_slice %get3A_242 {offsets = [8], sizes = [1], strides = [1]} : vector<16xi32> to vector<1xi32>
    %squeeze3A_456 = vector.extract %slice3A_455[0] : i32 from vector<1xi32>
    %select_n3A_457 = arith.select %eq3A_454, %squeeze3A_456, %select_n3A_452 : i32
    %eq3A_458 = arith.constant 9 : i32
    %eq3A_459 = arith.cmpi eq, %add3A_411, %eq3A_458 : i32
    %slice3A_460 = vector.extract_strided_slice %get3A_242 {offsets = [9], sizes = [1], strides = [1]} : vector<16xi32> to vector<1xi32>
    %squeeze3A_461 = vector.extract %slice3A_460[0] : i32 from vector<1xi32>
    %select_n3A_462 = arith.select %eq3A_459, %squeeze3A_461, %select_n3A_457 : i32
    %eq3A_463 = arith.constant 10 : i32
    %eq3A_464 = arith.cmpi eq, %add3A_411, %eq3A_463 : i32
    %slice3A_465 = vector.extract_strided_slice %get3A_242 {offsets = [10], sizes = [1], strides = [1]} : vector<16xi32> to vector<1xi32>
    %squeeze3A_466 = vector.extract %slice3A_465[0] : i32 from vector<1xi32>
    %select_n3A_467 = arith.select %eq3A_464, %squeeze3A_466, %select_n3A_462 : i32
    %eq3A_468 = arith.constant 11 : i32
    %eq3A_469 = arith.cmpi eq, %add3A_411, %eq3A_468 : i32
    %slice3A_470 = vector.extract_strided_slice %get3A_242 {offsets = [11], sizes = [1], strides = [1]} : vector<16xi32> to vector<1xi32>
    %squeeze3A_471 = vector.extract %slice3A_470[0] : i32 from vector<1xi32>
    %select_n3A_472 = arith.select %eq3A_469, %squeeze3A_471, %select_n3A_467 : i32
    %eq3A_473 = arith.constant 12 : i32
    %eq3A_474 = arith.cmpi eq, %add3A_411, %eq3A_473 : i32
    %slice3A_475 = vector.extract_strided_slice %get3A_242 {offsets = [12], sizes = [1], strides = [1]} : vector<16xi32> to vector<1xi32>
    %squeeze3A_476 = vector.extract %slice3A_475[0] : i32 from vector<1xi32>
    %select_n3A_477 = arith.select %eq3A_474, %squeeze3A_476, %select_n3A_472 : i32
    %eq3A_478 = arith.constant 13 : i32
    %eq3A_479 = arith.cmpi eq, %add3A_411, %eq3A_478 : i32
    %slice3A_480 = vector.extract_strided_slice %get3A_242 {offsets = [13], sizes = [1], strides = [1]} : vector<16xi32> to vector<1xi32>
    %squeeze3A_481 = vector.extract %slice3A_480[0] : i32 from vector<1xi32>
    %select_n3A_482 = arith.select %eq3A_479, %squeeze3A_481, %select_n3A_477 : i32
    %eq3A_483 = arith.constant 14 : i32
    %eq3A_484 = arith.cmpi eq, %add3A_411, %eq3A_483 : i32
    %slice3A_485 = vector.extract_strided_slice %get3A_242 {offsets = [14], sizes = [1], strides = [1]} : vector<16xi32> to vector<1xi32>
    %squeeze3A_486 = vector.extract %slice3A_485[0] : i32 from vector<1xi32>
    %select_n3A_487 = arith.select %eq3A_484, %squeeze3A_486, %select_n3A_482 : i32
    %eq3A_488 = arith.constant 15 : i32
    %eq3A_489 = arith.cmpi eq, %add3A_411, %eq3A_488 : i32
    %slice3A_490 = vector.extract_strided_slice %get3A_242 {offsets = [15], sizes = [1], strides = [1]} : vector<16xi32> to vector<1xi32>
    %squeeze3A_491 = vector.extract %slice3A_490[0] : i32 from vector<1xi32>
    %select_n3A_492 = arith.select %eq3A_489, %squeeze3A_491, %select_n3A_487 : i32
    %eq3A_493 = arith.constant 16 : i32
    %eq3A_494 = arith.cmpi eq, %add3A_411, %eq3A_493 : i32
    %slice3A_495 = vector.extract_strided_slice %get3A_245 {offsets = [0], sizes = [1], strides = [1]} : vector<16xi32> to vector<1xi32>
    %squeeze3A_496 = vector.extract %slice3A_495[0] : i32 from vector<1xi32>
    %select_n3A_497 = arith.select %eq3A_494, %squeeze3A_496, %select_n3A_492 : i32
    %eq3A_498 = arith.constant 17 : i32
    %eq3A_499 = arith.cmpi eq, %add3A_411, %eq3A_498 : i32
    %slice3A_500 = vector.extract_strided_slice %get3A_245 {offsets = [1], sizes = [1], strides = [1]} : vector<16xi32> to vector<1xi32>
    %squeeze3A_501 = vector.extract %slice3A_500[0] : i32 from vector<1xi32>
    %select_n3A_502 = arith.select %eq3A_499, %squeeze3A_501, %select_n3A_497 : i32
    %eq3A_503 = arith.constant 18 : i32
    %eq3A_504 = arith.cmpi eq, %add3A_411, %eq3A_503 : i32
    %slice3A_505 = vector.extract_strided_slice %get3A_245 {offsets = [2], sizes = [1], strides = [1]} : vector<16xi32> to vector<1xi32>
    %squeeze3A_506 = vector.extract %slice3A_505[0] : i32 from vector<1xi32>
    %select_n3A_507 = arith.select %eq3A_504, %squeeze3A_506, %select_n3A_502 : i32
    %eq3A_508 = arith.constant 19 : i32
    %eq3A_509 = arith.cmpi eq, %add3A_411, %eq3A_508 : i32
    %slice3A_510 = vector.extract_strided_slice %get3A_245 {offsets = [3], sizes = [1], strides = [1]} : vector<16xi32> to vector<1xi32>
    %squeeze3A_511 = vector.extract %slice3A_510[0] : i32 from vector<1xi32>
    %select_n3A_512 = arith.select %eq3A_509, %squeeze3A_511, %select_n3A_507 : i32
    %eq3A_513 = arith.constant 20 : i32
    %eq3A_514 = arith.cmpi eq, %add3A_411, %eq3A_513 : i32
    %slice3A_515 = vector.extract_strided_slice %get3A_245 {offsets = [4], sizes = [1], strides = [1]} : vector<16xi32> to vector<1xi32>
    %squeeze3A_516 = vector.extract %slice3A_515[0] : i32 from vector<1xi32>
    %select_n3A_517 = arith.select %eq3A_514, %squeeze3A_516, %select_n3A_512 : i32
    %eq3A_518 = arith.constant 21 : i32
    %eq3A_519 = arith.cmpi eq, %add3A_411, %eq3A_518 : i32
    %slice3A_520 = vector.extract_strided_slice %get3A_245 {offsets = [5], sizes = [1], strides = [1]} : vector<16xi32> to vector<1xi32>
    %squeeze3A_521 = vector.extract %slice3A_520[0] : i32 from vector<1xi32>
    %select_n3A_522 = arith.select %eq3A_519, %squeeze3A_521, %select_n3A_517 : i32
    %eq3A_523 = arith.constant 22 : i32
    %eq3A_524 = arith.cmpi eq, %add3A_411, %eq3A_523 : i32
    %slice3A_525 = vector.extract_strided_slice %get3A_245 {offsets = [6], sizes = [1], strides = [1]} : vector<16xi32> to vector<1xi32>
    %squeeze3A_526 = vector.extract %slice3A_525[0] : i32 from vector<1xi32>
    %select_n3A_527 = arith.select %eq3A_524, %squeeze3A_526, %select_n3A_522 : i32
    %eq3A_528 = arith.constant 23 : i32
    %eq3A_529 = arith.cmpi eq, %add3A_411, %eq3A_528 : i32
    %slice3A_530 = vector.extract_strided_slice %get3A_245 {offsets = [7], sizes = [1], strides = [1]} : vector<16xi32> to vector<1xi32>
    %squeeze3A_531 = vector.extract %slice3A_530[0] : i32 from vector<1xi32>
    %select_n3A_532 = arith.select %eq3A_529, %squeeze3A_531, %select_n3A_527 : i32
    %eq3A_533 = arith.constant 24 : i32
    %eq3A_534 = arith.cmpi eq, %add3A_411, %eq3A_533 : i32
    %slice3A_535 = vector.extract_strided_slice %get3A_245 {offsets = [8], sizes = [1], strides = [1]} : vector<16xi32> to vector<1xi32>
    %squeeze3A_536 = vector.extract %slice3A_535[0] : i32 from vector<1xi32>
    %select_n3A_537 = arith.select %eq3A_534, %squeeze3A_536, %select_n3A_532 : i32
    %eq3A_538 = arith.constant 25 : i32
    %eq3A_539 = arith.cmpi eq, %add3A_411, %eq3A_538 : i32
    %slice3A_540 = vector.extract_strided_slice %get3A_245 {offsets = [9], sizes = [1], strides = [1]} : vector<16xi32> to vector<1xi32>
    %squeeze3A_541 = vector.extract %slice3A_540[0] : i32 from vector<1xi32>
    %select_n3A_542 = arith.select %eq3A_539, %squeeze3A_541, %select_n3A_537 : i32
    %eq3A_543 = arith.constant 26 : i32
    %eq3A_544 = arith.cmpi eq, %add3A_411, %eq3A_543 : i32
    %slice3A_545 = vector.extract_strided_slice %get3A_245 {offsets = [10], sizes = [1], strides = [1]} : vector<16xi32> to vector<1xi32>
    %squeeze3A_546 = vector.extract %slice3A_545[0] : i32 from vector<1xi32>
    %select_n3A_547 = arith.select %eq3A_544, %squeeze3A_546, %select_n3A_542 : i32
    %eq3A_548 = arith.constant 27 : i32
    %eq3A_549 = arith.cmpi eq, %add3A_411, %eq3A_548 : i32
    %slice3A_550 = vector.extract_strided_slice %get3A_245 {offsets = [11], sizes = [1], strides = [1]} : vector<16xi32> to vector<1xi32>
    %squeeze3A_551 = vector.extract %slice3A_550[0] : i32 from vector<1xi32>
    %select_n3A_552 = arith.select %eq3A_549, %squeeze3A_551, %select_n3A_547 : i32
    %eq3A_553 = arith.constant 28 : i32
    %eq3A_554 = arith.cmpi eq, %add3A_411, %eq3A_553 : i32
    %slice3A_555 = vector.extract_strided_slice %get3A_245 {offsets = [12], sizes = [1], strides = [1]} : vector<16xi32> to vector<1xi32>
    %squeeze3A_556 = vector.extract %slice3A_555[0] : i32 from vector<1xi32>
    %select_n3A_557 = arith.select %eq3A_554, %squeeze3A_556, %select_n3A_552 : i32
    %eq3A_558 = arith.constant 29 : i32
    %eq3A_559 = arith.cmpi eq, %add3A_411, %eq3A_558 : i32
    %slice3A_560 = vector.extract_strided_slice %get3A_245 {offsets = [13], sizes = [1], strides = [1]} : vector<16xi32> to vector<1xi32>
    %squeeze3A_561 = vector.extract %slice3A_560[0] : i32 from vector<1xi32>
    %select_n3A_562 = arith.select %eq3A_559, %squeeze3A_561, %select_n3A_557 : i32
    %eq3A_563 = arith.constant 30 : i32
    %eq3A_564 = arith.cmpi eq, %add3A_411, %eq3A_563 : i32
    %slice3A_565 = vector.extract_strided_slice %get3A_245 {offsets = [14], sizes = [1], strides = [1]} : vector<16xi32> to vector<1xi32>
    %squeeze3A_566 = vector.extract %slice3A_565[0] : i32 from vector<1xi32>
    %select_n3A_567 = arith.select %eq3A_564, %squeeze3A_566, %select_n3A_562 : i32
    %eq3A_568 = arith.constant 31 : i32
    %eq3A_569 = arith.cmpi eq, %add3A_411, %eq3A_568 : i32
    %slice3A_570 = vector.extract_strided_slice %get3A_245 {offsets = [15], sizes = [1], strides = [1]} : vector<16xi32> to vector<1xi32>
    %squeeze3A_571 = vector.extract %slice3A_570[0] : i32 from vector<1xi32>
    %select_n3A_572 = arith.select %eq3A_569, %squeeze3A_571, %select_n3A_567 : i32
    %eq3A_573 = arith.constant 32 : i32
    %eq3A_574 = arith.cmpi eq, %add3A_411, %eq3A_573 : i32
    %slice3A_575 = vector.extract_strided_slice %get3A_248 {offsets = [0], sizes = [1], strides = [1]} : vector<16xi32> to vector<1xi32>
    %squeeze3A_576 = vector.extract %slice3A_575[0] : i32 from vector<1xi32>
    %select_n3A_577 = arith.select %eq3A_574, %squeeze3A_576, %select_n3A_572 : i32
    %and3A = arith.constant -8 : i32
    %and3A_578 = arith.andi %select_n3A_409, %and3A : i32
    %sub3A_579 = arith.subi %select_n3A_577, %and3A_578 : i32
    %add3A_580 = arith.constant 127 : i32
    %add3A_581 = arith.addi %sub3A_579, %add3A_580 : i32
    %jit3A_582 = arith.constant 128 : i32
    %div3A = arith.divsi %add3A_581, %jit3A_582 : i32
    %sign3A = arith.constant 0 : i32
    %sign3A_583 = arith.cmpi sgt, %add3A_581, %sign3A : i32
    %sign3A_584 = arith.extui %sign3A_583 : i1 to i32
    %sign3A_585 = arith.constant 0 : i32
    %sign3A_586 = arith.cmpi slt, %add3A_581, %sign3A_585 : i32
    %sign3A_587 = arith.extui %sign3A_586 : i1 to i32
    %sign3A_588 = arith.subi %sign3A_584, %sign3A_587 : i32
    %sign3A_589 = arith.constant 0 : i32
    %sign3A_590 = arith.cmpi sgt, %jit3A_582, %sign3A_589 : i32
    %sign3A_591 = arith.extui %sign3A_590 : i1 to i32
    %sign3A_592 = arith.constant 0 : i32
    %sign3A_593 = arith.cmpi slt, %jit3A_582, %sign3A_592 : i32
    %sign3A_594 = arith.extui %sign3A_593 : i1 to i32
    %sign3A_595 = arith.subi %sign3A_591, %sign3A_594 : i32
    %ne3A = arith.cmpi ne, %sign3A_588, %sign3A_595 : i32
    %rem3A = arith.remsi %add3A_581, %jit3A_582 : i32
    %ne3A_596 = arith.constant 0 : i32
    %ne3A_597 = arith.cmpi ne, %rem3A, %ne3A_596 : i32
    %and3A_598 = arith.andi %ne3A, %ne3A_597 : i1
    %sub3A_599 = arith.constant 1 : i32
    %sub3A_600 = arith.subi %div3A, %sub3A_599 : i32
    %select_n3A_601 = arith.select %and3A_598, %sub3A_600, %div3A : i32
    %max3A = arith.constant 0 : i32
    %max3A_602 = arith.maxsi %select_n3A_601, %max3A : i32
    %add3A_603 = arith.constant 6 : i32
    %add3A_604 = arith.addi %max3A_602, %add3A_603 : i32
    %sub3A_605 = arith.constant 1 : i32
    %sub3A_606 = arith.subi %add3A_604, %sub3A_605 : i32
    %jit3A_607 = arith.constant 6 : i32
    %div3A_608 = arith.divsi %sub3A_606, %jit3A_607 : i32
    %sign3A_609 = arith.constant 0 : i32
    %sign3A_610 = arith.cmpi sgt, %sub3A_606, %sign3A_609 : i32
    %sign3A_611 = arith.extui %sign3A_610 : i1 to i32
    %sign3A_612 = arith.constant 0 : i32
    %sign3A_613 = arith.cmpi slt, %sub3A_606, %sign3A_612 : i32
    %sign3A_614 = arith.extui %sign3A_613 : i1 to i32
    %sign3A_615 = arith.subi %sign3A_611, %sign3A_614 : i32
    %sign3A_616 = arith.constant 0 : i32
    %sign3A_617 = arith.cmpi sgt, %jit3A_607, %sign3A_616 : i32
    %sign3A_618 = arith.extui %sign3A_617 : i1 to i32
    %sign3A_619 = arith.constant 0 : i32
    %sign3A_620 = arith.cmpi slt, %jit3A_607, %sign3A_619 : i32
    %sign3A_621 = arith.extui %sign3A_620 : i1 to i32
    %sign3A_622 = arith.subi %sign3A_618, %sign3A_621 : i32
    %ne3A_623 = arith.cmpi ne, %sign3A_615, %sign3A_622 : i32
    %rem3A_624 = arith.remsi %sub3A_606, %jit3A_607 : i32
    %ne3A_625 = arith.constant 0 : i32
    %ne3A_626 = arith.cmpi ne, %rem3A_624, %ne3A_625 : i32
    %and3A_627 = arith.andi %ne3A_623, %ne3A_626 : i1
    %sub3A_628 = arith.constant 1 : i32
    %sub3A_629 = arith.subi %div3A_608, %sub3A_628 : i32
    %select_n3A_630 = arith.select %and3A_627, %sub3A_629, %div3A_608 : i32
    %while3A = arith.constant 0 : i32
    %while3A_631 = arith.constant 0 : i32
    %while3A_632 = arith.subi %select_n3A_630, %while3A_631 : i32
    %while3A_633 = arith.addi %while3A_631, %while3A_632 : i32
    %while3A_634 = arith.constant 1 : i32
    %while3A_635 = arith.divsi %while3A_632, %while3A_634 : i32
    %while3A_636 = arith.muli %while3A_635, %while3A_634 : i32
    %while3A_637 = arith.addi %while3A_631, %while3A_636 : i32
    %while3A_638 = arith.constant 1 : i32
    scf.for %while3A_719 = %while3A_631 to %while3A_637 step %while3A_638  : i32 {
      %mul3A_720 = arith.constant 6 : i32
      %mul3A_721 = arith.muli %while3A_719, %mul3A_720 : i32
      %add3A_722 = arith.constant 0 : i32
      %add3A_723 = arith.addi %mul3A_721, %add3A_722 : i32
      %gt3A_724 = arith.constant 0 : i32
      %gt3A_725 = arith.cmpi sgt, %while3A_719, %gt3A_724 : i32
      %sub3A_726 = arith.constant 1 : i32
      %sub3A_727 = arith.subi %while3A_719, %sub3A_726 : i32
      %mul3A_728 = arith.constant 6 : i32
      %mul3A_729 = arith.muli %sub3A_727, %mul3A_728 : i32
      %add3A_730 = arith.constant 0 : i32
      %add3A_731 = arith.addi %mul3A_729, %add3A_730 : i32
      %lt3A_732 = arith.cmpi slt, %add3A_731, %max3A_602 : i32
      %and3A_733 = arith.andi %gt3A_725, %lt3A_732 : i1
      %convert_element_type3A_734 = arith.extui %and3A_733 : i1 to i32
      %cond3A_735 = arith.constant 0 : i32
      %cond3A_736 = arith.cmpi ne, %convert_element_type3A_734, %cond3A_735 : i32
      scf.if %cond3A_736 {
        %dma_wait3A = arith.constant 0 : i32
        %dma_wait3A_947 = arith.constant 0 : i32
        %dma_wait3A_948 = tpu.memref_slice %arg10[%dma_wait3A, %dma_wait3A_947] : memref<6x128xi32, #tpu.memory_space<vmem>> -> memref<1x128xi32, #tpu.memory_space<vmem>>
        %dma_wait3A_949 = tpu.memref_squeeze %dma_wait3A_948 : memref<1x128xi32, #tpu.memory_space<vmem>> -> memref<128xi32, #tpu.memory_space<vmem>>
        %dma_wait3A_950 = arith.constant 0 : i32
        %dma_wait3A_951 = arith.constant 0 : i32
        %dma_wait3A_952 = tpu.memref_slice %arg7[%dma_wait3A_950, %dma_wait3A_951] : memref<100000x128xf32, #tpu.memory_space<hbm>> -> memref<100000x128xf32, #tpu.memory_space<hbm>>
        tpu.wait_indirect_dma semaphore(%arg21 : memref<!tpu.dma_semaphore, #tpu.memory_space<semaphore_mem>>) src(%arg12 : memref<128x128xf32, #tpu.memory_space<vmem>>) dst(%dma_wait3A_952 : memref<100000x128xf32, #tpu.memory_space<hbm>>)
      } else {
      }
      %lt3A_737 = arith.cmpi slt, %add3A_723, %max3A_602 : i32
      %convert_element_type3A_738 = arith.extui %lt3A_737 : i1 to i32
      %cond3A_739 = arith.constant 0 : i32
      %cond3A_740 = arith.cmpi ne, %convert_element_type3A_738, %cond3A_739 : i32
      scf.if %cond3A_740 {
        %mul3A_947 = arith.constant 128 : i32
        %mul3A_948 = arith.muli %add3A_723, %mul3A_947 : i32
        %add3A_949 = arith.addi %and3A_578, %mul3A_948 : i32
        %jit3A_950 = arith.constant 0 : i32
        %jit3A_951 = arith.constant 49872 : i32
        %max3A_952 = arith.maxsi %jit3A_950, %add3A_949 : i32
        %min3A_953 = arith.minsi %jit3A_951, %max3A_952 : i32
        %multiple_of3A = tpu.assume_multiple %min3A_953, 8 : i32
        %dma_start3A_954 = arith.constant 0 : i32
        %dma_start3A_955 = arith.constant 0 : i32
        %dma_start3A_956 = tpu.memref_slice %arg10[%dma_start3A_954, %dma_start3A_955] : memref<6x128xi32, #tpu.memory_space<vmem>> -> memref<1x128xi32, #tpu.memory_space<vmem>>
        %dma_start3A_957 = tpu.memref_squeeze %dma_start3A_956 : memref<1x128xi32, #tpu.memory_space<vmem>> -> memref<128xi32, #tpu.memory_space<vmem>>
        %dma_start3A_958 = tpu.memref_slice %arg3[%multiple_of3A] : memref<50000xi32, #tpu.memory_space<hbm>> -> memref<128xi32, #tpu.memory_space<hbm>>
        %dma_start3A_959 = arith.constant 0 : i32
        %dma_start3A_960 = tpu.memref_slice %arg10[%dma_start3A_954, %dma_start3A_959] : memref<6x128xi32, #tpu.memory_space<vmem>> -> memref<1x128xi32, #tpu.memory_space<vmem>>
        %dma_start3A_961 = tpu.memref_squeeze %dma_start3A_960 : memref<1x128xi32, #tpu.memory_space<vmem>> -> memref<128xi32, #tpu.memory_space<vmem>>
        %dma_start3A_962 = tpu.memref_slice %arg3[%multiple_of3A] : memref<50000xi32, #tpu.memory_space<hbm>> -> memref<128xi32, #tpu.memory_space<hbm>>
        tpu.enqueue_dma source(%dma_start3A_962 : memref<128xi32, #tpu.memory_space<hbm>>) target(%dma_start3A_961 : memref<128xi32, #tpu.memory_space<vmem>>) target_semaphore(%arg19 : memref<!tpu.dma_semaphore, #tpu.memory_space<semaphore_mem>>)
        %dma_start3A_963 = arith.constant 0 : i32
        %dma_start3A_964 = arith.constant 0 : i32
        %dma_start3A_965 = tpu.memref_slice %arg11[%dma_start3A_963, %dma_start3A_964] : memref<6x128xi32, #tpu.memory_space<vmem>> -> memref<1x128xi32, #tpu.memory_space<vmem>>
        %dma_start3A_966 = tpu.memref_squeeze %dma_start3A_965 : memref<1x128xi32, #tpu.memory_space<vmem>> -> memref<128xi32, #tpu.memory_space<vmem>>
        %dma_start3A_967 = tpu.memref_slice %arg4[%multiple_of3A] : memref<50000xi32, #tpu.memory_space<hbm>> -> memref<128xi32, #tpu.memory_space<hbm>>
        %dma_start3A_968 = arith.constant 0 : i32
        %dma_start3A_969 = tpu.memref_slice %arg11[%dma_start3A_963, %dma_start3A_968] : memref<6x128xi32, #tpu.memory_space<vmem>> -> memref<1x128xi32, #tpu.memory_space<vmem>>
        %dma_start3A_970 = tpu.memref_squeeze %dma_start3A_969 : memref<1x128xi32, #tpu.memory_space<vmem>> -> memref<128xi32, #tpu.memory_space<vmem>>
        %dma_start3A_971 = tpu.memref_slice %arg4[%multiple_of3A] : memref<50000xi32, #tpu.memory_space<hbm>> -> memref<128xi32, #tpu.memory_space<hbm>>
        tpu.enqueue_dma source(%dma_start3A_971 : memref<128xi32, #tpu.memory_space<hbm>>) target(%dma_start3A_970 : memref<128xi32, #tpu.memory_space<vmem>>) target_semaphore(%arg19 : memref<!tpu.dma_semaphore, #tpu.memory_space<semaphore_mem>>)
      } else {
      }
      %mul3A_741 = arith.constant 6 : i32
      %mul3A_742 = arith.muli %while3A_719, %mul3A_741 : i32
      %add3A_743 = arith.constant 1 : i32
      %add3A_744 = arith.addi %mul3A_742, %add3A_743 : i32
      %gt3A_745 = arith.constant 0 : i32
      %gt3A_746 = arith.cmpi sgt, %while3A_719, %gt3A_745 : i32
      %sub3A_747 = arith.constant 1 : i32
      %sub3A_748 = arith.subi %while3A_719, %sub3A_747 : i32
      %mul3A_749 = arith.constant 6 : i32
      %mul3A_750 = arith.muli %sub3A_748, %mul3A_749 : i32
      %add3A_751 = arith.constant 1 : i32
      %add3A_752 = arith.addi %mul3A_750, %add3A_751 : i32
      %lt3A_753 = arith.cmpi slt, %add3A_752, %max3A_602 : i32
      %and3A_754 = arith.andi %gt3A_746, %lt3A_753 : i1
      %convert_element_type3A_755 = arith.extui %and3A_754 : i1 to i32
      %cond3A_756 = arith.constant 0 : i32
      %cond3A_757 = arith.cmpi ne, %convert_element_type3A_755, %cond3A_756 : i32
      scf.if %cond3A_757 {
        %dma_wait3A = arith.constant 1 : i32
        %dma_wait3A_947 = arith.constant 0 : i32
        %dma_wait3A_948 = tpu.memref_slice %arg10[%dma_wait3A, %dma_wait3A_947] : memref<6x128xi32, #tpu.memory_space<vmem>> -> memref<1x128xi32, #tpu.memory_space<vmem>>
        %dma_wait3A_949 = tpu.memref_squeeze %dma_wait3A_948 : memref<1x128xi32, #tpu.memory_space<vmem>> -> memref<128xi32, #tpu.memory_space<vmem>>
        %dma_wait3A_950 = arith.constant 0 : i32
        %dma_wait3A_951 = arith.constant 0 : i32
        %dma_wait3A_952 = tpu.memref_slice %arg7[%dma_wait3A_950, %dma_wait3A_951] : memref<100000x128xf32, #tpu.memory_space<hbm>> -> memref<100000x128xf32, #tpu.memory_space<hbm>>
        tpu.wait_indirect_dma semaphore(%arg21 : memref<!tpu.dma_semaphore, #tpu.memory_space<semaphore_mem>>) src(%arg13 : memref<128x128xf32, #tpu.memory_space<vmem>>) dst(%dma_wait3A_952 : memref<100000x128xf32, #tpu.memory_space<hbm>>)
      } else {
      }
      %lt3A_758 = arith.cmpi slt, %add3A_744, %max3A_602 : i32
      %convert_element_type3A_759 = arith.extui %lt3A_758 : i1 to i32
      %cond3A_760 = arith.constant 0 : i32
      %cond3A_761 = arith.cmpi ne, %convert_element_type3A_759, %cond3A_760 : i32
      scf.if %cond3A_761 {
        %mul3A_947 = arith.constant 128 : i32
        %mul3A_948 = arith.muli %add3A_744, %mul3A_947 : i32
        %add3A_949 = arith.addi %and3A_578, %mul3A_948 : i32
        %jit3A_950 = arith.constant 0 : i32
        %jit3A_951 = arith.constant 49872 : i32
        %max3A_952 = arith.maxsi %jit3A_950, %add3A_949 : i32
        %min3A_953 = arith.minsi %jit3A_951, %max3A_952 : i32
        %multiple_of3A = tpu.assume_multiple %min3A_953, 8 : i32
        %dma_start3A_954 = arith.constant 1 : i32
        %dma_start3A_955 = arith.constant 0 : i32
        %dma_start3A_956 = tpu.memref_slice %arg10[%dma_start3A_954, %dma_start3A_955] : memref<6x128xi32, #tpu.memory_space<vmem>> -> memref<1x128xi32, #tpu.memory_space<vmem>>
        %dma_start3A_957 = tpu.memref_squeeze %dma_start3A_956 : memref<1x128xi32, #tpu.memory_space<vmem>> -> memref<128xi32, #tpu.memory_space<vmem>>
        %dma_start3A_958 = tpu.memref_slice %arg3[%multiple_of3A] : memref<50000xi32, #tpu.memory_space<hbm>> -> memref<128xi32, #tpu.memory_space<hbm>>
        %dma_start3A_959 = arith.constant 0 : i32
        %dma_start3A_960 = tpu.memref_slice %arg10[%dma_start3A_954, %dma_start3A_959] : memref<6x128xi32, #tpu.memory_space<vmem>> -> memref<1x128xi32, #tpu.memory_space<vmem>>
        %dma_start3A_961 = tpu.memref_squeeze %dma_start3A_960 : memref<1x128xi32, #tpu.memory_space<vmem>> -> memref<128xi32, #tpu.memory_space<vmem>>
        %dma_start3A_962 = tpu.memref_slice %arg3[%multiple_of3A] : memref<50000xi32, #tpu.memory_space<hbm>> -> memref<128xi32, #tpu.memory_space<hbm>>
        tpu.enqueue_dma source(%dma_start3A_962 : memref<128xi32, #tpu.memory_space<hbm>>) target(%dma_start3A_961 : memref<128xi32, #tpu.memory_space<vmem>>) target_semaphore(%arg19 : memref<!tpu.dma_semaphore, #tpu.memory_space<semaphore_mem>>)
        %dma_start3A_963 = arith.constant 1 : i32
        %dma_start3A_964 = arith.constant 0 : i32
        %dma_start3A_965 = tpu.memref_slice %arg11[%dma_start3A_963, %dma_start3A_964] : memref<6x128xi32, #tpu.memory_space<vmem>> -> memref<1x128xi32, #tpu.memory_space<vmem>>
        %dma_start3A_966 = tpu.memref_squeeze %dma_start3A_965 : memref<1x128xi32, #tpu.memory_space<vmem>> -> memref<128xi32, #tpu.memory_space<vmem>>
        %dma_start3A_967 = tpu.memref_slice %arg4[%multiple_of3A] : memref<50000xi32, #tpu.memory_space<hbm>> -> memref<128xi32, #tpu.memory_space<hbm>>
        %dma_start3A_968 = arith.constant 0 : i32
        %dma_start3A_969 = tpu.memref_slice %arg11[%dma_start3A_963, %dma_start3A_968] : memref<6x128xi32, #tpu.memory_space<vmem>> -> memref<1x128xi32, #tpu.memory_space<vmem>>
        %dma_start3A_970 = tpu.memref_squeeze %dma_start3A_969 : memref<1x128xi32, #tpu.memory_space<vmem>> -> memref<128xi32, #tpu.memory_space<vmem>>
        %dma_start3A_971 = tpu.memref_slice %arg4[%multiple_of3A] : memref<50000xi32, #tpu.memory_space<hbm>> -> memref<128xi32, #tpu.memory_space<hbm>>
        tpu.enqueue_dma source(%dma_start3A_971 : memref<128xi32, #tpu.memory_space<hbm>>) target(%dma_start3A_970 : memref<128xi32, #tpu.memory_space<vmem>>) target_semaphore(%arg19 : memref<!tpu.dma_semaphore, #tpu.memory_space<semaphore_mem>>)
      } else {
      }
      %mul3A_762 = arith.constant 6 : i32
      %mul3A_763 = arith.muli %while3A_719, %mul3A_762 : i32
      %add3A_764 = arith.constant 2 : i32
      %add3A_765 = arith.addi %mul3A_763, %add3A_764 : i32
      %gt3A_766 = arith.constant 0 : i32
      %gt3A_767 = arith.cmpi sgt, %while3A_719, %gt3A_766 : i32
      %sub3A_768 = arith.constant 1 : i32
      %sub3A_769 = arith.subi %while3A_719, %sub3A_768 : i32
      %mul3A_770 = arith.constant 6 : i32
      %mul3A_771 = arith.muli %sub3A_769, %mul3A_770 : i32
      %add3A_772 = arith.constant 2 : i32
      %add3A_773 = arith.addi %mul3A_771, %add3A_772 : i32
      %lt3A_774 = arith.cmpi slt, %add3A_773, %max3A_602 : i32
      %and3A_775 = arith.andi %gt3A_767, %lt3A_774 : i1
      %convert_element_type3A_776 = arith.extui %and3A_775 : i1 to i32
      %cond3A_777 = arith.constant 0 : i32
      %cond3A_778 = arith.cmpi ne, %convert_element_type3A_776, %cond3A_777 : i32
      scf.if %cond3A_778 {
        %dma_wait3A = arith.constant 2 : i32
        %dma_wait3A_947 = arith.constant 0 : i32
        %dma_wait3A_948 = tpu.memref_slice %arg10[%dma_wait3A, %dma_wait3A_947] : memref<6x128xi32, #tpu.memory_space<vmem>> -> memref<1x128xi32, #tpu.memory_space<vmem>>
        %dma_wait3A_949 = tpu.memref_squeeze %dma_wait3A_948 : memref<1x128xi32, #tpu.memory_space<vmem>> -> memref<128xi32, #tpu.memory_space<vmem>>
        %dma_wait3A_950 = arith.constant 0 : i32
        %dma_wait3A_951 = arith.constant 0 : i32
        %dma_wait3A_952 = tpu.memref_slice %arg7[%dma_wait3A_950, %dma_wait3A_951] : memref<100000x128xf32, #tpu.memory_space<hbm>> -> memref<100000x128xf32, #tpu.memory_space<hbm>>
        tpu.wait_indirect_dma semaphore(%arg21 : memref<!tpu.dma_semaphore, #tpu.memory_space<semaphore_mem>>) src(%arg14 : memref<128x128xf32, #tpu.memory_space<vmem>>) dst(%dma_wait3A_952 : memref<100000x128xf32, #tpu.memory_space<hbm>>)
      } else {
      }
      %lt3A_779 = arith.cmpi slt, %add3A_765, %max3A_602 : i32
      %convert_element_type3A_780 = arith.extui %lt3A_779 : i1 to i32
      %cond3A_781 = arith.constant 0 : i32
      %cond3A_782 = arith.cmpi ne, %convert_element_type3A_780, %cond3A_781 : i32
      scf.if %cond3A_782 {
        %mul3A_947 = arith.constant 128 : i32
        %mul3A_948 = arith.muli %add3A_765, %mul3A_947 : i32
        %add3A_949 = arith.addi %and3A_578, %mul3A_948 : i32
        %jit3A_950 = arith.constant 0 : i32
        %jit3A_951 = arith.constant 49872 : i32
        %max3A_952 = arith.maxsi %jit3A_950, %add3A_949 : i32
        %min3A_953 = arith.minsi %jit3A_951, %max3A_952 : i32
        %multiple_of3A = tpu.assume_multiple %min3A_953, 8 : i32
        %dma_start3A_954 = arith.constant 2 : i32
        %dma_start3A_955 = arith.constant 0 : i32
        %dma_start3A_956 = tpu.memref_slice %arg10[%dma_start3A_954, %dma_start3A_955] : memref<6x128xi32, #tpu.memory_space<vmem>> -> memref<1x128xi32, #tpu.memory_space<vmem>>
        %dma_start3A_957 = tpu.memref_squeeze %dma_start3A_956 : memref<1x128xi32, #tpu.memory_space<vmem>> -> memref<128xi32, #tpu.memory_space<vmem>>
        %dma_start3A_958 = tpu.memref_slice %arg3[%multiple_of3A] : memref<50000xi32, #tpu.memory_space<hbm>> -> memref<128xi32, #tpu.memory_space<hbm>>
        %dma_start3A_959 = arith.constant 0 : i32
        %dma_start3A_960 = tpu.memref_slice %arg10[%dma_start3A_954, %dma_start3A_959] : memref<6x128xi32, #tpu.memory_space<vmem>> -> memref<1x128xi32, #tpu.memory_space<vmem>>
        %dma_start3A_961 = tpu.memref_squeeze %dma_start3A_960 : memref<1x128xi32, #tpu.memory_space<vmem>> -> memref<128xi32, #tpu.memory_space<vmem>>
        %dma_start3A_962 = tpu.memref_slice %arg3[%multiple_of3A] : memref<50000xi32, #tpu.memory_space<hbm>> -> memref<128xi32, #tpu.memory_space<hbm>>
        tpu.enqueue_dma source(%dma_start3A_962 : memref<128xi32, #tpu.memory_space<hbm>>) target(%dma_start3A_961 : memref<128xi32, #tpu.memory_space<vmem>>) target_semaphore(%arg19 : memref<!tpu.dma_semaphore, #tpu.memory_space<semaphore_mem>>)
        %dma_start3A_963 = arith.constant 2 : i32
        %dma_start3A_964 = arith.constant 0 : i32
        %dma_start3A_965 = tpu.memref_slice %arg11[%dma_start3A_963, %dma_start3A_964] : memref<6x128xi32, #tpu.memory_space<vmem>> -> memref<1x128xi32, #tpu.memory_space<vmem>>
        %dma_start3A_966 = tpu.memref_squeeze %dma_start3A_965 : memref<1x128xi32, #tpu.memory_space<vmem>> -> memref<128xi32, #tpu.memory_space<vmem>>
        %dma_start3A_967 = tpu.memref_slice %arg4[%multiple_of3A] : memref<50000xi32, #tpu.memory_space<hbm>> -> memref<128xi32, #tpu.memory_space<hbm>>
        %dma_start3A_968 = arith.constant 0 : i32
        %dma_start3A_969 = tpu.memref_slice %arg11[%dma_start3A_963, %dma_start3A_968] : memref<6x128xi32, #tpu.memory_space<vmem>> -> memref<1x128xi32, #tpu.memory_space<vmem>>
        %dma_start3A_970 = tpu.memref_squeeze %dma_start3A_969 : memref<1x128xi32, #tpu.memory_space<vmem>> -> memref<128xi32, #tpu.memory_space<vmem>>
        %dma_start3A_971 = tpu.memref_slice %arg4[%multiple_of3A] : memref<50000xi32, #tpu.memory_space<hbm>> -> memref<128xi32, #tpu.memory_space<hbm>>
        tpu.enqueue_dma source(%dma_start3A_971 : memref<128xi32, #tpu.memory_space<hbm>>) target(%dma_start3A_970 : memref<128xi32, #tpu.memory_space<vmem>>) target_semaphore(%arg19 : memref<!tpu.dma_semaphore, #tpu.memory_space<semaphore_mem>>)
      } else {
      }
      %mul3A_783 = arith.constant 6 : i32
      %mul3A_784 = arith.muli %while3A_719, %mul3A_783 : i32
      %add3A_785 = arith.constant 3 : i32
      %add3A_786 = arith.addi %mul3A_784, %add3A_785 : i32
      %gt3A_787 = arith.constant 0 : i32
      %gt3A_788 = arith.cmpi sgt, %while3A_719, %gt3A_787 : i32
      %sub3A_789 = arith.constant 1 : i32
      %sub3A_790 = arith.subi %while3A_719, %sub3A_789 : i32
      %mul3A_791 = arith.constant 6 : i32
      %mul3A_792 = arith.muli %sub3A_790, %mul3A_791 : i32
      %add3A_793 = arith.constant 3 : i32
      %add3A_794 = arith.addi %mul3A_792, %add3A_793 : i32
      %lt3A_795 = arith.cmpi slt, %add3A_794, %max3A_602 : i32
      %and3A_796 = arith.andi %gt3A_788, %lt3A_795 : i1
      %convert_element_type3A_797 = arith.extui %and3A_796 : i1 to i32
      %cond3A_798 = arith.constant 0 : i32
      %cond3A_799 = arith.cmpi ne, %convert_element_type3A_797, %cond3A_798 : i32
      scf.if %cond3A_799 {
        %dma_wait3A = arith.constant 3 : i32
        %dma_wait3A_947 = arith.constant 0 : i32
        %dma_wait3A_948 = tpu.memref_slice %arg10[%dma_wait3A, %dma_wait3A_947] : memref<6x128xi32, #tpu.memory_space<vmem>> -> memref<1x128xi32, #tpu.memory_space<vmem>>
        %dma_wait3A_949 = tpu.memref_squeeze %dma_wait3A_948 : memref<1x128xi32, #tpu.memory_space<vmem>> -> memref<128xi32, #tpu.memory_space<vmem>>
        %dma_wait3A_950 = arith.constant 0 : i32
        %dma_wait3A_951 = arith.constant 0 : i32
        %dma_wait3A_952 = tpu.memref_slice %arg7[%dma_wait3A_950, %dma_wait3A_951] : memref<100000x128xf32, #tpu.memory_space<hbm>> -> memref<100000x128xf32, #tpu.memory_space<hbm>>
        tpu.wait_indirect_dma semaphore(%arg21 : memref<!tpu.dma_semaphore, #tpu.memory_space<semaphore_mem>>) src(%arg15 : memref<128x128xf32, #tpu.memory_space<vmem>>) dst(%dma_wait3A_952 : memref<100000x128xf32, #tpu.memory_space<hbm>>)
      } else {
      }
      %lt3A_800 = arith.cmpi slt, %add3A_786, %max3A_602 : i32
      %convert_element_type3A_801 = arith.extui %lt3A_800 : i1 to i32
      %cond3A_802 = arith.constant 0 : i32
      %cond3A_803 = arith.cmpi ne, %convert_element_type3A_801, %cond3A_802 : i32
      scf.if %cond3A_803 {
        %mul3A_947 = arith.constant 128 : i32
        %mul3A_948 = arith.muli %add3A_786, %mul3A_947 : i32
        %add3A_949 = arith.addi %and3A_578, %mul3A_948 : i32
        %jit3A_950 = arith.constant 0 : i32
        %jit3A_951 = arith.constant 49872 : i32
        %max3A_952 = arith.maxsi %jit3A_950, %add3A_949 : i32
        %min3A_953 = arith.minsi %jit3A_951, %max3A_952 : i32
        %multiple_of3A = tpu.assume_multiple %min3A_953, 8 : i32
        %dma_start3A_954 = arith.constant 3 : i32
        %dma_start3A_955 = arith.constant 0 : i32
        %dma_start3A_956 = tpu.memref_slice %arg10[%dma_start3A_954, %dma_start3A_955] : memref<6x128xi32, #tpu.memory_space<vmem>> -> memref<1x128xi32, #tpu.memory_space<vmem>>
        %dma_start3A_957 = tpu.memref_squeeze %dma_start3A_956 : memref<1x128xi32, #tpu.memory_space<vmem>> -> memref<128xi32, #tpu.memory_space<vmem>>
        %dma_start3A_958 = tpu.memref_slice %arg3[%multiple_of3A] : memref<50000xi32, #tpu.memory_space<hbm>> -> memref<128xi32, #tpu.memory_space<hbm>>
        %dma_start3A_959 = arith.constant 0 : i32
        %dma_start3A_960 = tpu.memref_slice %arg10[%dma_start3A_954, %dma_start3A_959] : memref<6x128xi32, #tpu.memory_space<vmem>> -> memref<1x128xi32, #tpu.memory_space<vmem>>
        %dma_start3A_961 = tpu.memref_squeeze %dma_start3A_960 : memref<1x128xi32, #tpu.memory_space<vmem>> -> memref<128xi32, #tpu.memory_space<vmem>>
        %dma_start3A_962 = tpu.memref_slice %arg3[%multiple_of3A] : memref<50000xi32, #tpu.memory_space<hbm>> -> memref<128xi32, #tpu.memory_space<hbm>>
        tpu.enqueue_dma source(%dma_start3A_962 : memref<128xi32, #tpu.memory_space<hbm>>) target(%dma_start3A_961 : memref<128xi32, #tpu.memory_space<vmem>>) target_semaphore(%arg19 : memref<!tpu.dma_semaphore, #tpu.memory_space<semaphore_mem>>)
        %dma_start3A_963 = arith.constant 3 : i32
        %dma_start3A_964 = arith.constant 0 : i32
        %dma_start3A_965 = tpu.memref_slice %arg11[%dma_start3A_963, %dma_start3A_964] : memref<6x128xi32, #tpu.memory_space<vmem>> -> memref<1x128xi32, #tpu.memory_space<vmem>>
        %dma_start3A_966 = tpu.memref_squeeze %dma_start3A_965 : memref<1x128xi32, #tpu.memory_space<vmem>> -> memref<128xi32, #tpu.memory_space<vmem>>
        %dma_start3A_967 = tpu.memref_slice %arg4[%multiple_of3A] : memref<50000xi32, #tpu.memory_space<hbm>> -> memref<128xi32, #tpu.memory_space<hbm>>
        %dma_start3A_968 = arith.constant 0 : i32
        %dma_start3A_969 = tpu.memref_slice %arg11[%dma_start3A_963, %dma_start3A_968] : memref<6x128xi32, #tpu.memory_space<vmem>> -> memref<1x128xi32, #tpu.memory_space<vmem>>
        %dma_start3A_970 = tpu.memref_squeeze %dma_start3A_969 : memref<1x128xi32, #tpu.memory_space<vmem>> -> memref<128xi32, #tpu.memory_space<vmem>>
        %dma_start3A_971 = tpu.memref_slice %arg4[%multiple_of3A] : memref<50000xi32, #tpu.memory_space<hbm>> -> memref<128xi32, #tpu.memory_space<hbm>>
        tpu.enqueue_dma source(%dma_start3A_971 : memref<128xi32, #tpu.memory_space<hbm>>) target(%dma_start3A_970 : memref<128xi32, #tpu.memory_space<vmem>>) target_semaphore(%arg19 : memref<!tpu.dma_semaphore, #tpu.memory_space<semaphore_mem>>)
      } else {
      }
      %mul3A_804 = arith.constant 6 : i32
      %mul3A_805 = arith.muli %while3A_719, %mul3A_804 : i32
      %add3A_806 = arith.constant 4 : i32
      %add3A_807 = arith.addi %mul3A_805, %add3A_806 : i32
      %gt3A_808 = arith.constant 0 : i32
      %gt3A_809 = arith.cmpi sgt, %while3A_719, %gt3A_808 : i32
      %sub3A_810 = arith.constant 1 : i32
      %sub3A_811 = arith.subi %while3A_719, %sub3A_810 : i32
      %mul3A_812 = arith.constant 6 : i32
      %mul3A_813 = arith.muli %sub3A_811, %mul3A_812 : i32
      %add3A_814 = arith.constant 4 : i32
      %add3A_815 = arith.addi %mul3A_813, %add3A_814 : i32
      %lt3A_816 = arith.cmpi slt, %add3A_815, %max3A_602 : i32
      %and3A_817 = arith.andi %gt3A_809, %lt3A_816 : i1
      %convert_element_type3A_818 = arith.extui %and3A_817 : i1 to i32
      %cond3A_819 = arith.constant 0 : i32
      %cond3A_820 = arith.cmpi ne, %convert_element_type3A_818, %cond3A_819 : i32
      scf.if %cond3A_820 {
        %dma_wait3A = arith.constant 4 : i32
        %dma_wait3A_947 = arith.constant 0 : i32
        %dma_wait3A_948 = tpu.memref_slice %arg10[%dma_wait3A, %dma_wait3A_947] : memref<6x128xi32, #tpu.memory_space<vmem>> -> memref<1x128xi32, #tpu.memory_space<vmem>>
        %dma_wait3A_949 = tpu.memref_squeeze %dma_wait3A_948 : memref<1x128xi32, #tpu.memory_space<vmem>> -> memref<128xi32, #tpu.memory_space<vmem>>
        %dma_wait3A_950 = arith.constant 0 : i32
        %dma_wait3A_951 = arith.constant 0 : i32
        %dma_wait3A_952 = tpu.memref_slice %arg7[%dma_wait3A_950, %dma_wait3A_951] : memref<100000x128xf32, #tpu.memory_space<hbm>> -> memref<100000x128xf32, #tpu.memory_space<hbm>>
        tpu.wait_indirect_dma semaphore(%arg21 : memref<!tpu.dma_semaphore, #tpu.memory_space<semaphore_mem>>) src(%arg16 : memref<128x128xf32, #tpu.memory_space<vmem>>) dst(%dma_wait3A_952 : memref<100000x128xf32, #tpu.memory_space<hbm>>)
      } else {
      }
      %lt3A_821 = arith.cmpi slt, %add3A_807, %max3A_602 : i32
      %convert_element_type3A_822 = arith.extui %lt3A_821 : i1 to i32
      %cond3A_823 = arith.constant 0 : i32
      %cond3A_824 = arith.cmpi ne, %convert_element_type3A_822, %cond3A_823 : i32
      scf.if %cond3A_824 {
        %mul3A_947 = arith.constant 128 : i32
        %mul3A_948 = arith.muli %add3A_807, %mul3A_947 : i32
        %add3A_949 = arith.addi %and3A_578, %mul3A_948 : i32
        %jit3A_950 = arith.constant 0 : i32
        %jit3A_951 = arith.constant 49872 : i32
        %max3A_952 = arith.maxsi %jit3A_950, %add3A_949 : i32
        %min3A_953 = arith.minsi %jit3A_951, %max3A_952 : i32
        %multiple_of3A = tpu.assume_multiple %min3A_953, 8 : i32
        %dma_start3A_954 = arith.constant 4 : i32
        %dma_start3A_955 = arith.constant 0 : i32
        %dma_start3A_956 = tpu.memref_slice %arg10[%dma_start3A_954, %dma_start3A_955] : memref<6x128xi32, #tpu.memory_space<vmem>> -> memref<1x128xi32, #tpu.memory_space<vmem>>
        %dma_start3A_957 = tpu.memref_squeeze %dma_start3A_956 : memref<1x128xi32, #tpu.memory_space<vmem>> -> memref<128xi32, #tpu.memory_space<vmem>>
        %dma_start3A_958 = tpu.memref_slice %arg3[%multiple_of3A] : memref<50000xi32, #tpu.memory_space<hbm>> -> memref<128xi32, #tpu.memory_space<hbm>>
        %dma_start3A_959 = arith.constant 0 : i32
        %dma_start3A_960 = tpu.memref_slice %arg10[%dma_start3A_954, %dma_start3A_959] : memref<6x128xi32, #tpu.memory_space<vmem>> -> memref<1x128xi32, #tpu.memory_space<vmem>>
        %dma_start3A_961 = tpu.memref_squeeze %dma_start3A_960 : memref<1x128xi32, #tpu.memory_space<vmem>> -> memref<128xi32, #tpu.memory_space<vmem>>
        %dma_start3A_962 = tpu.memref_slice %arg3[%multiple_of3A] : memref<50000xi32, #tpu.memory_space<hbm>> -> memref<128xi32, #tpu.memory_space<hbm>>
        tpu.enqueue_dma source(%dma_start3A_962 : memref<128xi32, #tpu.memory_space<hbm>>) target(%dma_start3A_961 : memref<128xi32, #tpu.memory_space<vmem>>) target_semaphore(%arg19 : memref<!tpu.dma_semaphore, #tpu.memory_space<semaphore_mem>>)
        %dma_start3A_963 = arith.constant 4 : i32
        %dma_start3A_964 = arith.constant 0 : i32
        %dma_start3A_965 = tpu.memref_slice %arg11[%dma_start3A_963, %dma_start3A_964] : memref<6x128xi32, #tpu.memory_space<vmem>> -> memref<1x128xi32, #tpu.memory_space<vmem>>
        %dma_start3A_966 = tpu.memref_squeeze %dma_start3A_965 : memref<1x128xi32, #tpu.memory_space<vmem>> -> memref<128xi32, #tpu.memory_space<vmem>>
        %dma_start3A_967 = tpu.memref_slice %arg4[%multiple_of3A] : memref<50000xi32, #tpu.memory_space<hbm>> -> memref<128xi32, #tpu.memory_space<hbm>>
        %dma_start3A_968 = arith.constant 0 : i32
        %dma_start3A_969 = tpu.memref_slice %arg11[%dma_start3A_963, %dma_start3A_968] : memref<6x128xi32, #tpu.memory_space<vmem>> -> memref<1x128xi32, #tpu.memory_space<vmem>>
        %dma_start3A_970 = tpu.memref_squeeze %dma_start3A_969 : memref<1x128xi32, #tpu.memory_space<vmem>> -> memref<128xi32, #tpu.memory_space<vmem>>
        %dma_start3A_971 = tpu.memref_slice %arg4[%multiple_of3A] : memref<50000xi32, #tpu.memory_space<hbm>> -> memref<128xi32, #tpu.memory_space<hbm>>
        tpu.enqueue_dma source(%dma_start3A_971 : memref<128xi32, #tpu.memory_space<hbm>>) target(%dma_start3A_970 : memref<128xi32, #tpu.memory_space<vmem>>) target_semaphore(%arg19 : memref<!tpu.dma_semaphore, #tpu.memory_space<semaphore_mem>>)
      } else {
      }
      %mul3A_825 = arith.constant 6 : i32
      %mul3A_826 = arith.muli %while3A_719, %mul3A_825 : i32
      %add3A_827 = arith.constant 5 : i32
      %add3A_828 = arith.addi %mul3A_826, %add3A_827 : i32
      %gt3A_829 = arith.constant 0 : i32
      %gt3A_830 = arith.cmpi sgt, %while3A_719, %gt3A_829 : i32
      %sub3A_831 = arith.constant 1 : i32
      %sub3A_832 = arith.subi %while3A_719, %sub3A_831 : i32
      %mul3A_833 = arith.constant 6 : i32
      %mul3A_834 = arith.muli %sub3A_832, %mul3A_833 : i32
      %add3A_835 = arith.constant 5 : i32
      %add3A_836 = arith.addi %mul3A_834, %add3A_835 : i32
      %lt3A_837 = arith.cmpi slt, %add3A_836, %max3A_602 : i32
      %and3A_838 = arith.andi %gt3A_830, %lt3A_837 : i1
      %convert_element_type3A_839 = arith.extui %and3A_838 : i1 to i32
      %cond3A_840 = arith.constant 0 : i32
      %cond3A_841 = arith.cmpi ne, %convert_element_type3A_839, %cond3A_840 : i32
      scf.if %cond3A_841 {
        %dma_wait3A = arith.constant 5 : i32
        %dma_wait3A_947 = arith.constant 0 : i32
        %dma_wait3A_948 = tpu.memref_slice %arg10[%dma_wait3A, %dma_wait3A_947] : memref<6x128xi32, #tpu.memory_space<vmem>> -> memref<1x128xi32, #tpu.memory_space<vmem>>
        %dma_wait3A_949 = tpu.memref_squeeze %dma_wait3A_948 : memref<1x128xi32, #tpu.memory_space<vmem>> -> memref<128xi32, #tpu.memory_space<vmem>>
        %dma_wait3A_950 = arith.constant 0 : i32
        %dma_wait3A_951 = arith.constant 0 : i32
        %dma_wait3A_952 = tpu.memref_slice %arg7[%dma_wait3A_950, %dma_wait3A_951] : memref<100000x128xf32, #tpu.memory_space<hbm>> -> memref<100000x128xf32, #tpu.memory_space<hbm>>
        tpu.wait_indirect_dma semaphore(%arg21 : memref<!tpu.dma_semaphore, #tpu.memory_space<semaphore_mem>>) src(%arg17 : memref<128x128xf32, #tpu.memory_space<vmem>>) dst(%dma_wait3A_952 : memref<100000x128xf32, #tpu.memory_space<hbm>>)
      } else {
      }
      %lt3A_842 = arith.cmpi slt, %add3A_828, %max3A_602 : i32
      %convert_element_type3A_843 = arith.extui %lt3A_842 : i1 to i32
      %cond3A_844 = arith.constant 0 : i32
      %cond3A_845 = arith.cmpi ne, %convert_element_type3A_843, %cond3A_844 : i32
      scf.if %cond3A_845 {
        %mul3A_947 = arith.constant 128 : i32
        %mul3A_948 = arith.muli %add3A_828, %mul3A_947 : i32
        %add3A_949 = arith.addi %and3A_578, %mul3A_948 : i32
        %jit3A_950 = arith.constant 0 : i32
        %jit3A_951 = arith.constant 49872 : i32
        %max3A_952 = arith.maxsi %jit3A_950, %add3A_949 : i32
        %min3A_953 = arith.minsi %jit3A_951, %max3A_952 : i32
        %multiple_of3A = tpu.assume_multiple %min3A_953, 8 : i32
        %dma_start3A_954 = arith.constant 5 : i32
        %dma_start3A_955 = arith.constant 0 : i32
        %dma_start3A_956 = tpu.memref_slice %arg10[%dma_start3A_954, %dma_start3A_955] : memref<6x128xi32, #tpu.memory_space<vmem>> -> memref<1x128xi32, #tpu.memory_space<vmem>>
        %dma_start3A_957 = tpu.memref_squeeze %dma_start3A_956 : memref<1x128xi32, #tpu.memory_space<vmem>> -> memref<128xi32, #tpu.memory_space<vmem>>
        %dma_start3A_958 = tpu.memref_slice %arg3[%multiple_of3A] : memref<50000xi32, #tpu.memory_space<hbm>> -> memref<128xi32, #tpu.memory_space<hbm>>
        %dma_start3A_959 = arith.constant 0 : i32
        %dma_start3A_960 = tpu.memref_slice %arg10[%dma_start3A_954, %dma_start3A_959] : memref<6x128xi32, #tpu.memory_space<vmem>> -> memref<1x128xi32, #tpu.memory_space<vmem>>
        %dma_start3A_961 = tpu.memref_squeeze %dma_start3A_960 : memref<1x128xi32, #tpu.memory_space<vmem>> -> memref<128xi32, #tpu.memory_space<vmem>>
        %dma_start3A_962 = tpu.memref_slice %arg3[%multiple_of3A] : memref<50000xi32, #tpu.memory_space<hbm>> -> memref<128xi32, #tpu.memory_space<hbm>>
        tpu.enqueue_dma source(%dma_start3A_962 : memref<128xi32, #tpu.memory_space<hbm>>) target(%dma_start3A_961 : memref<128xi32, #tpu.memory_space<vmem>>) target_semaphore(%arg19 : memref<!tpu.dma_semaphore, #tpu.memory_space<semaphore_mem>>)
        %dma_start3A_963 = arith.constant 5 : i32
        %dma_start3A_964 = arith.constant 0 : i32
        %dma_start3A_965 = tpu.memref_slice %arg11[%dma_start3A_963, %dma_start3A_964] : memref<6x128xi32, #tpu.memory_space<vmem>> -> memref<1x128xi32, #tpu.memory_space<vmem>>
        %dma_start3A_966 = tpu.memref_squeeze %dma_start3A_965 : memref<1x128xi32, #tpu.memory_space<vmem>> -> memref<128xi32, #tpu.memory_space<vmem>>
        %dma_start3A_967 = tpu.memref_slice %arg4[%multiple_of3A] : memref<50000xi32, #tpu.memory_space<hbm>> -> memref<128xi32, #tpu.memory_space<hbm>>
        %dma_start3A_968 = arith.constant 0 : i32
        %dma_start3A_969 = tpu.memref_slice %arg11[%dma_start3A_963, %dma_start3A_968] : memref<6x128xi32, #tpu.memory_space<vmem>> -> memref<1x128xi32, #tpu.memory_space<vmem>>
        %dma_start3A_970 = tpu.memref_squeeze %dma_start3A_969 : memref<1x128xi32, #tpu.memory_space<vmem>> -> memref<128xi32, #tpu.memory_space<vmem>>
        %dma_start3A_971 = tpu.memref_slice %arg4[%multiple_of3A] : memref<50000xi32, #tpu.memory_space<hbm>> -> memref<128xi32, #tpu.memory_space<hbm>>
        tpu.enqueue_dma source(%dma_start3A_971 : memref<128xi32, #tpu.memory_space<hbm>>) target(%dma_start3A_970 : memref<128xi32, #tpu.memory_space<vmem>>) target_semaphore(%arg19 : memref<!tpu.dma_semaphore, #tpu.memory_space<semaphore_mem>>)
      } else {
      }
      %mul3A_846 = arith.constant 6 : i32
      %mul3A_847 = arith.muli %while3A_719, %mul3A_846 : i32
      %add3A_848 = arith.constant 0 : i32
      %add3A_849 = arith.addi %mul3A_847, %add3A_848 : i32
      %lt3A_850 = arith.cmpi slt, %add3A_849, %max3A_602 : i32
      %convert_element_type3A_851 = arith.extui %lt3A_850 : i1 to i32
      %cond3A_852 = arith.constant 0 : i32
      %cond3A_853 = arith.cmpi ne, %convert_element_type3A_851, %cond3A_852 : i32
      scf.if %cond3A_853 {
        %dma_wait3A = arith.constant 0 : i32
        %dma_wait3A_947 = arith.constant 0 : i32
        %dma_wait3A_948 = tpu.memref_slice %arg10[%dma_wait3A, %dma_wait3A_947] : memref<6x128xi32, #tpu.memory_space<vmem>> -> memref<1x128xi32, #tpu.memory_space<vmem>>
        %dma_wait3A_949 = tpu.memref_squeeze %dma_wait3A_948 : memref<1x128xi32, #tpu.memory_space<vmem>> -> memref<128xi32, #tpu.memory_space<vmem>>
        %dma_wait3A_950 = arith.constant 0 : i32
        %dma_wait3A_951 = tpu.memref_slice %arg3[%dma_wait3A_950] : memref<50000xi32, #tpu.memory_space<hbm>> -> memref<128xi32, #tpu.memory_space<hbm>>
        %dma_wait3A_952 = arith.constant 0 : i32
        %dma_wait3A_953 = tpu.memref_slice %arg10[%dma_wait3A, %dma_wait3A_952] : memref<6x128xi32, #tpu.memory_space<vmem>> -> memref<1x128xi32, #tpu.memory_space<vmem>>
        %dma_wait3A_954 = tpu.memref_squeeze %dma_wait3A_953 : memref<1x128xi32, #tpu.memory_space<vmem>> -> memref<128xi32, #tpu.memory_space<vmem>>
        %dma_wait3A_955 = arith.constant 0 : i32
        %dma_wait3A_956 = tpu.memref_slice %arg3[%dma_wait3A_955] : memref<50000xi32, #tpu.memory_space<hbm>> -> memref<128xi32, #tpu.memory_space<hbm>>
        tpu.wait_dma2 semaphore(%arg19 : memref<!tpu.dma_semaphore, #tpu.memory_space<semaphore_mem>>) src(%dma_wait3A_956 : memref<128xi32, #tpu.memory_space<hbm>>) dst(%dma_wait3A_954 : memref<128xi32, #tpu.memory_space<vmem>>)
        %dma_wait3A_957 = arith.constant 0 : i32
        %dma_wait3A_958 = arith.constant 0 : i32
        %dma_wait3A_959 = tpu.memref_slice %arg11[%dma_wait3A_957, %dma_wait3A_958] : memref<6x128xi32, #tpu.memory_space<vmem>> -> memref<1x128xi32, #tpu.memory_space<vmem>>
        %dma_wait3A_960 = tpu.memref_squeeze %dma_wait3A_959 : memref<1x128xi32, #tpu.memory_space<vmem>> -> memref<128xi32, #tpu.memory_space<vmem>>
        %dma_wait3A_961 = arith.constant 0 : i32
        %dma_wait3A_962 = tpu.memref_slice %arg4[%dma_wait3A_961] : memref<50000xi32, #tpu.memory_space<hbm>> -> memref<128xi32, #tpu.memory_space<hbm>>
        %dma_wait3A_963 = arith.constant 0 : i32
        %dma_wait3A_964 = tpu.memref_slice %arg11[%dma_wait3A_957, %dma_wait3A_963] : memref<6x128xi32, #tpu.memory_space<vmem>> -> memref<1x128xi32, #tpu.memory_space<vmem>>
        %dma_wait3A_965 = tpu.memref_squeeze %dma_wait3A_964 : memref<1x128xi32, #tpu.memory_space<vmem>> -> memref<128xi32, #tpu.memory_space<vmem>>
        %dma_wait3A_966 = arith.constant 0 : i32
        %dma_wait3A_967 = tpu.memref_slice %arg4[%dma_wait3A_966] : memref<50000xi32, #tpu.memory_space<hbm>> -> memref<128xi32, #tpu.memory_space<hbm>>
        tpu.wait_dma2 semaphore(%arg19 : memref<!tpu.dma_semaphore, #tpu.memory_space<semaphore_mem>>) src(%dma_wait3A_967 : memref<128xi32, #tpu.memory_space<hbm>>) dst(%dma_wait3A_965 : memref<128xi32, #tpu.memory_space<vmem>>)
        %dma_start3A_968 = arith.constant 0 : i32
        %dma_start3A_969 = arith.constant 0 : i32
        %dma_start3A_970 = tpu.memref_slice %arg11[%dma_start3A_968, %dma_start3A_969] : memref<6x128xi32, #tpu.memory_space<vmem>> -> memref<1x128xi32, #tpu.memory_space<vmem>>
        %dma_start3A_971 = tpu.memref_squeeze %dma_start3A_970 : memref<1x128xi32, #tpu.memory_space<vmem>> -> memref<128xi32, #tpu.memory_space<vmem>>
        %dma_start3A_972 = arith.constant 0 : i32
        %dma_start3A_973 = arith.constant 0 : i32
        %dma_start3A_974 = tpu.memref_slice %arg2[%dma_start3A_972, %dma_start3A_973] : memref<50000x128xf32, #tpu.memory_space<hbm>> -> memref<50000x128xf32, #tpu.memory_space<hbm>>
        tpu.enqueue_indirect_dma source(%dma_start3A_974 : memref<50000x128xf32, #tpu.memory_space<hbm>>) target(%arg12 : memref<128x128xf32, #tpu.memory_space<vmem>>) offsets(%dma_start3A_971 : memref<128xi32, #tpu.memory_space<vmem>>) semaphore(%arg20 : memref<!tpu.dma_semaphore, #tpu.memory_space<semaphore_mem>>)
      } else {
      }
      %mul3A_854 = arith.constant 6 : i32
      %mul3A_855 = arith.muli %while3A_719, %mul3A_854 : i32
      %add3A_856 = arith.constant 1 : i32
      %add3A_857 = arith.addi %mul3A_855, %add3A_856 : i32
      %lt3A_858 = arith.cmpi slt, %add3A_857, %max3A_602 : i32
      %convert_element_type3A_859 = arith.extui %lt3A_858 : i1 to i32
      %cond3A_860 = arith.constant 0 : i32
      %cond3A_861 = arith.cmpi ne, %convert_element_type3A_859, %cond3A_860 : i32
      scf.if %cond3A_861 {
        %dma_wait3A = arith.constant 1 : i32
        %dma_wait3A_947 = arith.constant 0 : i32
        %dma_wait3A_948 = tpu.memref_slice %arg10[%dma_wait3A, %dma_wait3A_947] : memref<6x128xi32, #tpu.memory_space<vmem>> -> memref<1x128xi32, #tpu.memory_space<vmem>>
        %dma_wait3A_949 = tpu.memref_squeeze %dma_wait3A_948 : memref<1x128xi32, #tpu.memory_space<vmem>> -> memref<128xi32, #tpu.memory_space<vmem>>
        %dma_wait3A_950 = arith.constant 0 : i32
        %dma_wait3A_951 = tpu.memref_slice %arg3[%dma_wait3A_950] : memref<50000xi32, #tpu.memory_space<hbm>> -> memref<128xi32, #tpu.memory_space<hbm>>
        %dma_wait3A_952 = arith.constant 0 : i32
        %dma_wait3A_953 = tpu.memref_slice %arg10[%dma_wait3A, %dma_wait3A_952] : memref<6x128xi32, #tpu.memory_space<vmem>> -> memref<1x128xi32, #tpu.memory_space<vmem>>
        %dma_wait3A_954 = tpu.memref_squeeze %dma_wait3A_953 : memref<1x128xi32, #tpu.memory_space<vmem>> -> memref<128xi32, #tpu.memory_space<vmem>>
        %dma_wait3A_955 = arith.constant 0 : i32
        %dma_wait3A_956 = tpu.memref_slice %arg3[%dma_wait3A_955] : memref<50000xi32, #tpu.memory_space<hbm>> -> memref<128xi32, #tpu.memory_space<hbm>>
        tpu.wait_dma2 semaphore(%arg19 : memref<!tpu.dma_semaphore, #tpu.memory_space<semaphore_mem>>) src(%dma_wait3A_956 : memref<128xi32, #tpu.memory_space<hbm>>) dst(%dma_wait3A_954 : memref<128xi32, #tpu.memory_space<vmem>>)
        %dma_wait3A_957 = arith.constant 1 : i32
        %dma_wait3A_958 = arith.constant 0 : i32
        %dma_wait3A_959 = tpu.memref_slice %arg11[%dma_wait3A_957, %dma_wait3A_958] : memref<6x128xi32, #tpu.memory_space<vmem>> -> memref<1x128xi32, #tpu.memory_space<vmem>>
        %dma_wait3A_960 = tpu.memref_squeeze %dma_wait3A_959 : memref<1x128xi32, #tpu.memory_space<vmem>> -> memref<128xi32, #tpu.memory_space<vmem>>
        %dma_wait3A_961 = arith.constant 0 : i32
        %dma_wait3A_962 = tpu.memref_slice %arg4[%dma_wait3A_961] : memref<50000xi32, #tpu.memory_space<hbm>> -> memref<128xi32, #tpu.memory_space<hbm>>
        %dma_wait3A_963 = arith.constant 0 : i32
        %dma_wait3A_964 = tpu.memref_slice %arg11[%dma_wait3A_957, %dma_wait3A_963] : memref<6x128xi32, #tpu.memory_space<vmem>> -> memref<1x128xi32, #tpu.memory_space<vmem>>
        %dma_wait3A_965 = tpu.memref_squeeze %dma_wait3A_964 : memref<1x128xi32, #tpu.memory_space<vmem>> -> memref<128xi32, #tpu.memory_space<vmem>>
        %dma_wait3A_966 = arith.constant 0 : i32
        %dma_wait3A_967 = tpu.memref_slice %arg4[%dma_wait3A_966] : memref<50000xi32, #tpu.memory_space<hbm>> -> memref<128xi32, #tpu.memory_space<hbm>>
        tpu.wait_dma2 semaphore(%arg19 : memref<!tpu.dma_semaphore, #tpu.memory_space<semaphore_mem>>) src(%dma_wait3A_967 : memref<128xi32, #tpu.memory_space<hbm>>) dst(%dma_wait3A_965 : memref<128xi32, #tpu.memory_space<vmem>>)
        %dma_start3A_968 = arith.constant 1 : i32
        %dma_start3A_969 = arith.constant 0 : i32
        %dma_start3A_970 = tpu.memref_slice %arg11[%dma_start3A_968, %dma_start3A_969] : memref<6x128xi32, #tpu.memory_space<vmem>> -> memref<1x128xi32, #tpu.memory_space<vmem>>
        %dma_start3A_971 = tpu.memref_squeeze %dma_start3A_970 : memref<1x128xi32, #tpu.memory_space<vmem>> -> memref<128xi32, #tpu.memory_space<vmem>>
        %dma_start3A_972 = arith.constant 0 : i32
        %dma_start3A_973 = arith.constant 0 : i32
        %dma_start3A_974 = tpu.memref_slice %arg2[%dma_start3A_972, %dma_start3A_973] : memref<50000x128xf32, #tpu.memory_space<hbm>> -> memref<50000x128xf32, #tpu.memory_space<hbm>>
        tpu.enqueue_indirect_dma source(%dma_start3A_974 : memref<50000x128xf32, #tpu.memory_space<hbm>>) target(%arg13 : memref<128x128xf32, #tpu.memory_space<vmem>>) offsets(%dma_start3A_971 : memref<128xi32, #tpu.memory_space<vmem>>) semaphore(%arg20 : memref<!tpu.dma_semaphore, #tpu.memory_space<semaphore_mem>>)
      } else {
      }
      %mul3A_862 = arith.constant 6 : i32
      %mul3A_863 = arith.muli %while3A_719, %mul3A_862 : i32
      %add3A_864 = arith.constant 2 : i32
      %add3A_865 = arith.addi %mul3A_863, %add3A_864 : i32
      %lt3A_866 = arith.cmpi slt, %add3A_865, %max3A_602 : i32
      %convert_element_type3A_867 = arith.extui %lt3A_866 : i1 to i32
      %cond3A_868 = arith.constant 0 : i32
      %cond3A_869 = arith.cmpi ne, %convert_element_type3A_867, %cond3A_868 : i32
      scf.if %cond3A_869 {
        %dma_wait3A = arith.constant 2 : i32
        %dma_wait3A_947 = arith.constant 0 : i32
        %dma_wait3A_948 = tpu.memref_slice %arg10[%dma_wait3A, %dma_wait3A_947] : memref<6x128xi32, #tpu.memory_space<vmem>> -> memref<1x128xi32, #tpu.memory_space<vmem>>
        %dma_wait3A_949 = tpu.memref_squeeze %dma_wait3A_948 : memref<1x128xi32, #tpu.memory_space<vmem>> -> memref<128xi32, #tpu.memory_space<vmem>>
        %dma_wait3A_950 = arith.constant 0 : i32
        %dma_wait3A_951 = tpu.memref_slice %arg3[%dma_wait3A_950] : memref<50000xi32, #tpu.memory_space<hbm>> -> memref<128xi32, #tpu.memory_space<hbm>>
        %dma_wait3A_952 = arith.constant 0 : i32
        %dma_wait3A_953 = tpu.memref_slice %arg10[%dma_wait3A, %dma_wait3A_952] : memref<6x128xi32, #tpu.memory_space<vmem>> -> memref<1x128xi32, #tpu.memory_space<vmem>>
        %dma_wait3A_954 = tpu.memref_squeeze %dma_wait3A_953 : memref<1x128xi32, #tpu.memory_space<vmem>> -> memref<128xi32, #tpu.memory_space<vmem>>
        %dma_wait3A_955 = arith.constant 0 : i32
        %dma_wait3A_956 = tpu.memref_slice %arg3[%dma_wait3A_955] : memref<50000xi32, #tpu.memory_space<hbm>> -> memref<128xi32, #tpu.memory_space<hbm>>
        tpu.wait_dma2 semaphore(%arg19 : memref<!tpu.dma_semaphore, #tpu.memory_space<semaphore_mem>>) src(%dma_wait3A_956 : memref<128xi32, #tpu.memory_space<hbm>>) dst(%dma_wait3A_954 : memref<128xi32, #tpu.memory_space<vmem>>)
        %dma_wait3A_957 = arith.constant 2 : i32
        %dma_wait3A_958 = arith.constant 0 : i32
        %dma_wait3A_959 = tpu.memref_slice %arg11[%dma_wait3A_957, %dma_wait3A_958] : memref<6x128xi32, #tpu.memory_space<vmem>> -> memref<1x128xi32, #tpu.memory_space<vmem>>
        %dma_wait3A_960 = tpu.memref_squeeze %dma_wait3A_959 : memref<1x128xi32, #tpu.memory_space<vmem>> -> memref<128xi32, #tpu.memory_space<vmem>>
        %dma_wait3A_961 = arith.constant 0 : i32
        %dma_wait3A_962 = tpu.memref_slice %arg4[%dma_wait3A_961] : memref<50000xi32, #tpu.memory_space<hbm>> -> memref<128xi32, #tpu.memory_space<hbm>>
        %dma_wait3A_963 = arith.constant 0 : i32
        %dma_wait3A_964 = tpu.memref_slice %arg11[%dma_wait3A_957, %dma_wait3A_963] : memref<6x128xi32, #tpu.memory_space<vmem>> -> memref<1x128xi32, #tpu.memory_space<vmem>>
        %dma_wait3A_965 = tpu.memref_squeeze %dma_wait3A_964 : memref<1x128xi32, #tpu.memory_space<vmem>> -> memref<128xi32, #tpu.memory_space<vmem>>
        %dma_wait3A_966 = arith.constant 0 : i32
        %dma_wait3A_967 = tpu.memref_slice %arg4[%dma_wait3A_966] : memref<50000xi32, #tpu.memory_space<hbm>> -> memref<128xi32, #tpu.memory_space<hbm>>
        tpu.wait_dma2 semaphore(%arg19 : memref<!tpu.dma_semaphore, #tpu.memory_space<semaphore_mem>>) src(%dma_wait3A_967 : memref<128xi32, #tpu.memory_space<hbm>>) dst(%dma_wait3A_965 : memref<128xi32, #tpu.memory_space<vmem>>)
        %dma_start3A_968 = arith.constant 2 : i32
        %dma_start3A_969 = arith.constant 0 : i32
        %dma_start3A_970 = tpu.memref_slice %arg11[%dma_start3A_968, %dma_start3A_969] : memref<6x128xi32, #tpu.memory_space<vmem>> -> memref<1x128xi32, #tpu.memory_space<vmem>>
        %dma_start3A_971 = tpu.memref_squeeze %dma_start3A_970 : memref<1x128xi32, #tpu.memory_space<vmem>> -> memref<128xi32, #tpu.memory_space<vmem>>
        %dma_start3A_972 = arith.constant 0 : i32
        %dma_start3A_973 = arith.constant 0 : i32
        %dma_start3A_974 = tpu.memref_slice %arg2[%dma_start3A_972, %dma_start3A_973] : memref<50000x128xf32, #tpu.memory_space<hbm>> -> memref<50000x128xf32, #tpu.memory_space<hbm>>
        tpu.enqueue_indirect_dma source(%dma_start3A_974 : memref<50000x128xf32, #tpu.memory_space<hbm>>) target(%arg14 : memref<128x128xf32, #tpu.memory_space<vmem>>) offsets(%dma_start3A_971 : memref<128xi32, #tpu.memory_space<vmem>>) semaphore(%arg20 : memref<!tpu.dma_semaphore, #tpu.memory_space<semaphore_mem>>)
      } else {
      }
      %mul3A_870 = arith.constant 6 : i32
      %mul3A_871 = arith.muli %while3A_719, %mul3A_870 : i32
      %add3A_872 = arith.constant 3 : i32
      %add3A_873 = arith.addi %mul3A_871, %add3A_872 : i32
      %lt3A_874 = arith.cmpi slt, %add3A_873, %max3A_602 : i32
      %convert_element_type3A_875 = arith.extui %lt3A_874 : i1 to i32
      %cond3A_876 = arith.constant 0 : i32
      %cond3A_877 = arith.cmpi ne, %convert_element_type3A_875, %cond3A_876 : i32
      scf.if %cond3A_877 {
        %dma_wait3A = arith.constant 3 : i32
        %dma_wait3A_947 = arith.constant 0 : i32
        %dma_wait3A_948 = tpu.memref_slice %arg10[%dma_wait3A, %dma_wait3A_947] : memref<6x128xi32, #tpu.memory_space<vmem>> -> memref<1x128xi32, #tpu.memory_space<vmem>>
        %dma_wait3A_949 = tpu.memref_squeeze %dma_wait3A_948 : memref<1x128xi32, #tpu.memory_space<vmem>> -> memref<128xi32, #tpu.memory_space<vmem>>
        %dma_wait3A_950 = arith.constant 0 : i32
        %dma_wait3A_951 = tpu.memref_slice %arg3[%dma_wait3A_950] : memref<50000xi32, #tpu.memory_space<hbm>> -> memref<128xi32, #tpu.memory_space<hbm>>
        %dma_wait3A_952 = arith.constant 0 : i32
        %dma_wait3A_953 = tpu.memref_slice %arg10[%dma_wait3A, %dma_wait3A_952] : memref<6x128xi32, #tpu.memory_space<vmem>> -> memref<1x128xi32, #tpu.memory_space<vmem>>
        %dma_wait3A_954 = tpu.memref_squeeze %dma_wait3A_953 : memref<1x128xi32, #tpu.memory_space<vmem>> -> memref<128xi32, #tpu.memory_space<vmem>>
        %dma_wait3A_955 = arith.constant 0 : i32
        %dma_wait3A_956 = tpu.memref_slice %arg3[%dma_wait3A_955] : memref<50000xi32, #tpu.memory_space<hbm>> -> memref<128xi32, #tpu.memory_space<hbm>>
        tpu.wait_dma2 semaphore(%arg19 : memref<!tpu.dma_semaphore, #tpu.memory_space<semaphore_mem>>) src(%dma_wait3A_956 : memref<128xi32, #tpu.memory_space<hbm>>) dst(%dma_wait3A_954 : memref<128xi32, #tpu.memory_space<vmem>>)
        %dma_wait3A_957 = arith.constant 3 : i32
        %dma_wait3A_958 = arith.constant 0 : i32
        %dma_wait3A_959 = tpu.memref_slice %arg11[%dma_wait3A_957, %dma_wait3A_958] : memref<6x128xi32, #tpu.memory_space<vmem>> -> memref<1x128xi32, #tpu.memory_space<vmem>>
        %dma_wait3A_960 = tpu.memref_squeeze %dma_wait3A_959 : memref<1x128xi32, #tpu.memory_space<vmem>> -> memref<128xi32, #tpu.memory_space<vmem>>
        %dma_wait3A_961 = arith.constant 0 : i32
        %dma_wait3A_962 = tpu.memref_slice %arg4[%dma_wait3A_961] : memref<50000xi32, #tpu.memory_space<hbm>> -> memref<128xi32, #tpu.memory_space<hbm>>
        %dma_wait3A_963 = arith.constant 0 : i32
        %dma_wait3A_964 = tpu.memref_slice %arg11[%dma_wait3A_957, %dma_wait3A_963] : memref<6x128xi32, #tpu.memory_space<vmem>> -> memref<1x128xi32, #tpu.memory_space<vmem>>
        %dma_wait3A_965 = tpu.memref_squeeze %dma_wait3A_964 : memref<1x128xi32, #tpu.memory_space<vmem>> -> memref<128xi32, #tpu.memory_space<vmem>>
        %dma_wait3A_966 = arith.constant 0 : i32
        %dma_wait3A_967 = tpu.memref_slice %arg4[%dma_wait3A_966] : memref<50000xi32, #tpu.memory_space<hbm>> -> memref<128xi32, #tpu.memory_space<hbm>>
        tpu.wait_dma2 semaphore(%arg19 : memref<!tpu.dma_semaphore, #tpu.memory_space<semaphore_mem>>) src(%dma_wait3A_967 : memref<128xi32, #tpu.memory_space<hbm>>) dst(%dma_wait3A_965 : memref<128xi32, #tpu.memory_space<vmem>>)
        %dma_start3A_968 = arith.constant 3 : i32
        %dma_start3A_969 = arith.constant 0 : i32
        %dma_start3A_970 = tpu.memref_slice %arg11[%dma_start3A_968, %dma_start3A_969] : memref<6x128xi32, #tpu.memory_space<vmem>> -> memref<1x128xi32, #tpu.memory_space<vmem>>
        %dma_start3A_971 = tpu.memref_squeeze %dma_start3A_970 : memref<1x128xi32, #tpu.memory_space<vmem>> -> memref<128xi32, #tpu.memory_space<vmem>>
        %dma_start3A_972 = arith.constant 0 : i32
        %dma_start3A_973 = arith.constant 0 : i32
        %dma_start3A_974 = tpu.memref_slice %arg2[%dma_start3A_972, %dma_start3A_973] : memref<50000x128xf32, #tpu.memory_space<hbm>> -> memref<50000x128xf32, #tpu.memory_space<hbm>>
        tpu.enqueue_indirect_dma source(%dma_start3A_974 : memref<50000x128xf32, #tpu.memory_space<hbm>>) target(%arg15 : memref<128x128xf32, #tpu.memory_space<vmem>>) offsets(%dma_start3A_971 : memref<128xi32, #tpu.memory_space<vmem>>) semaphore(%arg20 : memref<!tpu.dma_semaphore, #tpu.memory_space<semaphore_mem>>)
      } else {
      }
      %mul3A_878 = arith.constant 6 : i32
      %mul3A_879 = arith.muli %while3A_719, %mul3A_878 : i32
      %add3A_880 = arith.constant 4 : i32
      %add3A_881 = arith.addi %mul3A_879, %add3A_880 : i32
      %lt3A_882 = arith.cmpi slt, %add3A_881, %max3A_602 : i32
      %convert_element_type3A_883 = arith.extui %lt3A_882 : i1 to i32
      %cond3A_884 = arith.constant 0 : i32
      %cond3A_885 = arith.cmpi ne, %convert_element_type3A_883, %cond3A_884 : i32
      scf.if %cond3A_885 {
        %dma_wait3A = arith.constant 4 : i32
        %dma_wait3A_947 = arith.constant 0 : i32
        %dma_wait3A_948 = tpu.memref_slice %arg10[%dma_wait3A, %dma_wait3A_947] : memref<6x128xi32, #tpu.memory_space<vmem>> -> memref<1x128xi32, #tpu.memory_space<vmem>>
        %dma_wait3A_949 = tpu.memref_squeeze %dma_wait3A_948 : memref<1x128xi32, #tpu.memory_space<vmem>> -> memref<128xi32, #tpu.memory_space<vmem>>
        %dma_wait3A_950 = arith.constant 0 : i32
        %dma_wait3A_951 = tpu.memref_slice %arg3[%dma_wait3A_950] : memref<50000xi32, #tpu.memory_space<hbm>> -> memref<128xi32, #tpu.memory_space<hbm>>
        %dma_wait3A_952 = arith.constant 0 : i32
        %dma_wait3A_953 = tpu.memref_slice %arg10[%dma_wait3A, %dma_wait3A_952] : memref<6x128xi32, #tpu.memory_space<vmem>> -> memref<1x128xi32, #tpu.memory_space<vmem>>
        %dma_wait3A_954 = tpu.memref_squeeze %dma_wait3A_953 : memref<1x128xi32, #tpu.memory_space<vmem>> -> memref<128xi32, #tpu.memory_space<vmem>>
        %dma_wait3A_955 = arith.constant 0 : i32
        %dma_wait3A_956 = tpu.memref_slice %arg3[%dma_wait3A_955] : memref<50000xi32, #tpu.memory_space<hbm>> -> memref<128xi32, #tpu.memory_space<hbm>>
        tpu.wait_dma2 semaphore(%arg19 : memref<!tpu.dma_semaphore, #tpu.memory_space<semaphore_mem>>) src(%dma_wait3A_956 : memref<128xi32, #tpu.memory_space<hbm>>) dst(%dma_wait3A_954 : memref<128xi32, #tpu.memory_space<vmem>>)
        %dma_wait3A_957 = arith.constant 4 : i32
        %dma_wait3A_958 = arith.constant 0 : i32
        %dma_wait3A_959 = tpu.memref_slice %arg11[%dma_wait3A_957, %dma_wait3A_958] : memref<6x128xi32, #tpu.memory_space<vmem>> -> memref<1x128xi32, #tpu.memory_space<vmem>>
        %dma_wait3A_960 = tpu.memref_squeeze %dma_wait3A_959 : memref<1x128xi32, #tpu.memory_space<vmem>> -> memref<128xi32, #tpu.memory_space<vmem>>
        %dma_wait3A_961 = arith.constant 0 : i32
        %dma_wait3A_962 = tpu.memref_slice %arg4[%dma_wait3A_961] : memref<50000xi32, #tpu.memory_space<hbm>> -> memref<128xi32, #tpu.memory_space<hbm>>
        %dma_wait3A_963 = arith.constant 0 : i32
        %dma_wait3A_964 = tpu.memref_slice %arg11[%dma_wait3A_957, %dma_wait3A_963] : memref<6x128xi32, #tpu.memory_space<vmem>> -> memref<1x128xi32, #tpu.memory_space<vmem>>
        %dma_wait3A_965 = tpu.memref_squeeze %dma_wait3A_964 : memref<1x128xi32, #tpu.memory_space<vmem>> -> memref<128xi32, #tpu.memory_space<vmem>>
        %dma_wait3A_966 = arith.constant 0 : i32
        %dma_wait3A_967 = tpu.memref_slice %arg4[%dma_wait3A_966] : memref<50000xi32, #tpu.memory_space<hbm>> -> memref<128xi32, #tpu.memory_space<hbm>>
        tpu.wait_dma2 semaphore(%arg19 : memref<!tpu.dma_semaphore, #tpu.memory_space<semaphore_mem>>) src(%dma_wait3A_967 : memref<128xi32, #tpu.memory_space<hbm>>) dst(%dma_wait3A_965 : memref<128xi32, #tpu.memory_space<vmem>>)
        %dma_start3A_968 = arith.constant 4 : i32
        %dma_start3A_969 = arith.constant 0 : i32
        %dma_start3A_970 = tpu.memref_slice %arg11[%dma_start3A_968, %dma_start3A_969] : memref<6x128xi32, #tpu.memory_space<vmem>> -> memref<1x128xi32, #tpu.memory_space<vmem>>
        %dma_start3A_971 = tpu.memref_squeeze %dma_start3A_970 : memref<1x128xi32, #tpu.memory_space<vmem>> -> memref<128xi32, #tpu.memory_space<vmem>>
        %dma_start3A_972 = arith.constant 0 : i32
        %dma_start3A_973 = arith.constant 0 : i32
        %dma_start3A_974 = tpu.memref_slice %arg2[%dma_start3A_972, %dma_start3A_973] : memref<50000x128xf32, #tpu.memory_space<hbm>> -> memref<50000x128xf32, #tpu.memory_space<hbm>>
        tpu.enqueue_indirect_dma source(%dma_start3A_974 : memref<50000x128xf32, #tpu.memory_space<hbm>>) target(%arg16 : memref<128x128xf32, #tpu.memory_space<vmem>>) offsets(%dma_start3A_971 : memref<128xi32, #tpu.memory_space<vmem>>) semaphore(%arg20 : memref<!tpu.dma_semaphore, #tpu.memory_space<semaphore_mem>>)
      } else {
      }
      %mul3A_886 = arith.constant 6 : i32
      %mul3A_887 = arith.muli %while3A_719, %mul3A_886 : i32
      %add3A_888 = arith.constant 5 : i32
      %add3A_889 = arith.addi %mul3A_887, %add3A_888 : i32
      %lt3A_890 = arith.cmpi slt, %add3A_889, %max3A_602 : i32
      %convert_element_type3A_891 = arith.extui %lt3A_890 : i1 to i32
      %cond3A_892 = arith.constant 0 : i32
      %cond3A_893 = arith.cmpi ne, %convert_element_type3A_891, %cond3A_892 : i32
      scf.if %cond3A_893 {
        %dma_wait3A = arith.constant 5 : i32
        %dma_wait3A_947 = arith.constant 0 : i32
        %dma_wait3A_948 = tpu.memref_slice %arg10[%dma_wait3A, %dma_wait3A_947] : memref<6x128xi32, #tpu.memory_space<vmem>> -> memref<1x128xi32, #tpu.memory_space<vmem>>
        %dma_wait3A_949 = tpu.memref_squeeze %dma_wait3A_948 : memref<1x128xi32, #tpu.memory_space<vmem>> -> memref<128xi32, #tpu.memory_space<vmem>>
        %dma_wait3A_950 = arith.constant 0 : i32
        %dma_wait3A_951 = tpu.memref_slice %arg3[%dma_wait3A_950] : memref<50000xi32, #tpu.memory_space<hbm>> -> memref<128xi32, #tpu.memory_space<hbm>>
        %dma_wait3A_952 = arith.constant 0 : i32
        %dma_wait3A_953 = tpu.memref_slice %arg10[%dma_wait3A, %dma_wait3A_952] : memref<6x128xi32, #tpu.memory_space<vmem>> -> memref<1x128xi32, #tpu.memory_space<vmem>>
        %dma_wait3A_954 = tpu.memref_squeeze %dma_wait3A_953 : memref<1x128xi32, #tpu.memory_space<vmem>> -> memref<128xi32, #tpu.memory_space<vmem>>
        %dma_wait3A_955 = arith.constant 0 : i32
        %dma_wait3A_956 = tpu.memref_slice %arg3[%dma_wait3A_955] : memref<50000xi32, #tpu.memory_space<hbm>> -> memref<128xi32, #tpu.memory_space<hbm>>
        tpu.wait_dma2 semaphore(%arg19 : memref<!tpu.dma_semaphore, #tpu.memory_space<semaphore_mem>>) src(%dma_wait3A_956 : memref<128xi32, #tpu.memory_space<hbm>>) dst(%dma_wait3A_954 : memref<128xi32, #tpu.memory_space<vmem>>)
        %dma_wait3A_957 = arith.constant 5 : i32
        %dma_wait3A_958 = arith.constant 0 : i32
        %dma_wait3A_959 = tpu.memref_slice %arg11[%dma_wait3A_957, %dma_wait3A_958] : memref<6x128xi32, #tpu.memory_space<vmem>> -> memref<1x128xi32, #tpu.memory_space<vmem>>
        %dma_wait3A_960 = tpu.memref_squeeze %dma_wait3A_959 : memref<1x128xi32, #tpu.memory_space<vmem>> -> memref<128xi32, #tpu.memory_space<vmem>>
        %dma_wait3A_961 = arith.constant 0 : i32
        %dma_wait3A_962 = tpu.memref_slice %arg4[%dma_wait3A_961] : memref<50000xi32, #tpu.memory_space<hbm>> -> memref<128xi32, #tpu.memory_space<hbm>>
        %dma_wait3A_963 = arith.constant 0 : i32
        %dma_wait3A_964 = tpu.memref_slice %arg11[%dma_wait3A_957, %dma_wait3A_963] : memref<6x128xi32, #tpu.memory_space<vmem>> -> memref<1x128xi32, #tpu.memory_space<vmem>>
        %dma_wait3A_965 = tpu.memref_squeeze %dma_wait3A_964 : memref<1x128xi32, #tpu.memory_space<vmem>> -> memref<128xi32, #tpu.memory_space<vmem>>
        %dma_wait3A_966 = arith.constant 0 : i32
        %dma_wait3A_967 = tpu.memref_slice %arg4[%dma_wait3A_966] : memref<50000xi32, #tpu.memory_space<hbm>> -> memref<128xi32, #tpu.memory_space<hbm>>
        tpu.wait_dma2 semaphore(%arg19 : memref<!tpu.dma_semaphore, #tpu.memory_space<semaphore_mem>>) src(%dma_wait3A_967 : memref<128xi32, #tpu.memory_space<hbm>>) dst(%dma_wait3A_965 : memref<128xi32, #tpu.memory_space<vmem>>)
        %dma_start3A_968 = arith.constant 5 : i32
        %dma_start3A_969 = arith.constant 0 : i32
        %dma_start3A_970 = tpu.memref_slice %arg11[%dma_start3A_968, %dma_start3A_969] : memref<6x128xi32, #tpu.memory_space<vmem>> -> memref<1x128xi32, #tpu.memory_space<vmem>>
        %dma_start3A_971 = tpu.memref_squeeze %dma_start3A_970 : memref<1x128xi32, #tpu.memory_space<vmem>> -> memref<128xi32, #tpu.memory_space<vmem>>
        %dma_start3A_972 = arith.constant 0 : i32
        %dma_start3A_973 = arith.constant 0 : i32
        %dma_start3A_974 = tpu.memref_slice %arg2[%dma_start3A_972, %dma_start3A_973] : memref<50000x128xf32, #tpu.memory_space<hbm>> -> memref<50000x128xf32, #tpu.memory_space<hbm>>
        tpu.enqueue_indirect_dma source(%dma_start3A_974 : memref<50000x128xf32, #tpu.memory_space<hbm>>) target(%arg17 : memref<128x128xf32, #tpu.memory_space<vmem>>) offsets(%dma_start3A_971 : memref<128xi32, #tpu.memory_space<vmem>>) semaphore(%arg20 : memref<!tpu.dma_semaphore, #tpu.memory_space<semaphore_mem>>)
      } else {
      }
      %eq3A_894 = arith.constant 0 : i32
      %eq3A_895 = arith.cmpi eq, %while3A_719, %eq3A_894 : i32
      %convert_element_type3A_896 = arith.extui %eq3A_895 : i1 to i32
      %cond3A_897 = arith.constant 0 : i32
      %cond3A_898 = arith.cmpi ne, %convert_element_type3A_896, %cond3A_897 : i32
      scf.if %cond3A_898 {
        %dma_wait3A = arith.constant 0 : i32
        %dma_wait3A_947 = tpu.memref_slice %arg7[%min3A_21, %dma_wait3A] : memref<100000x128xf32, #tpu.memory_space<hbm>> -> memref<128x128xf32, #tpu.memory_space<hbm>>
        %dma_wait3A_948 = arith.constant 0 : i32
        %dma_wait3A_949 = tpu.memref_slice %arg7[%min3A_21, %dma_wait3A_948] : memref<100000x128xf32, #tpu.memory_space<hbm>> -> memref<128x128xf32, #tpu.memory_space<hbm>>
        tpu.wait_dma2 semaphore(%arg18 : memref<!tpu.dma_semaphore, #tpu.memory_space<semaphore_mem>>) src(%arg9 : memref<128x128xf32, #tpu.memory_space<vmem>>) dst(%dma_wait3A_949 : memref<128x128xf32, #tpu.memory_space<hbm>>)
        %dma_wait3A_950 = arith.constant 0 : i32
        %dma_wait3A_951 = tpu.memref_slice %arg7[%min3A_29, %dma_wait3A_950] : memref<100000x128xf32, #tpu.memory_space<hbm>> -> memref<128x128xf32, #tpu.memory_space<hbm>>
        %dma_wait3A_952 = arith.constant 0 : i32
        %dma_wait3A_953 = tpu.memref_slice %arg7[%min3A_29, %dma_wait3A_952] : memref<100000x128xf32, #tpu.memory_space<hbm>> -> memref<128x128xf32, #tpu.memory_space<hbm>>
        tpu.wait_dma2 semaphore(%arg18 : memref<!tpu.dma_semaphore, #tpu.memory_space<semaphore_mem>>) src(%arg9 : memref<128x128xf32, #tpu.memory_space<vmem>>) dst(%dma_wait3A_953 : memref<128x128xf32, #tpu.memory_space<hbm>>)
        %dma_wait3A_954 = arith.constant 0 : i32
        %dma_wait3A_955 = tpu.memref_slice %arg7[%min3A_38, %dma_wait3A_954] : memref<100000x128xf32, #tpu.memory_space<hbm>> -> memref<128x128xf32, #tpu.memory_space<hbm>>
        %dma_wait3A_956 = arith.constant 0 : i32
        %dma_wait3A_957 = tpu.memref_slice %arg7[%min3A_38, %dma_wait3A_956] : memref<100000x128xf32, #tpu.memory_space<hbm>> -> memref<128x128xf32, #tpu.memory_space<hbm>>
        tpu.wait_dma2 semaphore(%arg18 : memref<!tpu.dma_semaphore, #tpu.memory_space<semaphore_mem>>) src(%arg9 : memref<128x128xf32, #tpu.memory_space<vmem>>) dst(%dma_wait3A_957 : memref<128x128xf32, #tpu.memory_space<hbm>>)
        %dma_wait3A_958 = arith.constant 0 : i32
        %dma_wait3A_959 = tpu.memref_slice %arg7[%min3A_47, %dma_wait3A_958] : memref<100000x128xf32, #tpu.memory_space<hbm>> -> memref<128x128xf32, #tpu.memory_space<hbm>>
        %dma_wait3A_960 = arith.constant 0 : i32
        %dma_wait3A_961 = tpu.memref_slice %arg7[%min3A_47, %dma_wait3A_960] : memref<100000x128xf32, #tpu.memory_space<hbm>> -> memref<128x128xf32, #tpu.memory_space<hbm>>
        tpu.wait_dma2 semaphore(%arg18 : memref<!tpu.dma_semaphore, #tpu.memory_space<semaphore_mem>>) src(%arg9 : memref<128x128xf32, #tpu.memory_space<vmem>>) dst(%dma_wait3A_961 : memref<128x128xf32, #tpu.memory_space<hbm>>)
        %dma_wait3A_962 = arith.constant 0 : i32
        %dma_wait3A_963 = tpu.memref_slice %arg7[%min3A_56, %dma_wait3A_962] : memref<100000x128xf32, #tpu.memory_space<hbm>> -> memref<128x128xf32, #tpu.memory_space<hbm>>
        %dma_wait3A_964 = arith.constant 0 : i32
        %dma_wait3A_965 = tpu.memref_slice %arg7[%min3A_56, %dma_wait3A_964] : memref<100000x128xf32, #tpu.memory_space<hbm>> -> memref<128x128xf32, #tpu.memory_space<hbm>>
        tpu.wait_dma2 semaphore(%arg18 : memref<!tpu.dma_semaphore, #tpu.memory_space<semaphore_mem>>) src(%arg9 : memref<128x128xf32, #tpu.memory_space<vmem>>) dst(%dma_wait3A_965 : memref<128x128xf32, #tpu.memory_space<hbm>>)
        %dma_wait3A_966 = arith.constant 0 : i32
        %dma_wait3A_967 = tpu.memref_slice %arg7[%min3A_65, %dma_wait3A_966] : memref<100000x128xf32, #tpu.memory_space<hbm>> -> memref<128x128xf32, #tpu.memory_space<hbm>>
        %dma_wait3A_968 = arith.constant 0 : i32
        %dma_wait3A_969 = tpu.memref_slice %arg7[%min3A_65, %dma_wait3A_968] : memref<100000x128xf32, #tpu.memory_space<hbm>> -> memref<128x128xf32, #tpu.memory_space<hbm>>
        tpu.wait_dma2 semaphore(%arg18 : memref<!tpu.dma_semaphore, #tpu.memory_space<semaphore_mem>>) src(%arg9 : memref<128x128xf32, #tpu.memory_space<vmem>>) dst(%dma_wait3A_969 : memref<128x128xf32, #tpu.memory_space<hbm>>)
        %dma_wait3A_970 = arith.constant 0 : i32
        %dma_wait3A_971 = tpu.memref_slice %arg7[%min3A_74, %dma_wait3A_970] : memref<100000x128xf32, #tpu.memory_space<hbm>> -> memref<128x128xf32, #tpu.memory_space<hbm>>
        %dma_wait3A_972 = arith.constant 0 : i32
        %dma_wait3A_973 = tpu.memref_slice %arg7[%min3A_74, %dma_wait3A_972] : memref<100000x128xf32, #tpu.memory_space<hbm>> -> memref<128x128xf32, #tpu.memory_space<hbm>>
        tpu.wait_dma2 semaphore(%arg18 : memref<!tpu.dma_semaphore, #tpu.memory_space<semaphore_mem>>) src(%arg9 : memref<128x128xf32, #tpu.memory_space<vmem>>) dst(%dma_wait3A_973 : memref<128x128xf32, #tpu.memory_space<hbm>>)
        %dma_wait3A_974 = arith.constant 0 : i32
        %dma_wait3A_975 = tpu.memref_slice %arg7[%min3A_83, %dma_wait3A_974] : memref<100000x128xf32, #tpu.memory_space<hbm>> -> memref<128x128xf32, #tpu.memory_space<hbm>>
        %dma_wait3A_976 = arith.constant 0 : i32
        %dma_wait3A_977 = tpu.memref_slice %arg7[%min3A_83, %dma_wait3A_976] : memref<100000x128xf32, #tpu.memory_space<hbm>> -> memref<128x128xf32, #tpu.memory_space<hbm>>
        tpu.wait_dma2 semaphore(%arg18 : memref<!tpu.dma_semaphore, #tpu.memory_space<semaphore_mem>>) src(%arg9 : memref<128x128xf32, #tpu.memory_space<vmem>>) dst(%dma_wait3A_977 : memref<128x128xf32, #tpu.memory_space<hbm>>)
        %dma_wait3A_978 = arith.constant 0 : i32
        %dma_wait3A_979 = tpu.memref_slice %arg7[%min3A_92, %dma_wait3A_978] : memref<100000x128xf32, #tpu.memory_space<hbm>> -> memref<128x128xf32, #tpu.memory_space<hbm>>
        %dma_wait3A_980 = arith.constant 0 : i32
        %dma_wait3A_981 = tpu.memref_slice %arg7[%min3A_92, %dma_wait3A_980] : memref<100000x128xf32, #tpu.memory_space<hbm>> -> memref<128x128xf32, #tpu.memory_space<hbm>>
        tpu.wait_dma2 semaphore(%arg18 : memref<!tpu.dma_semaphore, #tpu.memory_space<semaphore_mem>>) src(%arg9 : memref<128x128xf32, #tpu.memory_space<vmem>>) dst(%dma_wait3A_981 : memref<128x128xf32, #tpu.memory_space<hbm>>)
        %dma_wait3A_982 = arith.constant 0 : i32
        %dma_wait3A_983 = tpu.memref_slice %arg7[%min3A_101, %dma_wait3A_982] : memref<100000x128xf32, #tpu.memory_space<hbm>> -> memref<128x128xf32, #tpu.memory_space<hbm>>
        %dma_wait3A_984 = arith.constant 0 : i32
        %dma_wait3A_985 = tpu.memref_slice %arg7[%min3A_101, %dma_wait3A_984] : memref<100000x128xf32, #tpu.memory_space<hbm>> -> memref<128x128xf32, #tpu.memory_space<hbm>>
        tpu.wait_dma2 semaphore(%arg18 : memref<!tpu.dma_semaphore, #tpu.memory_space<semaphore_mem>>) src(%arg9 : memref<128x128xf32, #tpu.memory_space<vmem>>) dst(%dma_wait3A_985 : memref<128x128xf32, #tpu.memory_space<hbm>>)
        %dma_wait3A_986 = arith.constant 0 : i32
        %dma_wait3A_987 = tpu.memref_slice %arg7[%min3A_110, %dma_wait3A_986] : memref<100000x128xf32, #tpu.memory_space<hbm>> -> memref<128x128xf32, #tpu.memory_space<hbm>>
        %dma_wait3A_988 = arith.constant 0 : i32
        %dma_wait3A_989 = tpu.memref_slice %arg7[%min3A_110, %dma_wait3A_988] : memref<100000x128xf32, #tpu.memory_space<hbm>> -> memref<128x128xf32, #tpu.memory_space<hbm>>
        tpu.wait_dma2 semaphore(%arg18 : memref<!tpu.dma_semaphore, #tpu.memory_space<semaphore_mem>>) src(%arg9 : memref<128x128xf32, #tpu.memory_space<vmem>>) dst(%dma_wait3A_989 : memref<128x128xf32, #tpu.memory_space<hbm>>)
        %dma_wait3A_990 = arith.constant 0 : i32
        %dma_wait3A_991 = tpu.memref_slice %arg7[%min3A_119, %dma_wait3A_990] : memref<100000x128xf32, #tpu.memory_space<hbm>> -> memref<128x128xf32, #tpu.memory_space<hbm>>
        %dma_wait3A_992 = arith.constant 0 : i32
        %dma_wait3A_993 = tpu.memref_slice %arg7[%min3A_119, %dma_wait3A_992] : memref<100000x128xf32, #tpu.memory_space<hbm>> -> memref<128x128xf32, #tpu.memory_space<hbm>>
        tpu.wait_dma2 semaphore(%arg18 : memref<!tpu.dma_semaphore, #tpu.memory_space<semaphore_mem>>) src(%arg9 : memref<128x128xf32, #tpu.memory_space<vmem>>) dst(%dma_wait3A_993 : memref<128x128xf32, #tpu.memory_space<hbm>>)
        %dma_wait3A_994 = arith.constant 0 : i32
        %dma_wait3A_995 = tpu.memref_slice %arg7[%min3A_128, %dma_wait3A_994] : memref<100000x128xf32, #tpu.memory_space<hbm>> -> memref<128x128xf32, #tpu.memory_space<hbm>>
        %dma_wait3A_996 = arith.constant 0 : i32
        %dma_wait3A_997 = tpu.memref_slice %arg7[%min3A_128, %dma_wait3A_996] : memref<100000x128xf32, #tpu.memory_space<hbm>> -> memref<128x128xf32, #tpu.memory_space<hbm>>
        tpu.wait_dma2 semaphore(%arg18 : memref<!tpu.dma_semaphore, #tpu.memory_space<semaphore_mem>>) src(%arg9 : memref<128x128xf32, #tpu.memory_space<vmem>>) dst(%dma_wait3A_997 : memref<128x128xf32, #tpu.memory_space<hbm>>)
        %dma_wait3A_998 = arith.constant 0 : i32
        %dma_wait3A_999 = tpu.memref_slice %arg7[%min3A_137, %dma_wait3A_998] : memref<100000x128xf32, #tpu.memory_space<hbm>> -> memref<128x128xf32, #tpu.memory_space<hbm>>
        %dma_wait3A_1000 = arith.constant 0 : i32
        %dma_wait3A_1001 = tpu.memref_slice %arg7[%min3A_137, %dma_wait3A_1000] : memref<100000x128xf32, #tpu.memory_space<hbm>> -> memref<128x128xf32, #tpu.memory_space<hbm>>
        tpu.wait_dma2 semaphore(%arg18 : memref<!tpu.dma_semaphore, #tpu.memory_space<semaphore_mem>>) src(%arg9 : memref<128x128xf32, #tpu.memory_space<vmem>>) dst(%dma_wait3A_1001 : memref<128x128xf32, #tpu.memory_space<hbm>>)
        %dma_wait3A_1002 = arith.constant 0 : i32
        %dma_wait3A_1003 = tpu.memref_slice %arg7[%min3A_146, %dma_wait3A_1002] : memref<100000x128xf32, #tpu.memory_space<hbm>> -> memref<128x128xf32, #tpu.memory_space<hbm>>
        %dma_wait3A_1004 = arith.constant 0 : i32
        %dma_wait3A_1005 = tpu.memref_slice %arg7[%min3A_146, %dma_wait3A_1004] : memref<100000x128xf32, #tpu.memory_space<hbm>> -> memref<128x128xf32, #tpu.memory_space<hbm>>
        tpu.wait_dma2 semaphore(%arg18 : memref<!tpu.dma_semaphore, #tpu.memory_space<semaphore_mem>>) src(%arg9 : memref<128x128xf32, #tpu.memory_space<vmem>>) dst(%dma_wait3A_1005 : memref<128x128xf32, #tpu.memory_space<hbm>>)
        %dma_wait3A_1006 = arith.constant 0 : i32
        %dma_wait3A_1007 = tpu.memref_slice %arg7[%min3A_155, %dma_wait3A_1006] : memref<100000x128xf32, #tpu.memory_space<hbm>> -> memref<128x128xf32, #tpu.memory_space<hbm>>
        %dma_wait3A_1008 = arith.constant 0 : i32
        %dma_wait3A_1009 = tpu.memref_slice %arg7[%min3A_155, %dma_wait3A_1008] : memref<100000x128xf32, #tpu.memory_space<hbm>> -> memref<128x128xf32, #tpu.memory_space<hbm>>
        tpu.wait_dma2 semaphore(%arg18 : memref<!tpu.dma_semaphore, #tpu.memory_space<semaphore_mem>>) src(%arg9 : memref<128x128xf32, #tpu.memory_space<vmem>>) dst(%dma_wait3A_1009 : memref<128x128xf32, #tpu.memory_space<hbm>>)
        %dma_wait3A_1010 = arith.constant 0 : i32
        %dma_wait3A_1011 = tpu.memref_slice %arg7[%min3A_164, %dma_wait3A_1010] : memref<100000x128xf32, #tpu.memory_space<hbm>> -> memref<128x128xf32, #tpu.memory_space<hbm>>
        %dma_wait3A_1012 = arith.constant 0 : i32
        %dma_wait3A_1013 = tpu.memref_slice %arg7[%min3A_164, %dma_wait3A_1012] : memref<100000x128xf32, #tpu.memory_space<hbm>> -> memref<128x128xf32, #tpu.memory_space<hbm>>
        tpu.wait_dma2 semaphore(%arg18 : memref<!tpu.dma_semaphore, #tpu.memory_space<semaphore_mem>>) src(%arg9 : memref<128x128xf32, #tpu.memory_space<vmem>>) dst(%dma_wait3A_1013 : memref<128x128xf32, #tpu.memory_space<hbm>>)
        %dma_wait3A_1014 = arith.constant 0 : i32
        %dma_wait3A_1015 = tpu.memref_slice %arg7[%min3A_173, %dma_wait3A_1014] : memref<100000x128xf32, #tpu.memory_space<hbm>> -> memref<128x128xf32, #tpu.memory_space<hbm>>
        %dma_wait3A_1016 = arith.constant 0 : i32
        %dma_wait3A_1017 = tpu.memref_slice %arg7[%min3A_173, %dma_wait3A_1016] : memref<100000x128xf32, #tpu.memory_space<hbm>> -> memref<128x128xf32, #tpu.memory_space<hbm>>
        tpu.wait_dma2 semaphore(%arg18 : memref<!tpu.dma_semaphore, #tpu.memory_space<semaphore_mem>>) src(%arg9 : memref<128x128xf32, #tpu.memory_space<vmem>>) dst(%dma_wait3A_1017 : memref<128x128xf32, #tpu.memory_space<hbm>>)
        %dma_wait3A_1018 = arith.constant 0 : i32
        %dma_wait3A_1019 = tpu.memref_slice %arg7[%min3A_182, %dma_wait3A_1018] : memref<100000x128xf32, #tpu.memory_space<hbm>> -> memref<128x128xf32, #tpu.memory_space<hbm>>
        %dma_wait3A_1020 = arith.constant 0 : i32
        %dma_wait3A_1021 = tpu.memref_slice %arg7[%min3A_182, %dma_wait3A_1020] : memref<100000x128xf32, #tpu.memory_space<hbm>> -> memref<128x128xf32, #tpu.memory_space<hbm>>
        tpu.wait_dma2 semaphore(%arg18 : memref<!tpu.dma_semaphore, #tpu.memory_space<semaphore_mem>>) src(%arg9 : memref<128x128xf32, #tpu.memory_space<vmem>>) dst(%dma_wait3A_1021 : memref<128x128xf32, #tpu.memory_space<hbm>>)
        %dma_wait3A_1022 = arith.constant 0 : i32
        %dma_wait3A_1023 = tpu.memref_slice %arg7[%min3A_191, %dma_wait3A_1022] : memref<100000x128xf32, #tpu.memory_space<hbm>> -> memref<128x128xf32, #tpu.memory_space<hbm>>
        %dma_wait3A_1024 = arith.constant 0 : i32
        %dma_wait3A_1025 = tpu.memref_slice %arg7[%min3A_191, %dma_wait3A_1024] : memref<100000x128xf32, #tpu.memory_space<hbm>> -> memref<128x128xf32, #tpu.memory_space<hbm>>
        tpu.wait_dma2 semaphore(%arg18 : memref<!tpu.dma_semaphore, #tpu.memory_space<semaphore_mem>>) src(%arg9 : memref<128x128xf32, #tpu.memory_space<vmem>>) dst(%dma_wait3A_1025 : memref<128x128xf32, #tpu.memory_space<hbm>>)
        %dma_wait3A_1026 = arith.constant 0 : i32
        %dma_wait3A_1027 = tpu.memref_slice %arg7[%min3A_200, %dma_wait3A_1026] : memref<100000x128xf32, #tpu.memory_space<hbm>> -> memref<128x128xf32, #tpu.memory_space<hbm>>
        %dma_wait3A_1028 = arith.constant 0 : i32
        %dma_wait3A_1029 = tpu.memref_slice %arg7[%min3A_200, %dma_wait3A_1028] : memref<100000x128xf32, #tpu.memory_space<hbm>> -> memref<128x128xf32, #tpu.memory_space<hbm>>
        tpu.wait_dma2 semaphore(%arg18 : memref<!tpu.dma_semaphore, #tpu.memory_space<semaphore_mem>>) src(%arg9 : memref<128x128xf32, #tpu.memory_space<vmem>>) dst(%dma_wait3A_1029 : memref<128x128xf32, #tpu.memory_space<hbm>>)
        %dma_wait3A_1030 = arith.constant 0 : i32
        %dma_wait3A_1031 = tpu.memref_slice %arg7[%min3A_209, %dma_wait3A_1030] : memref<100000x128xf32, #tpu.memory_space<hbm>> -> memref<128x128xf32, #tpu.memory_space<hbm>>
        %dma_wait3A_1032 = arith.constant 0 : i32
        %dma_wait3A_1033 = tpu.memref_slice %arg7[%min3A_209, %dma_wait3A_1032] : memref<100000x128xf32, #tpu.memory_space<hbm>> -> memref<128x128xf32, #tpu.memory_space<hbm>>
        tpu.wait_dma2 semaphore(%arg18 : memref<!tpu.dma_semaphore, #tpu.memory_space<semaphore_mem>>) src(%arg9 : memref<128x128xf32, #tpu.memory_space<vmem>>) dst(%dma_wait3A_1033 : memref<128x128xf32, #tpu.memory_space<hbm>>)
        %dma_wait3A_1034 = arith.constant 0 : i32
        %dma_wait3A_1035 = tpu.memref_slice %arg7[%min3A_218, %dma_wait3A_1034] : memref<100000x128xf32, #tpu.memory_space<hbm>> -> memref<128x128xf32, #tpu.memory_space<hbm>>
        %dma_wait3A_1036 = arith.constant 0 : i32
        %dma_wait3A_1037 = tpu.memref_slice %arg7[%min3A_218, %dma_wait3A_1036] : memref<100000x128xf32, #tpu.memory_space<hbm>> -> memref<128x128xf32, #tpu.memory_space<hbm>>
        tpu.wait_dma2 semaphore(%arg18 : memref<!tpu.dma_semaphore, #tpu.memory_space<semaphore_mem>>) src(%arg9 : memref<128x128xf32, #tpu.memory_space<vmem>>) dst(%dma_wait3A_1037 : memref<128x128xf32, #tpu.memory_space<hbm>>)
        %dma_wait3A_1038 = arith.constant 0 : i32
        %dma_wait3A_1039 = tpu.memref_slice %arg7[%min3A_227, %dma_wait3A_1038] : memref<100000x128xf32, #tpu.memory_space<hbm>> -> memref<128x128xf32, #tpu.memory_space<hbm>>
        %dma_wait3A_1040 = arith.constant 0 : i32
        %dma_wait3A_1041 = tpu.memref_slice %arg7[%min3A_227, %dma_wait3A_1040] : memref<100000x128xf32, #tpu.memory_space<hbm>> -> memref<128x128xf32, #tpu.memory_space<hbm>>
        tpu.wait_dma2 semaphore(%arg18 : memref<!tpu.dma_semaphore, #tpu.memory_space<semaphore_mem>>) src(%arg9 : memref<128x128xf32, #tpu.memory_space<vmem>>) dst(%dma_wait3A_1041 : memref<128x128xf32, #tpu.memory_space<hbm>>)
        %dma_wait3A_1042 = arith.constant 0 : i32
        %dma_wait3A_1043 = tpu.memref_slice %arg7[%min3A_236, %dma_wait3A_1042] : memref<100000x128xf32, #tpu.memory_space<hbm>> -> memref<128x128xf32, #tpu.memory_space<hbm>>
        %dma_wait3A_1044 = arith.constant 0 : i32
        %dma_wait3A_1045 = tpu.memref_slice %arg7[%min3A_236, %dma_wait3A_1044] : memref<100000x128xf32, #tpu.memory_space<hbm>> -> memref<128x128xf32, #tpu.memory_space<hbm>>
        tpu.wait_dma2 semaphore(%arg18 : memref<!tpu.dma_semaphore, #tpu.memory_space<semaphore_mem>>) src(%arg9 : memref<128x128xf32, #tpu.memory_space<vmem>>) dst(%dma_wait3A_1045 : memref<128x128xf32, #tpu.memory_space<hbm>>)
      } else {
      }
      %mul3A_899 = arith.constant 6 : i32
      %mul3A_900 = arith.muli %while3A_719, %mul3A_899 : i32
      %add3A_901 = arith.constant 0 : i32
      %add3A_902 = arith.addi %mul3A_900, %add3A_901 : i32
      %lt3A_903 = arith.cmpi slt, %add3A_902, %max3A_602 : i32
      %convert_element_type3A_904 = arith.extui %lt3A_903 : i1 to i32
      %cond3A_905 = arith.constant 0 : i32
      %cond3A_906 = arith.cmpi ne, %convert_element_type3A_904, %cond3A_905 : i32
      scf.if %cond3A_906 {
        %dma_wait3A = arith.constant 0 : i32
        %dma_wait3A_947 = arith.constant 0 : i32
        %dma_wait3A_948 = tpu.memref_slice %arg11[%dma_wait3A, %dma_wait3A_947] : memref<6x128xi32, #tpu.memory_space<vmem>> -> memref<1x128xi32, #tpu.memory_space<vmem>>
        %dma_wait3A_949 = tpu.memref_squeeze %dma_wait3A_948 : memref<1x128xi32, #tpu.memory_space<vmem>> -> memref<128xi32, #tpu.memory_space<vmem>>
        %dma_wait3A_950 = arith.constant 0 : i32
        %dma_wait3A_951 = arith.constant 0 : i32
        %dma_wait3A_952 = tpu.memref_slice %arg2[%dma_wait3A_950, %dma_wait3A_951] : memref<50000x128xf32, #tpu.memory_space<hbm>> -> memref<50000x128xf32, #tpu.memory_space<hbm>>
        tpu.wait_indirect_dma semaphore(%arg20 : memref<!tpu.dma_semaphore, #tpu.memory_space<semaphore_mem>>) src(%dma_wait3A_952 : memref<50000x128xf32, #tpu.memory_space<hbm>>) dst(%arg12 : memref<128x128xf32, #tpu.memory_space<vmem>>)
        %dma_start3A_953 = arith.constant 0 : i32
        %dma_start3A_954 = arith.constant 0 : i32
        %dma_start3A_955 = tpu.memref_slice %arg10[%dma_start3A_953, %dma_start3A_954] : memref<6x128xi32, #tpu.memory_space<vmem>> -> memref<1x128xi32, #tpu.memory_space<vmem>>
        %dma_start3A_956 = tpu.memref_squeeze %dma_start3A_955 : memref<1x128xi32, #tpu.memory_space<vmem>> -> memref<128xi32, #tpu.memory_space<vmem>>
        %dma_start3A_957 = arith.constant 0 : i32
        %dma_start3A_958 = arith.constant 0 : i32
        %dma_start3A_959 = tpu.memref_slice %arg7[%dma_start3A_957, %dma_start3A_958] : memref<100000x128xf32, #tpu.memory_space<hbm>> -> memref<100000x128xf32, #tpu.memory_space<hbm>>
        tpu.enqueue_indirect_dma source(%arg12 : memref<128x128xf32, #tpu.memory_space<vmem>>) target(%dma_start3A_959 : memref<100000x128xf32, #tpu.memory_space<hbm>>) offsets(%dma_start3A_956 : memref<128xi32, #tpu.memory_space<vmem>>) semaphore(%arg21 : memref<!tpu.dma_semaphore, #tpu.memory_space<semaphore_mem>>)
      } else {
      }
      %mul3A_907 = arith.constant 6 : i32
      %mul3A_908 = arith.muli %while3A_719, %mul3A_907 : i32
      %add3A_909 = arith.constant 1 : i32
      %add3A_910 = arith.addi %mul3A_908, %add3A_909 : i32
      %lt3A_911 = arith.cmpi slt, %add3A_910, %max3A_602 : i32
      %convert_element_type3A_912 = arith.extui %lt3A_911 : i1 to i32
      %cond3A_913 = arith.constant 0 : i32
      %cond3A_914 = arith.cmpi ne, %convert_element_type3A_912, %cond3A_913 : i32
      scf.if %cond3A_914 {
        %dma_wait3A = arith.constant 1 : i32
        %dma_wait3A_947 = arith.constant 0 : i32
        %dma_wait3A_948 = tpu.memref_slice %arg11[%dma_wait3A, %dma_wait3A_947] : memref<6x128xi32, #tpu.memory_space<vmem>> -> memref<1x128xi32, #tpu.memory_space<vmem>>
        %dma_wait3A_949 = tpu.memref_squeeze %dma_wait3A_948 : memref<1x128xi32, #tpu.memory_space<vmem>> -> memref<128xi32, #tpu.memory_space<vmem>>
        %dma_wait3A_950 = arith.constant 0 : i32
        %dma_wait3A_951 = arith.constant 0 : i32
        %dma_wait3A_952 = tpu.memref_slice %arg2[%dma_wait3A_950, %dma_wait3A_951] : memref<50000x128xf32, #tpu.memory_space<hbm>> -> memref<50000x128xf32, #tpu.memory_space<hbm>>
        tpu.wait_indirect_dma semaphore(%arg20 : memref<!tpu.dma_semaphore, #tpu.memory_space<semaphore_mem>>) src(%dma_wait3A_952 : memref<50000x128xf32, #tpu.memory_space<hbm>>) dst(%arg13 : memref<128x128xf32, #tpu.memory_space<vmem>>)
        %dma_start3A_953 = arith.constant 1 : i32
        %dma_start3A_954 = arith.constant 0 : i32
        %dma_start3A_955 = tpu.memref_slice %arg10[%dma_start3A_953, %dma_start3A_954] : memref<6x128xi32, #tpu.memory_space<vmem>> -> memref<1x128xi32, #tpu.memory_space<vmem>>
        %dma_start3A_956 = tpu.memref_squeeze %dma_start3A_955 : memref<1x128xi32, #tpu.memory_space<vmem>> -> memref<128xi32, #tpu.memory_space<vmem>>
        %dma_start3A_957 = arith.constant 0 : i32
        %dma_start3A_958 = arith.constant 0 : i32
        %dma_start3A_959 = tpu.memref_slice %arg7[%dma_start3A_957, %dma_start3A_958] : memref<100000x128xf32, #tpu.memory_space<hbm>> -> memref<100000x128xf32, #tpu.memory_space<hbm>>
        tpu.enqueue_indirect_dma source(%arg13 : memref<128x128xf32, #tpu.memory_space<vmem>>) target(%dma_start3A_959 : memref<100000x128xf32, #tpu.memory_space<hbm>>) offsets(%dma_start3A_956 : memref<128xi32, #tpu.memory_space<vmem>>) semaphore(%arg21 : memref<!tpu.dma_semaphore, #tpu.memory_space<semaphore_mem>>)
      } else {
      }
      %mul3A_915 = arith.constant 6 : i32
      %mul3A_916 = arith.muli %while3A_719, %mul3A_915 : i32
      %add3A_917 = arith.constant 2 : i32
      %add3A_918 = arith.addi %mul3A_916, %add3A_917 : i32
      %lt3A_919 = arith.cmpi slt, %add3A_918, %max3A_602 : i32
      %convert_element_type3A_920 = arith.extui %lt3A_919 : i1 to i32
      %cond3A_921 = arith.constant 0 : i32
      %cond3A_922 = arith.cmpi ne, %convert_element_type3A_920, %cond3A_921 : i32
      scf.if %cond3A_922 {
        %dma_wait3A = arith.constant 2 : i32
        %dma_wait3A_947 = arith.constant 0 : i32
        %dma_wait3A_948 = tpu.memref_slice %arg11[%dma_wait3A, %dma_wait3A_947] : memref<6x128xi32, #tpu.memory_space<vmem>> -> memref<1x128xi32, #tpu.memory_space<vmem>>
        %dma_wait3A_949 = tpu.memref_squeeze %dma_wait3A_948 : memref<1x128xi32, #tpu.memory_space<vmem>> -> memref<128xi32, #tpu.memory_space<vmem>>
        %dma_wait3A_950 = arith.constant 0 : i32
        %dma_wait3A_951 = arith.constant 0 : i32
        %dma_wait3A_952 = tpu.memref_slice %arg2[%dma_wait3A_950, %dma_wait3A_951] : memref<50000x128xf32, #tpu.memory_space<hbm>> -> memref<50000x128xf32, #tpu.memory_space<hbm>>
        tpu.wait_indirect_dma semaphore(%arg20 : memref<!tpu.dma_semaphore, #tpu.memory_space<semaphore_mem>>) src(%dma_wait3A_952 : memref<50000x128xf32, #tpu.memory_space<hbm>>) dst(%arg14 : memref<128x128xf32, #tpu.memory_space<vmem>>)
        %dma_start3A_953 = arith.constant 2 : i32
        %dma_start3A_954 = arith.constant 0 : i32
        %dma_start3A_955 = tpu.memref_slice %arg10[%dma_start3A_953, %dma_start3A_954] : memref<6x128xi32, #tpu.memory_space<vmem>> -> memref<1x128xi32, #tpu.memory_space<vmem>>
        %dma_start3A_956 = tpu.memref_squeeze %dma_start3A_955 : memref<1x128xi32, #tpu.memory_space<vmem>> -> memref<128xi32, #tpu.memory_space<vmem>>
        %dma_start3A_957 = arith.constant 0 : i32
        %dma_start3A_958 = arith.constant 0 : i32
        %dma_start3A_959 = tpu.memref_slice %arg7[%dma_start3A_957, %dma_start3A_958] : memref<100000x128xf32, #tpu.memory_space<hbm>> -> memref<100000x128xf32, #tpu.memory_space<hbm>>
        tpu.enqueue_indirect_dma source(%arg14 : memref<128x128xf32, #tpu.memory_space<vmem>>) target(%dma_start3A_959 : memref<100000x128xf32, #tpu.memory_space<hbm>>) offsets(%dma_start3A_956 : memref<128xi32, #tpu.memory_space<vmem>>) semaphore(%arg21 : memref<!tpu.dma_semaphore, #tpu.memory_space<semaphore_mem>>)
      } else {
      }
      %mul3A_923 = arith.constant 6 : i32
      %mul3A_924 = arith.muli %while3A_719, %mul3A_923 : i32
      %add3A_925 = arith.constant 3 : i32
      %add3A_926 = arith.addi %mul3A_924, %add3A_925 : i32
      %lt3A_927 = arith.cmpi slt, %add3A_926, %max3A_602 : i32
      %convert_element_type3A_928 = arith.extui %lt3A_927 : i1 to i32
      %cond3A_929 = arith.constant 0 : i32
      %cond3A_930 = arith.cmpi ne, %convert_element_type3A_928, %cond3A_929 : i32
      scf.if %cond3A_930 {
        %dma_wait3A = arith.constant 3 : i32
        %dma_wait3A_947 = arith.constant 0 : i32
        %dma_wait3A_948 = tpu.memref_slice %arg11[%dma_wait3A, %dma_wait3A_947] : memref<6x128xi32, #tpu.memory_space<vmem>> -> memref<1x128xi32, #tpu.memory_space<vmem>>
        %dma_wait3A_949 = tpu.memref_squeeze %dma_wait3A_948 : memref<1x128xi32, #tpu.memory_space<vmem>> -> memref<128xi32, #tpu.memory_space<vmem>>
        %dma_wait3A_950 = arith.constant 0 : i32
        %dma_wait3A_951 = arith.constant 0 : i32
        %dma_wait3A_952 = tpu.memref_slice %arg2[%dma_wait3A_950, %dma_wait3A_951] : memref<50000x128xf32, #tpu.memory_space<hbm>> -> memref<50000x128xf32, #tpu.memory_space<hbm>>
        tpu.wait_indirect_dma semaphore(%arg20 : memref<!tpu.dma_semaphore, #tpu.memory_space<semaphore_mem>>) src(%dma_wait3A_952 : memref<50000x128xf32, #tpu.memory_space<hbm>>) dst(%arg15 : memref<128x128xf32, #tpu.memory_space<vmem>>)
        %dma_start3A_953 = arith.constant 3 : i32
        %dma_start3A_954 = arith.constant 0 : i32
        %dma_start3A_955 = tpu.memref_slice %arg10[%dma_start3A_953, %dma_start3A_954] : memref<6x128xi32, #tpu.memory_space<vmem>> -> memref<1x128xi32, #tpu.memory_space<vmem>>
        %dma_start3A_956 = tpu.memref_squeeze %dma_start3A_955 : memref<1x128xi32, #tpu.memory_space<vmem>> -> memref<128xi32, #tpu.memory_space<vmem>>
        %dma_start3A_957 = arith.constant 0 : i32
        %dma_start3A_958 = arith.constant 0 : i32
        %dma_start3A_959 = tpu.memref_slice %arg7[%dma_start3A_957, %dma_start3A_958] : memref<100000x128xf32, #tpu.memory_space<hbm>> -> memref<100000x128xf32, #tpu.memory_space<hbm>>
        tpu.enqueue_indirect_dma source(%arg15 : memref<128x128xf32, #tpu.memory_space<vmem>>) target(%dma_start3A_959 : memref<100000x128xf32, #tpu.memory_space<hbm>>) offsets(%dma_start3A_956 : memref<128xi32, #tpu.memory_space<vmem>>) semaphore(%arg21 : memref<!tpu.dma_semaphore, #tpu.memory_space<semaphore_mem>>)
      } else {
      }
      %mul3A_931 = arith.constant 6 : i32
      %mul3A_932 = arith.muli %while3A_719, %mul3A_931 : i32
      %add3A_933 = arith.constant 4 : i32
      %add3A_934 = arith.addi %mul3A_932, %add3A_933 : i32
      %lt3A_935 = arith.cmpi slt, %add3A_934, %max3A_602 : i32
      %convert_element_type3A_936 = arith.extui %lt3A_935 : i1 to i32
      %cond3A_937 = arith.constant 0 : i32
      %cond3A_938 = arith.cmpi ne, %convert_element_type3A_936, %cond3A_937 : i32
      scf.if %cond3A_938 {
        %dma_wait3A = arith.constant 4 : i32
        %dma_wait3A_947 = arith.constant 0 : i32
        %dma_wait3A_948 = tpu.memref_slice %arg11[%dma_wait3A, %dma_wait3A_947] : memref<6x128xi32, #tpu.memory_space<vmem>> -> memref<1x128xi32, #tpu.memory_space<vmem>>
        %dma_wait3A_949 = tpu.memref_squeeze %dma_wait3A_948 : memref<1x128xi32, #tpu.memory_space<vmem>> -> memref<128xi32, #tpu.memory_space<vmem>>
        %dma_wait3A_950 = arith.constant 0 : i32
        %dma_wait3A_951 = arith.constant 0 : i32
        %dma_wait3A_952 = tpu.memref_slice %arg2[%dma_wait3A_950, %dma_wait3A_951] : memref<50000x128xf32, #tpu.memory_space<hbm>> -> memref<50000x128xf32, #tpu.memory_space<hbm>>
        tpu.wait_indirect_dma semaphore(%arg20 : memref<!tpu.dma_semaphore, #tpu.memory_space<semaphore_mem>>) src(%dma_wait3A_952 : memref<50000x128xf32, #tpu.memory_space<hbm>>) dst(%arg16 : memref<128x128xf32, #tpu.memory_space<vmem>>)
        %dma_start3A_953 = arith.constant 4 : i32
        %dma_start3A_954 = arith.constant 0 : i32
        %dma_start3A_955 = tpu.memref_slice %arg10[%dma_start3A_953, %dma_start3A_954] : memref<6x128xi32, #tpu.memory_space<vmem>> -> memref<1x128xi32, #tpu.memory_space<vmem>>
        %dma_start3A_956 = tpu.memref_squeeze %dma_start3A_955 : memref<1x128xi32, #tpu.memory_space<vmem>> -> memref<128xi32, #tpu.memory_space<vmem>>
        %dma_start3A_957 = arith.constant 0 : i32
        %dma_start3A_958 = arith.constant 0 : i32
        %dma_start3A_959 = tpu.memref_slice %arg7[%dma_start3A_957, %dma_start3A_958] : memref<100000x128xf32, #tpu.memory_space<hbm>> -> memref<100000x128xf32, #tpu.memory_space<hbm>>
        tpu.enqueue_indirect_dma source(%arg16 : memref<128x128xf32, #tpu.memory_space<vmem>>) target(%dma_start3A_959 : memref<100000x128xf32, #tpu.memory_space<hbm>>) offsets(%dma_start3A_956 : memref<128xi32, #tpu.memory_space<vmem>>) semaphore(%arg21 : memref<!tpu.dma_semaphore, #tpu.memory_space<semaphore_mem>>)
      } else {
      }
      %mul3A_939 = arith.constant 6 : i32
      %mul3A_940 = arith.muli %while3A_719, %mul3A_939 : i32
      %add3A_941 = arith.constant 5 : i32
      %add3A_942 = arith.addi %mul3A_940, %add3A_941 : i32
      %lt3A_943 = arith.cmpi slt, %add3A_942, %max3A_602 : i32
      %convert_element_type3A_944 = arith.extui %lt3A_943 : i1 to i32
      %cond3A_945 = arith.constant 0 : i32
      %cond3A_946 = arith.cmpi ne, %convert_element_type3A_944, %cond3A_945 : i32
      scf.if %cond3A_946 {
        %dma_wait3A = arith.constant 5 : i32
        %dma_wait3A_947 = arith.constant 0 : i32
        %dma_wait3A_948 = tpu.memref_slice %arg11[%dma_wait3A, %dma_wait3A_947] : memref<6x128xi32, #tpu.memory_space<vmem>> -> memref<1x128xi32, #tpu.memory_space<vmem>>
        %dma_wait3A_949 = tpu.memref_squeeze %dma_wait3A_948 : memref<1x128xi32, #tpu.memory_space<vmem>> -> memref<128xi32, #tpu.memory_space<vmem>>
        %dma_wait3A_950 = arith.constant 0 : i32
        %dma_wait3A_951 = arith.constant 0 : i32
        %dma_wait3A_952 = tpu.memref_slice %arg2[%dma_wait3A_950, %dma_wait3A_951] : memref<50000x128xf32, #tpu.memory_space<hbm>> -> memref<50000x128xf32, #tpu.memory_space<hbm>>
        tpu.wait_indirect_dma semaphore(%arg20 : memref<!tpu.dma_semaphore, #tpu.memory_space<semaphore_mem>>) src(%dma_wait3A_952 : memref<50000x128xf32, #tpu.memory_space<hbm>>) dst(%arg17 : memref<128x128xf32, #tpu.memory_space<vmem>>)
        %dma_start3A_953 = arith.constant 5 : i32
        %dma_start3A_954 = arith.constant 0 : i32
        %dma_start3A_955 = tpu.memref_slice %arg10[%dma_start3A_953, %dma_start3A_954] : memref<6x128xi32, #tpu.memory_space<vmem>> -> memref<1x128xi32, #tpu.memory_space<vmem>>
        %dma_start3A_956 = tpu.memref_squeeze %dma_start3A_955 : memref<1x128xi32, #tpu.memory_space<vmem>> -> memref<128xi32, #tpu.memory_space<vmem>>
        %dma_start3A_957 = arith.constant 0 : i32
        %dma_start3A_958 = arith.constant 0 : i32
        %dma_start3A_959 = tpu.memref_slice %arg7[%dma_start3A_957, %dma_start3A_958] : memref<100000x128xf32, #tpu.memory_space<hbm>> -> memref<100000x128xf32, #tpu.memory_space<hbm>>
        tpu.enqueue_indirect_dma source(%arg17 : memref<128x128xf32, #tpu.memory_space<vmem>>) target(%dma_start3A_959 : memref<100000x128xf32, #tpu.memory_space<hbm>>) offsets(%dma_start3A_956 : memref<128xi32, #tpu.memory_space<vmem>>) semaphore(%arg21 : memref<!tpu.dma_semaphore, #tpu.memory_space<semaphore_mem>>)
      } else {
      }
    }
    %while3A_639 = arith.constant 1 : i32
    scf.for %while3A_719 = %while3A_637 to %while3A_633 step %while3A_639  : i32 {
      %mul3A_720 = arith.constant 6 : i32
      %mul3A_721 = arith.muli %while3A_719, %mul3A_720 : i32
      %add3A_722 = arith.constant 0 : i32
      %add3A_723 = arith.addi %mul3A_721, %add3A_722 : i32
      %gt3A_724 = arith.constant 0 : i32
      %gt3A_725 = arith.cmpi sgt, %while3A_719, %gt3A_724 : i32
      %sub3A_726 = arith.constant 1 : i32
      %sub3A_727 = arith.subi %while3A_719, %sub3A_726 : i32
      %mul3A_728 = arith.constant 6 : i32
      %mul3A_729 = arith.muli %sub3A_727, %mul3A_728 : i32
      %add3A_730 = arith.constant 0 : i32
      %add3A_731 = arith.addi %mul3A_729, %add3A_730 : i32
      %lt3A_732 = arith.cmpi slt, %add3A_731, %max3A_602 : i32
      %and3A_733 = arith.andi %gt3A_725, %lt3A_732 : i1
      %convert_element_type3A_734 = arith.extui %and3A_733 : i1 to i32
      %cond3A_735 = arith.constant 0 : i32
      %cond3A_736 = arith.cmpi ne, %convert_element_type3A_734, %cond3A_735 : i32
      scf.if %cond3A_736 {
        %dma_wait3A = arith.constant 0 : i32
        %dma_wait3A_947 = arith.constant 0 : i32
        %dma_wait3A_948 = tpu.memref_slice %arg10[%dma_wait3A, %dma_wait3A_947] : memref<6x128xi32, #tpu.memory_space<vmem>> -> memref<1x128xi32, #tpu.memory_space<vmem>>
        %dma_wait3A_949 = tpu.memref_squeeze %dma_wait3A_948 : memref<1x128xi32, #tpu.memory_space<vmem>> -> memref<128xi32, #tpu.memory_space<vmem>>
        %dma_wait3A_950 = arith.constant 0 : i32
        %dma_wait3A_951 = arith.constant 0 : i32
        %dma_wait3A_952 = tpu.memref_slice %arg7[%dma_wait3A_950, %dma_wait3A_951] : memref<100000x128xf32, #tpu.memory_space<hbm>> -> memref<100000x128xf32, #tpu.memory_space<hbm>>
        tpu.wait_indirect_dma semaphore(%arg21 : memref<!tpu.dma_semaphore, #tpu.memory_space<semaphore_mem>>) src(%arg12 : memref<128x128xf32, #tpu.memory_space<vmem>>) dst(%dma_wait3A_952 : memref<100000x128xf32, #tpu.memory_space<hbm>>)
      } else {
      }
      %lt3A_737 = arith.cmpi slt, %add3A_723, %max3A_602 : i32
      %convert_element_type3A_738 = arith.extui %lt3A_737 : i1 to i32
      %cond3A_739 = arith.constant 0 : i32
      %cond3A_740 = arith.cmpi ne, %convert_element_type3A_738, %cond3A_739 : i32
      scf.if %cond3A_740 {
        %mul3A_947 = arith.constant 128 : i32
        %mul3A_948 = arith.muli %add3A_723, %mul3A_947 : i32
        %add3A_949 = arith.addi %and3A_578, %mul3A_948 : i32
        %jit3A_950 = arith.constant 0 : i32
        %jit3A_951 = arith.constant 49872 : i32
        %max3A_952 = arith.maxsi %jit3A_950, %add3A_949 : i32
        %min3A_953 = arith.minsi %jit3A_951, %max3A_952 : i32
        %multiple_of3A = tpu.assume_multiple %min3A_953, 8 : i32
        %dma_start3A_954 = arith.constant 0 : i32
        %dma_start3A_955 = arith.constant 0 : i32
        %dma_start3A_956 = tpu.memref_slice %arg10[%dma_start3A_954, %dma_start3A_955] : memref<6x128xi32, #tpu.memory_space<vmem>> -> memref<1x128xi32, #tpu.memory_space<vmem>>
        %dma_start3A_957 = tpu.memref_squeeze %dma_start3A_956 : memref<1x128xi32, #tpu.memory_space<vmem>> -> memref<128xi32, #tpu.memory_space<vmem>>
        %dma_start3A_958 = tpu.memref_slice %arg3[%multiple_of3A] : memref<50000xi32, #tpu.memory_space<hbm>> -> memref<128xi32, #tpu.memory_space<hbm>>
        %dma_start3A_959 = arith.constant 0 : i32
        %dma_start3A_960 = tpu.memref_slice %arg10[%dma_start3A_954, %dma_start3A_959] : memref<6x128xi32, #tpu.memory_space<vmem>> -> memref<1x128xi32, #tpu.memory_space<vmem>>
        %dma_start3A_961 = tpu.memref_squeeze %dma_start3A_960 : memref<1x128xi32, #tpu.memory_space<vmem>> -> memref<128xi32, #tpu.memory_space<vmem>>
        %dma_start3A_962 = tpu.memref_slice %arg3[%multiple_of3A] : memref<50000xi32, #tpu.memory_space<hbm>> -> memref<128xi32, #tpu.memory_space<hbm>>
        tpu.enqueue_dma source(%dma_start3A_962 : memref<128xi32, #tpu.memory_space<hbm>>) target(%dma_start3A_961 : memref<128xi32, #tpu.memory_space<vmem>>) target_semaphore(%arg19 : memref<!tpu.dma_semaphore, #tpu.memory_space<semaphore_mem>>)
        %dma_start3A_963 = arith.constant 0 : i32
        %dma_start3A_964 = arith.constant 0 : i32
        %dma_start3A_965 = tpu.memref_slice %arg11[%dma_start3A_963, %dma_start3A_964] : memref<6x128xi32, #tpu.memory_space<vmem>> -> memref<1x128xi32, #tpu.memory_space<vmem>>
        %dma_start3A_966 = tpu.memref_squeeze %dma_start3A_965 : memref<1x128xi32, #tpu.memory_space<vmem>> -> memref<128xi32, #tpu.memory_space<vmem>>
        %dma_start3A_967 = tpu.memref_slice %arg4[%multiple_of3A] : memref<50000xi32, #tpu.memory_space<hbm>> -> memref<128xi32, #tpu.memory_space<hbm>>
        %dma_start3A_968 = arith.constant 0 : i32
        %dma_start3A_969 = tpu.memref_slice %arg11[%dma_start3A_963, %dma_start3A_968] : memref<6x128xi32, #tpu.memory_space<vmem>> -> memref<1x128xi32, #tpu.memory_space<vmem>>
        %dma_start3A_970 = tpu.memref_squeeze %dma_start3A_969 : memref<1x128xi32, #tpu.memory_space<vmem>> -> memref<128xi32, #tpu.memory_space<vmem>>
        %dma_start3A_971 = tpu.memref_slice %arg4[%multiple_of3A] : memref<50000xi32, #tpu.memory_space<hbm>> -> memref<128xi32, #tpu.memory_space<hbm>>
        tpu.enqueue_dma source(%dma_start3A_971 : memref<128xi32, #tpu.memory_space<hbm>>) target(%dma_start3A_970 : memref<128xi32, #tpu.memory_space<vmem>>) target_semaphore(%arg19 : memref<!tpu.dma_semaphore, #tpu.memory_space<semaphore_mem>>)
      } else {
      }
      %mul3A_741 = arith.constant 6 : i32
      %mul3A_742 = arith.muli %while3A_719, %mul3A_741 : i32
      %add3A_743 = arith.constant 1 : i32
      %add3A_744 = arith.addi %mul3A_742, %add3A_743 : i32
      %gt3A_745 = arith.constant 0 : i32
      %gt3A_746 = arith.cmpi sgt, %while3A_719, %gt3A_745 : i32
      %sub3A_747 = arith.constant 1 : i32
      %sub3A_748 = arith.subi %while3A_719, %sub3A_747 : i32
      %mul3A_749 = arith.constant 6 : i32
      %mul3A_750 = arith.muli %sub3A_748, %mul3A_749 : i32
      %add3A_751 = arith.constant 1 : i32
      %add3A_752 = arith.addi %mul3A_750, %add3A_751 : i32
      %lt3A_753 = arith.cmpi slt, %add3A_752, %max3A_602 : i32
      %and3A_754 = arith.andi %gt3A_746, %lt3A_753 : i1
      %convert_element_type3A_755 = arith.extui %and3A_754 : i1 to i32
      %cond3A_756 = arith.constant 0 : i32
      %cond3A_757 = arith.cmpi ne, %convert_element_type3A_755, %cond3A_756 : i32
      scf.if %cond3A_757 {
        %dma_wait3A = arith.constant 1 : i32
        %dma_wait3A_947 = arith.constant 0 : i32
        %dma_wait3A_948 = tpu.memref_slice %arg10[%dma_wait3A, %dma_wait3A_947] : memref<6x128xi32, #tpu.memory_space<vmem>> -> memref<1x128xi32, #tpu.memory_space<vmem>>
        %dma_wait3A_949 = tpu.memref_squeeze %dma_wait3A_948 : memref<1x128xi32, #tpu.memory_space<vmem>> -> memref<128xi32, #tpu.memory_space<vmem>>
        %dma_wait3A_950 = arith.constant 0 : i32
        %dma_wait3A_951 = arith.constant 0 : i32
        %dma_wait3A_952 = tpu.memref_slice %arg7[%dma_wait3A_950, %dma_wait3A_951] : memref<100000x128xf32, #tpu.memory_space<hbm>> -> memref<100000x128xf32, #tpu.memory_space<hbm>>
        tpu.wait_indirect_dma semaphore(%arg21 : memref<!tpu.dma_semaphore, #tpu.memory_space<semaphore_mem>>) src(%arg13 : memref<128x128xf32, #tpu.memory_space<vmem>>) dst(%dma_wait3A_952 : memref<100000x128xf32, #tpu.memory_space<hbm>>)
      } else {
      }
      %lt3A_758 = arith.cmpi slt, %add3A_744, %max3A_602 : i32
      %convert_element_type3A_759 = arith.extui %lt3A_758 : i1 to i32
      %cond3A_760 = arith.constant 0 : i32
      %cond3A_761 = arith.cmpi ne, %convert_element_type3A_759, %cond3A_760 : i32
      scf.if %cond3A_761 {
        %mul3A_947 = arith.constant 128 : i32
        %mul3A_948 = arith.muli %add3A_744, %mul3A_947 : i32
        %add3A_949 = arith.addi %and3A_578, %mul3A_948 : i32
        %jit3A_950 = arith.constant 0 : i32
        %jit3A_951 = arith.constant 49872 : i32
        %max3A_952 = arith.maxsi %jit3A_950, %add3A_949 : i32
        %min3A_953 = arith.minsi %jit3A_951, %max3A_952 : i32
        %multiple_of3A = tpu.assume_multiple %min3A_953, 8 : i32
        %dma_start3A_954 = arith.constant 1 : i32
        %dma_start3A_955 = arith.constant 0 : i32
        %dma_start3A_956 = tpu.memref_slice %arg10[%dma_start3A_954, %dma_start3A_955] : memref<6x128xi32, #tpu.memory_space<vmem>> -> memref<1x128xi32, #tpu.memory_space<vmem>>
        %dma_start3A_957 = tpu.memref_squeeze %dma_start3A_956 : memref<1x128xi32, #tpu.memory_space<vmem>> -> memref<128xi32, #tpu.memory_space<vmem>>
        %dma_start3A_958 = tpu.memref_slice %arg3[%multiple_of3A] : memref<50000xi32, #tpu.memory_space<hbm>> -> memref<128xi32, #tpu.memory_space<hbm>>
        %dma_start3A_959 = arith.constant 0 : i32
        %dma_start3A_960 = tpu.memref_slice %arg10[%dma_start3A_954, %dma_start3A_959] : memref<6x128xi32, #tpu.memory_space<vmem>> -> memref<1x128xi32, #tpu.memory_space<vmem>>
        %dma_start3A_961 = tpu.memref_squeeze %dma_start3A_960 : memref<1x128xi32, #tpu.memory_space<vmem>> -> memref<128xi32, #tpu.memory_space<vmem>>
        %dma_start3A_962 = tpu.memref_slice %arg3[%multiple_of3A] : memref<50000xi32, #tpu.memory_space<hbm>> -> memref<128xi32, #tpu.memory_space<hbm>>
        tpu.enqueue_dma source(%dma_start3A_962 : memref<128xi32, #tpu.memory_space<hbm>>) target(%dma_start3A_961 : memref<128xi32, #tpu.memory_space<vmem>>) target_semaphore(%arg19 : memref<!tpu.dma_semaphore, #tpu.memory_space<semaphore_mem>>)
        %dma_start3A_963 = arith.constant 1 : i32
        %dma_start3A_964 = arith.constant 0 : i32
        %dma_start3A_965 = tpu.memref_slice %arg11[%dma_start3A_963, %dma_start3A_964] : memref<6x128xi32, #tpu.memory_space<vmem>> -> memref<1x128xi32, #tpu.memory_space<vmem>>
        %dma_start3A_966 = tpu.memref_squeeze %dma_start3A_965 : memref<1x128xi32, #tpu.memory_space<vmem>> -> memref<128xi32, #tpu.memory_space<vmem>>
        %dma_start3A_967 = tpu.memref_slice %arg4[%multiple_of3A] : memref<50000xi32, #tpu.memory_space<hbm>> -> memref<128xi32, #tpu.memory_space<hbm>>
        %dma_start3A_968 = arith.constant 0 : i32
        %dma_start3A_969 = tpu.memref_slice %arg11[%dma_start3A_963, %dma_start3A_968] : memref<6x128xi32, #tpu.memory_space<vmem>> -> memref<1x128xi32, #tpu.memory_space<vmem>>
        %dma_start3A_970 = tpu.memref_squeeze %dma_start3A_969 : memref<1x128xi32, #tpu.memory_space<vmem>> -> memref<128xi32, #tpu.memory_space<vmem>>
        %dma_start3A_971 = tpu.memref_slice %arg4[%multiple_of3A] : memref<50000xi32, #tpu.memory_space<hbm>> -> memref<128xi32, #tpu.memory_space<hbm>>
        tpu.enqueue_dma source(%dma_start3A_971 : memref<128xi32, #tpu.memory_space<hbm>>) target(%dma_start3A_970 : memref<128xi32, #tpu.memory_space<vmem>>) target_semaphore(%arg19 : memref<!tpu.dma_semaphore, #tpu.memory_space<semaphore_mem>>)
      } else {
      }
      %mul3A_762 = arith.constant 6 : i32
      %mul3A_763 = arith.muli %while3A_719, %mul3A_762 : i32
      %add3A_764 = arith.constant 2 : i32
      %add3A_765 = arith.addi %mul3A_763, %add3A_764 : i32
      %gt3A_766 = arith.constant 0 : i32
      %gt3A_767 = arith.cmpi sgt, %while3A_719, %gt3A_766 : i32
      %sub3A_768 = arith.constant 1 : i32
      %sub3A_769 = arith.subi %while3A_719, %sub3A_768 : i32
      %mul3A_770 = arith.constant 6 : i32
      %mul3A_771 = arith.muli %sub3A_769, %mul3A_770 : i32
      %add3A_772 = arith.constant 2 : i32
      %add3A_773 = arith.addi %mul3A_771, %add3A_772 : i32
      %lt3A_774 = arith.cmpi slt, %add3A_773, %max3A_602 : i32
      %and3A_775 = arith.andi %gt3A_767, %lt3A_774 : i1
      %convert_element_type3A_776 = arith.extui %and3A_775 : i1 to i32
      %cond3A_777 = arith.constant 0 : i32
      %cond3A_778 = arith.cmpi ne, %convert_element_type3A_776, %cond3A_777 : i32
      scf.if %cond3A_778 {
        %dma_wait3A = arith.constant 2 : i32
        %dma_wait3A_947 = arith.constant 0 : i32
        %dma_wait3A_948 = tpu.memref_slice %arg10[%dma_wait3A, %dma_wait3A_947] : memref<6x128xi32, #tpu.memory_space<vmem>> -> memref<1x128xi32, #tpu.memory_space<vmem>>
        %dma_wait3A_949 = tpu.memref_squeeze %dma_wait3A_948 : memref<1x128xi32, #tpu.memory_space<vmem>> -> memref<128xi32, #tpu.memory_space<vmem>>
        %dma_wait3A_950 = arith.constant 0 : i32
        %dma_wait3A_951 = arith.constant 0 : i32
        %dma_wait3A_952 = tpu.memref_slice %arg7[%dma_wait3A_950, %dma_wait3A_951] : memref<100000x128xf32, #tpu.memory_space<hbm>> -> memref<100000x128xf32, #tpu.memory_space<hbm>>
        tpu.wait_indirect_dma semaphore(%arg21 : memref<!tpu.dma_semaphore, #tpu.memory_space<semaphore_mem>>) src(%arg14 : memref<128x128xf32, #tpu.memory_space<vmem>>) dst(%dma_wait3A_952 : memref<100000x128xf32, #tpu.memory_space<hbm>>)
      } else {
      }
      %lt3A_779 = arith.cmpi slt, %add3A_765, %max3A_602 : i32
      %convert_element_type3A_780 = arith.extui %lt3A_779 : i1 to i32
      %cond3A_781 = arith.constant 0 : i32
      %cond3A_782 = arith.cmpi ne, %convert_element_type3A_780, %cond3A_781 : i32
      scf.if %cond3A_782 {
        %mul3A_947 = arith.constant 128 : i32
        %mul3A_948 = arith.muli %add3A_765, %mul3A_947 : i32
        %add3A_949 = arith.addi %and3A_578, %mul3A_948 : i32
        %jit3A_950 = arith.constant 0 : i32
        %jit3A_951 = arith.constant 49872 : i32
        %max3A_952 = arith.maxsi %jit3A_950, %add3A_949 : i32
        %min3A_953 = arith.minsi %jit3A_951, %max3A_952 : i32
        %multiple_of3A = tpu.assume_multiple %min3A_953, 8 : i32
        %dma_start3A_954 = arith.constant 2 : i32
        %dma_start3A_955 = arith.constant 0 : i32
        %dma_start3A_956 = tpu.memref_slice %arg10[%dma_start3A_954, %dma_start3A_955] : memref<6x128xi32, #tpu.memory_space<vmem>> -> memref<1x128xi32, #tpu.memory_space<vmem>>
        %dma_start3A_957 = tpu.memref_squeeze %dma_start3A_956 : memref<1x128xi32, #tpu.memory_space<vmem>> -> memref<128xi32, #tpu.memory_space<vmem>>
        %dma_start3A_958 = tpu.memref_slice %arg3[%multiple_of3A] : memref<50000xi32, #tpu.memory_space<hbm>> -> memref<128xi32, #tpu.memory_space<hbm>>
        %dma_start3A_959 = arith.constant 0 : i32
        %dma_start3A_960 = tpu.memref_slice %arg10[%dma_start3A_954, %dma_start3A_959] : memref<6x128xi32, #tpu.memory_space<vmem>> -> memref<1x128xi32, #tpu.memory_space<vmem>>
        %dma_start3A_961 = tpu.memref_squeeze %dma_start3A_960 : memref<1x128xi32, #tpu.memory_space<vmem>> -> memref<128xi32, #tpu.memory_space<vmem>>
        %dma_start3A_962 = tpu.memref_slice %arg3[%multiple_of3A] : memref<50000xi32, #tpu.memory_space<hbm>> -> memref<128xi32, #tpu.memory_space<hbm>>
        tpu.enqueue_dma source(%dma_start3A_962 : memref<128xi32, #tpu.memory_space<hbm>>) target(%dma_start3A_961 : memref<128xi32, #tpu.memory_space<vmem>>) target_semaphore(%arg19 : memref<!tpu.dma_semaphore, #tpu.memory_space<semaphore_mem>>)
        %dma_start3A_963 = arith.constant 2 : i32
        %dma_start3A_964 = arith.constant 0 : i32
        %dma_start3A_965 = tpu.memref_slice %arg11[%dma_start3A_963, %dma_start3A_964] : memref<6x128xi32, #tpu.memory_space<vmem>> -> memref<1x128xi32, #tpu.memory_space<vmem>>
        %dma_start3A_966 = tpu.memref_squeeze %dma_start3A_965 : memref<1x128xi32, #tpu.memory_space<vmem>> -> memref<128xi32, #tpu.memory_space<vmem>>
        %dma_start3A_967 = tpu.memref_slice %arg4[%multiple_of3A] : memref<50000xi32, #tpu.memory_space<hbm>> -> memref<128xi32, #tpu.memory_space<hbm>>
        %dma_start3A_968 = arith.constant 0 : i32
        %dma_start3A_969 = tpu.memref_slice %arg11[%dma_start3A_963, %dma_start3A_968] : memref<6x128xi32, #tpu.memory_space<vmem>> -> memref<1x128xi32, #tpu.memory_space<vmem>>
        %dma_start3A_970 = tpu.memref_squeeze %dma_start3A_969 : memref<1x128xi32, #tpu.memory_space<vmem>> -> memref<128xi32, #tpu.memory_space<vmem>>
        %dma_start3A_971 = tpu.memref_slice %arg4[%multiple_of3A] : memref<50000xi32, #tpu.memory_space<hbm>> -> memref<128xi32, #tpu.memory_space<hbm>>
        tpu.enqueue_dma source(%dma_start3A_971 : memref<128xi32, #tpu.memory_space<hbm>>) target(%dma_start3A_970 : memref<128xi32, #tpu.memory_space<vmem>>) target_semaphore(%arg19 : memref<!tpu.dma_semaphore, #tpu.memory_space<semaphore_mem>>)
      } else {
      }
      %mul3A_783 = arith.constant 6 : i32
      %mul3A_784 = arith.muli %while3A_719, %mul3A_783 : i32
      %add3A_785 = arith.constant 3 : i32
      %add3A_786 = arith.addi %mul3A_784, %add3A_785 : i32
      %gt3A_787 = arith.constant 0 : i32
      %gt3A_788 = arith.cmpi sgt, %while3A_719, %gt3A_787 : i32
      %sub3A_789 = arith.constant 1 : i32
      %sub3A_790 = arith.subi %while3A_719, %sub3A_789 : i32
      %mul3A_791 = arith.constant 6 : i32
      %mul3A_792 = arith.muli %sub3A_790, %mul3A_791 : i32
      %add3A_793 = arith.constant 3 : i32
      %add3A_794 = arith.addi %mul3A_792, %add3A_793 : i32
      %lt3A_795 = arith.cmpi slt, %add3A_794, %max3A_602 : i32
      %and3A_796 = arith.andi %gt3A_788, %lt3A_795 : i1
      %convert_element_type3A_797 = arith.extui %and3A_796 : i1 to i32
      %cond3A_798 = arith.constant 0 : i32
      %cond3A_799 = arith.cmpi ne, %convert_element_type3A_797, %cond3A_798 : i32
      scf.if %cond3A_799 {
        %dma_wait3A = arith.constant 3 : i32
        %dma_wait3A_947 = arith.constant 0 : i32
        %dma_wait3A_948 = tpu.memref_slice %arg10[%dma_wait3A, %dma_wait3A_947] : memref<6x128xi32, #tpu.memory_space<vmem>> -> memref<1x128xi32, #tpu.memory_space<vmem>>
        %dma_wait3A_949 = tpu.memref_squeeze %dma_wait3A_948 : memref<1x128xi32, #tpu.memory_space<vmem>> -> memref<128xi32, #tpu.memory_space<vmem>>
        %dma_wait3A_950 = arith.constant 0 : i32
        %dma_wait3A_951 = arith.constant 0 : i32
        %dma_wait3A_952 = tpu.memref_slice %arg7[%dma_wait3A_950, %dma_wait3A_951] : memref<100000x128xf32, #tpu.memory_space<hbm>> -> memref<100000x128xf32, #tpu.memory_space<hbm>>
        tpu.wait_indirect_dma semaphore(%arg21 : memref<!tpu.dma_semaphore, #tpu.memory_space<semaphore_mem>>) src(%arg15 : memref<128x128xf32, #tpu.memory_space<vmem>>) dst(%dma_wait3A_952 : memref<100000x128xf32, #tpu.memory_space<hbm>>)
      } else {
      }
      %lt3A_800 = arith.cmpi slt, %add3A_786, %max3A_602 : i32
      %convert_element_type3A_801 = arith.extui %lt3A_800 : i1 to i32
      %cond3A_802 = arith.constant 0 : i32
      %cond3A_803 = arith.cmpi ne, %convert_element_type3A_801, %cond3A_802 : i32
      scf.if %cond3A_803 {
        %mul3A_947 = arith.constant 128 : i32
        %mul3A_948 = arith.muli %add3A_786, %mul3A_947 : i32
        %add3A_949 = arith.addi %and3A_578, %mul3A_948 : i32
        %jit3A_950 = arith.constant 0 : i32
        %jit3A_951 = arith.constant 49872 : i32
        %max3A_952 = arith.maxsi %jit3A_950, %add3A_949 : i32
        %min3A_953 = arith.minsi %jit3A_951, %max3A_952 : i32
        %multiple_of3A = tpu.assume_multiple %min3A_953, 8 : i32
        %dma_start3A_954 = arith.constant 3 : i32
        %dma_start3A_955 = arith.constant 0 : i32
        %dma_start3A_956 = tpu.memref_slice %arg10[%dma_start3A_954, %dma_start3A_955] : memref<6x128xi32, #tpu.memory_space<vmem>> -> memref<1x128xi32, #tpu.memory_space<vmem>>
        %dma_start3A_957 = tpu.memref_squeeze %dma_start3A_956 : memref<1x128xi32, #tpu.memory_space<vmem>> -> memref<128xi32, #tpu.memory_space<vmem>>
        %dma_start3A_958 = tpu.memref_slice %arg3[%multiple_of3A] : memref<50000xi32, #tpu.memory_space<hbm>> -> memref<128xi32, #tpu.memory_space<hbm>>
        %dma_start3A_959 = arith.constant 0 : i32
        %dma_start3A_960 = tpu.memref_slice %arg10[%dma_start3A_954, %dma_start3A_959] : memref<6x128xi32, #tpu.memory_space<vmem>> -> memref<1x128xi32, #tpu.memory_space<vmem>>
        %dma_start3A_961 = tpu.memref_squeeze %dma_start3A_960 : memref<1x128xi32, #tpu.memory_space<vmem>> -> memref<128xi32, #tpu.memory_space<vmem>>
        %dma_start3A_962 = tpu.memref_slice %arg3[%multiple_of3A] : memref<50000xi32, #tpu.memory_space<hbm>> -> memref<128xi32, #tpu.memory_space<hbm>>
        tpu.enqueue_dma source(%dma_start3A_962 : memref<128xi32, #tpu.memory_space<hbm>>) target(%dma_start3A_961 : memref<128xi32, #tpu.memory_space<vmem>>) target_semaphore(%arg19 : memref<!tpu.dma_semaphore, #tpu.memory_space<semaphore_mem>>)
        %dma_start3A_963 = arith.constant 3 : i32
        %dma_start3A_964 = arith.constant 0 : i32
        %dma_start3A_965 = tpu.memref_slice %arg11[%dma_start3A_963, %dma_start3A_964] : memref<6x128xi32, #tpu.memory_space<vmem>> -> memref<1x128xi32, #tpu.memory_space<vmem>>
        %dma_start3A_966 = tpu.memref_squeeze %dma_start3A_965 : memref<1x128xi32, #tpu.memory_space<vmem>> -> memref<128xi32, #tpu.memory_space<vmem>>
        %dma_start3A_967 = tpu.memref_slice %arg4[%multiple_of3A] : memref<50000xi32, #tpu.memory_space<hbm>> -> memref<128xi32, #tpu.memory_space<hbm>>
        %dma_start3A_968 = arith.constant 0 : i32
        %dma_start3A_969 = tpu.memref_slice %arg11[%dma_start3A_963, %dma_start3A_968] : memref<6x128xi32, #tpu.memory_space<vmem>> -> memref<1x128xi32, #tpu.memory_space<vmem>>
        %dma_start3A_970 = tpu.memref_squeeze %dma_start3A_969 : memref<1x128xi32, #tpu.memory_space<vmem>> -> memref<128xi32, #tpu.memory_space<vmem>>
        %dma_start3A_971 = tpu.memref_slice %arg4[%multiple_of3A] : memref<50000xi32, #tpu.memory_space<hbm>> -> memref<128xi32, #tpu.memory_space<hbm>>
        tpu.enqueue_dma source(%dma_start3A_971 : memref<128xi32, #tpu.memory_space<hbm>>) target(%dma_start3A_970 : memref<128xi32, #tpu.memory_space<vmem>>) target_semaphore(%arg19 : memref<!tpu.dma_semaphore, #tpu.memory_space<semaphore_mem>>)
      } else {
      }
      %mul3A_804 = arith.constant 6 : i32
      %mul3A_805 = arith.muli %while3A_719, %mul3A_804 : i32
      %add3A_806 = arith.constant 4 : i32
      %add3A_807 = arith.addi %mul3A_805, %add3A_806 : i32
      %gt3A_808 = arith.constant 0 : i32
      %gt3A_809 = arith.cmpi sgt, %while3A_719, %gt3A_808 : i32
      %sub3A_810 = arith.constant 1 : i32
      %sub3A_811 = arith.subi %while3A_719, %sub3A_810 : i32
      %mul3A_812 = arith.constant 6 : i32
      %mul3A_813 = arith.muli %sub3A_811, %mul3A_812 : i32
      %add3A_814 = arith.constant 4 : i32
      %add3A_815 = arith.addi %mul3A_813, %add3A_814 : i32
      %lt3A_816 = arith.cmpi slt, %add3A_815, %max3A_602 : i32
      %and3A_817 = arith.andi %gt3A_809, %lt3A_816 : i1
      %convert_element_type3A_818 = arith.extui %and3A_817 : i1 to i32
      %cond3A_819 = arith.constant 0 : i32
      %cond3A_820 = arith.cmpi ne, %convert_element_type3A_818, %cond3A_819 : i32
      scf.if %cond3A_820 {
        %dma_wait3A = arith.constant 4 : i32
        %dma_wait3A_947 = arith.constant 0 : i32
        %dma_wait3A_948 = tpu.memref_slice %arg10[%dma_wait3A, %dma_wait3A_947] : memref<6x128xi32, #tpu.memory_space<vmem>> -> memref<1x128xi32, #tpu.memory_space<vmem>>
        %dma_wait3A_949 = tpu.memref_squeeze %dma_wait3A_948 : memref<1x128xi32, #tpu.memory_space<vmem>> -> memref<128xi32, #tpu.memory_space<vmem>>
        %dma_wait3A_950 = arith.constant 0 : i32
        %dma_wait3A_951 = arith.constant 0 : i32
        %dma_wait3A_952 = tpu.memref_slice %arg7[%dma_wait3A_950, %dma_wait3A_951] : memref<100000x128xf32, #tpu.memory_space<hbm>> -> memref<100000x128xf32, #tpu.memory_space<hbm>>
        tpu.wait_indirect_dma semaphore(%arg21 : memref<!tpu.dma_semaphore, #tpu.memory_space<semaphore_mem>>) src(%arg16 : memref<128x128xf32, #tpu.memory_space<vmem>>) dst(%dma_wait3A_952 : memref<100000x128xf32, #tpu.memory_space<hbm>>)
      } else {
      }
      %lt3A_821 = arith.cmpi slt, %add3A_807, %max3A_602 : i32
      %convert_element_type3A_822 = arith.extui %lt3A_821 : i1 to i32
      %cond3A_823 = arith.constant 0 : i32
      %cond3A_824 = arith.cmpi ne, %convert_element_type3A_822, %cond3A_823 : i32
      scf.if %cond3A_824 {
        %mul3A_947 = arith.constant 128 : i32
        %mul3A_948 = arith.muli %add3A_807, %mul3A_947 : i32
        %add3A_949 = arith.addi %and3A_578, %mul3A_948 : i32
        %jit3A_950 = arith.constant 0 : i32
        %jit3A_951 = arith.constant 49872 : i32
        %max3A_952 = arith.maxsi %jit3A_950, %add3A_949 : i32
        %min3A_953 = arith.minsi %jit3A_951, %max3A_952 : i32
        %multiple_of3A = tpu.assume_multiple %min3A_953, 8 : i32
        %dma_start3A_954 = arith.constant 4 : i32
        %dma_start3A_955 = arith.constant 0 : i32
        %dma_start3A_956 = tpu.memref_slice %arg10[%dma_start3A_954, %dma_start3A_955] : memref<6x128xi32, #tpu.memory_space<vmem>> -> memref<1x128xi32, #tpu.memory_space<vmem>>
        %dma_start3A_957 = tpu.memref_squeeze %dma_start3A_956 : memref<1x128xi32, #tpu.memory_space<vmem>> -> memref<128xi32, #tpu.memory_space<vmem>>
        %dma_start3A_958 = tpu.memref_slice %arg3[%multiple_of3A] : memref<50000xi32, #tpu.memory_space<hbm>> -> memref<128xi32, #tpu.memory_space<hbm>>
        %dma_start3A_959 = arith.constant 0 : i32
        %dma_start3A_960 = tpu.memref_slice %arg10[%dma_start3A_954, %dma_start3A_959] : memref<6x128xi32, #tpu.memory_space<vmem>> -> memref<1x128xi32, #tpu.memory_space<vmem>>
        %dma_start3A_961 = tpu.memref_squeeze %dma_start3A_960 : memref<1x128xi32, #tpu.memory_space<vmem>> -> memref<128xi32, #tpu.memory_space<vmem>>
        %dma_start3A_962 = tpu.memref_slice %arg3[%multiple_of3A] : memref<50000xi32, #tpu.memory_space<hbm>> -> memref<128xi32, #tpu.memory_space<hbm>>
        tpu.enqueue_dma source(%dma_start3A_962 : memref<128xi32, #tpu.memory_space<hbm>>) target(%dma_start3A_961 : memref<128xi32, #tpu.memory_space<vmem>>) target_semaphore(%arg19 : memref<!tpu.dma_semaphore, #tpu.memory_space<semaphore_mem>>)
        %dma_start3A_963 = arith.constant 4 : i32
        %dma_start3A_964 = arith.constant 0 : i32
        %dma_start3A_965 = tpu.memref_slice %arg11[%dma_start3A_963, %dma_start3A_964] : memref<6x128xi32, #tpu.memory_space<vmem>> -> memref<1x128xi32, #tpu.memory_space<vmem>>
        %dma_start3A_966 = tpu.memref_squeeze %dma_start3A_965 : memref<1x128xi32, #tpu.memory_space<vmem>> -> memref<128xi32, #tpu.memory_space<vmem>>
        %dma_start3A_967 = tpu.memref_slice %arg4[%multiple_of3A] : memref<50000xi32, #tpu.memory_space<hbm>> -> memref<128xi32, #tpu.memory_space<hbm>>
        %dma_start3A_968 = arith.constant 0 : i32
        %dma_start3A_969 = tpu.memref_slice %arg11[%dma_start3A_963, %dma_start3A_968] : memref<6x128xi32, #tpu.memory_space<vmem>> -> memref<1x128xi32, #tpu.memory_space<vmem>>
        %dma_start3A_970 = tpu.memref_squeeze %dma_start3A_969 : memref<1x128xi32, #tpu.memory_space<vmem>> -> memref<128xi32, #tpu.memory_space<vmem>>
        %dma_start3A_971 = tpu.memref_slice %arg4[%multiple_of3A] : memref<50000xi32, #tpu.memory_space<hbm>> -> memref<128xi32, #tpu.memory_space<hbm>>
        tpu.enqueue_dma source(%dma_start3A_971 : memref<128xi32, #tpu.memory_space<hbm>>) target(%dma_start3A_970 : memref<128xi32, #tpu.memory_space<vmem>>) target_semaphore(%arg19 : memref<!tpu.dma_semaphore, #tpu.memory_space<semaphore_mem>>)
      } else {
      }
      %mul3A_825 = arith.constant 6 : i32
      %mul3A_826 = arith.muli %while3A_719, %mul3A_825 : i32
      %add3A_827 = arith.constant 5 : i32
      %add3A_828 = arith.addi %mul3A_826, %add3A_827 : i32
      %gt3A_829 = arith.constant 0 : i32
      %gt3A_830 = arith.cmpi sgt, %while3A_719, %gt3A_829 : i32
      %sub3A_831 = arith.constant 1 : i32
      %sub3A_832 = arith.subi %while3A_719, %sub3A_831 : i32
      %mul3A_833 = arith.constant 6 : i32
      %mul3A_834 = arith.muli %sub3A_832, %mul3A_833 : i32
      %add3A_835 = arith.constant 5 : i32
      %add3A_836 = arith.addi %mul3A_834, %add3A_835 : i32
      %lt3A_837 = arith.cmpi slt, %add3A_836, %max3A_602 : i32
      %and3A_838 = arith.andi %gt3A_830, %lt3A_837 : i1
      %convert_element_type3A_839 = arith.extui %and3A_838 : i1 to i32
      %cond3A_840 = arith.constant 0 : i32
      %cond3A_841 = arith.cmpi ne, %convert_element_type3A_839, %cond3A_840 : i32
      scf.if %cond3A_841 {
        %dma_wait3A = arith.constant 5 : i32
        %dma_wait3A_947 = arith.constant 0 : i32
        %dma_wait3A_948 = tpu.memref_slice %arg10[%dma_wait3A, %dma_wait3A_947] : memref<6x128xi32, #tpu.memory_space<vmem>> -> memref<1x128xi32, #tpu.memory_space<vmem>>
        %dma_wait3A_949 = tpu.memref_squeeze %dma_wait3A_948 : memref<1x128xi32, #tpu.memory_space<vmem>> -> memref<128xi32, #tpu.memory_space<vmem>>
        %dma_wait3A_950 = arith.constant 0 : i32
        %dma_wait3A_951 = arith.constant 0 : i32
        %dma_wait3A_952 = tpu.memref_slice %arg7[%dma_wait3A_950, %dma_wait3A_951] : memref<100000x128xf32, #tpu.memory_space<hbm>> -> memref<100000x128xf32, #tpu.memory_space<hbm>>
        tpu.wait_indirect_dma semaphore(%arg21 : memref<!tpu.dma_semaphore, #tpu.memory_space<semaphore_mem>>) src(%arg17 : memref<128x128xf32, #tpu.memory_space<vmem>>) dst(%dma_wait3A_952 : memref<100000x128xf32, #tpu.memory_space<hbm>>)
      } else {
      }
      %lt3A_842 = arith.cmpi slt, %add3A_828, %max3A_602 : i32
      %convert_element_type3A_843 = arith.extui %lt3A_842 : i1 to i32
      %cond3A_844 = arith.constant 0 : i32
      %cond3A_845 = arith.cmpi ne, %convert_element_type3A_843, %cond3A_844 : i32
      scf.if %cond3A_845 {
        %mul3A_947 = arith.constant 128 : i32
        %mul3A_948 = arith.muli %add3A_828, %mul3A_947 : i32
        %add3A_949 = arith.addi %and3A_578, %mul3A_948 : i32
        %jit3A_950 = arith.constant 0 : i32
        %jit3A_951 = arith.constant 49872 : i32
        %max3A_952 = arith.maxsi %jit3A_950, %add3A_949 : i32
        %min3A_953 = arith.minsi %jit3A_951, %max3A_952 : i32
        %multiple_of3A = tpu.assume_multiple %min3A_953, 8 : i32
        %dma_start3A_954 = arith.constant 5 : i32
        %dma_start3A_955 = arith.constant 0 : i32
        %dma_start3A_956 = tpu.memref_slice %arg10[%dma_start3A_954, %dma_start3A_955] : memref<6x128xi32, #tpu.memory_space<vmem>> -> memref<1x128xi32, #tpu.memory_space<vmem>>
        %dma_start3A_957 = tpu.memref_squeeze %dma_start3A_956 : memref<1x128xi32, #tpu.memory_space<vmem>> -> memref<128xi32, #tpu.memory_space<vmem>>
        %dma_start3A_958 = tpu.memref_slice %arg3[%multiple_of3A] : memref<50000xi32, #tpu.memory_space<hbm>> -> memref<128xi32, #tpu.memory_space<hbm>>
        %dma_start3A_959 = arith.constant 0 : i32
        %dma_start3A_960 = tpu.memref_slice %arg10[%dma_start3A_954, %dma_start3A_959] : memref<6x128xi32, #tpu.memory_space<vmem>> -> memref<1x128xi32, #tpu.memory_space<vmem>>
        %dma_start3A_961 = tpu.memref_squeeze %dma_start3A_960 : memref<1x128xi32, #tpu.memory_space<vmem>> -> memref<128xi32, #tpu.memory_space<vmem>>
        %dma_start3A_962 = tpu.memref_slice %arg3[%multiple_of3A] : memref<50000xi32, #tpu.memory_space<hbm>> -> memref<128xi32, #tpu.memory_space<hbm>>
        tpu.enqueue_dma source(%dma_start3A_962 : memref<128xi32, #tpu.memory_space<hbm>>) target(%dma_start3A_961 : memref<128xi32, #tpu.memory_space<vmem>>) target_semaphore(%arg19 : memref<!tpu.dma_semaphore, #tpu.memory_space<semaphore_mem>>)
        %dma_start3A_963 = arith.constant 5 : i32
        %dma_start3A_964 = arith.constant 0 : i32
        %dma_start3A_965 = tpu.memref_slice %arg11[%dma_start3A_963, %dma_start3A_964] : memref<6x128xi32, #tpu.memory_space<vmem>> -> memref<1x128xi32, #tpu.memory_space<vmem>>
        %dma_start3A_966 = tpu.memref_squeeze %dma_start3A_965 : memref<1x128xi32, #tpu.memory_space<vmem>> -> memref<128xi32, #tpu.memory_space<vmem>>
        %dma_start3A_967 = tpu.memref_slice %arg4[%multiple_of3A] : memref<50000xi32, #tpu.memory_space<hbm>> -> memref<128xi32, #tpu.memory_space<hbm>>
        %dma_start3A_968 = arith.constant 0 : i32
        %dma_start3A_969 = tpu.memref_slice %arg11[%dma_start3A_963, %dma_start3A_968] : memref<6x128xi32, #tpu.memory_space<vmem>> -> memref<1x128xi32, #tpu.memory_space<vmem>>
        %dma_start3A_970 = tpu.memref_squeeze %dma_start3A_969 : memref<1x128xi32, #tpu.memory_space<vmem>> -> memref<128xi32, #tpu.memory_space<vmem>>
        %dma_start3A_971 = tpu.memref_slice %arg4[%multiple_of3A] : memref<50000xi32, #tpu.memory_space<hbm>> -> memref<128xi32, #tpu.memory_space<hbm>>
        tpu.enqueue_dma source(%dma_start3A_971 : memref<128xi32, #tpu.memory_space<hbm>>) target(%dma_start3A_970 : memref<128xi32, #tpu.memory_space<vmem>>) target_semaphore(%arg19 : memref<!tpu.dma_semaphore, #tpu.memory_space<semaphore_mem>>)
      } else {
      }
      %mul3A_846 = arith.constant 6 : i32
      %mul3A_847 = arith.muli %while3A_719, %mul3A_846 : i32
      %add3A_848 = arith.constant 0 : i32
      %add3A_849 = arith.addi %mul3A_847, %add3A_848 : i32
      %lt3A_850 = arith.cmpi slt, %add3A_849, %max3A_602 : i32
      %convert_element_type3A_851 = arith.extui %lt3A_850 : i1 to i32
      %cond3A_852 = arith.constant 0 : i32
      %cond3A_853 = arith.cmpi ne, %convert_element_type3A_851, %cond3A_852 : i32
      scf.if %cond3A_853 {
        %dma_wait3A = arith.constant 0 : i32
        %dma_wait3A_947 = arith.constant 0 : i32
        %dma_wait3A_948 = tpu.memref_slice %arg10[%dma_wait3A, %dma_wait3A_947] : memref<6x128xi32, #tpu.memory_space<vmem>> -> memref<1x128xi32, #tpu.memory_space<vmem>>
        %dma_wait3A_949 = tpu.memref_squeeze %dma_wait3A_948 : memref<1x128xi32, #tpu.memory_space<vmem>> -> memref<128xi32, #tpu.memory_space<vmem>>
        %dma_wait3A_950 = arith.constant 0 : i32
        %dma_wait3A_951 = tpu.memref_slice %arg3[%dma_wait3A_950] : memref<50000xi32, #tpu.memory_space<hbm>> -> memref<128xi32, #tpu.memory_space<hbm>>
        %dma_wait3A_952 = arith.constant 0 : i32
        %dma_wait3A_953 = tpu.memref_slice %arg10[%dma_wait3A, %dma_wait3A_952] : memref<6x128xi32, #tpu.memory_space<vmem>> -> memref<1x128xi32, #tpu.memory_space<vmem>>
        %dma_wait3A_954 = tpu.memref_squeeze %dma_wait3A_953 : memref<1x128xi32, #tpu.memory_space<vmem>> -> memref<128xi32, #tpu.memory_space<vmem>>
        %dma_wait3A_955 = arith.constant 0 : i32
        %dma_wait3A_956 = tpu.memref_slice %arg3[%dma_wait3A_955] : memref<50000xi32, #tpu.memory_space<hbm>> -> memref<128xi32, #tpu.memory_space<hbm>>
        tpu.wait_dma2 semaphore(%arg19 : memref<!tpu.dma_semaphore, #tpu.memory_space<semaphore_mem>>) src(%dma_wait3A_956 : memref<128xi32, #tpu.memory_space<hbm>>) dst(%dma_wait3A_954 : memref<128xi32, #tpu.memory_space<vmem>>)
        %dma_wait3A_957 = arith.constant 0 : i32
        %dma_wait3A_958 = arith.constant 0 : i32
        %dma_wait3A_959 = tpu.memref_slice %arg11[%dma_wait3A_957, %dma_wait3A_958] : memref<6x128xi32, #tpu.memory_space<vmem>> -> memref<1x128xi32, #tpu.memory_space<vmem>>
        %dma_wait3A_960 = tpu.memref_squeeze %dma_wait3A_959 : memref<1x128xi32, #tpu.memory_space<vmem>> -> memref<128xi32, #tpu.memory_space<vmem>>
        %dma_wait3A_961 = arith.constant 0 : i32
        %dma_wait3A_962 = tpu.memref_slice %arg4[%dma_wait3A_961] : memref<50000xi32, #tpu.memory_space<hbm>> -> memref<128xi32, #tpu.memory_space<hbm>>
        %dma_wait3A_963 = arith.constant 0 : i32
        %dma_wait3A_964 = tpu.memref_slice %arg11[%dma_wait3A_957, %dma_wait3A_963] : memref<6x128xi32, #tpu.memory_space<vmem>> -> memref<1x128xi32, #tpu.memory_space<vmem>>
        %dma_wait3A_965 = tpu.memref_squeeze %dma_wait3A_964 : memref<1x128xi32, #tpu.memory_space<vmem>> -> memref<128xi32, #tpu.memory_space<vmem>>
        %dma_wait3A_966 = arith.constant 0 : i32
        %dma_wait3A_967 = tpu.memref_slice %arg4[%dma_wait3A_966] : memref<50000xi32, #tpu.memory_space<hbm>> -> memref<128xi32, #tpu.memory_space<hbm>>
        tpu.wait_dma2 semaphore(%arg19 : memref<!tpu.dma_semaphore, #tpu.memory_space<semaphore_mem>>) src(%dma_wait3A_967 : memref<128xi32, #tpu.memory_space<hbm>>) dst(%dma_wait3A_965 : memref<128xi32, #tpu.memory_space<vmem>>)
        %dma_start3A_968 = arith.constant 0 : i32
        %dma_start3A_969 = arith.constant 0 : i32
        %dma_start3A_970 = tpu.memref_slice %arg11[%dma_start3A_968, %dma_start3A_969] : memref<6x128xi32, #tpu.memory_space<vmem>> -> memref<1x128xi32, #tpu.memory_space<vmem>>
        %dma_start3A_971 = tpu.memref_squeeze %dma_start3A_970 : memref<1x128xi32, #tpu.memory_space<vmem>> -> memref<128xi32, #tpu.memory_space<vmem>>
        %dma_start3A_972 = arith.constant 0 : i32
        %dma_start3A_973 = arith.constant 0 : i32
        %dma_start3A_974 = tpu.memref_slice %arg2[%dma_start3A_972, %dma_start3A_973] : memref<50000x128xf32, #tpu.memory_space<hbm>> -> memref<50000x128xf32, #tpu.memory_space<hbm>>
        tpu.enqueue_indirect_dma source(%dma_start3A_974 : memref<50000x128xf32, #tpu.memory_space<hbm>>) target(%arg12 : memref<128x128xf32, #tpu.memory_space<vmem>>) offsets(%dma_start3A_971 : memref<128xi32, #tpu.memory_space<vmem>>) semaphore(%arg20 : memref<!tpu.dma_semaphore, #tpu.memory_space<semaphore_mem>>)
      } else {
      }
      %mul3A_854 = arith.constant 6 : i32
      %mul3A_855 = arith.muli %while3A_719, %mul3A_854 : i32
      %add3A_856 = arith.constant 1 : i32
      %add3A_857 = arith.addi %mul3A_855, %add3A_856 : i32
      %lt3A_858 = arith.cmpi slt, %add3A_857, %max3A_602 : i32
      %convert_element_type3A_859 = arith.extui %lt3A_858 : i1 to i32
      %cond3A_860 = arith.constant 0 : i32
      %cond3A_861 = arith.cmpi ne, %convert_element_type3A_859, %cond3A_860 : i32
      scf.if %cond3A_861 {
        %dma_wait3A = arith.constant 1 : i32
        %dma_wait3A_947 = arith.constant 0 : i32
        %dma_wait3A_948 = tpu.memref_slice %arg10[%dma_wait3A, %dma_wait3A_947] : memref<6x128xi32, #tpu.memory_space<vmem>> -> memref<1x128xi32, #tpu.memory_space<vmem>>
        %dma_wait3A_949 = tpu.memref_squeeze %dma_wait3A_948 : memref<1x128xi32, #tpu.memory_space<vmem>> -> memref<128xi32, #tpu.memory_space<vmem>>
        %dma_wait3A_950 = arith.constant 0 : i32
        %dma_wait3A_951 = tpu.memref_slice %arg3[%dma_wait3A_950] : memref<50000xi32, #tpu.memory_space<hbm>> -> memref<128xi32, #tpu.memory_space<hbm>>
        %dma_wait3A_952 = arith.constant 0 : i32
        %dma_wait3A_953 = tpu.memref_slice %arg10[%dma_wait3A, %dma_wait3A_952] : memref<6x128xi32, #tpu.memory_space<vmem>> -> memref<1x128xi32, #tpu.memory_space<vmem>>
        %dma_wait3A_954 = tpu.memref_squeeze %dma_wait3A_953 : memref<1x128xi32, #tpu.memory_space<vmem>> -> memref<128xi32, #tpu.memory_space<vmem>>
        %dma_wait3A_955 = arith.constant 0 : i32
        %dma_wait3A_956 = tpu.memref_slice %arg3[%dma_wait3A_955] : memref<50000xi32, #tpu.memory_space<hbm>> -> memref<128xi32, #tpu.memory_space<hbm>>
        tpu.wait_dma2 semaphore(%arg19 : memref<!tpu.dma_semaphore, #tpu.memory_space<semaphore_mem>>) src(%dma_wait3A_956 : memref<128xi32, #tpu.memory_space<hbm>>) dst(%dma_wait3A_954 : memref<128xi32, #tpu.memory_space<vmem>>)
        %dma_wait3A_957 = arith.constant 1 : i32
        %dma_wait3A_958 = arith.constant 0 : i32
        %dma_wait3A_959 = tpu.memref_slice %arg11[%dma_wait3A_957, %dma_wait3A_958] : memref<6x128xi32, #tpu.memory_space<vmem>> -> memref<1x128xi32, #tpu.memory_space<vmem>>
        %dma_wait3A_960 = tpu.memref_squeeze %dma_wait3A_959 : memref<1x128xi32, #tpu.memory_space<vmem>> -> memref<128xi32, #tpu.memory_space<vmem>>
        %dma_wait3A_961 = arith.constant 0 : i32
        %dma_wait3A_962 = tpu.memref_slice %arg4[%dma_wait3A_961] : memref<50000xi32, #tpu.memory_space<hbm>> -> memref<128xi32, #tpu.memory_space<hbm>>
        %dma_wait3A_963 = arith.constant 0 : i32
        %dma_wait3A_964 = tpu.memref_slice %arg11[%dma_wait3A_957, %dma_wait3A_963] : memref<6x128xi32, #tpu.memory_space<vmem>> -> memref<1x128xi32, #tpu.memory_space<vmem>>
        %dma_wait3A_965 = tpu.memref_squeeze %dma_wait3A_964 : memref<1x128xi32, #tpu.memory_space<vmem>> -> memref<128xi32, #tpu.memory_space<vmem>>
        %dma_wait3A_966 = arith.constant 0 : i32
        %dma_wait3A_967 = tpu.memref_slice %arg4[%dma_wait3A_966] : memref<50000xi32, #tpu.memory_space<hbm>> -> memref<128xi32, #tpu.memory_space<hbm>>
        tpu.wait_dma2 semaphore(%arg19 : memref<!tpu.dma_semaphore, #tpu.memory_space<semaphore_mem>>) src(%dma_wait3A_967 : memref<128xi32, #tpu.memory_space<hbm>>) dst(%dma_wait3A_965 : memref<128xi32, #tpu.memory_space<vmem>>)
        %dma_start3A_968 = arith.constant 1 : i32
        %dma_start3A_969 = arith.constant 0 : i32
        %dma_start3A_970 = tpu.memref_slice %arg11[%dma_start3A_968, %dma_start3A_969] : memref<6x128xi32, #tpu.memory_space<vmem>> -> memref<1x128xi32, #tpu.memory_space<vmem>>
        %dma_start3A_971 = tpu.memref_squeeze %dma_start3A_970 : memref<1x128xi32, #tpu.memory_space<vmem>> -> memref<128xi32, #tpu.memory_space<vmem>>
        %dma_start3A_972 = arith.constant 0 : i32
        %dma_start3A_973 = arith.constant 0 : i32
        %dma_start3A_974 = tpu.memref_slice %arg2[%dma_start3A_972, %dma_start3A_973] : memref<50000x128xf32, #tpu.memory_space<hbm>> -> memref<50000x128xf32, #tpu.memory_space<hbm>>
        tpu.enqueue_indirect_dma source(%dma_start3A_974 : memref<50000x128xf32, #tpu.memory_space<hbm>>) target(%arg13 : memref<128x128xf32, #tpu.memory_space<vmem>>) offsets(%dma_start3A_971 : memref<128xi32, #tpu.memory_space<vmem>>) semaphore(%arg20 : memref<!tpu.dma_semaphore, #tpu.memory_space<semaphore_mem>>)
      } else {
      }
      %mul3A_862 = arith.constant 6 : i32
      %mul3A_863 = arith.muli %while3A_719, %mul3A_862 : i32
      %add3A_864 = arith.constant 2 : i32
      %add3A_865 = arith.addi %mul3A_863, %add3A_864 : i32
      %lt3A_866 = arith.cmpi slt, %add3A_865, %max3A_602 : i32
      %convert_element_type3A_867 = arith.extui %lt3A_866 : i1 to i32
      %cond3A_868 = arith.constant 0 : i32
      %cond3A_869 = arith.cmpi ne, %convert_element_type3A_867, %cond3A_868 : i32
      scf.if %cond3A_869 {
        %dma_wait3A = arith.constant 2 : i32
        %dma_wait3A_947 = arith.constant 0 : i32
        %dma_wait3A_948 = tpu.memref_slice %arg10[%dma_wait3A, %dma_wait3A_947] : memref<6x128xi32, #tpu.memory_space<vmem>> -> memref<1x128xi32, #tpu.memory_space<vmem>>
        %dma_wait3A_949 = tpu.memref_squeeze %dma_wait3A_948 : memref<1x128xi32, #tpu.memory_space<vmem>> -> memref<128xi32, #tpu.memory_space<vmem>>
        %dma_wait3A_950 = arith.constant 0 : i32
        %dma_wait3A_951 = tpu.memref_slice %arg3[%dma_wait3A_950] : memref<50000xi32, #tpu.memory_space<hbm>> -> memref<128xi32, #tpu.memory_space<hbm>>
        %dma_wait3A_952 = arith.constant 0 : i32
        %dma_wait3A_953 = tpu.memref_slice %arg10[%dma_wait3A, %dma_wait3A_952] : memref<6x128xi32, #tpu.memory_space<vmem>> -> memref<1x128xi32, #tpu.memory_space<vmem>>
        %dma_wait3A_954 = tpu.memref_squeeze %dma_wait3A_953 : memref<1x128xi32, #tpu.memory_space<vmem>> -> memref<128xi32, #tpu.memory_space<vmem>>
        %dma_wait3A_955 = arith.constant 0 : i32
        %dma_wait3A_956 = tpu.memref_slice %arg3[%dma_wait3A_955] : memref<50000xi32, #tpu.memory_space<hbm>> -> memref<128xi32, #tpu.memory_space<hbm>>
        tpu.wait_dma2 semaphore(%arg19 : memref<!tpu.dma_semaphore, #tpu.memory_space<semaphore_mem>>) src(%dma_wait3A_956 : memref<128xi32, #tpu.memory_space<hbm>>) dst(%dma_wait3A_954 : memref<128xi32, #tpu.memory_space<vmem>>)
        %dma_wait3A_957 = arith.constant 2 : i32
        %dma_wait3A_958 = arith.constant 0 : i32
        %dma_wait3A_959 = tpu.memref_slice %arg11[%dma_wait3A_957, %dma_wait3A_958] : memref<6x128xi32, #tpu.memory_space<vmem>> -> memref<1x128xi32, #tpu.memory_space<vmem>>
        %dma_wait3A_960 = tpu.memref_squeeze %dma_wait3A_959 : memref<1x128xi32, #tpu.memory_space<vmem>> -> memref<128xi32, #tpu.memory_space<vmem>>
        %dma_wait3A_961 = arith.constant 0 : i32
        %dma_wait3A_962 = tpu.memref_slice %arg4[%dma_wait3A_961] : memref<50000xi32, #tpu.memory_space<hbm>> -> memref<128xi32, #tpu.memory_space<hbm>>
        %dma_wait3A_963 = arith.constant 0 : i32
        %dma_wait3A_964 = tpu.memref_slice %arg11[%dma_wait3A_957, %dma_wait3A_963] : memref<6x128xi32, #tpu.memory_space<vmem>> -> memref<1x128xi32, #tpu.memory_space<vmem>>
        %dma_wait3A_965 = tpu.memref_squeeze %dma_wait3A_964 : memref<1x128xi32, #tpu.memory_space<vmem>> -> memref<128xi32, #tpu.memory_space<vmem>>
        %dma_wait3A_966 = arith.constant 0 : i32
        %dma_wait3A_967 = tpu.memref_slice %arg4[%dma_wait3A_966] : memref<50000xi32, #tpu.memory_space<hbm>> -> memref<128xi32, #tpu.memory_space<hbm>>
        tpu.wait_dma2 semaphore(%arg19 : memref<!tpu.dma_semaphore, #tpu.memory_space<semaphore_mem>>) src(%dma_wait3A_967 : memref<128xi32, #tpu.memory_space<hbm>>) dst(%dma_wait3A_965 : memref<128xi32, #tpu.memory_space<vmem>>)
        %dma_start3A_968 = arith.constant 2 : i32
        %dma_start3A_969 = arith.constant 0 : i32
        %dma_start3A_970 = tpu.memref_slice %arg11[%dma_start3A_968, %dma_start3A_969] : memref<6x128xi32, #tpu.memory_space<vmem>> -> memref<1x128xi32, #tpu.memory_space<vmem>>
        %dma_start3A_971 = tpu.memref_squeeze %dma_start3A_970 : memref<1x128xi32, #tpu.memory_space<vmem>> -> memref<128xi32, #tpu.memory_space<vmem>>
        %dma_start3A_972 = arith.constant 0 : i32
        %dma_start3A_973 = arith.constant 0 : i32
        %dma_start3A_974 = tpu.memref_slice %arg2[%dma_start3A_972, %dma_start3A_973] : memref<50000x128xf32, #tpu.memory_space<hbm>> -> memref<50000x128xf32, #tpu.memory_space<hbm>>
        tpu.enqueue_indirect_dma source(%dma_start3A_974 : memref<50000x128xf32, #tpu.memory_space<hbm>>) target(%arg14 : memref<128x128xf32, #tpu.memory_space<vmem>>) offsets(%dma_start3A_971 : memref<128xi32, #tpu.memory_space<vmem>>) semaphore(%arg20 : memref<!tpu.dma_semaphore, #tpu.memory_space<semaphore_mem>>)
      } else {
      }
      %mul3A_870 = arith.constant 6 : i32
      %mul3A_871 = arith.muli %while3A_719, %mul3A_870 : i32
      %add3A_872 = arith.constant 3 : i32
      %add3A_873 = arith.addi %mul3A_871, %add3A_872 : i32
      %lt3A_874 = arith.cmpi slt, %add3A_873, %max3A_602 : i32
      %convert_element_type3A_875 = arith.extui %lt3A_874 : i1 to i32
      %cond3A_876 = arith.constant 0 : i32
      %cond3A_877 = arith.cmpi ne, %convert_element_type3A_875, %cond3A_876 : i32
      scf.if %cond3A_877 {
        %dma_wait3A = arith.constant 3 : i32
        %dma_wait3A_947 = arith.constant 0 : i32
        %dma_wait3A_948 = tpu.memref_slice %arg10[%dma_wait3A, %dma_wait3A_947] : memref<6x128xi32, #tpu.memory_space<vmem>> -> memref<1x128xi32, #tpu.memory_space<vmem>>
        %dma_wait3A_949 = tpu.memref_squeeze %dma_wait3A_948 : memref<1x128xi32, #tpu.memory_space<vmem>> -> memref<128xi32, #tpu.memory_space<vmem>>
        %dma_wait3A_950 = arith.constant 0 : i32
        %dma_wait3A_951 = tpu.memref_slice %arg3[%dma_wait3A_950] : memref<50000xi32, #tpu.memory_space<hbm>> -> memref<128xi32, #tpu.memory_space<hbm>>
        %dma_wait3A_952 = arith.constant 0 : i32
        %dma_wait3A_953 = tpu.memref_slice %arg10[%dma_wait3A, %dma_wait3A_952] : memref<6x128xi32, #tpu.memory_space<vmem>> -> memref<1x128xi32, #tpu.memory_space<vmem>>
        %dma_wait3A_954 = tpu.memref_squeeze %dma_wait3A_953 : memref<1x128xi32, #tpu.memory_space<vmem>> -> memref<128xi32, #tpu.memory_space<vmem>>
        %dma_wait3A_955 = arith.constant 0 : i32
        %dma_wait3A_956 = tpu.memref_slice %arg3[%dma_wait3A_955] : memref<50000xi32, #tpu.memory_space<hbm>> -> memref<128xi32, #tpu.memory_space<hbm>>
        tpu.wait_dma2 semaphore(%arg19 : memref<!tpu.dma_semaphore, #tpu.memory_space<semaphore_mem>>) src(%dma_wait3A_956 : memref<128xi32, #tpu.memory_space<hbm>>) dst(%dma_wait3A_954 : memref<128xi32, #tpu.memory_space<vmem>>)
        %dma_wait3A_957 = arith.constant 3 : i32
        %dma_wait3A_958 = arith.constant 0 : i32
        %dma_wait3A_959 = tpu.memref_slice %arg11[%dma_wait3A_957, %dma_wait3A_958] : memref<6x128xi32, #tpu.memory_space<vmem>> -> memref<1x128xi32, #tpu.memory_space<vmem>>
        %dma_wait3A_960 = tpu.memref_squeeze %dma_wait3A_959 : memref<1x128xi32, #tpu.memory_space<vmem>> -> memref<128xi32, #tpu.memory_space<vmem>>
        %dma_wait3A_961 = arith.constant 0 : i32
        %dma_wait3A_962 = tpu.memref_slice %arg4[%dma_wait3A_961] : memref<50000xi32, #tpu.memory_space<hbm>> -> memref<128xi32, #tpu.memory_space<hbm>>
        %dma_wait3A_963 = arith.constant 0 : i32
        %dma_wait3A_964 = tpu.memref_slice %arg11[%dma_wait3A_957, %dma_wait3A_963] : memref<6x128xi32, #tpu.memory_space<vmem>> -> memref<1x128xi32, #tpu.memory_space<vmem>>
        %dma_wait3A_965 = tpu.memref_squeeze %dma_wait3A_964 : memref<1x128xi32, #tpu.memory_space<vmem>> -> memref<128xi32, #tpu.memory_space<vmem>>
        %dma_wait3A_966 = arith.constant 0 : i32
        %dma_wait3A_967 = tpu.memref_slice %arg4[%dma_wait3A_966] : memref<50000xi32, #tpu.memory_space<hbm>> -> memref<128xi32, #tpu.memory_space<hbm>>
        tpu.wait_dma2 semaphore(%arg19 : memref<!tpu.dma_semaphore, #tpu.memory_space<semaphore_mem>>) src(%dma_wait3A_967 : memref<128xi32, #tpu.memory_space<hbm>>) dst(%dma_wait3A_965 : memref<128xi32, #tpu.memory_space<vmem>>)
        %dma_start3A_968 = arith.constant 3 : i32
        %dma_start3A_969 = arith.constant 0 : i32
        %dma_start3A_970 = tpu.memref_slice %arg11[%dma_start3A_968, %dma_start3A_969] : memref<6x128xi32, #tpu.memory_space<vmem>> -> memref<1x128xi32, #tpu.memory_space<vmem>>
        %dma_start3A_971 = tpu.memref_squeeze %dma_start3A_970 : memref<1x128xi32, #tpu.memory_space<vmem>> -> memref<128xi32, #tpu.memory_space<vmem>>
        %dma_start3A_972 = arith.constant 0 : i32
        %dma_start3A_973 = arith.constant 0 : i32
        %dma_start3A_974 = tpu.memref_slice %arg2[%dma_start3A_972, %dma_start3A_973] : memref<50000x128xf32, #tpu.memory_space<hbm>> -> memref<50000x128xf32, #tpu.memory_space<hbm>>
        tpu.enqueue_indirect_dma source(%dma_start3A_974 : memref<50000x128xf32, #tpu.memory_space<hbm>>) target(%arg15 : memref<128x128xf32, #tpu.memory_space<vmem>>) offsets(%dma_start3A_971 : memref<128xi32, #tpu.memory_space<vmem>>) semaphore(%arg20 : memref<!tpu.dma_semaphore, #tpu.memory_space<semaphore_mem>>)
      } else {
      }
      %mul3A_878 = arith.constant 6 : i32
      %mul3A_879 = arith.muli %while3A_719, %mul3A_878 : i32
      %add3A_880 = arith.constant 4 : i32
      %add3A_881 = arith.addi %mul3A_879, %add3A_880 : i32
      %lt3A_882 = arith.cmpi slt, %add3A_881, %max3A_602 : i32
      %convert_element_type3A_883 = arith.extui %lt3A_882 : i1 to i32
      %cond3A_884 = arith.constant 0 : i32
      %cond3A_885 = arith.cmpi ne, %convert_element_type3A_883, %cond3A_884 : i32
      scf.if %cond3A_885 {
        %dma_wait3A = arith.constant 4 : i32
        %dma_wait3A_947 = arith.constant 0 : i32
        %dma_wait3A_948 = tpu.memref_slice %arg10[%dma_wait3A, %dma_wait3A_947] : memref<6x128xi32, #tpu.memory_space<vmem>> -> memref<1x128xi32, #tpu.memory_space<vmem>>
        %dma_wait3A_949 = tpu.memref_squeeze %dma_wait3A_948 : memref<1x128xi32, #tpu.memory_space<vmem>> -> memref<128xi32, #tpu.memory_space<vmem>>
        %dma_wait3A_950 = arith.constant 0 : i32
        %dma_wait3A_951 = tpu.memref_slice %arg3[%dma_wait3A_950] : memref<50000xi32, #tpu.memory_space<hbm>> -> memref<128xi32, #tpu.memory_space<hbm>>
        %dma_wait3A_952 = arith.constant 0 : i32
        %dma_wait3A_953 = tpu.memref_slice %arg10[%dma_wait3A, %dma_wait3A_952] : memref<6x128xi32, #tpu.memory_space<vmem>> -> memref<1x128xi32, #tpu.memory_space<vmem>>
        %dma_wait3A_954 = tpu.memref_squeeze %dma_wait3A_953 : memref<1x128xi32, #tpu.memory_space<vmem>> -> memref<128xi32, #tpu.memory_space<vmem>>
        %dma_wait3A_955 = arith.constant 0 : i32
        %dma_wait3A_956 = tpu.memref_slice %arg3[%dma_wait3A_955] : memref<50000xi32, #tpu.memory_space<hbm>> -> memref<128xi32, #tpu.memory_space<hbm>>
        tpu.wait_dma2 semaphore(%arg19 : memref<!tpu.dma_semaphore, #tpu.memory_space<semaphore_mem>>) src(%dma_wait3A_956 : memref<128xi32, #tpu.memory_space<hbm>>) dst(%dma_wait3A_954 : memref<128xi32, #tpu.memory_space<vmem>>)
        %dma_wait3A_957 = arith.constant 4 : i32
        %dma_wait3A_958 = arith.constant 0 : i32
        %dma_wait3A_959 = tpu.memref_slice %arg11[%dma_wait3A_957, %dma_wait3A_958] : memref<6x128xi32, #tpu.memory_space<vmem>> -> memref<1x128xi32, #tpu.memory_space<vmem>>
        %dma_wait3A_960 = tpu.memref_squeeze %dma_wait3A_959 : memref<1x128xi32, #tpu.memory_space<vmem>> -> memref<128xi32, #tpu.memory_space<vmem>>
        %dma_wait3A_961 = arith.constant 0 : i32
        %dma_wait3A_962 = tpu.memref_slice %arg4[%dma_wait3A_961] : memref<50000xi32, #tpu.memory_space<hbm>> -> memref<128xi32, #tpu.memory_space<hbm>>
        %dma_wait3A_963 = arith.constant 0 : i32
        %dma_wait3A_964 = tpu.memref_slice %arg11[%dma_wait3A_957, %dma_wait3A_963] : memref<6x128xi32, #tpu.memory_space<vmem>> -> memref<1x128xi32, #tpu.memory_space<vmem>>
        %dma_wait3A_965 = tpu.memref_squeeze %dma_wait3A_964 : memref<1x128xi32, #tpu.memory_space<vmem>> -> memref<128xi32, #tpu.memory_space<vmem>>
        %dma_wait3A_966 = arith.constant 0 : i32
        %dma_wait3A_967 = tpu.memref_slice %arg4[%dma_wait3A_966] : memref<50000xi32, #tpu.memory_space<hbm>> -> memref<128xi32, #tpu.memory_space<hbm>>
        tpu.wait_dma2 semaphore(%arg19 : memref<!tpu.dma_semaphore, #tpu.memory_space<semaphore_mem>>) src(%dma_wait3A_967 : memref<128xi32, #tpu.memory_space<hbm>>) dst(%dma_wait3A_965 : memref<128xi32, #tpu.memory_space<vmem>>)
        %dma_start3A_968 = arith.constant 4 : i32
        %dma_start3A_969 = arith.constant 0 : i32
        %dma_start3A_970 = tpu.memref_slice %arg11[%dma_start3A_968, %dma_start3A_969] : memref<6x128xi32, #tpu.memory_space<vmem>> -> memref<1x128xi32, #tpu.memory_space<vmem>>
        %dma_start3A_971 = tpu.memref_squeeze %dma_start3A_970 : memref<1x128xi32, #tpu.memory_space<vmem>> -> memref<128xi32, #tpu.memory_space<vmem>>
        %dma_start3A_972 = arith.constant 0 : i32
        %dma_start3A_973 = arith.constant 0 : i32
        %dma_start3A_974 = tpu.memref_slice %arg2[%dma_start3A_972, %dma_start3A_973] : memref<50000x128xf32, #tpu.memory_space<hbm>> -> memref<50000x128xf32, #tpu.memory_space<hbm>>
        tpu.enqueue_indirect_dma source(%dma_start3A_974 : memref<50000x128xf32, #tpu.memory_space<hbm>>) target(%arg16 : memref<128x128xf32, #tpu.memory_space<vmem>>) offsets(%dma_start3A_971 : memref<128xi32, #tpu.memory_space<vmem>>) semaphore(%arg20 : memref<!tpu.dma_semaphore, #tpu.memory_space<semaphore_mem>>)
      } else {
      }
      %mul3A_886 = arith.constant 6 : i32
      %mul3A_887 = arith.muli %while3A_719, %mul3A_886 : i32
      %add3A_888 = arith.constant 5 : i32
      %add3A_889 = arith.addi %mul3A_887, %add3A_888 : i32
      %lt3A_890 = arith.cmpi slt, %add3A_889, %max3A_602 : i32
      %convert_element_type3A_891 = arith.extui %lt3A_890 : i1 to i32
      %cond3A_892 = arith.constant 0 : i32
      %cond3A_893 = arith.cmpi ne, %convert_element_type3A_891, %cond3A_892 : i32
      scf.if %cond3A_893 {
        %dma_wait3A = arith.constant 5 : i32
        %dma_wait3A_947 = arith.constant 0 : i32
        %dma_wait3A_948 = tpu.memref_slice %arg10[%dma_wait3A, %dma_wait3A_947] : memref<6x128xi32, #tpu.memory_space<vmem>> -> memref<1x128xi32, #tpu.memory_space<vmem>>
        %dma_wait3A_949 = tpu.memref_squeeze %dma_wait3A_948 : memref<1x128xi32, #tpu.memory_space<vmem>> -> memref<128xi32, #tpu.memory_space<vmem>>
        %dma_wait3A_950 = arith.constant 0 : i32
        %dma_wait3A_951 = tpu.memref_slice %arg3[%dma_wait3A_950] : memref<50000xi32, #tpu.memory_space<hbm>> -> memref<128xi32, #tpu.memory_space<hbm>>
        %dma_wait3A_952 = arith.constant 0 : i32
        %dma_wait3A_953 = tpu.memref_slice %arg10[%dma_wait3A, %dma_wait3A_952] : memref<6x128xi32, #tpu.memory_space<vmem>> -> memref<1x128xi32, #tpu.memory_space<vmem>>
        %dma_wait3A_954 = tpu.memref_squeeze %dma_wait3A_953 : memref<1x128xi32, #tpu.memory_space<vmem>> -> memref<128xi32, #tpu.memory_space<vmem>>
        %dma_wait3A_955 = arith.constant 0 : i32
        %dma_wait3A_956 = tpu.memref_slice %arg3[%dma_wait3A_955] : memref<50000xi32, #tpu.memory_space<hbm>> -> memref<128xi32, #tpu.memory_space<hbm>>
        tpu.wait_dma2 semaphore(%arg19 : memref<!tpu.dma_semaphore, #tpu.memory_space<semaphore_mem>>) src(%dma_wait3A_956 : memref<128xi32, #tpu.memory_space<hbm>>) dst(%dma_wait3A_954 : memref<128xi32, #tpu.memory_space<vmem>>)
        %dma_wait3A_957 = arith.constant 5 : i32
        %dma_wait3A_958 = arith.constant 0 : i32
        %dma_wait3A_959 = tpu.memref_slice %arg11[%dma_wait3A_957, %dma_wait3A_958] : memref<6x128xi32, #tpu.memory_space<vmem>> -> memref<1x128xi32, #tpu.memory_space<vmem>>
        %dma_wait3A_960 = tpu.memref_squeeze %dma_wait3A_959 : memref<1x128xi32, #tpu.memory_space<vmem>> -> memref<128xi32, #tpu.memory_space<vmem>>
        %dma_wait3A_961 = arith.constant 0 : i32
        %dma_wait3A_962 = tpu.memref_slice %arg4[%dma_wait3A_961] : memref<50000xi32, #tpu.memory_space<hbm>> -> memref<128xi32, #tpu.memory_space<hbm>>
        %dma_wait3A_963 = arith.constant 0 : i32
        %dma_wait3A_964 = tpu.memref_slice %arg11[%dma_wait3A_957, %dma_wait3A_963] : memref<6x128xi32, #tpu.memory_space<vmem>> -> memref<1x128xi32, #tpu.memory_space<vmem>>
        %dma_wait3A_965 = tpu.memref_squeeze %dma_wait3A_964 : memref<1x128xi32, #tpu.memory_space<vmem>> -> memref<128xi32, #tpu.memory_space<vmem>>
        %dma_wait3A_966 = arith.constant 0 : i32
        %dma_wait3A_967 = tpu.memref_slice %arg4[%dma_wait3A_966] : memref<50000xi32, #tpu.memory_space<hbm>> -> memref<128xi32, #tpu.memory_space<hbm>>
        tpu.wait_dma2 semaphore(%arg19 : memref<!tpu.dma_semaphore, #tpu.memory_space<semaphore_mem>>) src(%dma_wait3A_967 : memref<128xi32, #tpu.memory_space<hbm>>) dst(%dma_wait3A_965 : memref<128xi32, #tpu.memory_space<vmem>>)
        %dma_start3A_968 = arith.constant 5 : i32
        %dma_start3A_969 = arith.constant 0 : i32
        %dma_start3A_970 = tpu.memref_slice %arg11[%dma_start3A_968, %dma_start3A_969] : memref<6x128xi32, #tpu.memory_space<vmem>> -> memref<1x128xi32, #tpu.memory_space<vmem>>
        %dma_start3A_971 = tpu.memref_squeeze %dma_start3A_970 : memref<1x128xi32, #tpu.memory_space<vmem>> -> memref<128xi32, #tpu.memory_space<vmem>>
        %dma_start3A_972 = arith.constant 0 : i32
        %dma_start3A_973 = arith.constant 0 : i32
        %dma_start3A_974 = tpu.memref_slice %arg2[%dma_start3A_972, %dma_start3A_973] : memref<50000x128xf32, #tpu.memory_space<hbm>> -> memref<50000x128xf32, #tpu.memory_space<hbm>>
        tpu.enqueue_indirect_dma source(%dma_start3A_974 : memref<50000x128xf32, #tpu.memory_space<hbm>>) target(%arg17 : memref<128x128xf32, #tpu.memory_space<vmem>>) offsets(%dma_start3A_971 : memref<128xi32, #tpu.memory_space<vmem>>) semaphore(%arg20 : memref<!tpu.dma_semaphore, #tpu.memory_space<semaphore_mem>>)
      } else {
      }
      %eq3A_894 = arith.constant 0 : i32
      %eq3A_895 = arith.cmpi eq, %while3A_719, %eq3A_894 : i32
      %convert_element_type3A_896 = arith.extui %eq3A_895 : i1 to i32
      %cond3A_897 = arith.constant 0 : i32
      %cond3A_898 = arith.cmpi ne, %convert_element_type3A_896, %cond3A_897 : i32
      scf.if %cond3A_898 {
        %dma_wait3A = arith.constant 0 : i32
        %dma_wait3A_947 = tpu.memref_slice %arg7[%min3A_21, %dma_wait3A] : memref<100000x128xf32, #tpu.memory_space<hbm>> -> memref<128x128xf32, #tpu.memory_space<hbm>>
        %dma_wait3A_948 = arith.constant 0 : i32
        %dma_wait3A_949 = tpu.memref_slice %arg7[%min3A_21, %dma_wait3A_948] : memref<100000x128xf32, #tpu.memory_space<hbm>> -> memref<128x128xf32, #tpu.memory_space<hbm>>
        tpu.wait_dma2 semaphore(%arg18 : memref<!tpu.dma_semaphore, #tpu.memory_space<semaphore_mem>>) src(%arg9 : memref<128x128xf32, #tpu.memory_space<vmem>>) dst(%dma_wait3A_949 : memref<128x128xf32, #tpu.memory_space<hbm>>)
        %dma_wait3A_950 = arith.constant 0 : i32
        %dma_wait3A_951 = tpu.memref_slice %arg7[%min3A_29, %dma_wait3A_950] : memref<100000x128xf32, #tpu.memory_space<hbm>> -> memref<128x128xf32, #tpu.memory_space<hbm>>
        %dma_wait3A_952 = arith.constant 0 : i32
        %dma_wait3A_953 = tpu.memref_slice %arg7[%min3A_29, %dma_wait3A_952] : memref<100000x128xf32, #tpu.memory_space<hbm>> -> memref<128x128xf32, #tpu.memory_space<hbm>>
        tpu.wait_dma2 semaphore(%arg18 : memref<!tpu.dma_semaphore, #tpu.memory_space<semaphore_mem>>) src(%arg9 : memref<128x128xf32, #tpu.memory_space<vmem>>) dst(%dma_wait3A_953 : memref<128x128xf32, #tpu.memory_space<hbm>>)
        %dma_wait3A_954 = arith.constant 0 : i32
        %dma_wait3A_955 = tpu.memref_slice %arg7[%min3A_38, %dma_wait3A_954] : memref<100000x128xf32, #tpu.memory_space<hbm>> -> memref<128x128xf32, #tpu.memory_space<hbm>>
        %dma_wait3A_956 = arith.constant 0 : i32
        %dma_wait3A_957 = tpu.memref_slice %arg7[%min3A_38, %dma_wait3A_956] : memref<100000x128xf32, #tpu.memory_space<hbm>> -> memref<128x128xf32, #tpu.memory_space<hbm>>
        tpu.wait_dma2 semaphore(%arg18 : memref<!tpu.dma_semaphore, #tpu.memory_space<semaphore_mem>>) src(%arg9 : memref<128x128xf32, #tpu.memory_space<vmem>>) dst(%dma_wait3A_957 : memref<128x128xf32, #tpu.memory_space<hbm>>)
        %dma_wait3A_958 = arith.constant 0 : i32
        %dma_wait3A_959 = tpu.memref_slice %arg7[%min3A_47, %dma_wait3A_958] : memref<100000x128xf32, #tpu.memory_space<hbm>> -> memref<128x128xf32, #tpu.memory_space<hbm>>
        %dma_wait3A_960 = arith.constant 0 : i32
        %dma_wait3A_961 = tpu.memref_slice %arg7[%min3A_47, %dma_wait3A_960] : memref<100000x128xf32, #tpu.memory_space<hbm>> -> memref<128x128xf32, #tpu.memory_space<hbm>>
        tpu.wait_dma2 semaphore(%arg18 : memref<!tpu.dma_semaphore, #tpu.memory_space<semaphore_mem>>) src(%arg9 : memref<128x128xf32, #tpu.memory_space<vmem>>) dst(%dma_wait3A_961 : memref<128x128xf32, #tpu.memory_space<hbm>>)
        %dma_wait3A_962 = arith.constant 0 : i32
        %dma_wait3A_963 = tpu.memref_slice %arg7[%min3A_56, %dma_wait3A_962] : memref<100000x128xf32, #tpu.memory_space<hbm>> -> memref<128x128xf32, #tpu.memory_space<hbm>>
        %dma_wait3A_964 = arith.constant 0 : i32
        %dma_wait3A_965 = tpu.memref_slice %arg7[%min3A_56, %dma_wait3A_964] : memref<100000x128xf32, #tpu.memory_space<hbm>> -> memref<128x128xf32, #tpu.memory_space<hbm>>
        tpu.wait_dma2 semaphore(%arg18 : memref<!tpu.dma_semaphore, #tpu.memory_space<semaphore_mem>>) src(%arg9 : memref<128x128xf32, #tpu.memory_space<vmem>>) dst(%dma_wait3A_965 : memref<128x128xf32, #tpu.memory_space<hbm>>)
        %dma_wait3A_966 = arith.constant 0 : i32
        %dma_wait3A_967 = tpu.memref_slice %arg7[%min3A_65, %dma_wait3A_966] : memref<100000x128xf32, #tpu.memory_space<hbm>> -> memref<128x128xf32, #tpu.memory_space<hbm>>
        %dma_wait3A_968 = arith.constant 0 : i32
        %dma_wait3A_969 = tpu.memref_slice %arg7[%min3A_65, %dma_wait3A_968] : memref<100000x128xf32, #tpu.memory_space<hbm>> -> memref<128x128xf32, #tpu.memory_space<hbm>>
        tpu.wait_dma2 semaphore(%arg18 : memref<!tpu.dma_semaphore, #tpu.memory_space<semaphore_mem>>) src(%arg9 : memref<128x128xf32, #tpu.memory_space<vmem>>) dst(%dma_wait3A_969 : memref<128x128xf32, #tpu.memory_space<hbm>>)
        %dma_wait3A_970 = arith.constant 0 : i32
        %dma_wait3A_971 = tpu.memref_slice %arg7[%min3A_74, %dma_wait3A_970] : memref<100000x128xf32, #tpu.memory_space<hbm>> -> memref<128x128xf32, #tpu.memory_space<hbm>>
        %dma_wait3A_972 = arith.constant 0 : i32
        %dma_wait3A_973 = tpu.memref_slice %arg7[%min3A_74, %dma_wait3A_972] : memref<100000x128xf32, #tpu.memory_space<hbm>> -> memref<128x128xf32, #tpu.memory_space<hbm>>
        tpu.wait_dma2 semaphore(%arg18 : memref<!tpu.dma_semaphore, #tpu.memory_space<semaphore_mem>>) src(%arg9 : memref<128x128xf32, #tpu.memory_space<vmem>>) dst(%dma_wait3A_973 : memref<128x128xf32, #tpu.memory_space<hbm>>)
        %dma_wait3A_974 = arith.constant 0 : i32
        %dma_wait3A_975 = tpu.memref_slice %arg7[%min3A_83, %dma_wait3A_974] : memref<100000x128xf32, #tpu.memory_space<hbm>> -> memref<128x128xf32, #tpu.memory_space<hbm>>
        %dma_wait3A_976 = arith.constant 0 : i32
        %dma_wait3A_977 = tpu.memref_slice %arg7[%min3A_83, %dma_wait3A_976] : memref<100000x128xf32, #tpu.memory_space<hbm>> -> memref<128x128xf32, #tpu.memory_space<hbm>>
        tpu.wait_dma2 semaphore(%arg18 : memref<!tpu.dma_semaphore, #tpu.memory_space<semaphore_mem>>) src(%arg9 : memref<128x128xf32, #tpu.memory_space<vmem>>) dst(%dma_wait3A_977 : memref<128x128xf32, #tpu.memory_space<hbm>>)
        %dma_wait3A_978 = arith.constant 0 : i32
        %dma_wait3A_979 = tpu.memref_slice %arg7[%min3A_92, %dma_wait3A_978] : memref<100000x128xf32, #tpu.memory_space<hbm>> -> memref<128x128xf32, #tpu.memory_space<hbm>>
        %dma_wait3A_980 = arith.constant 0 : i32
        %dma_wait3A_981 = tpu.memref_slice %arg7[%min3A_92, %dma_wait3A_980] : memref<100000x128xf32, #tpu.memory_space<hbm>> -> memref<128x128xf32, #tpu.memory_space<hbm>>
        tpu.wait_dma2 semaphore(%arg18 : memref<!tpu.dma_semaphore, #tpu.memory_space<semaphore_mem>>) src(%arg9 : memref<128x128xf32, #tpu.memory_space<vmem>>) dst(%dma_wait3A_981 : memref<128x128xf32, #tpu.memory_space<hbm>>)
        %dma_wait3A_982 = arith.constant 0 : i32
        %dma_wait3A_983 = tpu.memref_slice %arg7[%min3A_101, %dma_wait3A_982] : memref<100000x128xf32, #tpu.memory_space<hbm>> -> memref<128x128xf32, #tpu.memory_space<hbm>>
        %dma_wait3A_984 = arith.constant 0 : i32
        %dma_wait3A_985 = tpu.memref_slice %arg7[%min3A_101, %dma_wait3A_984] : memref<100000x128xf32, #tpu.memory_space<hbm>> -> memref<128x128xf32, #tpu.memory_space<hbm>>
        tpu.wait_dma2 semaphore(%arg18 : memref<!tpu.dma_semaphore, #tpu.memory_space<semaphore_mem>>) src(%arg9 : memref<128x128xf32, #tpu.memory_space<vmem>>) dst(%dma_wait3A_985 : memref<128x128xf32, #tpu.memory_space<hbm>>)
        %dma_wait3A_986 = arith.constant 0 : i32
        %dma_wait3A_987 = tpu.memref_slice %arg7[%min3A_110, %dma_wait3A_986] : memref<100000x128xf32, #tpu.memory_space<hbm>> -> memref<128x128xf32, #tpu.memory_space<hbm>>
        %dma_wait3A_988 = arith.constant 0 : i32
        %dma_wait3A_989 = tpu.memref_slice %arg7[%min3A_110, %dma_wait3A_988] : memref<100000x128xf32, #tpu.memory_space<hbm>> -> memref<128x128xf32, #tpu.memory_space<hbm>>
        tpu.wait_dma2 semaphore(%arg18 : memref<!tpu.dma_semaphore, #tpu.memory_space<semaphore_mem>>) src(%arg9 : memref<128x128xf32, #tpu.memory_space<vmem>>) dst(%dma_wait3A_989 : memref<128x128xf32, #tpu.memory_space<hbm>>)
        %dma_wait3A_990 = arith.constant 0 : i32
        %dma_wait3A_991 = tpu.memref_slice %arg7[%min3A_119, %dma_wait3A_990] : memref<100000x128xf32, #tpu.memory_space<hbm>> -> memref<128x128xf32, #tpu.memory_space<hbm>>
        %dma_wait3A_992 = arith.constant 0 : i32
        %dma_wait3A_993 = tpu.memref_slice %arg7[%min3A_119, %dma_wait3A_992] : memref<100000x128xf32, #tpu.memory_space<hbm>> -> memref<128x128xf32, #tpu.memory_space<hbm>>
        tpu.wait_dma2 semaphore(%arg18 : memref<!tpu.dma_semaphore, #tpu.memory_space<semaphore_mem>>) src(%arg9 : memref<128x128xf32, #tpu.memory_space<vmem>>) dst(%dma_wait3A_993 : memref<128x128xf32, #tpu.memory_space<hbm>>)
        %dma_wait3A_994 = arith.constant 0 : i32
        %dma_wait3A_995 = tpu.memref_slice %arg7[%min3A_128, %dma_wait3A_994] : memref<100000x128xf32, #tpu.memory_space<hbm>> -> memref<128x128xf32, #tpu.memory_space<hbm>>
        %dma_wait3A_996 = arith.constant 0 : i32
        %dma_wait3A_997 = tpu.memref_slice %arg7[%min3A_128, %dma_wait3A_996] : memref<100000x128xf32, #tpu.memory_space<hbm>> -> memref<128x128xf32, #tpu.memory_space<hbm>>
        tpu.wait_dma2 semaphore(%arg18 : memref<!tpu.dma_semaphore, #tpu.memory_space<semaphore_mem>>) src(%arg9 : memref<128x128xf32, #tpu.memory_space<vmem>>) dst(%dma_wait3A_997 : memref<128x128xf32, #tpu.memory_space<hbm>>)
        %dma_wait3A_998 = arith.constant 0 : i32
        %dma_wait3A_999 = tpu.memref_slice %arg7[%min3A_137, %dma_wait3A_998] : memref<100000x128xf32, #tpu.memory_space<hbm>> -> memref<128x128xf32, #tpu.memory_space<hbm>>
        %dma_wait3A_1000 = arith.constant 0 : i32
        %dma_wait3A_1001 = tpu.memref_slice %arg7[%min3A_137, %dma_wait3A_1000] : memref<100000x128xf32, #tpu.memory_space<hbm>> -> memref<128x128xf32, #tpu.memory_space<hbm>>
        tpu.wait_dma2 semaphore(%arg18 : memref<!tpu.dma_semaphore, #tpu.memory_space<semaphore_mem>>) src(%arg9 : memref<128x128xf32, #tpu.memory_space<vmem>>) dst(%dma_wait3A_1001 : memref<128x128xf32, #tpu.memory_space<hbm>>)
        %dma_wait3A_1002 = arith.constant 0 : i32
        %dma_wait3A_1003 = tpu.memref_slice %arg7[%min3A_146, %dma_wait3A_1002] : memref<100000x128xf32, #tpu.memory_space<hbm>> -> memref<128x128xf32, #tpu.memory_space<hbm>>
        %dma_wait3A_1004 = arith.constant 0 : i32
        %dma_wait3A_1005 = tpu.memref_slice %arg7[%min3A_146, %dma_wait3A_1004] : memref<100000x128xf32, #tpu.memory_space<hbm>> -> memref<128x128xf32, #tpu.memory_space<hbm>>
        tpu.wait_dma2 semaphore(%arg18 : memref<!tpu.dma_semaphore, #tpu.memory_space<semaphore_mem>>) src(%arg9 : memref<128x128xf32, #tpu.memory_space<vmem>>) dst(%dma_wait3A_1005 : memref<128x128xf32, #tpu.memory_space<hbm>>)
        %dma_wait3A_1006 = arith.constant 0 : i32
        %dma_wait3A_1007 = tpu.memref_slice %arg7[%min3A_155, %dma_wait3A_1006] : memref<100000x128xf32, #tpu.memory_space<hbm>> -> memref<128x128xf32, #tpu.memory_space<hbm>>
        %dma_wait3A_1008 = arith.constant 0 : i32
        %dma_wait3A_1009 = tpu.memref_slice %arg7[%min3A_155, %dma_wait3A_1008] : memref<100000x128xf32, #tpu.memory_space<hbm>> -> memref<128x128xf32, #tpu.memory_space<hbm>>
        tpu.wait_dma2 semaphore(%arg18 : memref<!tpu.dma_semaphore, #tpu.memory_space<semaphore_mem>>) src(%arg9 : memref<128x128xf32, #tpu.memory_space<vmem>>) dst(%dma_wait3A_1009 : memref<128x128xf32, #tpu.memory_space<hbm>>)
        %dma_wait3A_1010 = arith.constant 0 : i32
        %dma_wait3A_1011 = tpu.memref_slice %arg7[%min3A_164, %dma_wait3A_1010] : memref<100000x128xf32, #tpu.memory_space<hbm>> -> memref<128x128xf32, #tpu.memory_space<hbm>>
        %dma_wait3A_1012 = arith.constant 0 : i32
        %dma_wait3A_1013 = tpu.memref_slice %arg7[%min3A_164, %dma_wait3A_1012] : memref<100000x128xf32, #tpu.memory_space<hbm>> -> memref<128x128xf32, #tpu.memory_space<hbm>>
        tpu.wait_dma2 semaphore(%arg18 : memref<!tpu.dma_semaphore, #tpu.memory_space<semaphore_mem>>) src(%arg9 : memref<128x128xf32, #tpu.memory_space<vmem>>) dst(%dma_wait3A_1013 : memref<128x128xf32, #tpu.memory_space<hbm>>)
        %dma_wait3A_1014 = arith.constant 0 : i32
        %dma_wait3A_1015 = tpu.memref_slice %arg7[%min3A_173, %dma_wait3A_1014] : memref<100000x128xf32, #tpu.memory_space<hbm>> -> memref<128x128xf32, #tpu.memory_space<hbm>>
        %dma_wait3A_1016 = arith.constant 0 : i32
        %dma_wait3A_1017 = tpu.memref_slice %arg7[%min3A_173, %dma_wait3A_1016] : memref<100000x128xf32, #tpu.memory_space<hbm>> -> memref<128x128xf32, #tpu.memory_space<hbm>>
        tpu.wait_dma2 semaphore(%arg18 : memref<!tpu.dma_semaphore, #tpu.memory_space<semaphore_mem>>) src(%arg9 : memref<128x128xf32, #tpu.memory_space<vmem>>) dst(%dma_wait3A_1017 : memref<128x128xf32, #tpu.memory_space<hbm>>)
        %dma_wait3A_1018 = arith.constant 0 : i32
        %dma_wait3A_1019 = tpu.memref_slice %arg7[%min3A_182, %dma_wait3A_1018] : memref<100000x128xf32, #tpu.memory_space<hbm>> -> memref<128x128xf32, #tpu.memory_space<hbm>>
        %dma_wait3A_1020 = arith.constant 0 : i32
        %dma_wait3A_1021 = tpu.memref_slice %arg7[%min3A_182, %dma_wait3A_1020] : memref<100000x128xf32, #tpu.memory_space<hbm>> -> memref<128x128xf32, #tpu.memory_space<hbm>>
        tpu.wait_dma2 semaphore(%arg18 : memref<!tpu.dma_semaphore, #tpu.memory_space<semaphore_mem>>) src(%arg9 : memref<128x128xf32, #tpu.memory_space<vmem>>) dst(%dma_wait3A_1021 : memref<128x128xf32, #tpu.memory_space<hbm>>)
        %dma_wait3A_1022 = arith.constant 0 : i32
        %dma_wait3A_1023 = tpu.memref_slice %arg7[%min3A_191, %dma_wait3A_1022] : memref<100000x128xf32, #tpu.memory_space<hbm>> -> memref<128x128xf32, #tpu.memory_space<hbm>>
        %dma_wait3A_1024 = arith.constant 0 : i32
        %dma_wait3A_1025 = tpu.memref_slice %arg7[%min3A_191, %dma_wait3A_1024] : memref<100000x128xf32, #tpu.memory_space<hbm>> -> memref<128x128xf32, #tpu.memory_space<hbm>>
        tpu.wait_dma2 semaphore(%arg18 : memref<!tpu.dma_semaphore, #tpu.memory_space<semaphore_mem>>) src(%arg9 : memref<128x128xf32, #tpu.memory_space<vmem>>) dst(%dma_wait3A_1025 : memref<128x128xf32, #tpu.memory_space<hbm>>)
        %dma_wait3A_1026 = arith.constant 0 : i32
        %dma_wait3A_1027 = tpu.memref_slice %arg7[%min3A_200, %dma_wait3A_1026] : memref<100000x128xf32, #tpu.memory_space<hbm>> -> memref<128x128xf32, #tpu.memory_space<hbm>>
        %dma_wait3A_1028 = arith.constant 0 : i32
        %dma_wait3A_1029 = tpu.memref_slice %arg7[%min3A_200, %dma_wait3A_1028] : memref<100000x128xf32, #tpu.memory_space<hbm>> -> memref<128x128xf32, #tpu.memory_space<hbm>>
        tpu.wait_dma2 semaphore(%arg18 : memref<!tpu.dma_semaphore, #tpu.memory_space<semaphore_mem>>) src(%arg9 : memref<128x128xf32, #tpu.memory_space<vmem>>) dst(%dma_wait3A_1029 : memref<128x128xf32, #tpu.memory_space<hbm>>)
        %dma_wait3A_1030 = arith.constant 0 : i32
        %dma_wait3A_1031 = tpu.memref_slice %arg7[%min3A_209, %dma_wait3A_1030] : memref<100000x128xf32, #tpu.memory_space<hbm>> -> memref<128x128xf32, #tpu.memory_space<hbm>>
        %dma_wait3A_1032 = arith.constant 0 : i32
        %dma_wait3A_1033 = tpu.memref_slice %arg7[%min3A_209, %dma_wait3A_1032] : memref<100000x128xf32, #tpu.memory_space<hbm>> -> memref<128x128xf32, #tpu.memory_space<hbm>>
        tpu.wait_dma2 semaphore(%arg18 : memref<!tpu.dma_semaphore, #tpu.memory_space<semaphore_mem>>) src(%arg9 : memref<128x128xf32, #tpu.memory_space<vmem>>) dst(%dma_wait3A_1033 : memref<128x128xf32, #tpu.memory_space<hbm>>)
        %dma_wait3A_1034 = arith.constant 0 : i32
        %dma_wait3A_1035 = tpu.memref_slice %arg7[%min3A_218, %dma_wait3A_1034] : memref<100000x128xf32, #tpu.memory_space<hbm>> -> memref<128x128xf32, #tpu.memory_space<hbm>>
        %dma_wait3A_1036 = arith.constant 0 : i32
        %dma_wait3A_1037 = tpu.memref_slice %arg7[%min3A_218, %dma_wait3A_1036] : memref<100000x128xf32, #tpu.memory_space<hbm>> -> memref<128x128xf32, #tpu.memory_space<hbm>>
        tpu.wait_dma2 semaphore(%arg18 : memref<!tpu.dma_semaphore, #tpu.memory_space<semaphore_mem>>) src(%arg9 : memref<128x128xf32, #tpu.memory_space<vmem>>) dst(%dma_wait3A_1037 : memref<128x128xf32, #tpu.memory_space<hbm>>)
        %dma_wait3A_1038 = arith.constant 0 : i32
        %dma_wait3A_1039 = tpu.memref_slice %arg7[%min3A_227, %dma_wait3A_1038] : memref<100000x128xf32, #tpu.memory_space<hbm>> -> memref<128x128xf32, #tpu.memory_space<hbm>>
        %dma_wait3A_1040 = arith.constant 0 : i32
        %dma_wait3A_1041 = tpu.memref_slice %arg7[%min3A_227, %dma_wait3A_1040] : memref<100000x128xf32, #tpu.memory_space<hbm>> -> memref<128x128xf32, #tpu.memory_space<hbm>>
        tpu.wait_dma2 semaphore(%arg18 : memref<!tpu.dma_semaphore, #tpu.memory_space<semaphore_mem>>) src(%arg9 : memref<128x128xf32, #tpu.memory_space<vmem>>) dst(%dma_wait3A_1041 : memref<128x128xf32, #tpu.memory_space<hbm>>)
        %dma_wait3A_1042 = arith.constant 0 : i32
        %dma_wait3A_1043 = tpu.memref_slice %arg7[%min3A_236, %dma_wait3A_1042] : memref<100000x128xf32, #tpu.memory_space<hbm>> -> memref<128x128xf32, #tpu.memory_space<hbm>>
        %dma_wait3A_1044 = arith.constant 0 : i32
        %dma_wait3A_1045 = tpu.memref_slice %arg7[%min3A_236, %dma_wait3A_1044] : memref<100000x128xf32, #tpu.memory_space<hbm>> -> memref<128x128xf32, #tpu.memory_space<hbm>>
        tpu.wait_dma2 semaphore(%arg18 : memref<!tpu.dma_semaphore, #tpu.memory_space<semaphore_mem>>) src(%arg9 : memref<128x128xf32, #tpu.memory_space<vmem>>) dst(%dma_wait3A_1045 : memref<128x128xf32, #tpu.memory_space<hbm>>)
      } else {
      }
      %mul3A_899 = arith.constant 6 : i32
      %mul3A_900 = arith.muli %while3A_719, %mul3A_899 : i32
      %add3A_901 = arith.constant 0 : i32
      %add3A_902 = arith.addi %mul3A_900, %add3A_901 : i32
      %lt3A_903 = arith.cmpi slt, %add3A_902, %max3A_602 : i32
      %convert_element_type3A_904 = arith.extui %lt3A_903 : i1 to i32
      %cond3A_905 = arith.constant 0 : i32
      %cond3A_906 = arith.cmpi ne, %convert_element_type3A_904, %cond3A_905 : i32
      scf.if %cond3A_906 {
        %dma_wait3A = arith.constant 0 : i32
        %dma_wait3A_947 = arith.constant 0 : i32
        %dma_wait3A_948 = tpu.memref_slice %arg11[%dma_wait3A, %dma_wait3A_947] : memref<6x128xi32, #tpu.memory_space<vmem>> -> memref<1x128xi32, #tpu.memory_space<vmem>>
        %dma_wait3A_949 = tpu.memref_squeeze %dma_wait3A_948 : memref<1x128xi32, #tpu.memory_space<vmem>> -> memref<128xi32, #tpu.memory_space<vmem>>
        %dma_wait3A_950 = arith.constant 0 : i32
        %dma_wait3A_951 = arith.constant 0 : i32
        %dma_wait3A_952 = tpu.memref_slice %arg2[%dma_wait3A_950, %dma_wait3A_951] : memref<50000x128xf32, #tpu.memory_space<hbm>> -> memref<50000x128xf32, #tpu.memory_space<hbm>>
        tpu.wait_indirect_dma semaphore(%arg20 : memref<!tpu.dma_semaphore, #tpu.memory_space<semaphore_mem>>) src(%dma_wait3A_952 : memref<50000x128xf32, #tpu.memory_space<hbm>>) dst(%arg12 : memref<128x128xf32, #tpu.memory_space<vmem>>)
        %dma_start3A_953 = arith.constant 0 : i32
        %dma_start3A_954 = arith.constant 0 : i32
        %dma_start3A_955 = tpu.memref_slice %arg10[%dma_start3A_953, %dma_start3A_954] : memref<6x128xi32, #tpu.memory_space<vmem>> -> memref<1x128xi32, #tpu.memory_space<vmem>>
        %dma_start3A_956 = tpu.memref_squeeze %dma_start3A_955 : memref<1x128xi32, #tpu.memory_space<vmem>> -> memref<128xi32, #tpu.memory_space<vmem>>
        %dma_start3A_957 = arith.constant 0 : i32
        %dma_start3A_958 = arith.constant 0 : i32
        %dma_start3A_959 = tpu.memref_slice %arg7[%dma_start3A_957, %dma_start3A_958] : memref<100000x128xf32, #tpu.memory_space<hbm>> -> memref<100000x128xf32, #tpu.memory_space<hbm>>
        tpu.enqueue_indirect_dma source(%arg12 : memref<128x128xf32, #tpu.memory_space<vmem>>) target(%dma_start3A_959 : memref<100000x128xf32, #tpu.memory_space<hbm>>) offsets(%dma_start3A_956 : memref<128xi32, #tpu.memory_space<vmem>>) semaphore(%arg21 : memref<!tpu.dma_semaphore, #tpu.memory_space<semaphore_mem>>)
      } else {
      }
      %mul3A_907 = arith.constant 6 : i32
      %mul3A_908 = arith.muli %while3A_719, %mul3A_907 : i32
      %add3A_909 = arith.constant 1 : i32
      %add3A_910 = arith.addi %mul3A_908, %add3A_909 : i32
      %lt3A_911 = arith.cmpi slt, %add3A_910, %max3A_602 : i32
      %convert_element_type3A_912 = arith.extui %lt3A_911 : i1 to i32
      %cond3A_913 = arith.constant 0 : i32
      %cond3A_914 = arith.cmpi ne, %convert_element_type3A_912, %cond3A_913 : i32
      scf.if %cond3A_914 {
        %dma_wait3A = arith.constant 1 : i32
        %dma_wait3A_947 = arith.constant 0 : i32
        %dma_wait3A_948 = tpu.memref_slice %arg11[%dma_wait3A, %dma_wait3A_947] : memref<6x128xi32, #tpu.memory_space<vmem>> -> memref<1x128xi32, #tpu.memory_space<vmem>>
        %dma_wait3A_949 = tpu.memref_squeeze %dma_wait3A_948 : memref<1x128xi32, #tpu.memory_space<vmem>> -> memref<128xi32, #tpu.memory_space<vmem>>
        %dma_wait3A_950 = arith.constant 0 : i32
        %dma_wait3A_951 = arith.constant 0 : i32
        %dma_wait3A_952 = tpu.memref_slice %arg2[%dma_wait3A_950, %dma_wait3A_951] : memref<50000x128xf32, #tpu.memory_space<hbm>> -> memref<50000x128xf32, #tpu.memory_space<hbm>>
        tpu.wait_indirect_dma semaphore(%arg20 : memref<!tpu.dma_semaphore, #tpu.memory_space<semaphore_mem>>) src(%dma_wait3A_952 : memref<50000x128xf32, #tpu.memory_space<hbm>>) dst(%arg13 : memref<128x128xf32, #tpu.memory_space<vmem>>)
        %dma_start3A_953 = arith.constant 1 : i32
        %dma_start3A_954 = arith.constant 0 : i32
        %dma_start3A_955 = tpu.memref_slice %arg10[%dma_start3A_953, %dma_start3A_954] : memref<6x128xi32, #tpu.memory_space<vmem>> -> memref<1x128xi32, #tpu.memory_space<vmem>>
        %dma_start3A_956 = tpu.memref_squeeze %dma_start3A_955 : memref<1x128xi32, #tpu.memory_space<vmem>> -> memref<128xi32, #tpu.memory_space<vmem>>
        %dma_start3A_957 = arith.constant 0 : i32
        %dma_start3A_958 = arith.constant 0 : i32
        %dma_start3A_959 = tpu.memref_slice %arg7[%dma_start3A_957, %dma_start3A_958] : memref<100000x128xf32, #tpu.memory_space<hbm>> -> memref<100000x128xf32, #tpu.memory_space<hbm>>
        tpu.enqueue_indirect_dma source(%arg13 : memref<128x128xf32, #tpu.memory_space<vmem>>) target(%dma_start3A_959 : memref<100000x128xf32, #tpu.memory_space<hbm>>) offsets(%dma_start3A_956 : memref<128xi32, #tpu.memory_space<vmem>>) semaphore(%arg21 : memref<!tpu.dma_semaphore, #tpu.memory_space<semaphore_mem>>)
      } else {
      }
      %mul3A_915 = arith.constant 6 : i32
      %mul3A_916 = arith.muli %while3A_719, %mul3A_915 : i32
      %add3A_917 = arith.constant 2 : i32
      %add3A_918 = arith.addi %mul3A_916, %add3A_917 : i32
      %lt3A_919 = arith.cmpi slt, %add3A_918, %max3A_602 : i32
      %convert_element_type3A_920 = arith.extui %lt3A_919 : i1 to i32
      %cond3A_921 = arith.constant 0 : i32
      %cond3A_922 = arith.cmpi ne, %convert_element_type3A_920, %cond3A_921 : i32
      scf.if %cond3A_922 {
        %dma_wait3A = arith.constant 2 : i32
        %dma_wait3A_947 = arith.constant 0 : i32
        %dma_wait3A_948 = tpu.memref_slice %arg11[%dma_wait3A, %dma_wait3A_947] : memref<6x128xi32, #tpu.memory_space<vmem>> -> memref<1x128xi32, #tpu.memory_space<vmem>>
        %dma_wait3A_949 = tpu.memref_squeeze %dma_wait3A_948 : memref<1x128xi32, #tpu.memory_space<vmem>> -> memref<128xi32, #tpu.memory_space<vmem>>
        %dma_wait3A_950 = arith.constant 0 : i32
        %dma_wait3A_951 = arith.constant 0 : i32
        %dma_wait3A_952 = tpu.memref_slice %arg2[%dma_wait3A_950, %dma_wait3A_951] : memref<50000x128xf32, #tpu.memory_space<hbm>> -> memref<50000x128xf32, #tpu.memory_space<hbm>>
        tpu.wait_indirect_dma semaphore(%arg20 : memref<!tpu.dma_semaphore, #tpu.memory_space<semaphore_mem>>) src(%dma_wait3A_952 : memref<50000x128xf32, #tpu.memory_space<hbm>>) dst(%arg14 : memref<128x128xf32, #tpu.memory_space<vmem>>)
        %dma_start3A_953 = arith.constant 2 : i32
        %dma_start3A_954 = arith.constant 0 : i32
        %dma_start3A_955 = tpu.memref_slice %arg10[%dma_start3A_953, %dma_start3A_954] : memref<6x128xi32, #tpu.memory_space<vmem>> -> memref<1x128xi32, #tpu.memory_space<vmem>>
        %dma_start3A_956 = tpu.memref_squeeze %dma_start3A_955 : memref<1x128xi32, #tpu.memory_space<vmem>> -> memref<128xi32, #tpu.memory_space<vmem>>
        %dma_start3A_957 = arith.constant 0 : i32
        %dma_start3A_958 = arith.constant 0 : i32
        %dma_start3A_959 = tpu.memref_slice %arg7[%dma_start3A_957, %dma_start3A_958] : memref<100000x128xf32, #tpu.memory_space<hbm>> -> memref<100000x128xf32, #tpu.memory_space<hbm>>
        tpu.enqueue_indirect_dma source(%arg14 : memref<128x128xf32, #tpu.memory_space<vmem>>) target(%dma_start3A_959 : memref<100000x128xf32, #tpu.memory_space<hbm>>) offsets(%dma_start3A_956 : memref<128xi32, #tpu.memory_space<vmem>>) semaphore(%arg21 : memref<!tpu.dma_semaphore, #tpu.memory_space<semaphore_mem>>)
      } else {
      }
      %mul3A_923 = arith.constant 6 : i32
      %mul3A_924 = arith.muli %while3A_719, %mul3A_923 : i32
      %add3A_925 = arith.constant 3 : i32
      %add3A_926 = arith.addi %mul3A_924, %add3A_925 : i32
      %lt3A_927 = arith.cmpi slt, %add3A_926, %max3A_602 : i32
      %convert_element_type3A_928 = arith.extui %lt3A_927 : i1 to i32
      %cond3A_929 = arith.constant 0 : i32
      %cond3A_930 = arith.cmpi ne, %convert_element_type3A_928, %cond3A_929 : i32
      scf.if %cond3A_930 {
        %dma_wait3A = arith.constant 3 : i32
        %dma_wait3A_947 = arith.constant 0 : i32
        %dma_wait3A_948 = tpu.memref_slice %arg11[%dma_wait3A, %dma_wait3A_947] : memref<6x128xi32, #tpu.memory_space<vmem>> -> memref<1x128xi32, #tpu.memory_space<vmem>>
        %dma_wait3A_949 = tpu.memref_squeeze %dma_wait3A_948 : memref<1x128xi32, #tpu.memory_space<vmem>> -> memref<128xi32, #tpu.memory_space<vmem>>
        %dma_wait3A_950 = arith.constant 0 : i32
        %dma_wait3A_951 = arith.constant 0 : i32
        %dma_wait3A_952 = tpu.memref_slice %arg2[%dma_wait3A_950, %dma_wait3A_951] : memref<50000x128xf32, #tpu.memory_space<hbm>> -> memref<50000x128xf32, #tpu.memory_space<hbm>>
        tpu.wait_indirect_dma semaphore(%arg20 : memref<!tpu.dma_semaphore, #tpu.memory_space<semaphore_mem>>) src(%dma_wait3A_952 : memref<50000x128xf32, #tpu.memory_space<hbm>>) dst(%arg15 : memref<128x128xf32, #tpu.memory_space<vmem>>)
        %dma_start3A_953 = arith.constant 3 : i32
        %dma_start3A_954 = arith.constant 0 : i32
        %dma_start3A_955 = tpu.memref_slice %arg10[%dma_start3A_953, %dma_start3A_954] : memref<6x128xi32, #tpu.memory_space<vmem>> -> memref<1x128xi32, #tpu.memory_space<vmem>>
        %dma_start3A_956 = tpu.memref_squeeze %dma_start3A_955 : memref<1x128xi32, #tpu.memory_space<vmem>> -> memref<128xi32, #tpu.memory_space<vmem>>
        %dma_start3A_957 = arith.constant 0 : i32
        %dma_start3A_958 = arith.constant 0 : i32
        %dma_start3A_959 = tpu.memref_slice %arg7[%dma_start3A_957, %dma_start3A_958] : memref<100000x128xf32, #tpu.memory_space<hbm>> -> memref<100000x128xf32, #tpu.memory_space<hbm>>
        tpu.enqueue_indirect_dma source(%arg15 : memref<128x128xf32, #tpu.memory_space<vmem>>) target(%dma_start3A_959 : memref<100000x128xf32, #tpu.memory_space<hbm>>) offsets(%dma_start3A_956 : memref<128xi32, #tpu.memory_space<vmem>>) semaphore(%arg21 : memref<!tpu.dma_semaphore, #tpu.memory_space<semaphore_mem>>)
      } else {
      }
      %mul3A_931 = arith.constant 6 : i32
      %mul3A_932 = arith.muli %while3A_719, %mul3A_931 : i32
      %add3A_933 = arith.constant 4 : i32
      %add3A_934 = arith.addi %mul3A_932, %add3A_933 : i32
      %lt3A_935 = arith.cmpi slt, %add3A_934, %max3A_602 : i32
      %convert_element_type3A_936 = arith.extui %lt3A_935 : i1 to i32
      %cond3A_937 = arith.constant 0 : i32
      %cond3A_938 = arith.cmpi ne, %convert_element_type3A_936, %cond3A_937 : i32
      scf.if %cond3A_938 {
        %dma_wait3A = arith.constant 4 : i32
        %dma_wait3A_947 = arith.constant 0 : i32
        %dma_wait3A_948 = tpu.memref_slice %arg11[%dma_wait3A, %dma_wait3A_947] : memref<6x128xi32, #tpu.memory_space<vmem>> -> memref<1x128xi32, #tpu.memory_space<vmem>>
        %dma_wait3A_949 = tpu.memref_squeeze %dma_wait3A_948 : memref<1x128xi32, #tpu.memory_space<vmem>> -> memref<128xi32, #tpu.memory_space<vmem>>
        %dma_wait3A_950 = arith.constant 0 : i32
        %dma_wait3A_951 = arith.constant 0 : i32
        %dma_wait3A_952 = tpu.memref_slice %arg2[%dma_wait3A_950, %dma_wait3A_951] : memref<50000x128xf32, #tpu.memory_space<hbm>> -> memref<50000x128xf32, #tpu.memory_space<hbm>>
        tpu.wait_indirect_dma semaphore(%arg20 : memref<!tpu.dma_semaphore, #tpu.memory_space<semaphore_mem>>) src(%dma_wait3A_952 : memref<50000x128xf32, #tpu.memory_space<hbm>>) dst(%arg16 : memref<128x128xf32, #tpu.memory_space<vmem>>)
        %dma_start3A_953 = arith.constant 4 : i32
        %dma_start3A_954 = arith.constant 0 : i32
        %dma_start3A_955 = tpu.memref_slice %arg10[%dma_start3A_953, %dma_start3A_954] : memref<6x128xi32, #tpu.memory_space<vmem>> -> memref<1x128xi32, #tpu.memory_space<vmem>>
        %dma_start3A_956 = tpu.memref_squeeze %dma_start3A_955 : memref<1x128xi32, #tpu.memory_space<vmem>> -> memref<128xi32, #tpu.memory_space<vmem>>
        %dma_start3A_957 = arith.constant 0 : i32
        %dma_start3A_958 = arith.constant 0 : i32
        %dma_start3A_959 = tpu.memref_slice %arg7[%dma_start3A_957, %dma_start3A_958] : memref<100000x128xf32, #tpu.memory_space<hbm>> -> memref<100000x128xf32, #tpu.memory_space<hbm>>
        tpu.enqueue_indirect_dma source(%arg16 : memref<128x128xf32, #tpu.memory_space<vmem>>) target(%dma_start3A_959 : memref<100000x128xf32, #tpu.memory_space<hbm>>) offsets(%dma_start3A_956 : memref<128xi32, #tpu.memory_space<vmem>>) semaphore(%arg21 : memref<!tpu.dma_semaphore, #tpu.memory_space<semaphore_mem>>)
      } else {
      }
      %mul3A_939 = arith.constant 6 : i32
      %mul3A_940 = arith.muli %while3A_719, %mul3A_939 : i32
      %add3A_941 = arith.constant 5 : i32
      %add3A_942 = arith.addi %mul3A_940, %add3A_941 : i32
      %lt3A_943 = arith.cmpi slt, %add3A_942, %max3A_602 : i32
      %convert_element_type3A_944 = arith.extui %lt3A_943 : i1 to i32
      %cond3A_945 = arith.constant 0 : i32
      %cond3A_946 = arith.cmpi ne, %convert_element_type3A_944, %cond3A_945 : i32
      scf.if %cond3A_946 {
        %dma_wait3A = arith.constant 5 : i32
        %dma_wait3A_947 = arith.constant 0 : i32
        %dma_wait3A_948 = tpu.memref_slice %arg11[%dma_wait3A, %dma_wait3A_947] : memref<6x128xi32, #tpu.memory_space<vmem>> -> memref<1x128xi32, #tpu.memory_space<vmem>>
        %dma_wait3A_949 = tpu.memref_squeeze %dma_wait3A_948 : memref<1x128xi32, #tpu.memory_space<vmem>> -> memref<128xi32, #tpu.memory_space<vmem>>
        %dma_wait3A_950 = arith.constant 0 : i32
        %dma_wait3A_951 = arith.constant 0 : i32
        %dma_wait3A_952 = tpu.memref_slice %arg2[%dma_wait3A_950, %dma_wait3A_951] : memref<50000x128xf32, #tpu.memory_space<hbm>> -> memref<50000x128xf32, #tpu.memory_space<hbm>>
        tpu.wait_indirect_dma semaphore(%arg20 : memref<!tpu.dma_semaphore, #tpu.memory_space<semaphore_mem>>) src(%dma_wait3A_952 : memref<50000x128xf32, #tpu.memory_space<hbm>>) dst(%arg17 : memref<128x128xf32, #tpu.memory_space<vmem>>)
        %dma_start3A_953 = arith.constant 5 : i32
        %dma_start3A_954 = arith.constant 0 : i32
        %dma_start3A_955 = tpu.memref_slice %arg10[%dma_start3A_953, %dma_start3A_954] : memref<6x128xi32, #tpu.memory_space<vmem>> -> memref<1x128xi32, #tpu.memory_space<vmem>>
        %dma_start3A_956 = tpu.memref_squeeze %dma_start3A_955 : memref<1x128xi32, #tpu.memory_space<vmem>> -> memref<128xi32, #tpu.memory_space<vmem>>
        %dma_start3A_957 = arith.constant 0 : i32
        %dma_start3A_958 = arith.constant 0 : i32
        %dma_start3A_959 = tpu.memref_slice %arg7[%dma_start3A_957, %dma_start3A_958] : memref<100000x128xf32, #tpu.memory_space<hbm>> -> memref<100000x128xf32, #tpu.memory_space<hbm>>
        tpu.enqueue_indirect_dma source(%arg17 : memref<128x128xf32, #tpu.memory_space<vmem>>) target(%dma_start3A_959 : memref<100000x128xf32, #tpu.memory_space<hbm>>) offsets(%dma_start3A_956 : memref<128xi32, #tpu.memory_space<vmem>>) semaphore(%arg21 : memref<!tpu.dma_semaphore, #tpu.memory_space<semaphore_mem>>)
      } else {
      }
    }
    %gt3A = arith.constant 0 : i32
    %gt3A_640 = arith.cmpi sgt, %max3A_602, %gt3A : i32
    %sub3A_641 = arith.constant 1 : i32
    %sub3A_642 = arith.subi %select_n3A_630, %sub3A_641 : i32
    %mul3A_643 = arith.constant 6 : i32
    %mul3A_644 = arith.muli %sub3A_642, %mul3A_643 : i32
    %add3A_645 = arith.constant 0 : i32
    %add3A_646 = arith.addi %mul3A_644, %add3A_645 : i32
    %lt3A = arith.cmpi slt, %add3A_646, %max3A_602 : i32
    %and3A_647 = arith.andi %gt3A_640, %lt3A : i1
    %convert_element_type3A = arith.extui %and3A_647 : i1 to i32
    %cond3A = arith.constant 0 : i32
    %cond3A_648 = arith.cmpi ne, %convert_element_type3A, %cond3A : i32
    scf.if %cond3A_648 {
      %dma_wait3A = arith.constant 0 : i32
      %dma_wait3A_719 = arith.constant 0 : i32
      %dma_wait3A_720 = tpu.memref_slice %arg10[%dma_wait3A, %dma_wait3A_719] : memref<6x128xi32, #tpu.memory_space<vmem>> -> memref<1x128xi32, #tpu.memory_space<vmem>>
      %dma_wait3A_721 = tpu.memref_squeeze %dma_wait3A_720 : memref<1x128xi32, #tpu.memory_space<vmem>> -> memref<128xi32, #tpu.memory_space<vmem>>
      %dma_wait3A_722 = arith.constant 0 : i32
      %dma_wait3A_723 = arith.constant 0 : i32
      %dma_wait3A_724 = tpu.memref_slice %arg7[%dma_wait3A_722, %dma_wait3A_723] : memref<100000x128xf32, #tpu.memory_space<hbm>> -> memref<100000x128xf32, #tpu.memory_space<hbm>>
      tpu.wait_indirect_dma semaphore(%arg21 : memref<!tpu.dma_semaphore, #tpu.memory_space<semaphore_mem>>) src(%arg12 : memref<128x128xf32, #tpu.memory_space<vmem>>) dst(%dma_wait3A_724 : memref<100000x128xf32, #tpu.memory_space<hbm>>)
    } else {
    }
    %gt3A_649 = arith.constant 0 : i32
    %gt3A_650 = arith.cmpi sgt, %max3A_602, %gt3A_649 : i32
    %sub3A_651 = arith.constant 1 : i32
    %sub3A_652 = arith.subi %select_n3A_630, %sub3A_651 : i32
    %mul3A_653 = arith.constant 6 : i32
    %mul3A_654 = arith.muli %sub3A_652, %mul3A_653 : i32
    %add3A_655 = arith.constant 1 : i32
    %add3A_656 = arith.addi %mul3A_654, %add3A_655 : i32
    %lt3A_657 = arith.cmpi slt, %add3A_656, %max3A_602 : i32
    %and3A_658 = arith.andi %gt3A_650, %lt3A_657 : i1
    %convert_element_type3A_659 = arith.extui %and3A_658 : i1 to i32
    %cond3A_660 = arith.constant 0 : i32
    %cond3A_661 = arith.cmpi ne, %convert_element_type3A_659, %cond3A_660 : i32
    scf.if %cond3A_661 {
      %dma_wait3A = arith.constant 1 : i32
      %dma_wait3A_719 = arith.constant 0 : i32
      %dma_wait3A_720 = tpu.memref_slice %arg10[%dma_wait3A, %dma_wait3A_719] : memref<6x128xi32, #tpu.memory_space<vmem>> -> memref<1x128xi32, #tpu.memory_space<vmem>>
      %dma_wait3A_721 = tpu.memref_squeeze %dma_wait3A_720 : memref<1x128xi32, #tpu.memory_space<vmem>> -> memref<128xi32, #tpu.memory_space<vmem>>
      %dma_wait3A_722 = arith.constant 0 : i32
      %dma_wait3A_723 = arith.constant 0 : i32
      %dma_wait3A_724 = tpu.memref_slice %arg7[%dma_wait3A_722, %dma_wait3A_723] : memref<100000x128xf32, #tpu.memory_space<hbm>> -> memref<100000x128xf32, #tpu.memory_space<hbm>>
      tpu.wait_indirect_dma semaphore(%arg21 : memref<!tpu.dma_semaphore, #tpu.memory_space<semaphore_mem>>) src(%arg13 : memref<128x128xf32, #tpu.memory_space<vmem>>) dst(%dma_wait3A_724 : memref<100000x128xf32, #tpu.memory_space<hbm>>)
    } else {
    }
    %gt3A_662 = arith.constant 0 : i32
    %gt3A_663 = arith.cmpi sgt, %max3A_602, %gt3A_662 : i32
    %sub3A_664 = arith.constant 1 : i32
    %sub3A_665 = arith.subi %select_n3A_630, %sub3A_664 : i32
    %mul3A_666 = arith.constant 6 : i32
    %mul3A_667 = arith.muli %sub3A_665, %mul3A_666 : i32
    %add3A_668 = arith.constant 2 : i32
    %add3A_669 = arith.addi %mul3A_667, %add3A_668 : i32
    %lt3A_670 = arith.cmpi slt, %add3A_669, %max3A_602 : i32
    %and3A_671 = arith.andi %gt3A_663, %lt3A_670 : i1
    %convert_element_type3A_672 = arith.extui %and3A_671 : i1 to i32
    %cond3A_673 = arith.constant 0 : i32
    %cond3A_674 = arith.cmpi ne, %convert_element_type3A_672, %cond3A_673 : i32
    scf.if %cond3A_674 {
      %dma_wait3A = arith.constant 2 : i32
      %dma_wait3A_719 = arith.constant 0 : i32
      %dma_wait3A_720 = tpu.memref_slice %arg10[%dma_wait3A, %dma_wait3A_719] : memref<6x128xi32, #tpu.memory_space<vmem>> -> memref<1x128xi32, #tpu.memory_space<vmem>>
      %dma_wait3A_721 = tpu.memref_squeeze %dma_wait3A_720 : memref<1x128xi32, #tpu.memory_space<vmem>> -> memref<128xi32, #tpu.memory_space<vmem>>
      %dma_wait3A_722 = arith.constant 0 : i32
      %dma_wait3A_723 = arith.constant 0 : i32
      %dma_wait3A_724 = tpu.memref_slice %arg7[%dma_wait3A_722, %dma_wait3A_723] : memref<100000x128xf32, #tpu.memory_space<hbm>> -> memref<100000x128xf32, #tpu.memory_space<hbm>>
      tpu.wait_indirect_dma semaphore(%arg21 : memref<!tpu.dma_semaphore, #tpu.memory_space<semaphore_mem>>) src(%arg14 : memref<128x128xf32, #tpu.memory_space<vmem>>) dst(%dma_wait3A_724 : memref<100000x128xf32, #tpu.memory_space<hbm>>)
    } else {
    }
    %gt3A_675 = arith.constant 0 : i32
    %gt3A_676 = arith.cmpi sgt, %max3A_602, %gt3A_675 : i32
    %sub3A_677 = arith.constant 1 : i32
    %sub3A_678 = arith.subi %select_n3A_630, %sub3A_677 : i32
    %mul3A_679 = arith.constant 6 : i32
    %mul3A_680 = arith.muli %sub3A_678, %mul3A_679 : i32
    %add3A_681 = arith.constant 3 : i32
    %add3A_682 = arith.addi %mul3A_680, %add3A_681 : i32
    %lt3A_683 = arith.cmpi slt, %add3A_682, %max3A_602 : i32
    %and3A_684 = arith.andi %gt3A_676, %lt3A_683 : i1
    %convert_element_type3A_685 = arith.extui %and3A_684 : i1 to i32
    %cond3A_686 = arith.constant 0 : i32
    %cond3A_687 = arith.cmpi ne, %convert_element_type3A_685, %cond3A_686 : i32
    scf.if %cond3A_687 {
      %dma_wait3A = arith.constant 3 : i32
      %dma_wait3A_719 = arith.constant 0 : i32
      %dma_wait3A_720 = tpu.memref_slice %arg10[%dma_wait3A, %dma_wait3A_719] : memref<6x128xi32, #tpu.memory_space<vmem>> -> memref<1x128xi32, #tpu.memory_space<vmem>>
      %dma_wait3A_721 = tpu.memref_squeeze %dma_wait3A_720 : memref<1x128xi32, #tpu.memory_space<vmem>> -> memref<128xi32, #tpu.memory_space<vmem>>
      %dma_wait3A_722 = arith.constant 0 : i32
      %dma_wait3A_723 = arith.constant 0 : i32
      %dma_wait3A_724 = tpu.memref_slice %arg7[%dma_wait3A_722, %dma_wait3A_723] : memref<100000x128xf32, #tpu.memory_space<hbm>> -> memref<100000x128xf32, #tpu.memory_space<hbm>>
      tpu.wait_indirect_dma semaphore(%arg21 : memref<!tpu.dma_semaphore, #tpu.memory_space<semaphore_mem>>) src(%arg15 : memref<128x128xf32, #tpu.memory_space<vmem>>) dst(%dma_wait3A_724 : memref<100000x128xf32, #tpu.memory_space<hbm>>)
    } else {
    }
    %gt3A_688 = arith.constant 0 : i32
    %gt3A_689 = arith.cmpi sgt, %max3A_602, %gt3A_688 : i32
    %sub3A_690 = arith.constant 1 : i32
    %sub3A_691 = arith.subi %select_n3A_630, %sub3A_690 : i32
    %mul3A_692 = arith.constant 6 : i32
    %mul3A_693 = arith.muli %sub3A_691, %mul3A_692 : i32
    %add3A_694 = arith.constant 4 : i32
    %add3A_695 = arith.addi %mul3A_693, %add3A_694 : i32
    %lt3A_696 = arith.cmpi slt, %add3A_695, %max3A_602 : i32
    %and3A_697 = arith.andi %gt3A_689, %lt3A_696 : i1
    %convert_element_type3A_698 = arith.extui %and3A_697 : i1 to i32
    %cond3A_699 = arith.constant 0 : i32
    %cond3A_700 = arith.cmpi ne, %convert_element_type3A_698, %cond3A_699 : i32
    scf.if %cond3A_700 {
      %dma_wait3A = arith.constant 4 : i32
      %dma_wait3A_719 = arith.constant 0 : i32
      %dma_wait3A_720 = tpu.memref_slice %arg10[%dma_wait3A, %dma_wait3A_719] : memref<6x128xi32, #tpu.memory_space<vmem>> -> memref<1x128xi32, #tpu.memory_space<vmem>>
      %dma_wait3A_721 = tpu.memref_squeeze %dma_wait3A_720 : memref<1x128xi32, #tpu.memory_space<vmem>> -> memref<128xi32, #tpu.memory_space<vmem>>
      %dma_wait3A_722 = arith.constant 0 : i32
      %dma_wait3A_723 = arith.constant 0 : i32
      %dma_wait3A_724 = tpu.memref_slice %arg7[%dma_wait3A_722, %dma_wait3A_723] : memref<100000x128xf32, #tpu.memory_space<hbm>> -> memref<100000x128xf32, #tpu.memory_space<hbm>>
      tpu.wait_indirect_dma semaphore(%arg21 : memref<!tpu.dma_semaphore, #tpu.memory_space<semaphore_mem>>) src(%arg16 : memref<128x128xf32, #tpu.memory_space<vmem>>) dst(%dma_wait3A_724 : memref<100000x128xf32, #tpu.memory_space<hbm>>)
    } else {
    }
    %gt3A_701 = arith.constant 0 : i32
    %gt3A_702 = arith.cmpi sgt, %max3A_602, %gt3A_701 : i32
    %sub3A_703 = arith.constant 1 : i32
    %sub3A_704 = arith.subi %select_n3A_630, %sub3A_703 : i32
    %mul3A_705 = arith.constant 6 : i32
    %mul3A_706 = arith.muli %sub3A_704, %mul3A_705 : i32
    %add3A_707 = arith.constant 5 : i32
    %add3A_708 = arith.addi %mul3A_706, %add3A_707 : i32
    %lt3A_709 = arith.cmpi slt, %add3A_708, %max3A_602 : i32
    %and3A_710 = arith.andi %gt3A_702, %lt3A_709 : i1
    %convert_element_type3A_711 = arith.extui %and3A_710 : i1 to i32
    %cond3A_712 = arith.constant 0 : i32
    %cond3A_713 = arith.cmpi ne, %convert_element_type3A_711, %cond3A_712 : i32
    scf.if %cond3A_713 {
      %dma_wait3A = arith.constant 5 : i32
      %dma_wait3A_719 = arith.constant 0 : i32
      %dma_wait3A_720 = tpu.memref_slice %arg10[%dma_wait3A, %dma_wait3A_719] : memref<6x128xi32, #tpu.memory_space<vmem>> -> memref<1x128xi32, #tpu.memory_space<vmem>>
      %dma_wait3A_721 = tpu.memref_squeeze %dma_wait3A_720 : memref<1x128xi32, #tpu.memory_space<vmem>> -> memref<128xi32, #tpu.memory_space<vmem>>
      %dma_wait3A_722 = arith.constant 0 : i32
      %dma_wait3A_723 = arith.constant 0 : i32
      %dma_wait3A_724 = tpu.memref_slice %arg7[%dma_wait3A_722, %dma_wait3A_723] : memref<100000x128xf32, #tpu.memory_space<hbm>> -> memref<100000x128xf32, #tpu.memory_space<hbm>>
      tpu.wait_indirect_dma semaphore(%arg21 : memref<!tpu.dma_semaphore, #tpu.memory_space<semaphore_mem>>) src(%arg17 : memref<128x128xf32, #tpu.memory_space<vmem>>) dst(%dma_wait3A_724 : memref<100000x128xf32, #tpu.memory_space<hbm>>)
    } else {
    }
    %eq3A_714 = arith.constant 0 : i32
    %eq3A_715 = arith.cmpi eq, %select_n3A_630, %eq3A_714 : i32
    %convert_element_type3A_716 = arith.extui %eq3A_715 : i1 to i32
    %cond3A_717 = arith.constant 0 : i32
    %cond3A_718 = arith.cmpi ne, %convert_element_type3A_716, %cond3A_717 : i32
    scf.if %cond3A_718 {
      %dma_wait3A = arith.constant 0 : i32
      %dma_wait3A_719 = tpu.memref_slice %arg7[%min3A_21, %dma_wait3A] : memref<100000x128xf32, #tpu.memory_space<hbm>> -> memref<128x128xf32, #tpu.memory_space<hbm>>
      %dma_wait3A_720 = arith.constant 0 : i32
      %dma_wait3A_721 = tpu.memref_slice %arg7[%min3A_21, %dma_wait3A_720] : memref<100000x128xf32, #tpu.memory_space<hbm>> -> memref<128x128xf32, #tpu.memory_space<hbm>>
      tpu.wait_dma2 semaphore(%arg18 : memref<!tpu.dma_semaphore, #tpu.memory_space<semaphore_mem>>) src(%arg9 : memref<128x128xf32, #tpu.memory_space<vmem>>) dst(%dma_wait3A_721 : memref<128x128xf32, #tpu.memory_space<hbm>>)
      %dma_wait3A_722 = arith.constant 0 : i32
      %dma_wait3A_723 = tpu.memref_slice %arg7[%min3A_29, %dma_wait3A_722] : memref<100000x128xf32, #tpu.memory_space<hbm>> -> memref<128x128xf32, #tpu.memory_space<hbm>>
      %dma_wait3A_724 = arith.constant 0 : i32
      %dma_wait3A_725 = tpu.memref_slice %arg7[%min3A_29, %dma_wait3A_724] : memref<100000x128xf32, #tpu.memory_space<hbm>> -> memref<128x128xf32, #tpu.memory_space<hbm>>
      tpu.wait_dma2 semaphore(%arg18 : memref<!tpu.dma_semaphore, #tpu.memory_space<semaphore_mem>>) src(%arg9 : memref<128x128xf32, #tpu.memory_space<vmem>>) dst(%dma_wait3A_725 : memref<128x128xf32, #tpu.memory_space<hbm>>)
      %dma_wait3A_726 = arith.constant 0 : i32
      %dma_wait3A_727 = tpu.memref_slice %arg7[%min3A_38, %dma_wait3A_726] : memref<100000x128xf32, #tpu.memory_space<hbm>> -> memref<128x128xf32, #tpu.memory_space<hbm>>
      %dma_wait3A_728 = arith.constant 0 : i32
      %dma_wait3A_729 = tpu.memref_slice %arg7[%min3A_38, %dma_wait3A_728] : memref<100000x128xf32, #tpu.memory_space<hbm>> -> memref<128x128xf32, #tpu.memory_space<hbm>>
      tpu.wait_dma2 semaphore(%arg18 : memref<!tpu.dma_semaphore, #tpu.memory_space<semaphore_mem>>) src(%arg9 : memref<128x128xf32, #tpu.memory_space<vmem>>) dst(%dma_wait3A_729 : memref<128x128xf32, #tpu.memory_space<hbm>>)
      %dma_wait3A_730 = arith.constant 0 : i32
      %dma_wait3A_731 = tpu.memref_slice %arg7[%min3A_47, %dma_wait3A_730] : memref<100000x128xf32, #tpu.memory_space<hbm>> -> memref<128x128xf32, #tpu.memory_space<hbm>>
      %dma_wait3A_732 = arith.constant 0 : i32
      %dma_wait3A_733 = tpu.memref_slice %arg7[%min3A_47, %dma_wait3A_732] : memref<100000x128xf32, #tpu.memory_space<hbm>> -> memref<128x128xf32, #tpu.memory_space<hbm>>
      tpu.wait_dma2 semaphore(%arg18 : memref<!tpu.dma_semaphore, #tpu.memory_space<semaphore_mem>>) src(%arg9 : memref<128x128xf32, #tpu.memory_space<vmem>>) dst(%dma_wait3A_733 : memref<128x128xf32, #tpu.memory_space<hbm>>)
      %dma_wait3A_734 = arith.constant 0 : i32
      %dma_wait3A_735 = tpu.memref_slice %arg7[%min3A_56, %dma_wait3A_734] : memref<100000x128xf32, #tpu.memory_space<hbm>> -> memref<128x128xf32, #tpu.memory_space<hbm>>
      %dma_wait3A_736 = arith.constant 0 : i32
      %dma_wait3A_737 = tpu.memref_slice %arg7[%min3A_56, %dma_wait3A_736] : memref<100000x128xf32, #tpu.memory_space<hbm>> -> memref<128x128xf32, #tpu.memory_space<hbm>>
      tpu.wait_dma2 semaphore(%arg18 : memref<!tpu.dma_semaphore, #tpu.memory_space<semaphore_mem>>) src(%arg9 : memref<128x128xf32, #tpu.memory_space<vmem>>) dst(%dma_wait3A_737 : memref<128x128xf32, #tpu.memory_space<hbm>>)
      %dma_wait3A_738 = arith.constant 0 : i32
      %dma_wait3A_739 = tpu.memref_slice %arg7[%min3A_65, %dma_wait3A_738] : memref<100000x128xf32, #tpu.memory_space<hbm>> -> memref<128x128xf32, #tpu.memory_space<hbm>>
      %dma_wait3A_740 = arith.constant 0 : i32
      %dma_wait3A_741 = tpu.memref_slice %arg7[%min3A_65, %dma_wait3A_740] : memref<100000x128xf32, #tpu.memory_space<hbm>> -> memref<128x128xf32, #tpu.memory_space<hbm>>
      tpu.wait_dma2 semaphore(%arg18 : memref<!tpu.dma_semaphore, #tpu.memory_space<semaphore_mem>>) src(%arg9 : memref<128x128xf32, #tpu.memory_space<vmem>>) dst(%dma_wait3A_741 : memref<128x128xf32, #tpu.memory_space<hbm>>)
      %dma_wait3A_742 = arith.constant 0 : i32
      %dma_wait3A_743 = tpu.memref_slice %arg7[%min3A_74, %dma_wait3A_742] : memref<100000x128xf32, #tpu.memory_space<hbm>> -> memref<128x128xf32, #tpu.memory_space<hbm>>
      %dma_wait3A_744 = arith.constant 0 : i32
      %dma_wait3A_745 = tpu.memref_slice %arg7[%min3A_74, %dma_wait3A_744] : memref<100000x128xf32, #tpu.memory_space<hbm>> -> memref<128x128xf32, #tpu.memory_space<hbm>>
      tpu.wait_dma2 semaphore(%arg18 : memref<!tpu.dma_semaphore, #tpu.memory_space<semaphore_mem>>) src(%arg9 : memref<128x128xf32, #tpu.memory_space<vmem>>) dst(%dma_wait3A_745 : memref<128x128xf32, #tpu.memory_space<hbm>>)
      %dma_wait3A_746 = arith.constant 0 : i32
      %dma_wait3A_747 = tpu.memref_slice %arg7[%min3A_83, %dma_wait3A_746] : memref<100000x128xf32, #tpu.memory_space<hbm>> -> memref<128x128xf32, #tpu.memory_space<hbm>>
      %dma_wait3A_748 = arith.constant 0 : i32
      %dma_wait3A_749 = tpu.memref_slice %arg7[%min3A_83, %dma_wait3A_748] : memref<100000x128xf32, #tpu.memory_space<hbm>> -> memref<128x128xf32, #tpu.memory_space<hbm>>
      tpu.wait_dma2 semaphore(%arg18 : memref<!tpu.dma_semaphore, #tpu.memory_space<semaphore_mem>>) src(%arg9 : memref<128x128xf32, #tpu.memory_space<vmem>>) dst(%dma_wait3A_749 : memref<128x128xf32, #tpu.memory_space<hbm>>)
      %dma_wait3A_750 = arith.constant 0 : i32
      %dma_wait3A_751 = tpu.memref_slice %arg7[%min3A_92, %dma_wait3A_750] : memref<100000x128xf32, #tpu.memory_space<hbm>> -> memref<128x128xf32, #tpu.memory_space<hbm>>
      %dma_wait3A_752 = arith.constant 0 : i32
      %dma_wait3A_753 = tpu.memref_slice %arg7[%min3A_92, %dma_wait3A_752] : memref<100000x128xf32, #tpu.memory_space<hbm>> -> memref<128x128xf32, #tpu.memory_space<hbm>>
      tpu.wait_dma2 semaphore(%arg18 : memref<!tpu.dma_semaphore, #tpu.memory_space<semaphore_mem>>) src(%arg9 : memref<128x128xf32, #tpu.memory_space<vmem>>) dst(%dma_wait3A_753 : memref<128x128xf32, #tpu.memory_space<hbm>>)
      %dma_wait3A_754 = arith.constant 0 : i32
      %dma_wait3A_755 = tpu.memref_slice %arg7[%min3A_101, %dma_wait3A_754] : memref<100000x128xf32, #tpu.memory_space<hbm>> -> memref<128x128xf32, #tpu.memory_space<hbm>>
      %dma_wait3A_756 = arith.constant 0 : i32
      %dma_wait3A_757 = tpu.memref_slice %arg7[%min3A_101, %dma_wait3A_756] : memref<100000x128xf32, #tpu.memory_space<hbm>> -> memref<128x128xf32, #tpu.memory_space<hbm>>
      tpu.wait_dma2 semaphore(%arg18 : memref<!tpu.dma_semaphore, #tpu.memory_space<semaphore_mem>>) src(%arg9 : memref<128x128xf32, #tpu.memory_space<vmem>>) dst(%dma_wait3A_757 : memref<128x128xf32, #tpu.memory_space<hbm>>)
      %dma_wait3A_758 = arith.constant 0 : i32
      %dma_wait3A_759 = tpu.memref_slice %arg7[%min3A_110, %dma_wait3A_758] : memref<100000x128xf32, #tpu.memory_space<hbm>> -> memref<128x128xf32, #tpu.memory_space<hbm>>
      %dma_wait3A_760 = arith.constant 0 : i32
      %dma_wait3A_761 = tpu.memref_slice %arg7[%min3A_110, %dma_wait3A_760] : memref<100000x128xf32, #tpu.memory_space<hbm>> -> memref<128x128xf32, #tpu.memory_space<hbm>>
      tpu.wait_dma2 semaphore(%arg18 : memref<!tpu.dma_semaphore, #tpu.memory_space<semaphore_mem>>) src(%arg9 : memref<128x128xf32, #tpu.memory_space<vmem>>) dst(%dma_wait3A_761 : memref<128x128xf32, #tpu.memory_space<hbm>>)
      %dma_wait3A_762 = arith.constant 0 : i32
      %dma_wait3A_763 = tpu.memref_slice %arg7[%min3A_119, %dma_wait3A_762] : memref<100000x128xf32, #tpu.memory_space<hbm>> -> memref<128x128xf32, #tpu.memory_space<hbm>>
      %dma_wait3A_764 = arith.constant 0 : i32
      %dma_wait3A_765 = tpu.memref_slice %arg7[%min3A_119, %dma_wait3A_764] : memref<100000x128xf32, #tpu.memory_space<hbm>> -> memref<128x128xf32, #tpu.memory_space<hbm>>
      tpu.wait_dma2 semaphore(%arg18 : memref<!tpu.dma_semaphore, #tpu.memory_space<semaphore_mem>>) src(%arg9 : memref<128x128xf32, #tpu.memory_space<vmem>>) dst(%dma_wait3A_765 : memref<128x128xf32, #tpu.memory_space<hbm>>)
      %dma_wait3A_766 = arith.constant 0 : i32
      %dma_wait3A_767 = tpu.memref_slice %arg7[%min3A_128, %dma_wait3A_766] : memref<100000x128xf32, #tpu.memory_space<hbm>> -> memref<128x128xf32, #tpu.memory_space<hbm>>
      %dma_wait3A_768 = arith.constant 0 : i32
      %dma_wait3A_769 = tpu.memref_slice %arg7[%min3A_128, %dma_wait3A_768] : memref<100000x128xf32, #tpu.memory_space<hbm>> -> memref<128x128xf32, #tpu.memory_space<hbm>>
      tpu.wait_dma2 semaphore(%arg18 : memref<!tpu.dma_semaphore, #tpu.memory_space<semaphore_mem>>) src(%arg9 : memref<128x128xf32, #tpu.memory_space<vmem>>) dst(%dma_wait3A_769 : memref<128x128xf32, #tpu.memory_space<hbm>>)
      %dma_wait3A_770 = arith.constant 0 : i32
      %dma_wait3A_771 = tpu.memref_slice %arg7[%min3A_137, %dma_wait3A_770] : memref<100000x128xf32, #tpu.memory_space<hbm>> -> memref<128x128xf32, #tpu.memory_space<hbm>>
      %dma_wait3A_772 = arith.constant 0 : i32
      %dma_wait3A_773 = tpu.memref_slice %arg7[%min3A_137, %dma_wait3A_772] : memref<100000x128xf32, #tpu.memory_space<hbm>> -> memref<128x128xf32, #tpu.memory_space<hbm>>
      tpu.wait_dma2 semaphore(%arg18 : memref<!tpu.dma_semaphore, #tpu.memory_space<semaphore_mem>>) src(%arg9 : memref<128x128xf32, #tpu.memory_space<vmem>>) dst(%dma_wait3A_773 : memref<128x128xf32, #tpu.memory_space<hbm>>)
      %dma_wait3A_774 = arith.constant 0 : i32
      %dma_wait3A_775 = tpu.memref_slice %arg7[%min3A_146, %dma_wait3A_774] : memref<100000x128xf32, #tpu.memory_space<hbm>> -> memref<128x128xf32, #tpu.memory_space<hbm>>
      %dma_wait3A_776 = arith.constant 0 : i32
      %dma_wait3A_777 = tpu.memref_slice %arg7[%min3A_146, %dma_wait3A_776] : memref<100000x128xf32, #tpu.memory_space<hbm>> -> memref<128x128xf32, #tpu.memory_space<hbm>>
      tpu.wait_dma2 semaphore(%arg18 : memref<!tpu.dma_semaphore, #tpu.memory_space<semaphore_mem>>) src(%arg9 : memref<128x128xf32, #tpu.memory_space<vmem>>) dst(%dma_wait3A_777 : memref<128x128xf32, #tpu.memory_space<hbm>>)
      %dma_wait3A_778 = arith.constant 0 : i32
      %dma_wait3A_779 = tpu.memref_slice %arg7[%min3A_155, %dma_wait3A_778] : memref<100000x128xf32, #tpu.memory_space<hbm>> -> memref<128x128xf32, #tpu.memory_space<hbm>>
      %dma_wait3A_780 = arith.constant 0 : i32
      %dma_wait3A_781 = tpu.memref_slice %arg7[%min3A_155, %dma_wait3A_780] : memref<100000x128xf32, #tpu.memory_space<hbm>> -> memref<128x128xf32, #tpu.memory_space<hbm>>
      tpu.wait_dma2 semaphore(%arg18 : memref<!tpu.dma_semaphore, #tpu.memory_space<semaphore_mem>>) src(%arg9 : memref<128x128xf32, #tpu.memory_space<vmem>>) dst(%dma_wait3A_781 : memref<128x128xf32, #tpu.memory_space<hbm>>)
      %dma_wait3A_782 = arith.constant 0 : i32
      %dma_wait3A_783 = tpu.memref_slice %arg7[%min3A_164, %dma_wait3A_782] : memref<100000x128xf32, #tpu.memory_space<hbm>> -> memref<128x128xf32, #tpu.memory_space<hbm>>
      %dma_wait3A_784 = arith.constant 0 : i32
      %dma_wait3A_785 = tpu.memref_slice %arg7[%min3A_164, %dma_wait3A_784] : memref<100000x128xf32, #tpu.memory_space<hbm>> -> memref<128x128xf32, #tpu.memory_space<hbm>>
      tpu.wait_dma2 semaphore(%arg18 : memref<!tpu.dma_semaphore, #tpu.memory_space<semaphore_mem>>) src(%arg9 : memref<128x128xf32, #tpu.memory_space<vmem>>) dst(%dma_wait3A_785 : memref<128x128xf32, #tpu.memory_space<hbm>>)
      %dma_wait3A_786 = arith.constant 0 : i32
      %dma_wait3A_787 = tpu.memref_slice %arg7[%min3A_173, %dma_wait3A_786] : memref<100000x128xf32, #tpu.memory_space<hbm>> -> memref<128x128xf32, #tpu.memory_space<hbm>>
      %dma_wait3A_788 = arith.constant 0 : i32
      %dma_wait3A_789 = tpu.memref_slice %arg7[%min3A_173, %dma_wait3A_788] : memref<100000x128xf32, #tpu.memory_space<hbm>> -> memref<128x128xf32, #tpu.memory_space<hbm>>
      tpu.wait_dma2 semaphore(%arg18 : memref<!tpu.dma_semaphore, #tpu.memory_space<semaphore_mem>>) src(%arg9 : memref<128x128xf32, #tpu.memory_space<vmem>>) dst(%dma_wait3A_789 : memref<128x128xf32, #tpu.memory_space<hbm>>)
      %dma_wait3A_790 = arith.constant 0 : i32
      %dma_wait3A_791 = tpu.memref_slice %arg7[%min3A_182, %dma_wait3A_790] : memref<100000x128xf32, #tpu.memory_space<hbm>> -> memref<128x128xf32, #tpu.memory_space<hbm>>
      %dma_wait3A_792 = arith.constant 0 : i32
      %dma_wait3A_793 = tpu.memref_slice %arg7[%min3A_182, %dma_wait3A_792] : memref<100000x128xf32, #tpu.memory_space<hbm>> -> memref<128x128xf32, #tpu.memory_space<hbm>>
      tpu.wait_dma2 semaphore(%arg18 : memref<!tpu.dma_semaphore, #tpu.memory_space<semaphore_mem>>) src(%arg9 : memref<128x128xf32, #tpu.memory_space<vmem>>) dst(%dma_wait3A_793 : memref<128x128xf32, #tpu.memory_space<hbm>>)
      %dma_wait3A_794 = arith.constant 0 : i32
      %dma_wait3A_795 = tpu.memref_slice %arg7[%min3A_191, %dma_wait3A_794] : memref<100000x128xf32, #tpu.memory_space<hbm>> -> memref<128x128xf32, #tpu.memory_space<hbm>>
      %dma_wait3A_796 = arith.constant 0 : i32
      %dma_wait3A_797 = tpu.memref_slice %arg7[%min3A_191, %dma_wait3A_796] : memref<100000x128xf32, #tpu.memory_space<hbm>> -> memref<128x128xf32, #tpu.memory_space<hbm>>
      tpu.wait_dma2 semaphore(%arg18 : memref<!tpu.dma_semaphore, #tpu.memory_space<semaphore_mem>>) src(%arg9 : memref<128x128xf32, #tpu.memory_space<vmem>>) dst(%dma_wait3A_797 : memref<128x128xf32, #tpu.memory_space<hbm>>)
      %dma_wait3A_798 = arith.constant 0 : i32
      %dma_wait3A_799 = tpu.memref_slice %arg7[%min3A_200, %dma_wait3A_798] : memref<100000x128xf32, #tpu.memory_space<hbm>> -> memref<128x128xf32, #tpu.memory_space<hbm>>
      %dma_wait3A_800 = arith.constant 0 : i32
      %dma_wait3A_801 = tpu.memref_slice %arg7[%min3A_200, %dma_wait3A_800] : memref<100000x128xf32, #tpu.memory_space<hbm>> -> memref<128x128xf32, #tpu.memory_space<hbm>>
      tpu.wait_dma2 semaphore(%arg18 : memref<!tpu.dma_semaphore, #tpu.memory_space<semaphore_mem>>) src(%arg9 : memref<128x128xf32, #tpu.memory_space<vmem>>) dst(%dma_wait3A_801 : memref<128x128xf32, #tpu.memory_space<hbm>>)
      %dma_wait3A_802 = arith.constant 0 : i32
      %dma_wait3A_803 = tpu.memref_slice %arg7[%min3A_209, %dma_wait3A_802] : memref<100000x128xf32, #tpu.memory_space<hbm>> -> memref<128x128xf32, #tpu.memory_space<hbm>>
      %dma_wait3A_804 = arith.constant 0 : i32
      %dma_wait3A_805 = tpu.memref_slice %arg7[%min3A_209, %dma_wait3A_804] : memref<100000x128xf32, #tpu.memory_space<hbm>> -> memref<128x128xf32, #tpu.memory_space<hbm>>
      tpu.wait_dma2 semaphore(%arg18 : memref<!tpu.dma_semaphore, #tpu.memory_space<semaphore_mem>>) src(%arg9 : memref<128x128xf32, #tpu.memory_space<vmem>>) dst(%dma_wait3A_805 : memref<128x128xf32, #tpu.memory_space<hbm>>)
      %dma_wait3A_806 = arith.constant 0 : i32
      %dma_wait3A_807 = tpu.memref_slice %arg7[%min3A_218, %dma_wait3A_806] : memref<100000x128xf32, #tpu.memory_space<hbm>> -> memref<128x128xf32, #tpu.memory_space<hbm>>
      %dma_wait3A_808 = arith.constant 0 : i32
      %dma_wait3A_809 = tpu.memref_slice %arg7[%min3A_218, %dma_wait3A_808] : memref<100000x128xf32, #tpu.memory_space<hbm>> -> memref<128x128xf32, #tpu.memory_space<hbm>>
      tpu.wait_dma2 semaphore(%arg18 : memref<!tpu.dma_semaphore, #tpu.memory_space<semaphore_mem>>) src(%arg9 : memref<128x128xf32, #tpu.memory_space<vmem>>) dst(%dma_wait3A_809 : memref<128x128xf32, #tpu.memory_space<hbm>>)
      %dma_wait3A_810 = arith.constant 0 : i32
      %dma_wait3A_811 = tpu.memref_slice %arg7[%min3A_227, %dma_wait3A_810] : memref<100000x128xf32, #tpu.memory_space<hbm>> -> memref<128x128xf32, #tpu.memory_space<hbm>>
      %dma_wait3A_812 = arith.constant 0 : i32
      %dma_wait3A_813 = tpu.memref_slice %arg7[%min3A_227, %dma_wait3A_812] : memref<100000x128xf32, #tpu.memory_space<hbm>> -> memref<128x128xf32, #tpu.memory_space<hbm>>
      tpu.wait_dma2 semaphore(%arg18 : memref<!tpu.dma_semaphore, #tpu.memory_space<semaphore_mem>>) src(%arg9 : memref<128x128xf32, #tpu.memory_space<vmem>>) dst(%dma_wait3A_813 : memref<128x128xf32, #tpu.memory_space<hbm>>)
      %dma_wait3A_814 = arith.constant 0 : i32
      %dma_wait3A_815 = tpu.memref_slice %arg7[%min3A_236, %dma_wait3A_814] : memref<100000x128xf32, #tpu.memory_space<hbm>> -> memref<128x128xf32, #tpu.memory_space<hbm>>
      %dma_wait3A_816 = arith.constant 0 : i32
      %dma_wait3A_817 = tpu.memref_slice %arg7[%min3A_236, %dma_wait3A_816] : memref<100000x128xf32, #tpu.memory_space<hbm>> -> memref<128x128xf32, #tpu.memory_space<hbm>>
      tpu.wait_dma2 semaphore(%arg18 : memref<!tpu.dma_semaphore, #tpu.memory_space<semaphore_mem>>) src(%arg9 : memref<128x128xf32, #tpu.memory_space<vmem>>) dst(%dma_wait3A_817 : memref<128x128xf32, #tpu.memory_space<hbm>>)
    } else {
    }
    return
  }
}

</mosaic_0001>

<sc_bundles>
// kernel: kernel.3.cloned.1.call-start
scs
__scs_entry_jumppad:
0x0: {  	(pc) =	sbr.rel $0x88, $3  }
0x1: {  	(tag) =	ssettag $0x0;
	lr =	simm.s32 $0x1  }
0x2: {  	[smem:$0x3F9F] =	sst lr;
	_ =	strace $0xD0000000  }
0x3: {  	_ = 	snop  }
0x4: {  	_ = 	snop  }
0x5: {  	_ = 	snop  }
0x6: {  	_ = 	snop  }
0x7: {  	_ = 	snop  }
__scs_overlays_trampoline_lowered:
0x8: {  	[smem:$0x3FAE] =	sst s0  }
0x9: {  	[smem:$0x3FAF] =	sst s1  }
0xa: {  	[smem:$0x3FB0] =	sst s2  }
0xb: {  	[smem:$0x3FB1] =	sst s3  }
0xc: {  	[smem:$0x3FB2] =	sst s4  }
0xd: {  	[smem:$0x3FB3] =	sst s5  }
0xe: {  	[smem:$0x3FB4] =	sst s6  }
0xf: {  	[smem:$0x3FB5] =	sst s7  }
0x10: {  	[smem:$0x3FB6] =	sst s8  }
0x11: {  	[smem:$0x3FB7] =	sst s9;
	s0 =	simm.s32 @!p0 $0x0  }
0x12: {  	s1 =	sld [smem:$0x3F9D];
	s0 =	simm.s32 @p0 $0x1  }
0x13: {  	[smem:$0x3FB8] =	sst s0;
	s0 =	simm.s32 @!p1 $0x0  }
0x14: {  	s2 =	sld [smem:$0x3F9C];
	s0 =	simm.s32 @p1 $0x1  }
0x15: {  	[smem:$0x3FB9] =	sst s0;
	s0 =	simm.s32 @!p2 $0x0  }
0x16: {  	s3 =	sld [smem:$0x3FDB];
	s0 =	simm.s32 @p2 $0x1  }
0x17: {  	s4 =	simm.s32 $0x1BF5;
	[smem:$0x3FBB] =	sst s0  }
0x18: {  	s0 =	sld [smem:$0x3F9E];
	_ =	swait.ge [sflag:s4], $0x0  }
0x19: {  	s7 =	sld [smem:$0x3F9F]  }
0x1a: {  	s8 =	sadd.s32 $0xFFFFE003, lr  }
0x1b: {  	s9 =	sadd.s32 $0xFFFFFEF7, lr;
	s5 =	simm.s32 $0xFFFFFFFF;
	p2 =	slt.u32 s8, $0xFFFFF086  }
0x1c: {  	p1 =	slt.u32 s9, $0xF7A;
	s5 =	simm.s32 @!p2 $0x0  }
0x1d: {  	s5 =	simm.s32 @p1 $0x1;
	p0 =	seq.s32 s7, s2  }
0x1e: {  	s7 =	smul.u32 @!p0 $0xF7A, s2;
	p2 =	seq.s32 @!p0 s5, $0x0  }
0x1f: {  	s9 =	smul.u32 $0xF7A, s1;
	s8 =	simm.s32 @!p0 $0x1BF5;
	p2 =	por !p2, p0  }
0x20: {  	[sflag:s8] =	ssyncset.s32 @!p0 $0xFFFFF086;
	s6 =	sadd.s32 @!p0 s3, s7;
	s7 =	simm.s32 @!p0 $0x108  }
0x21: {  	s3 =	sadd.s32 s3, s9;
	s6 =	sadd.s32 @!p0 $0x88, s6;
	s7 =	simm.s32 @p2 $0x1082  }
0x22: {  	[simem:s7], [sflag:s8] =	dma.local @!p0 [hbm:s6], $0xF7A  }
0x23: {  	s9 =	sor.u32 $0xD0000000, s2;
	s6 =	simm.s32 $0x108;
	_ =	swait.ge @!p0 [sflag:s8], $0x0  }
0x24: {  	s3 =	sadd.s32 $0x88, s3;
	s6 =	simm.s32 @!p1 $0x1082;
	[sflag:s4] =	ssyncset.s32 $0xFFFFF086  }
0x25: {  	[simem:s6], [sflag:s4] =	dma.local [hbm:s3], $0xF7A  }
0x26: {  	[smem:$0x3F9F] =	sst s1;
	(tag) =	ssettag s2;
	_ =	strace s9  }
0x27: {  	s1 =	sld [smem:$0x3FAF]  }
0x28: {  	s2 =	sld [smem:$0x3FB0]  }
0x29: {  	s4 =	sld [smem:$0x3FB2]  }
0x2a: {  	p0 =	seq.s32 s5, $0x0;
	s5 =	sld [smem:$0x3FB3]  }
0x2b: {  	s6 =	sld [smem:$0x3FB4]  }
0x2c: {  	s7 =	sld [smem:$0x3FB5]  }
0x2d: {  	s3 =	simm.s32 $0x108;
	s8 =	sld [smem:$0x3FB6]  }
0x2e: {  	s3 =	simm.s32 @!p0 $0x1082;
	s9 =	sld [smem:$0x3FB7]  }
0x2f: {  	lr =	sadd.s32 s0, s3;
	s0 =	sld [smem:$0x3FAE]  }
0x30: {  	s3 =	sld [smem:$0x3FB1]  }
0x31: {  	[smem:$0x3FBA] =	sst s10  }
0x32: {  	s10 =	sld [smem:$0x3FB8];
	_ =	sdelay $0x3  }
0x33: {  	p0 =	seq.s32 s10, $0x1;
	s10 =	sld [smem:$0x3FBA];
	_ =	sdelay $0x3  }
0x34: {  	[smem:$0x3FBA] =	sst s10  }
0x35: {  	s10 =	sld [smem:$0x3FB9];
	_ =	sdelay $0x3  }
0x36: {  	p1 =	seq.s32 s10, $0x1;
	s10 =	sld [smem:$0x3FBA];
	_ =	sdelay $0x3  }
0x37: {  	[smem:$0x3FBA] =	sst s10  }
0x38: {  	s10 =	sld [smem:$0x3FBB]  }
0x39: {  	_ = 	snop;
	(pc) =	sbr.ind lr, $3  }
0x3a: {  	_ = 	snop  }
0x3b: {  	_ = 	snop  }
0x3c: {  	p2 =	seq.s32 s10, $0x1;
	s10 =	sld [smem:$0x3FBA]  }
0x3d: {  	_ =	shalt  }
0x3e: {  	_ =	shalt  }
0x3f: {  	_ =	shalt  }
0x40: {  	_ =	shalt  }
0x41: {  	_ =	shalt  }
0x42: {  	_ =	shalt  }
0x43: {  	_ =	shalt  }
0x44: {  	_ =	shalt  }
0x45: {  	_ =	shalt  }
0x46: {  	_ =	shalt  }
0x47: {  	_ =	shalt  }
0x48: {  	_ =	shalt  }
0x49: {  	_ =	shalt  }
0x4a: {  	_ =	shalt  }
0x4b: {  	_ =	shalt  }
0x4c: {  	_ =	shalt  }
0x4d: {  	_ =	shalt  }
0x4e: {  	_ =	shalt  }
0x4f: {  	_ =	shalt  }
0x50: {  	_ =	shalt  }
0x51: {  	_ =	shalt  }
0x52: {  	_ =	shalt  }
0x53: {  	_ =	shalt  }
0x54: {  	_ =	shalt  }
0x55: {  	_ =	shalt  }
0x56: {  	_ =	shalt  }
0x57: {  	_ =	shalt  }
0x58: {  	_ =	shalt  }
0x59: {  	_ =	shalt  }
0x5a: {  	_ =	shalt  }
0x5b: {  	_ =	shalt  }
0x5c: {  	_ =	shalt  }
0x5d: {  	_ =	shalt  }
0x5e: {  	_ =	shalt  }
0x5f: {  	_ =	shalt  }
0x60: {  	_ =	shalt  }
0x61: {  	_ =	shalt  }
0x62: {  	_ =	shalt  }
0x63: {  	_ =	shalt  }
0x64: {  	_ =	shalt  }
0x65: {  	_ =	shalt  }
0x66: {  	_ =	shalt  }
0x67: {  	_ =	shalt  }
0x68: {  	_ =	shalt  }
0x69: {  	_ =	shalt  }
0x6a: {  	_ =	shalt  }
0x6b: {  	_ =	shalt  }
0x6c: {  	_ =	shalt  }
0x6d: {  	_ =	shalt  }
0x6e: {  	_ =	shalt  }
0x6f: {  	_ =	shalt  }
0x70: {  	_ =	shalt  }
0x71: {  	_ =	shalt  }
0x72: {  	_ =	shalt  }
0x73: {  	_ =	shalt  }
0x74: {  	_ =	shalt  }
0x75: {  	_ =	shalt  }
0x76: {  	_ =	shalt  }
0x77: {  	_ =	shalt  }
0x78: {  	_ =	shalt  }
0x79: {  	_ =	shalt  }
0x7a: {  	_ =	shalt  }
0x7b: {  	_ =	shalt  }
0x7c: {  	_ =	shalt  }
0x7d: {  	_ =	shalt  }
0x7e: {  	_ =	shalt  }
0x7f: {  	_ =	shalt  }
0x80: {  	_ =	shalt  }
0x81: {  	_ =	shalt  }
0x82: {  	_ =	shalt  }
0x83: {  	_ =	shalt  }
0x84: {  	_ =	shalt  }
0x85: {  	_ =	shalt  }
0x86: {  	_ =	shalt  }
0x87: {  	_ =	shalt  }
.Lfunc_end0:
.L_simem_size_0:
called_computation_lowered:
.L_overlay_start_0:
0x88: {  	s2 =	sld [smem:$0x3FD9]  }
0x89: {  	s3 =	sld [smem:$0x3FFE];
	_ =	sdelay $0x1  }
0x8a: {  	s1 =	srdreg.scid  }
0x8b: {  	s0 =	sand.u32 $0x1, s1  }
0x8c: {  	s17 =	sshll.u32 s0, $0xA;
	s2 =	sadd.s32 s3, s2  }
0x8d: {  	s2 =	sadd.s32 s2, s17  }
0x8e: {  	[smem:$0x3FC6] =	sst s2  }
0x8f: {  	_ = 	snop  }
0x90: {  	s2 =	sld [smem:$0x3FC9]  }
0x91: {  	s18 =	sld [smem:$0x3FC8]  }
0x92: {  	s4 =	sld [smem:$0x3FD0];
	(tm) =	ssettm $0x1  }
0x93: {  	s5 =	sld [smem:$0x3FFB];
	_ =	sdelay $0x3  }
0x94: {  	_ =	strace s5  }
0x95: {  	s5 =	sld [smem:$0x3FFC];
	_ =	sdelay $0x3  }
0x96: {  	_ =	strace s5  }
0x97: {  	s5 =	sld [smem:$0x3FFD];
	_ =	sdelay $0x3  }
0x98: {  	_ =	strace s5  }
0x99: {  	_ =	strace $0x8FFFFFFF  }
0x9a: {  	s19 =	sld [smem:$0x3FDB];
	_ =	sdelay $0x1  }
0x9b: {  	s6 =	simm.s32 $_scs_section_size  }
0x9c: {  	s7 =	simm.s32 $_size__tile_overlayer_lowered;
	s8 =	simm.s32 $_tile_overlayer_lowered  }
0x9d: {  	s22 =	simm.s32 $0x1BFF;
	s21 =	sshll.u32 s8, $0x1;
	s5 =	sadd.s32 s6, s19  }
0x9e: {  	s9 =	simm.s32 $0x0;
	s20 =	sshll.u32 s7, $0x1;
	s7 =	sadd.s32 s21, s5  }
0x9f: {  	[timem:s9], [sflag:s22] =	dma.local [hbm:s7], s20  }
0xa0: {  	_ =	swait.ge [sflag:s22], s20  }
0xa1: {  	s6 =	ssub.s32 $0x0, s20;
	[sflag:s22] =	ssyncset.done $0x0  }
0xa2: {  	[sflag:s22] =	ssyncadd.s32 s6;
	_ =	sdelay $0x1  }
0xa3: {  	s23 =	simm.s32 $0x1B8B  }
0xa4: {  	_ =	swait.ge [sflag:s23], $0x1  }
0xa5: {  	[sflag:s23] =	ssyncset.done $0x0  }
0xa6: {  	s25 =	simm.s32 $0x1B8E;
	s24 =	sld [smem:$0x3FFE];
	[sflag:s23] =	ssyncadd.s32 $0xFFFFFFFF  }
0xa7: {  	s26 =	simm.s32 $execute0_lowered;
	[smem:$0x3FD2] =	sst s25  }
0xa8: {  	s7 =	sshll.u32 s26, $0x1;
	_ =	strace $0x80000046;
	[dreg:$0x1] =	wrdreg $0xFFFFFFFF  }
0xa9: {  	s28 =	simm.s32 $_size_execute0_lowered;
	s5 =	sadd.s32 s5, s7;
	[dreg:$0x0] =	wrdreg $0x0  }
0xaa: {  	s7 =	sshll.u32 s28, $0x1;
	[dreg:$0x2] =	wrdreg s5  }
0xab: {  	[dreg:$0x3] =	wrdreg s7  }
0xac: {  	[dreg:$0x4] =	wrdreg $0xC0  }
0xad: {  	_ =	task [dreg:s9], $0x5FFFF  }
0xae: {  	[dreg:$0x1] =	wrdreg $0xFFFFFFFF  }
0xaf: {  	[dreg:$0x0] =	wrdreg $0x60  }
0xb0: {  	[dreg:$0x2] =	wrdreg s2  }
0xb1: {  	[dreg:$0x3] =	wrdreg s18  }
0xb2: {  	[dreg:$0x4] =	wrdreg s24  }
0xb3: {  	[dreg:$0x5] =	wrdreg s4  }
0xb4: {  	[dreg:$0x6] =	wrdreg $0x9  }
0xb5: {  	_ =	task.clear_ibuf [dreg:s9], $0x7FFFF;
	_ =	strace $0x90000046  }
0xb6: {  	s29 =	simm.s32 $0x9;
	_ =	strace $0x80000048  }
0xb7: {  	_ =	swait.ge [sflag:s29], $0x1  }
0xb8: {  	[sflag:s29] =	ssyncadd.s32 $0xFFFFFFFF  }
0xb9: {  	_ =	strace $0x90000048  }
0xba: {  	_ =	sfence  }
0xbb: {  	s30 =	sld [smem:$0x0];
	_ =	sdelay $0x2  }
0xbc: {  	s31 =	sshll.u32 s1, $0xD;
	s1 =	sshrl.u32 s1, $0x2  }
0xbd: {  	s3 =	sand.u32 $0x4000, s31;
	s1 =	sadd.s32 s1, s30  }
0xbe: {  	s0 =	sor.u32 s3, s0;
	s1 =	sshll.u32 s1, $0x11  }
0xbf: {  	s0 =	sor.u32 s1, s0  }
0xc0: {  	s0 =	sadd.s32 $0x8F2B, s0  }
0xc1: {  	[sflag:s0] =	ssyncadd.remote.s32 $0x1  }
0xc2: {  	_ =	sfence.sel $0xFFFF  }
0xc3: {  	[dreg:$0x0] =	wrdreg $0xFFFFFFFF;
	(pc) =	sbr.abs _section_cstart, $3  }
0xc4: {  	[dreg:$0x1] =	wrdreg $0xFFFFFFFF  }
0xc5: {  	_ =	task.clear_ibuf [dreg:s9], $0x2FFFF;
	_ =	strace $0x9FFFFFFF  }
0xc6: {  	(tm) =	ssettm $0x7FFFFFFF  }
0xc7: {  	_ =	shalt  }
tec
execute0_lowered:
.L_overlay_start_1:
0x0: {  	(tag) =	ssettag $0x1  }
0x1: {  	s0 =	srdreg.scid;
	s1 =	stileid.u32  }
0x2: {  	s2 =	sand.u32 $0x1, s0;
	s7 =	sshll.u32 s1, $0x1  }
0x3: {  	s1 =	sor.u32 s2, s7;
	s2 =	ssub.s32 $0x2, s2  }
0x4: {  	s0 =	sadd.s32 $0x1, s1;
	s8 =	sshrl.u32 s2, $0x1  }
0x5: {  	s3 =	smul.u32 $0x186, s1;
	s2 =	ssub.s32 s2, s8;
	p0 =	seq.s32 s0, $0x20  }
0x6: {  	s4 =	smin.u32 s1, $0x14;
	[smem:$0x7FB] =	sst s2;
	s2 =	simm.s32 @!p0 $0x0  }
0x7: {  	s5 =	smin.u32 s0, $0x14;
	s2 =	simm.s32 @p0 $0x1;
	p0 =	seq.s32 s0, $0x1F  }
0x8: {  	s4 =	sadd.s32 s4, s3;
	[smem:$0x7DB] =	sst s2;
	s2 =	simm.s32 @!p0 $0x0  }
0x9: {  	s3 =	sadd.s32 s5, s3;
	s2 =	simm.s32 @p0 $0x1;
	p0 =	seq.s32 s0, $0x1E  }
0xa: {  	s4 =	sshll.u32 s4, $0x3;
	[smem:$0x7DC] =	sst s2;
	s2 =	simm.s32 @!p0 $0x0  }
0xb: {  	s3 =	sshll.u32 s3, $0x3;
	s2 =	simm.s32 @p0 $0x1;
	p0 =	seq.s32 s0, $0x1D  }
0xc: {  	s3 =	sadd.s32 $0xBB0, s3;
	[smem:$0x7DD] =	sst s2;
	s2 =	simm.s32 @!p0 $0x0  }
0xd: {  	s6 =	sadd.s32 $0x80, s4;
	s2 =	simm.s32 @p0 $0x1;
	p0 =	seq.s32 s0, $0x1C  }
0xe: {  	s10 =	sadd.s32 $0x100, s4;
	[smem:$0x7DE] =	sst s2;
	s2 =	simm.s32 @!p0 $0x0  }
0xf: {  	s11 =	sadd.s32 $0x180, s4;
	s2 =	simm.s32 @p0 $0x1;
	p0 =	seq.s32 s0, $0x1B  }
0x10: {  	s12 =	sadd.s32 $0x200, s4;
	[smem:$0x7DF] =	sst s2;
	s2 =	simm.s32 @!p0 $0x0  }
0x11: {  	s13 =	sadd.s32 $0x280, s4;
	s2 =	simm.s32 @p0 $0x1;
	p0 =	seq.s32 s0, $0x1A  }
0x12: {  	s14 =	sadd.s32 $0x300, s4;
	[smem:$0x7E0] =	sst s2;
	s2 =	simm.s32 @!p0 $0x0  }
0x13: {  	s15 =	sadd.s32 $0x380, s4;
	s2 =	simm.s32 @p0 $0x1;
	p0 =	seq.s32 s0, $0x19  }
0x14: {  	s18 =	sadd.s32 $0x400, s4;
	[smem:$0x7E1] =	sst s2;
	s2 =	simm.s32 @!p0 $0x0  }
0x15: {  	s19 =	sadd.s32 $0x480, s4;
	s2 =	simm.s32 @p0 $0x1;
	p0 =	seq.s32 s0, $0x18  }
0x16: {  	s20 =	sadd.s32 $0x500, s4;
	[smem:$0x7E2] =	sst s2;
	s2 =	simm.s32 @!p0 $0x0  }
0x17: {  	s21 =	sadd.s32 $0x580, s4;
	s2 =	simm.s32 @p0 $0x1;
	p0 =	seq.s32 s0, $0x17  }
0x18: {  	s22 =	sadd.s32 $0x600, s4;
	[smem:$0x7E3] =	sst s2;
	s2 =	simm.s32 @!p0 $0x0  }
0x19: {  	s23 =	sadd.s32 $0x680, s4;
	s2 =	simm.s32 @p0 $0x1;
	p0 =	seq.s32 s0, $0x16  }
0x1a: {  	s29 =	sadd.s32 $0x700, s4;
	[smem:$0x7E4] =	sst s2;
	s2 =	simm.s32 @!p0 $0x0  }
0x1b: {  	s30 =	sadd.s32 $0x780, s4;
	s2 =	simm.s32 @p0 $0x1;
	p0 =	seq.s32 s0, $0x15  }
0x1c: {  	s31 =	sadd.s32 $0x800, s4;
	[smem:$0x7E5] =	sst s2;
	s2 =	simm.s32 @!p0 $0x0  }
0x1d: {  	s7 =	sadd.s32 $0x880, s4;
	s2 =	simm.s32 @p0 $0x1;
	p0 =	seq.s32 s0, $0x14  }
0x1e: {  	s8 =	sadd.s32 $0x900, s4;
	[smem:$0x7E6] =	sst s2;
	s2 =	simm.s32 @!p0 $0x0  }
0x1f: {  	s9 =	smin.u32 s6, s3;
	s2 =	simm.s32 @p0 $0x1;
	p0 =	seq.s32 s0, $0x13  }
0x20: {  	s24 =	smin.u32 s10, s3;
	[smem:$0x7E7] =	sst s2;
	s2 =	simm.s32 @!p0 $0x0  }
0x21: {  	s16 =	smin.u32 s11, s3;
	s2 =	simm.s32 @p0 $0x1;
	p0 =	seq.s32 s0, $0x12  }
0x22: {  	s25 =	smin.u32 s13, s3;
	[smem:$0x7E8] =	sst s2;
	s2 =	simm.s32 @!p0 $0x0  }
0x23: {  	s17 =	smin.u32 s14, s3;
	s2 =	simm.s32 @p0 $0x1;
	p0 =	seq.s32 s0, $0x11  }
0x24: {  	s10 =	smin.u32 s15, s3;
	[smem:$0x7E9] =	sst s2;
	s2 =	simm.s32 @!p0 $0x0  }
0x25: {  	s26 =	smin.u32 s18, s3;
	s2 =	simm.s32 @p0 $0x1;
	p0 =	seq.s32 s0, $0x10  }
0x26: {  	s18 =	smin.u32 s19, s3;
	[smem:$0x7EA] =	sst s2;
	s2 =	simm.s32 @!p0 $0x0  }
0x27: {  	s11 =	smin.u32 s20, s3;
	s2 =	simm.s32 @p0 $0x1;
	p0 =	seq.s32 s0, $0xF  }
0x28: {  	s28 =	smin.u32 s21, s3;
	[smem:$0x7EB] =	sst s2;
	s2 =	simm.s32 @!p0 $0x0  }
0x29: {  	s19 =	smin.u32 s22, s3;
	s2 =	simm.s32 @p0 $0x1;
	p0 =	seq.s32 s0, $0xE  }
0x2a: {  	s29 =	smin.u32 s29, s3;
	[smem:$0x7EC] =	sst s2;
	s2 =	simm.s32 @!p0 $0x0  }
0x2b: {  	s20 =	smin.u32 s30, s3;
	s2 =	simm.s32 @p0 $0x1;
	p0 =	seq.s32 s0, $0xD  }
0x2c: {  	s13 =	smin.u32 s31, s3;
	[smem:$0x7ED] =	sst s2;
	s2 =	simm.s32 @!p0 $0x0  }
0x2d: {  	s14 =	sadd.s32 $0x980, s4;
	s2 =	simm.s32 @p0 $0x1;
	p0 =	seq.s32 s0, $0xC  }
0x2e: {  	s30 =	smin.u32 s7, s3;
	[smem:$0x7EE] =	sst s2;
	s2 =	simm.s32 @!p0 $0x0  }
0x2f: {  	s21 =	smin.u32 s8, s3;
	s2 =	simm.s32 @p0 $0x1;
	p0 =	seq.s32 s0, $0xB  }
0x30: {  	s15 =	sadd.s32 $0xA00, s4;
	[smem:$0x7EF] =	sst s2;
	s2 =	simm.s32 @!p0 $0x0  }
0x31: {  	s22 =	sadd.s32 $0xA80, s4;
	s2 =	simm.s32 @p0 $0x1;
	p0 =	seq.s32 s0, $0xA  }
0x32: {  	s5 =	smin.u32 s4, s3;
	[smem:$0x7F0] =	sst s2;
	s2 =	simm.s32 @!p0 $0x0  }
0x33: {  	s6 =	sadd.s32 $0xB80, s4;
	s2 =	simm.s32 @p0 $0x1;
	p0 =	seq.s32 s0, $0x9  }
0x34: {  	s7 =	simm.s32 $0x0;
	[smem:$0x7F1] =	sst s2;
	s2 =	simm.s32 @!p0 $0x0  }
0x35: {  	[smem:$0x7FA] =	sst s9;
	s2 =	simm.s32 @p0 $0x1;
	p0 =	seq.s32 s0, $0x8  }
0x36: {  	s9 =	smin.u32 s12, s3;
	[smem:$0x7F2] =	sst s2;
	s2 =	simm.s32 @!p0 $0x0  }
0x37: {  	s12 =	smin.u32 s23, s3;
	s2 =	simm.s32 @p0 $0x1;
	p0 =	seq.s32 s0, $0x7  }
0x38: {  	s14 =	smin.u32 s14, s3;
	[smem:$0x7F3] =	sst s2;
	s2 =	simm.s32 @!p0 $0x0  }
0x39: {  	s23 =	sadd.s32 $0xB00, s4;
	s2 =	simm.s32 @p0 $0x1;
	p0 =	seq.s32 s0, $0x6  }
0x3a: {  	s31 =	smin.u32 s15, s3;
	[smem:$0x7F4] =	sst s2;
	s2 =	simm.s32 @!p0 $0x0  }
0x3b: {  	[smem:$0x7FF] =	sst s7;
	s2 =	simm.s32 @p0 $0x1;
	p0 =	seq.s32 s0, $0x5  }
0x3c: {  	s8 =	smin.u32 s6, s3;
	[smem:$0x7F5] =	sst s2;
	s2 =	simm.s32 @!p0 $0x0  }
0x3d: {  	s6 =	rddreg [dreg:$0x2];
	s2 =	simm.s32 @p0 $0x1;
	p0 =	seq.s32 s0, $0x4  }
0x3e: {  	s22 =	smin.u32 s22, s3;
	[smem:$0x7F6] =	sst s2;
	s2 =	simm.s32 @!p0 $0x0  }
0x3f: {  	s7 =	rddreg [dreg:$0x3];
	s2 =	simm.s32 @p0 $0x1;
	p0 =	seq.s32 s0, $0x3  }
0x40: {  	s4 =	sadd.s32 $0xC00, s4;
	[smem:$0x7F7] =	sst s2;
	s2 =	simm.s32 @!p0 $0x0  }
0x41: {  	s15 =	smin.u32 s23, s3;
	s2 =	simm.s32 @p0 $0x1;
	p0 =	seq.s32 s0, $0x2  }
0x42: {  	s23 =	smin.u32 s4, s3;
	s3 =	rddreg [dreg:$0x0];
	s0 =	simm.s32 @!p0 $0x0  }
0x43: {  	[smem:$0x7F8] =	sst s2;
	s0 =	simm.s32 @p0 $0x1  }
0x44: {  	[smem:$0x7F9] =	sst s0  }
0x45: {  	s4 =	rddreg [dreg:$0x1];
	_ =	strace $0x80000047  }
0x46: {  	s2 =	sshll.u32 s5, $0x4;
	s5 =	sld [smem:$0x7FA];
	_ =	sdelay $0x1  }
0x47: {  	s16 =	sshll.u32 s16, $0x4;
	s0 =	sadd.s32 s7, s2;
	s2 =	sshll.u32 s24, $0x4  }
0x48: {  	[dreg:$0x5] =	wrdreg s0;
	s0 =	sshll.u32 s5, $0x4;
	s5 =	sadd.s32 s7, s2  }
0x49: {  	s2 =	sshll.u32 s25, $0x4;
	s0 =	sadd.s32 s7, s0;
	[dreg:$0x7] =	wrdreg s5  }
0x4a: {  	s28 =	sshll.u32 s28, $0x4;
	s5 =	sadd.s32 s7, s2;
	[dreg:$0x6] =	wrdreg s0  }
0x4b: {  	s24 =	sshll.u32 s9, $0x4;
	s2 =	sadd.s32 s7, s28;
	[dreg:$0xa] =	wrdreg s5  }
0x4c: {  	s9 =	sshll.u32 s17, $0x4;
	s0 =	sadd.s32 s7, s16;
	[dreg:$0x10] =	wrdreg s2  }
0x4d: {  	s16 =	sshll.u32 s10, $0x4;
	s10 =	sshll.u32 s29, $0x4;
	s29 =	sld [smem:$0x7FB]  }
0x4e: {  	s17 =	sshll.u32 s26, $0x4;
	[dreg:$0x8] =	wrdreg s0;
	s0 =	sadd.s32 s7, s24  }
0x4f: {  	s26 =	sshll.u32 s11, $0x4;
	s24 =	sadd.s32 s7, s17;
	[dreg:$0x9] =	wrdreg s0  }
0x50: {  	s11 =	sadd.s32 s7, s10;
	s0 =	sadd.s32 s7, s9;
	[dreg:$0xd] =	wrdreg s24  }
0x51: {  	s9 =	sshll.u32 s12, $0x4;
	[dreg:$0x13] =	wrdreg s11;
	s12 =	sshll.u32 s20, $0x4  }
0x52: {  	s20 =	sshll.u32 s31, $0x4;
	s31 =	sadd.s32 $0x1C00, s6;
	[dreg:$0xb] =	wrdreg s0  }
0x53: {  	s25 =	sshll.u32 s18, $0x4;
	s0 =	sadd.s32 s7, s16;
	[smem:$0x7FD] =	sst s31  }
0x54: {  	s18 =	sshll.u32 s21, $0x4;
	s21 =	sadd.s32 s7, s20;
	[dreg:$0xc] =	wrdreg s0  }
0x55: {  	s16 =	sshll.u32 s30, $0x4;
	s30 =	sadd.s32 $0x1A00, s6;
	[dreg:$0x19] =	wrdreg s21  }
0x56: {  	s0 =	sadd.s32 s7, s25;
	[dreg:$0x1f] =	wrdreg s30  }
0x57: {  	s17 =	sadd.s32 s7, s16;
	[dreg:$0xe] =	wrdreg s0  }
0x58: {  	s5 =	sshll.u32 s19, $0x4;
	s0 =	sadd.s32 s7, s26;
	[dreg:$0x16] =	wrdreg s17  }
0x59: {  	[dreg:$0xf] =	wrdreg s0;
	s0 =	sadd.s32 s7, s5  }
0x5a: {  	[dreg:$0x11] =	wrdreg s0;
	s0 =	sadd.s32 s7, s9  }
0x5b: {  	s13 =	sshll.u32 s13, $0x4;
	[dreg:$0x12] =	wrdreg s0;
	s0 =	sadd.s32 s7, s12  }
0x5c: {  	s22 =	sshll.u32 s22, $0x4;
	[dreg:$0x14] =	wrdreg s0;
	s0 =	sadd.s32 s7, s13  }
0x5d: {  	s19 =	sshll.u32 s14, $0x4;
	[dreg:$0x15] =	wrdreg s0;
	s0 =	sadd.s32 s7, s18  }
0x5e: {  	p0 =	seq.s32 s1, $0x1F;
	[dreg:$0x17] =	wrdreg s0;
	s0 =	sadd.s32 s7, s19  }
0x5f: {  	s24 =	sshll.u32 s15, $0x4;
	[dreg:$0x18] =	wrdreg s0;
	s0 =	sadd.s32 s7, s22  }
0x60: {  	s28 =	sshll.u32 s23, $0x4;
	[dreg:$0x1a] =	wrdreg s0;
	s0 =	sadd.s32 s7, s24  }
.Ltmp0:
0x61: {  	[dreg:$0x1b] =	wrdreg s0;
	s0 =	sadd.s32 s7, s28;
	(pc) =	sbr.rel .LBB2_1-.Ltmp0, $4  }
0x62: {  	s25 =	sshll.u32 s8, $0x4;
	[dreg:$0x1d] =	wrdreg s0;
	s0 =	smax.u32 s29, $0x1  }
0x63: {  	s26 =	sadd.s32 s7, s25;
	[dreg:$0x1e] =	wrdreg s0;
	s0 =	simm.s32 @!p0 $0x0  }
0x64: {  	s11 =	simm.s32 $0x80;
	[dreg:$0x1c] =	wrdreg s26;
	s0 =	simm.s32 @p0 $0x1  }
0x65: {  	s21 =	simm.s32 $0x0;
	s13 =	simm.s32 $0x1;
	[smem:$0x7FC] =	sst s0  }
.LBB2_7:
0x66: {  	s0 =	simm.s32 $0x1  }
0x67: {  	_ =	swait.ge [sflag:s0], $0x4000  }
0x68: {  	[sflag:s0] =	ssyncset.done $0x0  }
0x69: {  	[sflag:s0] =	ssyncadd.s32 $0xFFFFC000  }
0x6a: {  	_ =	swait.ge [sflag:s0], $0x4000  }
0x6b: {  	[sflag:s0] =	ssyncset.done $0x0  }
0x6c: {  	[sflag:s0] =	ssyncadd.s32 $0xFFFFC000  }
0x6d: {  	_ =	swait.ge [sflag:s0], $0x4000  }
0x6e: {  	[sflag:s0] =	ssyncset.done $0x0  }
0x6f: {  	[sflag:s0] =	ssyncadd.s32 $0xFFFFC000  }
0x70: {  	_ =	swait.ge [sflag:s0], $0x4000  }
0x71: {  	[sflag:s0] =	ssyncset.done $0x0  }
0x72: {  	[sflag:s0] =	ssyncadd.s32 $0xFFFFC000  }
0x73: {  	_ =	swait.ge [sflag:s0], $0x4000  }
0x74: {  	[sflag:s0] =	ssyncset.done $0x0  }
0x75: {  	[sflag:s0] =	ssyncadd.s32 $0xFFFFC000  }
0x76: {  	_ =	swait.ge [sflag:s0], $0x4000  }
0x77: {  	[sflag:s0] =	ssyncset.done $0x0  }
0x78: {  	[sflag:s0] =	ssyncadd.s32 $0xFFFFC000  }
0x79: {  	_ =	swait.ge [sflag:s0], $0x4000  }
0x7a: {  	[sflag:s0] =	ssyncset.done $0x0  }
0x7b: {  	[sflag:s0] =	ssyncadd.s32 $0xFFFFC000  }
0x7c: {  	_ =	swait.ge [sflag:s0], $0x4000  }
0x7d: {  	[sflag:s0] =	ssyncset.done $0x0  }
0x7e: {  	[sflag:s0] =	ssyncadd.s32 $0xFFFFC000  }
0x7f: {  	_ =	swait.ge [sflag:s0], $0x4000  }
0x80: {  	[sflag:s0] =	ssyncset.done $0x0  }
0x81: {  	[sflag:s0] =	ssyncadd.s32 $0xFFFFC000  }
0x82: {  	_ =	swait.ge [sflag:s0], $0x4000  }
0x83: {  	[sflag:s0] =	ssyncset.done $0x0  }
0x84: {  	[sflag:s0] =	ssyncadd.s32 $0xFFFFC000  }
0x85: {  	_ =	swait.ge [sflag:s0], $0x4000  }
0x86: {  	[sflag:s0] =	ssyncset.done $0x0  }
0x87: {  	[sflag:s0] =	ssyncadd.s32 $0xFFFFC000  }
0x88: {  	_ =	swait.ge [sflag:s0], $0x4000  }
0x89: {  	[sflag:s0] =	ssyncset.done $0x0  }
0x8a: {  	[sflag:s0] =	ssyncadd.s32 $0xFFFFC000  }
0x8b: {  	_ =	swait.ge [sflag:s0], $0x4000  }
0x8c: {  	[sflag:s0] =	ssyncset.done $0x0  }
0x8d: {  	[sflag:s0] =	ssyncadd.s32 $0xFFFFC000  }
0x8e: {  	_ =	swait.ge [sflag:s0], $0x4000  }
0x8f: {  	[sflag:s0] =	ssyncset.done $0x0  }
0x90: {  	[sflag:s0] =	ssyncadd.s32 $0xFFFFC000  }
0x91: {  	_ =	swait.ge [sflag:s0], $0x4000  }
0x92: {  	[sflag:s0] =	ssyncset.done $0x0  }
0x93: {  	[sflag:s0] =	ssyncadd.s32 $0xFFFFC000  }
0x94: {  	_ =	swait.ge [sflag:s0], $0x4000  }
0x95: {  	[sflag:s0] =	ssyncset.done $0x0  }
0x96: {  	[sflag:s0] =	ssyncadd.s32 $0xFFFFC000  }
0x97: {  	_ =	swait.ge [sflag:s0], $0x4000  }
0x98: {  	[sflag:s0] =	ssyncset.done $0x0  }
0x99: {  	[sflag:s0] =	ssyncadd.s32 $0xFFFFC000  }
0x9a: {  	_ =	swait.ge [sflag:s0], $0x4000  }
0x9b: {  	[sflag:s0] =	ssyncset.done $0x0  }
0x9c: {  	[sflag:s0] =	ssyncadd.s32 $0xFFFFC000  }
0x9d: {  	_ =	swait.ge [sflag:s0], $0x4000  }
0x9e: {  	[sflag:s0] =	ssyncset.done $0x0  }
0x9f: {  	[sflag:s0] =	ssyncadd.s32 $0xFFFFC000  }
0xa0: {  	_ =	swait.ge [sflag:s0], $0x4000  }
0xa1: {  	[sflag:s0] =	ssyncset.done $0x0  }
0xa2: {  	[sflag:s0] =	ssyncadd.s32 $0xFFFFC000  }
0xa3: {  	_ =	swait.ge [sflag:s0], $0x4000  }
0xa4: {  	[sflag:s0] =	ssyncset.done $0x0  }
0xa5: {  	[sflag:s0] =	ssyncadd.s32 $0xFFFFC000  }
0xa6: {  	_ =	swait.ge [sflag:s0], $0x4000  }
0xa7: {  	[sflag:s0] =	ssyncset.done $0x0  }
0xa8: {  	[sflag:s0] =	ssyncadd.s32 $0xFFFFC000  }
0xa9: {  	_ =	swait.ge [sflag:s0], $0x4000  }
0xaa: {  	[sflag:s0] =	ssyncset.done $0x0  }
0xab: {  	[sflag:s0] =	ssyncadd.s32 $0xFFFFC000  }
0xac: {  	_ =	swait.ge [sflag:s0], $0x4000  }
0xad: {  	[sflag:s0] =	ssyncset.done $0x0  }
0xae: {  	[sflag:s0] =	ssyncadd.s32 $0xFFFFC000  }
.LBB2_8:
0xaf: {  	_ =	swait.ge [sflag:s0], $0x4000  }
0xb0: {  	[sflag:s0] =	ssyncset.done $0x0  }
0xb1: {  	[sflag:s0] =	ssyncadd.s32 $0xFFFFC000  }
.LBB2_9:
0xb2: {  	s21 =	sadd.s32 $0x1, s21;
	s0 =	rddreg [dreg:$0x1e]  }
0xb3: {  	p0 =	sne.s32 s21, s0  }
.Ltmp1:
0xb4: {  	_ = 	snop;
	(pc) =	sbr.rel @!p0 .LBB2_10-.Ltmp1, $1  }
0xb5: {  	_ =	sdelay $0x3  }
.LBB2_1:
0xb6: {  	s2 =	sld [smem:$0x7FD];
	_ =	sdelay $0x1  }
0xb7: {  	s0 =	simm.s32 $0x0;
	s5 =	simm.s32 $0x5  }
0xb8: {  	[tilespmem:s11], [sflag:$0x5] =	stream.linear.gather [hbm4b:s2+s0], $0x4000, $0x38;
	[tilespmem:$0x1C880] =	vst v63  }
0xb9: {  	_ =	swait.ge [sflag:s5], $0x4000  }
0xba: {  	[sflag:s5] =	ssyncset.done $0x0  }
0xbb: {  	s24 =	rddreg [dreg:$0x5];
	[sflag:s5] =	ssyncadd.s32 $0xFFFFC000  }
0xbc: {  	[hbm4b:s24+s0] =	stream.linear.scatter [tilespmem:s11], [sflag:$0x1], $0x4000, $0x38;
	[tilespmem:$0x1C880] =	vst v63  }
0xbd: {  	s25 =	rddreg [dreg:$0x6]  }
0xbe: {  	[hbm4b:s25+s0] =	stream.linear.scatter [tilespmem:s11], [sflag:$0x1], $0x4000, $0x38;
	[tilespmem:$0x1C880] =	vst v63  }
0xbf: {  	s26 =	rddreg [dreg:$0x7]  }
0xc0: {  	[hbm4b:s26+s0] =	stream.linear.scatter [tilespmem:s11], [sflag:$0x1], $0x4000, $0x38;
	[tilespmem:$0x1C880] =	vst v63  }
0xc1: {  	s28 =	rddreg [dreg:$0x8]  }
0xc2: {  	[hbm4b:s28+s0] =	stream.linear.scatter [tilespmem:s11], [sflag:$0x1], $0x4000, $0x38;
	[tilespmem:$0x1C880] =	vst v63  }
0xc3: {  	s29 =	rddreg [dreg:$0x9]  }
0xc4: {  	[hbm4b:s29+s0] =	stream.linear.scatter [tilespmem:s11], [sflag:$0x1], $0x4000, $0x38;
	[tilespmem:$0x1C880] =	vst v63  }
0xc5: {  	s30 =	rddreg [dreg:$0xa]  }
0xc6: {  	[hbm4b:s30+s0] =	stream.linear.scatter [tilespmem:s11], [sflag:$0x1], $0x4000, $0x38;
	[tilespmem:$0x1C880] =	vst v63  }
0xc7: {  	s31 =	rddreg [dreg:$0xb]  }
0xc8: {  	[hbm4b:s31+s0] =	stream.linear.scatter [tilespmem:s11], [sflag:$0x1], $0x4000, $0x38;
	[tilespmem:$0x1C880] =	vst v63  }
0xc9: {  	s8 =	rddreg [dreg:$0xc]  }
0xca: {  	[hbm4b:s8+s0] =	stream.linear.scatter [tilespmem:s11], [sflag:$0x1], $0x4000, $0x38;
	[tilespmem:$0x1C880] =	vst v63  }
0xcb: {  	s9 =	rddreg [dreg:$0xd]  }
0xcc: {  	[hbm4b:s9+s0] =	stream.linear.scatter [tilespmem:s11], [sflag:$0x1], $0x4000, $0x38;
	[tilespmem:$0x1C880] =	vst v63  }
0xcd: {  	s10 =	rddreg [dreg:$0xe]  }
0xce: {  	[hbm4b:s10+s0] =	stream.linear.scatter [tilespmem:s11], [sflag:$0x1], $0x4000, $0x38;
	[tilespmem:$0x1C880] =	vst v63  }
0xcf: {  	s12 =	rddreg [dreg:$0xf]  }
0xd0: {  	[hbm4b:s12+s0] =	stream.linear.scatter [tilespmem:s11], [sflag:$0x1], $0x4000, $0x38;
	[tilespmem:$0x1C880] =	vst v63  }
0xd1: {  	s14 =	rddreg [dreg:$0x10]  }
0xd2: {  	[hbm4b:s14+s0] =	stream.linear.scatter [tilespmem:s11], [sflag:$0x1], $0x4000, $0x38;
	[tilespmem:$0x1C880] =	vst v63  }
0xd3: {  	s15 =	rddreg [dreg:$0x11]  }
0xd4: {  	[hbm4b:s15+s0] =	stream.linear.scatter [tilespmem:s11], [sflag:$0x1], $0x4000, $0x38;
	[tilespmem:$0x1C880] =	vst v63  }
0xd5: {  	s16 =	rddreg [dreg:$0x12]  }
0xd6: {  	[hbm4b:s16+s0] =	stream.linear.scatter [tilespmem:s11], [sflag:$0x1], $0x4000, $0x38;
	[tilespmem:$0x1C880] =	vst v63  }
0xd7: {  	s17 =	rddreg [dreg:$0x13]  }
0xd8: {  	[hbm4b:s17+s0] =	stream.linear.scatter [tilespmem:s11], [sflag:$0x1], $0x4000, $0x38;
	[tilespmem:$0x1C880] =	vst v63  }
0xd9: {  	s18 =	rddreg [dreg:$0x14]  }
0xda: {  	[hbm4b:s18+s0] =	stream.linear.scatter [tilespmem:s11], [sflag:$0x1], $0x4000, $0x38;
	[tilespmem:$0x1C880] =	vst v63  }
0xdb: {  	s19 =	rddreg [dreg:$0x15]  }
0xdc: {  	[hbm4b:s19+s0] =	stream.linear.scatter [tilespmem:s11], [sflag:$0x1], $0x4000, $0x38;
	[tilespmem:$0x1C880] =	vst v63  }
0xdd: {  	s20 =	rddreg [dreg:$0x16]  }
0xde: {  	[hbm4b:s20+s0] =	stream.linear.scatter [tilespmem:s11], [sflag:$0x1], $0x4000, $0x38;
	[tilespmem:$0x1C880] =	vst v63  }
0xdf: {  	s22 =	rddreg [dreg:$0x17]  }
0xe0: {  	[hbm4b:s22+s0] =	stream.linear.scatter [tilespmem:s11], [sflag:$0x1], $0x4000, $0x38;
	[tilespmem:$0x1C880] =	vst v63  }
0xe1: {  	s23 =	rddreg [dreg:$0x18]  }
0xe2: {  	[hbm4b:s23+s0] =	stream.linear.scatter [tilespmem:s11], [sflag:$0x1], $0x4000, $0x38;
	[tilespmem:$0x1C880] =	vst v63  }
0xe3: {  	s24 =	rddreg [dreg:$0x19]  }
0xe4: {  	[hbm4b:s24+s0] =	stream.linear.scatter [tilespmem:s11], [sflag:$0x1], $0x4000, $0x38;
	[tilespmem:$0x1C880] =	vst v63  }
0xe5: {  	s25 =	rddreg [dreg:$0x1a]  }
0xe6: {  	[hbm4b:s25+s0] =	stream.linear.scatter [tilespmem:s11], [sflag:$0x1], $0x4000, $0x38;
	[tilespmem:$0x1C880] =	vst v63  }
0xe7: {  	s26 =	rddreg [dreg:$0x1b]  }
0xe8: {  	[hbm4b:s26+s0] =	stream.linear.scatter [tilespmem:s11], [sflag:$0x1], $0x4000, $0x38;
	[tilespmem:$0x1C880] =	vst v63  }
0xe9: {  	s28 =	rddreg [dreg:$0x1c]  }
0xea: {  	[hbm4b:s28+s0] =	stream.linear.scatter [tilespmem:s11], [sflag:$0x1], $0x4000, $0x38;
	[tilespmem:$0x1C880] =	vst v63  }
0xeb: {  	s29 =	rddreg [dreg:$0x1d]  }
0xec: {  	[hbm4b:s29+s0] =	stream.linear.scatter [tilespmem:s11], [sflag:$0x1], $0x4000, $0x38;
	[tilespmem:$0x1C880] =	vst v63  }
0xed: {  	s30 =	rddreg [dreg:$0x1f]  }
0xee: {  	[tilespmem:s0], [sflag:$0x5] =	stream.linear.gather [hbm4b:s30+s0], $0x80, $0x38;
	[tilespmem:$0x1C880] =	vst v63  }
0xef: {  	_ =	swait.ge [sflag:s5], $0x80  }
0xf0: {  	[sflag:s5] =	ssyncset.done $0x0  }
0xf1: {  	[sflag:s5] =	ssyncadd.s32 $0xFFFFFF80  }
0xf2: {  	v0 =	vld [tilespmem:$0x0];
	_ =	sdelay $0x4  }
0xf3: {  	(v2sf) =	vpush v0, $0x0  }
0xf4: {  	(v2sf) =	vpush v0, $0x1;
	_ =	sdelay $0x1  }
0xf5: {  	(v2sf) =	vpush v0, $0x2  }
0xf6: {  	(v2sf) =	vpush v0, $0x3  }
0xf7: {  	(v2sf) =	vpush v0, $0x4  }
0xf8: {  	(v2sf) =	vpush v0, $0x5  }
0xf9: {  	(v2sf) =	vpush v0, $0x6  }
0xfa: {  	(v2sf) =	vpush v0, $0x7  }
0xfb: {  	(v2sf) =	vpush v0, $0x8  }
0xfc: {  	(v2sf) =	vpush v0, $0x9  }
0xfd: {  	(v2sf) =	vpush v0, $0xA  }
0xfe: {  	(v2sf) =	vpush v0, $0xB  }
0xff: {  	(v2sf) =	vpush v0, $0xC;
	_ =	sdelay $0x1  }
0x100: {  	p0 =	seq.s32 s1, $0x0;
	s31 =	sld [smem:$0x7F9];
	s15 =	spop (v2sf)  }
0x101: {  	p1 =	seq.s32 s1, $0x1;
	s17 =	spop (v2sf);
	s15 =	simm.s32 @!p0 $0x0  }
0x102: {  	s2 =	sld [smem:$0x7F8];
	s15 =	smov.u32 @p1 s17;
	p1 =	seq.s32 s1, $0x2  }
0x103: {  	s0 =	spop (v2sf);
	s17 =	simm.s32 @!p0 $0x0;
	p0 =	seq.s32 s31, $0x1  }
0x104: {  	s5 =	spop (v2sf);
	s15 =	smov.u32 @p1 s0;
	p1 =	seq.s32 s1, $0x3  }
0x105: {  	s15 =	smov.u32 @p1 s5;
	p1 =	seq.s32 s1, $0x4;
	s8 =	spop (v2sf)  }
0x106: {  	s9 =	spop (v2sf);
	s15 =	smov.u32 @p1 s8;
	p1 =	seq.s32 s1, $0x5  }
0x107: {  	s15 =	smov.u32 @p1 s9;
	p1 =	seq.s32 s1, $0x6;
	s10 =	spop (v2sf)  }
0x108: {  	s15 =	smov.u32 @p1 s10;
	p1 =	seq.s32 s1, $0x7;
	s12 =	spop (v2sf)  }
0x109: {  	s15 =	smov.u32 @p1 s12;
	p1 =	seq.s32 s1, $0x8;
	s14 =	spop (v2sf)  }
0x10a: {  	s15 =	smov.u32 @p1 s14;
	p1 =	seq.s32 s1, $0x9;
	s16 =	spop (v2sf)  }
0x10b: {  	s15 =	smov.u32 @p1 s16;
	p1 =	seq.s32 s1, $0xA;
	s18 =	spop (v2sf)  }
0x10c: {  	s15 =	smov.u32 @p1 s18;
	p1 =	seq.s32 s1, $0xB;
	s19 =	spop (v2sf)  }
0x10d: {  	s15 =	smov.u32 @p1 s19;
	p1 =	seq.s32 s1, $0xC;
	s20 =	spop (v2sf)  }
0x10e: {  	s17 =	smov.u32 @p0 s0;
	s15 =	smov.u32 @p1 s20;
	p1 =	seq.s32 s2, $0x1  }
0x10f: {  	s17 =	smov.u32 @p1 s5;
	s5 =	sld [smem:$0x7F7];
	_ =	sdelay $0x2  }
0x110: {  	(v2sf) =	vpush v0, $0xD;
	p1 =	seq.s32 s5, $0x1  }
0x111: {  	v1 =	vld [tilespmem:$0x10];
	s17 =	smov.u32 @p1 s8;
	s8 =	sld [smem:$0x7F6]  }
0x112: {  	(v2sf) =	vpush v0, $0xE  }
0x113: {  	(v2sf) =	vpush v0, $0xF  }
0x114: {  	s22 =	sld [smem:$0x7F1];
	p1 =	seq.s32 s8, $0x1  }
0x115: {  	s17 =	smov.u32 @p1 s9;
	s9 =	sld [smem:$0x7F5]  }
0x116: {  	s23 =	sld [smem:$0x7F0];
	(v2sf) =	vpush v1, $0x0  }
0x117: {  	s24 =	sld [smem:$0x7EF]  }
0x118: {  	s25 =	sld [smem:$0x7EE];
	p1 =	seq.s32 s9, $0x1  }
0x119: {  	(v2sf) =	vpush v1, $0x1;
	s17 =	smov.u32 @p1 s10;
	s10 =	sld [smem:$0x7F4]  }
0x11a: {  	s26 =	sld [smem:$0x7ED]  }
0x11b: {  	s28 =	sld [smem:$0x7EC]  }
0x11c: {  	s29 =	sld [smem:$0x7EB];
	p1 =	seq.s32 s10, $0x1  }
0x11d: {  	(v2sf) =	vpush v1, $0x2;
	s17 =	smov.u32 @p1 s12;
	s12 =	sld [smem:$0x7F3]  }
0x11e: {  	s30 =	sld [smem:$0x7EA]  }
0x11f: {  	s31 =	sld [smem:$0x7E9];
	p0 =	seq.s32 s1, $0xD;
	(v2sf) =	vpush v1, $0x3;
	s0 =	spop (v2sf)  }
0x120: {  	s15 =	smov.u32 @p0 s0;
	p0 =	seq.s32 s1, $0xE;
	p1 =	seq.s32 s12, $0x1  }
0x121: {  	(v2sf) =	vpush v1, $0x4;
	s5 =	spop (v2sf);
	s17 =	smov.u32 @p1 s14;
	s14 =	sld [smem:$0x7F2]  }
0x122: {  	s15 =	smov.u32 @p0 s5;
	p0 =	seq.s32 s1, $0xF;
	s8 =	spop (v2sf)  }
0x123: {  	s15 =	smov.u32 @p0 s8;
	s12 =	sld [smem:$0x7E6]  }
0x124: {  	(v2sf) =	vpush v1, $0x5;
	p0 =	seq.s32 s1, $0x10;
	p1 =	seq.s32 s14, $0x1;
	s14 =	sld [smem:$0x7E5]  }
0x125: {  	s9 =	spop (v2sf);
	s17 =	smov.u32 @p1 s16;
	s16 =	sld [smem:$0x7E4]  }
0x126: {  	(v2sf) =	vpush v1, $0x6;
	s15 =	smov.u32 @p0 s9;
	p1 =	seq.s32 s22, $0x1;
	s22 =	sld [smem:$0x7E0]  }
0x127: {  	p0 =	seq.s32 s1, $0x11;
	s17 =	smov.u32 @p1 s18;
	s18 =	sld [smem:$0x7E3]  }
0x128: {  	s10 =	spop (v2sf);
	p1 =	seq.s32 s23, $0x1;
	s23 =	sld [smem:$0x7DF]  }
0x129: {  	(v2sf) =	vpush v1, $0x7;
	s15 =	smov.u32 @p0 s10;
	s17 =	smov.u32 @p1 s19;
	s19 =	sld [smem:$0x7E2]  }
0x12a: {  	p0 =	seq.s32 s1, $0x12;
	p1 =	seq.s32 s24, $0x1;
	s24 =	sld [smem:$0x7DE]  }
0x12b: {  	(v2sf) =	vpush v1, $0x8;
	s17 =	smov.u32 @p1 s20;
	p1 =	seq.s32 s25, $0x1;
	s20 =	sld [smem:$0x7E1]  }
0x12c: {  	(v2sf) =	vpush v1, $0x9;
	s17 =	smov.u32 @p1 s0;
	s0 =	spop (v2sf);
	p1 =	seq.s32 s26, $0x1  }
0x12d: {  	s25 =	sld [smem:$0x7DD];
	s17 =	smov.u32 @p1 s5;
	s15 =	smov.u32 @p0 s0  }
0x12e: {  	(v2sf) =	vpush v1, $0xA;
	p0 =	seq.s32 s1, $0x13;
	p1 =	seq.s32 s28, $0x1;
	s5 =	spop (v2sf)  }
0x12f: {  	(v2sf) =	vpush v1, $0xB;
	s17 =	smov.u32 @p1 s8;
	p1 =	seq.s32 s29, $0x1;
	s15 =	smov.u32 @p0 s5  }
0x130: {  	p0 =	seq.s32 s1, $0x14;
	s8 =	spop (v2sf);
	s17 =	smov.u32 @p1 s9  }
0x131: {  	p1 =	seq.s32 s30, $0x1;
	s15 =	smov.u32 @p0 s8;
	s9 =	sld [smem:$0x7E8]  }
0x132: {  	(v2sf) =	vpush v1, $0xC;
	s17 =	smov.u32 @p1 s10;
	p1 =	seq.s32 s31, $0x1;
	s10 =	sld [smem:$0x7E7]  }
0x133: {  	(v2sf) =	vpush v1, $0xD;
	p0 =	seq.s32 s1, $0x15;
	s17 =	smov.u32 @p1 s0;
	s0 =	spop (v2sf)  }
0x134: {  	v63 =	vld [tilespmem:$0x20];
	s26 =	sld [smem:$0x7FC];
	p1 =	seq.s32 s9, $0x1;
	s15 =	smov.u32 @p0 s0  }
0x135: {  	(v2sf) =	vpush v1, $0xE;
	s17 =	smov.u32 @p1 s5;
	p0 =	seq.s32 s10, $0x1;
	s5 =	spop (v2sf)  }
0x136: {  	(v2sf) =	vpush v1, $0xF;
	p1 =	seq.s32 s12, $0x1;
	s17 =	smov.u32 @p0 s8;
	p0 =	seq.s32 s1, $0x16  }
0x137: {  	s17 =	smov.u32 @p1 s0;
	s15 =	smov.u32 @p0 s5;
	p0 =	seq.s32 s14, $0x1  }
0x138: {  	s0 =	spop (v2sf);
	s17 =	smov.u32 @p0 s5;
	p0 =	seq.s32 s1, $0x17  }
0x139: {  	s28 =	sld [smem:$0x7DC];
	(v2sf) =	vpush v63, $0x0;
	s15 =	smov.u32 @p0 s0;
	p0 =	seq.s32 s16, $0x1  }
0x13a: {  	p1 =	seq.s32 s1, $0x18;
	s5 =	spop (v2sf);
	s17 =	smov.u32 @p0 s0  }
0x13b: {  	s0 =	spop (v2sf);
	s15 =	smov.u32 @p1 s5;
	p0 =	seq.s32 s18, $0x1  }
0x13c: {  	p1 =	seq.s32 s1, $0x1A;
	s17 =	smov.u32 @p0 s5;
	p0 =	seq.s32 s1, $0x19  }
0x13d: {  	s5 =	spop (v2sf);
	s15 =	smov.u32 @p0 s0;
	p0 =	seq.s32 s19, $0x1  }
0x13e: {  	s17 =	smov.u32 @p0 s0;
	s0 =	spop (v2sf);
	p0 =	seq.s32 s20, $0x1  }
0x13f: {  	s15 =	smov.u32 @p1 s5;
	s17 =	smov.u32 @p0 s5;
	p0 =	seq.s32 s1, $0x1B  }
0x140: {  	s29 =	sld [smem:$0x7DB];
	s15 =	smov.u32 @p0 s0;
	p0 =	seq.s32 s22, $0x1  }
0x141: {  	p1 =	seq.s32 s1, $0x1C;
	s5 =	spop (v2sf);
	s17 =	smov.u32 @p0 s0  }
0x142: {  	s0 =	spop (v2sf);
	s15 =	smov.u32 @p1 s5;
	p0 =	seq.s32 s23, $0x1  }
0x143: {  	p1 =	seq.s32 s1, $0x1E;
	s17 =	smov.u32 @p0 s5;
	p0 =	seq.s32 s1, $0x1D  }
0x144: {  	s5 =	spop (v2sf);
	s15 =	smov.u32 @p0 s0;
	p0 =	seq.s32 s24, $0x1  }
0x145: {  	s17 =	smov.u32 @p0 s0;
	s0 =	spop (v2sf);
	p0 =	seq.s32 s25, $0x1  }
0x146: {  	s15 =	smov.u32 @p1 s5;
	s17 =	smov.u32 @p0 s5;
	p0 =	seq.s32 s26, $0x1  }
0x147: {  	s15 =	smov.u32 @p0 s0;
	p0 =	seq.s32 s28, $0x1  }
0x148: {  	s17 =	smov.u32 @p0 s0;
	s0 =	spop (v2sf);
	p0 =	seq.s32 s29, $0x1  }
0x149: {  	s16 =	sand.u32 $0xFFFFFFF8, s15;
	s17 =	smov.u32 @p0 s0  }
0x14a: {  	s0 =	ssub.s32 s17, s16  }
0x14b: {  	s0 =	sadd.s32 $0x7F, s0  }
0x14c: {  	s30 =	sand.u32 $0x7F, s0  }
0x14d: {  	s31 =	sshra.s32 s0, $0x1F;
	p6 =	slt.s32 s0, $0x1;
	p5 =	sne.s32 s30, $0x0  }
0x14e: {  	s5 =	sshrl.u32 s31, $0x19;
	p0 =	por !p6, !p5  }
0x14f: {  	s0 =	sadd.s32 s5, s0;
	s5 =	simm.s32 $0x1;
	p0 =	por !p0, !p0  }
0x150: {  	s0 =	sshra.s32 s0, $0x7;
	s5 =	simm.s32 @!p0 $0x0  }
0x151: {  	s15 =	ssub.s32 s0, s5  }
0x152: {  	p0 =	slt.s32 s15, $0x1  }
.Ltmp2:
0x153: {  	_ = 	snop;
	(pc) =	sbr.rel @p0 .LBB2_7-.Ltmp2, $1  }
0x154: {  	_ =	sdelay $0x3  }
0x155: {  	p0 =	sgt.s32 s15, $0x0;
	s17 =	smov.u32 s15  }
0x156: {  	s17 =	simm.s32 @!p0 $0x0  }
.Ltmp3:
0x157: {  	s0 =	sadd.s32 $0x5, s17;
	(pc) =	sbr.rel .LBB2_3-.Ltmp3, $3  }
0x158: {  	s0 =	smulhi.u32 $0x2AAAAAAB, s0;
	_ =	sdelay $0x1  }
0x159: {  	[smem:$0x7DA] =	sst s0;
	s0 =	smax.u32 s0, $0x1  }
0x15a: {  	[smem:$0x7D9] =	sst s21;
	s20 =	simm.s32 $0x0;
	s19 =	smul.u32 $0x6, s0  }
.LBB2_5:
0x15b: {  	s2 =	simm.s32 @!p4 $0x3  }
0x15c: {  	_ =	swait.ge @!p4 [sflag:s2], $0x4000  }
0x15d: {  	[sflag:s2] =	ssyncset.done @!p4 $0x0  }
0x15e: {  	[sflag:s2] =	ssyncadd.s32 @!p4 $0xFFFFC000;
	s2 =	simm.s32 @!p5 $0x3  }
0x15f: {  	[hbm4b:s7+s28] =	stream.indirect.scatter @!p4 [tilespmem:s29], [sflag:$0x4], $0x80, s21, s28, $0xb8;
	[tilespmem:$0x1C880] =	vst v63  }
0x160: {  	_ =	swait.ge @!p5 [sflag:s2], $0x4000  }
0x161: {  	[sflag:s2] =	ssyncset.done @!p5 $0x0  }
0x162: {  	[sflag:s2] =	ssyncadd.s32 @!p5 $0xFFFFC000;
	s2 =	simm.s32 @!p6 $0x3  }
0x163: {  	[hbm4b:s7+s30] =	stream.indirect.scatter @!p5 [tilespmem:s31], [sflag:$0x4], $0x80, s22, s30, $0xb8;
	[tilespmem:$0x1C880] =	vst v63  }
0x164: {  	_ =	swait.ge @!p6 [sflag:s2], $0x4000  }
0x165: {  	[sflag:s2] =	ssyncset.done @!p6 $0x0  }
0x166: {  	[sflag:s2] =	ssyncadd.s32 @!p6 $0xFFFFC000  }
0x167: {  	[hbm4b:s7+s5] =	stream.indirect.scatter @!p6 [tilespmem:s0], [sflag:$0x4], $0x80, s23, s5, $0xb8;
	[tilespmem:$0x1C880] =	vst v63  }
0x168: {  	s0 =	simm.s32 @!p0 $0x3  }
0x169: {  	_ =	swait.ge @!p0 [sflag:s0], $0x4000  }
0x16a: {  	[sflag:s0] =	ssyncset.done @!p0 $0x0  }
0x16b: {  	[sflag:s0] =	ssyncadd.s32 @!p0 $0xFFFFC000;
	s0 =	simm.s32 @!p1 $0x3  }
0x16c: {  	[hbm4b:s7+s8] =	stream.indirect.scatter @!p0 [tilespmem:s9], [sflag:$0x4], $0x80, s24, s8, $0xb8;
	[tilespmem:$0x1C880] =	vst v63  }
0x16d: {  	_ =	swait.ge @!p1 [sflag:s0], $0x4000  }
0x16e: {  	s20 =	sadd.s32 $0x6, s20;
	[sflag:s0] =	ssyncset.done @!p1 $0x0  }
0x16f: {  	p0 =	sne.s32 s19, s20;
	[sflag:s0] =	ssyncadd.s32 @!p1 $0xFFFFC000  }
0x170: {  	[hbm4b:s7+s10] =	stream.indirect.scatter @!p1 [tilespmem:s12], [sflag:$0x4], $0x80, s25, s10, $0xb8;
	[tilespmem:$0x1C880] =	vst v63  }
.Ltmp4:
0x171: {  	s0 =	simm.s32 @!p2 $0x3;
	(pc) =	sbr.rel @!p0 .LBB2_6-.Ltmp4, $4  }
0x172: {  	_ =	swait.ge @!p2 [sflag:s0], $0x4000  }
0x173: {  	[sflag:s0] =	ssyncset.done @!p2 $0x0  }
0x174: {  	s16 =	sadd.s32 $0x300, s16;
	[sflag:s0] =	ssyncadd.s32 @!p2 $0xFFFFC000  }
0x175: {  	[hbm4b:s7+s18] =	stream.indirect.scatter @!p2 [tilespmem:s14], [sflag:$0x4], $0x80, s26, s18, $0xb8;
	[tilespmem:$0x1C880] =	vst v63  }
.LBB2_3:
0x176: {  	p3 =	seq.s32 s20, $0x0;
	s0 =	sadd.s32 $0xFFFFFFFA, s20;
	p2 =	sle.s32 s15, s20  }
0x177: {  	s5 =	smov.u32 s16;
	p0 =	sge.s32 @!p3 s0, s17;
	s0 =	simm.s32 @!p2 $0x0  }
0x178: {  	p1 =	sgt.s32 @!p2 s16, $0x0;
	s0 =	simm.s32 @p2 $0x1;
	p0 =	por p0, p3  }
0x179: {  	p1 =	por !p1, p2;
	[smem:$0x7D8] =	sst s0;
	s0 =	simm.s32 @!p0 $0x4  }
0x17a: {  	s5 =	simm.s32 @p1 $0x0;
	_ =	swait.ge @!p0 [sflag:s0], $0x4000  }
0x17b: {  	s5 =	smin.u32 @!p2 s5, $0xC2D0;
	[sflag:s0] =	ssyncset.done @!p0 $0x0  }
0x17c: {  	s22 =	sadd.s32 $0x1, s20;
	[sflag:s0] =	ssyncadd.s32 @!p0 $0xFFFFC000;
	s0 =	sshrl.u32 @!p2 s5, $0x3  }
0x17d: {  	s8 =	simm.s32 @!p2 $0x0;
	s21 =	simm.s32 @!p2 $0x4080;
	s5 =	sadd.s32 @!p2 s4, s0  }
0x17e: {  	[tilespmem:s21], [sflag:$0x2] =	stream.linear.gather @!p2 [hbm4b:s5+s8], $0x80, $0x38;
	[tilespmem:$0x1C880] =	vst v63  }
0x17f: {  	p5 =	sle.s32 s15, s22;
	s5 =	sadd.s32 @!p2 s6, s0;
	s0 =	simm.s32 @!p2 $0x4480  }
0x180: {  	[tilespmem:s0], [sflag:$0x2] =	stream.linear.gather @!p2 [hbm4b:s5+s8], $0x80, $0x38;
	[tilespmem:$0x1C880] =	vst v63  }
0x181: {  	s8 =	sadd.s32 $0xFFFFFFFB, s20;
	s5 =	sadd.s32 @!p5 $0x80, s16  }
0x182: {  	p0 =	sge.s32 @!p3 s8, s17;
	p1 =	sgt.s32 @!p5 s5, $0x0  }
0x183: {  	p0 =	por p0, p3;
	p1 =	por !p1, p5  }
0x184: {  	s8 =	simm.s32 @!p0 $0x4;
	s5 =	simm.s32 @p1 $0x0  }
0x185: {  	s23 =	sadd.s32 $0x2, s20;
	_ =	swait.ge @!p0 [sflag:s8], $0x4000;
	s5 =	smin.u32 @!p5 s5, $0xC2D0  }
0x186: {  	s9 =	simm.s32 @!p5 $0x0;
	[sflag:s8] =	ssyncset.done @!p0 $0x0;
	s5 =	sshrl.u32 @!p5 s5, $0x3  }
0x187: {  	s22 =	simm.s32 @!p5 $0x4100;
	[sflag:s8] =	ssyncadd.s32 @!p0 $0xFFFFC000;
	s8 =	sadd.s32 @!p5 s4, s5  }
0x188: {  	[tilespmem:s22], [sflag:$0x2] =	stream.linear.gather @!p5 [hbm4b:s8+s9], $0x80, $0x38;
	[tilespmem:$0x1C880] =	vst v63  }
0x189: {  	p6 =	sle.s32 s15, s23;
	s8 =	sadd.s32 @!p5 s6, s5;
	s5 =	simm.s32 @!p5 $0x4500  }
0x18a: {  	[tilespmem:s5], [sflag:$0x2] =	stream.linear.gather @!p5 [hbm4b:s8+s9], $0x80, $0x38;
	[tilespmem:$0x1C880] =	vst v63  }
0x18b: {  	s9 =	sadd.s32 $0xFFFFFFFC, s20;
	s8 =	sadd.s32 @!p6 $0x100, s16  }
0x18c: {  	p0 =	sge.s32 @!p3 s9, s17;
	p1 =	sgt.s32 @!p6 s8, $0x0  }
0x18d: {  	p0 =	por p0, p3;
	p1 =	por !p1, p6  }
0x18e: {  	s9 =	simm.s32 @!p0 $0x4;
	s8 =	simm.s32 @p1 $0x0  }
0x18f: {  	s24 =	sadd.s32 $0x3, s20;
	_ =	swait.ge @!p0 [sflag:s9], $0x4000;
	s8 =	smin.u32 @!p6 s8, $0xC2D0  }
0x190: {  	s10 =	simm.s32 @!p6 $0x0;
	[sflag:s9] =	ssyncset.done @!p0 $0x0;
	s8 =	sshrl.u32 @!p6 s8, $0x3  }
0x191: {  	s23 =	simm.s32 @!p6 $0x4180;
	[sflag:s9] =	ssyncadd.s32 @!p0 $0xFFFFC000;
	s9 =	sadd.s32 @!p6 s4, s8  }
0x192: {  	[tilespmem:s23], [sflag:$0x2] =	stream.linear.gather @!p6 [hbm4b:s9+s10], $0x80, $0x38;
	[tilespmem:$0x1C880] =	vst v63  }
0x193: {  	p0 =	sle.s32 s15, s24;
	s9 =	sadd.s32 @!p6 s6, s8;
	s8 =	simm.s32 @!p6 $0x4580  }
0x194: {  	[tilespmem:s8], [sflag:$0x2] =	stream.linear.gather @!p6 [hbm4b:s9+s10], $0x80, $0x38;
	[tilespmem:$0x1C880] =	vst v63  }
0x195: {  	s10 =	sadd.s32 $0xFFFFFFFD, s20;
	s9 =	sadd.s32 @!p0 $0x180, s16  }
0x196: {  	p1 =	sge.s32 @!p3 s10, s17;
	p2 =	sgt.s32 @!p0 s9, $0x0  }
0x197: {  	p1 =	por p1, p3;
	p2 =	por !p2, p0  }
0x198: {  	s10 =	simm.s32 @!p1 $0x4;
	s9 =	simm.s32 @p2 $0x0  }
0x199: {  	s25 =	sadd.s32 $0x4, s20;
	_ =	swait.ge @!p1 [sflag:s10], $0x4000;
	s9 =	smin.u32 @!p0 s9, $0xC2D0  }
0x19a: {  	s12 =	simm.s32 @!p0 $0x0;
	[sflag:s10] =	ssyncset.done @!p1 $0x0;
	s9 =	sshrl.u32 @!p0 s9, $0x3  }
0x19b: {  	s24 =	simm.s32 @!p0 $0x4200;
	[sflag:s10] =	ssyncadd.s32 @!p1 $0xFFFFC000;
	s10 =	sadd.s32 @!p0 s4, s9  }
0x19c: {  	[tilespmem:s24], [sflag:$0x2] =	stream.linear.gather @!p0 [hbm4b:s10+s12], $0x80, $0x38;
	[tilespmem:$0x1C880] =	vst v63  }
0x19d: {  	s9 =	sadd.s32 @!p0 s6, s9;
	p1 =	sle.s32 s15, s25;
	s10 =	simm.s32 @!p0 $0x4600  }
0x19e: {  	[tilespmem:s10], [sflag:$0x2] =	stream.linear.gather @!p0 [hbm4b:s9+s12], $0x80, $0x38;
	[tilespmem:$0x1C880] =	vst v63  }
0x19f: {  	s12 =	sadd.s32 $0xFFFFFFFE, s20;
	s9 =	sadd.s32 @!p1 $0x200, s16  }
0x1a0: {  	p2 =	sge.s32 @!p3 s12, s17;
	p4 =	sgt.s32 @!p1 s9, $0x0  }
0x1a1: {  	p2 =	por p2, p3;
	p4 =	por !p4, p1  }
0x1a2: {  	s12 =	simm.s32 @!p2 $0x4;
	s9 =	simm.s32 @p4 $0x0  }
0x1a3: {  	s26 =	sadd.s32 $0x5, s20;
	_ =	swait.ge @!p2 [sflag:s12], $0x4000;
	s9 =	smin.u32 @!p1 s9, $0xC2D0  }
0x1a4: {  	s18 =	simm.s32 @!p1 $0x0;
	[sflag:s12] =	ssyncset.done @!p2 $0x0;
	s9 =	sshrl.u32 @!p1 s9, $0x3  }
0x1a5: {  	s25 =	simm.s32 @!p1 $0x4280;
	[sflag:s12] =	ssyncadd.s32 @!p2 $0xFFFFC000;
	s12 =	sadd.s32 @!p1 s4, s9  }
0x1a6: {  	[tilespmem:s25], [sflag:$0x2] =	stream.linear.gather @!p1 [hbm4b:s12+s18], $0x80, $0x38;
	[tilespmem:$0x1C880] =	vst v63  }
0x1a7: {  	s14 =	simm.s32 @!p1 $0x4680;
	s9 =	sadd.s32 @!p1 s6, s9;
	p2 =	sle.s32 s15, s26  }
0x1a8: {  	[tilespmem:s14], [sflag:$0x2] =	stream.linear.gather @!p1 [hbm4b:s9+s18], $0x80, $0x38;
	[tilespmem:$0x1C880] =	vst v63  }
0x1a9: {  	p4 =	sgt.u32 @!p3 s20, s17;
	s9 =	sadd.s32 @!p2 $0x280, s16  }
0x1aa: {  	p3 =	por p4, p3;
	p4 =	sgt.s32 @!p2 s9, $0x0  }
0x1ab: {  	p4 =	por !p4, p2  }
0x1ac: {  	s12 =	simm.s32 @!p3 $0x4;
	s9 =	simm.s32 @p4 $0x0  }
0x1ad: {  	s2 =	sld [smem:$0x7D8];
	_ =	swait.ge @!p3 [sflag:s12], $0x4000;
	s9 =	smin.u32 @!p2 s9, $0xC2D0  }
0x1ae: {  	s26 =	simm.s32 @!p2 $0x4300;
	[sflag:s12] =	ssyncset.done @!p3 $0x0;
	s9 =	sshrl.u32 @!p2 s9, $0x3  }
0x1af: {  	s18 =	simm.s32 @!p2 $0x0;
	[sflag:s12] =	ssyncadd.s32 @!p3 $0xFFFFC000;
	s12 =	sadd.s32 @!p2 s4, s9  }
0x1b0: {  	[tilespmem:s26], [sflag:$0x2] =	stream.linear.gather @!p2 [hbm4b:s12+s18], $0x80, $0x38;
	[tilespmem:$0x1C880] =	vst v63  }
0x1b1: {  	p4 =	seq.s32 s2, $0x1;
	s2 =	simm.s32 @!p2 $0x4700;
	s9 =	sadd.s32 @!p2 s6, s9  }
0x1b2: {  	[tilespmem:s2], [sflag:$0x2] =	stream.linear.gather @!p2 [hbm4b:s9+s18], $0x80, $0x38;
	[tilespmem:$0x1C880] =	vst v63  }
0x1b3: {  	s9 =	simm.s32 @!p4 $0x2  }
0x1b4: {  	_ =	swait.ge @!p4 [sflag:s9], $0x80  }
0x1b5: {  	[sflag:s9] =	ssyncset.done @!p4 $0x0  }
0x1b6: {  	[sflag:s9] =	ssyncadd.s32 @!p4 $0xFFFFFF80  }
0x1b7: {  	_ =	swait.ge @!p4 [sflag:s9], $0x80  }
0x1b8: {  	[sflag:s9] =	ssyncset.done @!p4 $0x0  }
0x1b9: {  	s28 =	simm.s32 @!p4 $0x80;
	s29 =	simm.s32 @!p4 $0x4880;
	[sflag:s9] =	ssyncadd.s32 @!p4 $0xFFFFFF80  }
0x1ba: {  	[tilespmem:s29], [sflag:$0x3] =	stream.indirect.gather @!p4 [hbm4b:s3+s28], $0x80, s0, s28, $0xb8;
	[tilespmem:$0x1C880] =	vst v63  }
0x1bb: {  	s0 =	simm.s32 @!p5 $0x2  }
0x1bc: {  	_ =	swait.ge @!p5 [sflag:s0], $0x80  }
0x1bd: {  	[sflag:s0] =	ssyncset.done @!p5 $0x0  }
0x1be: {  	[sflag:s0] =	ssyncadd.s32 @!p5 $0xFFFFFF80  }
0x1bf: {  	_ =	swait.ge @!p5 [sflag:s0], $0x80  }
0x1c0: {  	s30 =	simm.s32 @!p5 $0x80;
	[sflag:s0] =	ssyncset.done @!p5 $0x0  }
0x1c1: {  	s31 =	simm.s32 @!p5 $0x8880;
	[sflag:s0] =	ssyncadd.s32 @!p5 $0xFFFFFF80;
	s0 =	simm.s32 @!p6 $0x2  }
0x1c2: {  	[tilespmem:s31], [sflag:$0x3] =	stream.indirect.gather @!p5 [hbm4b:s3+s30], $0x80, s5, s30, $0xb8;
	[tilespmem:$0x1C880] =	vst v63  }
0x1c3: {  	_ =	swait.ge @!p6 [sflag:s0], $0x80  }
0x1c4: {  	[sflag:s0] =	ssyncset.done @!p6 $0x0  }
0x1c5: {  	[sflag:s0] =	ssyncadd.s32 @!p6 $0xFFFFFF80  }
0x1c6: {  	_ =	swait.ge @!p6 [sflag:s0], $0x80  }
0x1c7: {  	[sflag:s0] =	ssyncset.done @!p6 $0x0  }
0x1c8: {  	s5 =	simm.s32 @!p6 $0x80;
	[sflag:s0] =	ssyncadd.s32 @!p6 $0xFFFFFF80;
	s0 =	simm.s32 @!p6 $0xC880  }
0x1c9: {  	[tilespmem:s0], [sflag:$0x3] =	stream.indirect.gather @!p6 [hbm4b:s3+s5], $0x80, s8, s5, $0xb8;
	[tilespmem:$0x1C880] =	vst v63  }
0x1ca: {  	s8 =	simm.s32 @!p0 $0x2  }
0x1cb: {  	_ =	swait.ge @!p0 [sflag:s8], $0x80  }
0x1cc: {  	[sflag:s8] =	ssyncset.done @!p0 $0x0  }
0x1cd: {  	[sflag:s8] =	ssyncadd.s32 @!p0 $0xFFFFFF80  }
0x1ce: {  	_ =	swait.ge @!p0 [sflag:s8], $0x80  }
0x1cf: {  	[sflag:s8] =	ssyncset.done @!p0 $0x0  }
0x1d0: {  	s9 =	simm.s32 @!p0 $0x10880;
	[sflag:s8] =	ssyncadd.s32 @!p0 $0xFFFFFF80;
	s8 =	simm.s32 @!p0 $0x80  }
0x1d1: {  	[tilespmem:s9], [sflag:$0x3] =	stream.indirect.gather @!p0 [hbm4b:s3+s8], $0x80, s10, s8, $0xb8;
	[tilespmem:$0x1C880] =	vst v63  }
0x1d2: {  	s10 =	simm.s32 @!p1 $0x2  }
0x1d3: {  	_ =	swait.ge @!p1 [sflag:s10], $0x80  }
0x1d4: {  	[sflag:s10] =	ssyncset.done @!p1 $0x0  }
0x1d5: {  	[sflag:s10] =	ssyncadd.s32 @!p1 $0xFFFFFF80  }
0x1d6: {  	_ =	swait.ge @!p1 [sflag:s10], $0x80  }
0x1d7: {  	[sflag:s10] =	ssyncset.done @!p1 $0x0  }
0x1d8: {  	s12 =	simm.s32 @!p1 $0x14880;
	[sflag:s10] =	ssyncadd.s32 @!p1 $0xFFFFFF80;
	s10 =	simm.s32 @!p1 $0x80  }
0x1d9: {  	[tilespmem:s12], [sflag:$0x3] =	stream.indirect.gather @!p1 [hbm4b:s3+s10], $0x80, s14, s10, $0xb8;
	[tilespmem:$0x1C880] =	vst v63  }
0x1da: {  	s14 =	simm.s32 @!p2 $0x2  }
0x1db: {  	_ =	swait.ge @!p2 [sflag:s14], $0x80  }
0x1dc: {  	p3 =	sne.s32 s20, $0x0;
	[sflag:s14] =	ssyncset.done @!p2 $0x0  }
.Ltmp5:
0x1dd: {  	[sflag:s14] =	ssyncadd.s32 @!p2 $0xFFFFFF80;
	(pc) =	sbr.rel @p3 .LBB2_5-.Ltmp5, $4  }
0x1de: {  	_ =	swait.ge @!p2 [sflag:s14], $0x80  }
0x1df: {  	[sflag:s14] =	ssyncset.done @!p2 $0x0  }
0x1e0: {  	s18 =	simm.s32 @!p2 $0x80;
	[sflag:s14] =	ssyncadd.s32 @!p2 $0xFFFFFF80;
	s14 =	simm.s32 @!p2 $0x18880  }
0x1e1: {  	[tilespmem:s14], [sflag:$0x3] =	stream.indirect.gather @!p2 [hbm4b:s3+s18], $0x80, s2, s18, $0xb8;
	[tilespmem:$0x1C880] =	vst v63  }
0x1e2: {  	_ =	swait.ge [sflag:s13], $0x4000  }
0x1e3: {  	[sflag:s13] =	ssyncset.done $0x0  }
0x1e4: {  	[sflag:s13] =	ssyncadd.s32 $0xFFFFC000  }
0x1e5: {  	_ =	swait.ge [sflag:s13], $0x4000  }
0x1e6: {  	[sflag:s13] =	ssyncset.done $0x0  }
0x1e7: {  	[sflag:s13] =	ssyncadd.s32 $0xFFFFC000  }
0x1e8: {  	_ =	swait.ge [sflag:s13], $0x4000  }
0x1e9: {  	[sflag:s13] =	ssyncset.done $0x0  }
0x1ea: {  	[sflag:s13] =	ssyncadd.s32 $0xFFFFC000  }
0x1eb: {  	_ =	swait.ge [sflag:s13], $0x4000  }
0x1ec: {  	[sflag:s13] =	ssyncset.done $0x0  }
0x1ed: {  	[sflag:s13] =	ssyncadd.s32 $0xFFFFC000  }
0x1ee: {  	_ =	swait.ge [sflag:s13], $0x4000  }
0x1ef: {  	[sflag:s13] =	ssyncset.done $0x0  }
0x1f0: {  	[sflag:s13] =	ssyncadd.s32 $0xFFFFC000  }
0x1f1: {  	_ =	swait.ge [sflag:s13], $0x4000  }
0x1f2: {  	[sflag:s13] =	ssyncset.done $0x0  }
0x1f3: {  	[sflag:s13] =	ssyncadd.s32 $0xFFFFC000  }
0x1f4: {  	_ =	swait.ge [sflag:s13], $0x4000  }
0x1f5: {  	[sflag:s13] =	ssyncset.done $0x0  }
0x1f6: {  	[sflag:s13] =	ssyncadd.s32 $0xFFFFC000  }
0x1f7: {  	_ =	swait.ge [sflag:s13], $0x4000  }
0x1f8: {  	[sflag:s13] =	ssyncset.done $0x0  }
0x1f9: {  	[sflag:s13] =	ssyncadd.s32 $0xFFFFC000  }
0x1fa: {  	_ =	swait.ge [sflag:s13], $0x4000  }
0x1fb: {  	[sflag:s13] =	ssyncset.done $0x0  }
0x1fc: {  	[sflag:s13] =	ssyncadd.s32 $0xFFFFC000  }
0x1fd: {  	_ =	swait.ge [sflag:s13], $0x4000  }
0x1fe: {  	[sflag:s13] =	ssyncset.done $0x0  }
0x1ff: {  	[sflag:s13] =	ssyncadd.s32 $0xFFFFC000  }
0x200: {  	_ =	swait.ge [sflag:s13], $0x4000  }
0x201: {  	[sflag:s13] =	ssyncset.done $0x0  }
0x202: {  	[sflag:s13] =	ssyncadd.s32 $0xFFFFC000  }
0x203: {  	_ =	swait.ge [sflag:s13], $0x4000  }
0x204: {  	[sflag:s13] =	ssyncset.done $0x0  }
0x205: {  	[sflag:s13] =	ssyncadd.s32 $0xFFFFC000  }
0x206: {  	_ =	swait.ge [sflag:s13], $0x4000  }
0x207: {  	[sflag:s13] =	ssyncset.done $0x0  }
0x208: {  	[sflag:s13] =	ssyncadd.s32 $0xFFFFC000  }
0x209: {  	_ =	swait.ge [sflag:s13], $0x4000  }
0x20a: {  	[sflag:s13] =	ssyncset.done $0x0  }
0x20b: {  	[sflag:s13] =	ssyncadd.s32 $0xFFFFC000  }
0x20c: {  	_ =	swait.ge [sflag:s13], $0x4000  }
0x20d: {  	[sflag:s13] =	ssyncset.done $0x0  }
0x20e: {  	[sflag:s13] =	ssyncadd.s32 $0xFFFFC000  }
0x20f: {  	_ =	swait.ge [sflag:s13], $0x4000  }
0x210: {  	[sflag:s13] =	ssyncset.done $0x0  }
0x211: {  	[sflag:s13] =	ssyncadd.s32 $0xFFFFC000  }
0x212: {  	_ =	swait.ge [sflag:s13], $0x4000  }
0x213: {  	[sflag:s13] =	ssyncset.done $0x0  }
0x214: {  	[sflag:s13] =	ssyncadd.s32 $0xFFFFC000  }
0x215: {  	_ =	swait.ge [sflag:s13], $0x4000  }
0x216: {  	[sflag:s13] =	ssyncset.done $0x0  }
0x217: {  	[sflag:s13] =	ssyncadd.s32 $0xFFFFC000  }
0x218: {  	_ =	swait.ge [sflag:s13], $0x4000  }
0x219: {  	[sflag:s13] =	ssyncset.done $0x0  }
0x21a: {  	[sflag:s13] =	ssyncadd.s32 $0xFFFFC000  }
0x21b: {  	_ =	swait.ge [sflag:s13], $0x4000  }
0x21c: {  	[sflag:s13] =	ssyncset.done $0x0  }
0x21d: {  	[sflag:s13] =	ssyncadd.s32 $0xFFFFC000  }
0x21e: {  	_ =	swait.ge [sflag:s13], $0x4000  }
0x21f: {  	[sflag:s13] =	ssyncset.done $0x0  }
0x220: {  	[sflag:s13] =	ssyncadd.s32 $0xFFFFC000  }
0x221: {  	_ =	swait.ge [sflag:s13], $0x4000  }
0x222: {  	[sflag:s13] =	ssyncset.done $0x0  }
0x223: {  	[sflag:s13] =	ssyncadd.s32 $0xFFFFC000  }
0x224: {  	_ =	swait.ge [sflag:s13], $0x4000  }
0x225: {  	[sflag:s13] =	ssyncset.done $0x0  }
0x226: {  	[sflag:s13] =	ssyncadd.s32 $0xFFFFC000  }
0x227: {  	_ =	swait.ge [sflag:s13], $0x4000  }
.Ltmp6:
0x228: {  	[sflag:s13] =	ssyncset.done $0x0;
	(pc) =	sbr.rel .LBB2_5-.Ltmp6, $4  }
0x229: {  	[sflag:s13] =	ssyncadd.s32 $0xFFFFC000  }
0x22a: {  	_ =	swait.ge [sflag:s13], $0x4000  }
0x22b: {  	[sflag:s13] =	ssyncset.done $0x0  }
0x22c: {  	[sflag:s13] =	ssyncadd.s32 $0xFFFFC000  }
.LBB2_6:
0x22d: {  	s0 =	sld [smem:$0x7DA];
	_ =	sdelay $0x2  }
0x22e: {  	s0 =	smul.u32 $0x6, s0;
	_ =	sdelay $0x1  }
0x22f: {  	s2 =	sadd.s32 $0xFFFFFFFA, s0  }
0x230: {  	p0 =	sge.s32 s2, s17  }
0x231: {  	s2 =	simm.s32 @!p0 $0x4  }
0x232: {  	s5 =	sadd.s32 $0xFFFFFFFB, s0;
	_ =	swait.ge @!p0 [sflag:s2], $0x4000  }
0x233: {  	p1 =	sge.s32 s5, s17;
	[sflag:s2] =	ssyncset.done @!p0 $0x0  }
0x234: {  	[sflag:s2] =	ssyncadd.s32 @!p0 $0xFFFFC000;
	s2 =	simm.s32 @!p1 $0x4  }
0x235: {  	s29 =	sadd.s32 $0xFFFFFFFC, s0;
	_ =	swait.ge @!p1 [sflag:s2], $0x4000  }
0x236: {  	p0 =	sge.s32 s29, s17;
	[sflag:s2] =	ssyncset.done @!p1 $0x0  }
0x237: {  	[sflag:s2] =	ssyncadd.s32 @!p1 $0xFFFFC000;
	s2 =	simm.s32 @!p0 $0x4  }
0x238: {  	s30 =	sadd.s32 $0xFFFFFFFD, s0;
	_ =	swait.ge @!p0 [sflag:s2], $0x4000  }
0x239: {  	p1 =	sge.s32 s30, s17;
	[sflag:s2] =	ssyncset.done @!p0 $0x0  }
0x23a: {  	[sflag:s2] =	ssyncadd.s32 @!p0 $0xFFFFC000;
	s2 =	simm.s32 @!p1 $0x4  }
0x23b: {  	_ =	swait.ge @!p1 [sflag:s2], $0x4000  }
0x23c: {  	[sflag:s2] =	ssyncset.done @!p1 $0x0  }
0x23d: {  	s31 =	sadd.s32 $0xFFFFFFFE, s0;
	[sflag:s2] =	ssyncadd.s32 @!p1 $0xFFFFC000;
	p1 =	sgt.u32 s0, s17  }
.Ltmp7:
0x23e: {  	p0 =	sge.s32 s31, s17;
	(pc) =	sbr.rel @p1 .LBB2_9-.Ltmp7, $4  }
.Ltmp8:
0x23f: {  	s2 =	simm.s32 @!p0 $0x4;
	(pc) =	sbr.rel @!p1 .LBB2_8-.Ltmp8, $4  }
0x240: {  	_ =	swait.ge @!p0 [sflag:s2], $0x4000  }
0x241: {  	[sflag:s2] =	ssyncset.done @!p0 $0x0;
	s21 =	sld [smem:$0x7D9]  }
0x242: {  	s0 =	simm.s32 $0x4;
	[sflag:s2] =	ssyncadd.s32 @!p0 $0xFFFFC000  }
0x243: {  	_ = 	snop  }
.LBB2_10:
0x244: {  	_ =	sfence.sel $0x180000  }
0x245: {  	[bflag:$0x0] =	sbarrier.arrive $0xFFFF  }
0x246: {  	_ =	strace $0x90000047  }
0x247: {  	s0 =	stileid.u32;
	[bflag:$0x2] =	sbarrier.arrive $0xFFFF  }
0x248: {  	p0 =	sne.s32 s0, $0x0;
	s0 =	rddreg [dreg:$0x4]  }
0x249: {  	s0 =	sadd.s32 @!p0 $0x100000, s0  }
0x24a: {  	[sflag:s0] =	ssyncadd.tile.s32 @!p0 $0x1;
	_ =	shalt  }
.Lfunc_end2:
_tile_overlayer_lowered:
.L_overlay_start_2:
0x24b: {  	(tag) =	ssettag $0x2  }
0x24c: {  	s0 =	rddreg [dreg:$0x0];
	s2 =	stileid.u32  }
0x24d: {  	s1 =	rddreg [dreg:$0x1];
	p0 =	sne.s32 s2, $0x0  }
0x24e: {  	s3 =	rddreg [dreg:$0x2];
	[bflag:$0x3] =	sbarrier.arrive $0xFFFF;
	s2 =	simm.s32 @!p0 $0x1C05  }
0x24f: {  	[timem:s3], [sflag:s2] =	dma.local @!p0 [hbm:s0], s1  }
0x250: {  	s0 =	simm.s32 @!p0 $0x5  }
0x251: {  	_ =	swait.ge @!p0 [sflag:s0], s1  }
0x252: {  	s1 =	ssub.s32 @!p0 $0x0, s1;
	[sflag:s0] =	ssyncset.done @!p0 $0x0  }
0x253: {  	[sflag:s0] =	ssyncadd.s32 @!p0 s1  }
0x254: {  	[bflag:$0x3] =	sbarrier.arrive $0xFFFF  }
0x255: {  	_ =	shalt  }

</sc_bundles>
